<compile_context>
chip_gen: v7x
topology: tpu7x:2x2x1
jax: 0.10.2.dev20260603
libtpu: 0.0.44.dev20260713+nightly
codegen_flags: <defaults>
</compile_context>

<pallas_src>
import functools

import jax
import jax.numpy as jnp
from jax import lax
from jax.experimental import pallas as pl
from jax.experimental.pallas import tpu as pltpu
from jax.experimental.pallas import tpu_sc as plsc

N = 10000
NPAD = 10240
F_IN = 128
F_HID = 128
F_OUT = 64
NC = 2
NS = 16
NW = NC * NS
EPC = 128

ROWS_PER_TILE = NPAD // NS


def _mesh():
    return plsc.VectorSubcoreMesh(core_axis_name="c", subcore_axis_name="s")


def _sc_prop(g, src, dst, zrows, col_split=False, k2=4, dup_table=False):
    f = g.shape[-1]
    nblk = src.shape[1]
    nch = 2 * nblk if col_split else nblk

    @functools.partial(
        pl.kernel,
        out_type=jax.ShapeDtypeStruct((NC, NPAD, f), jnp.float32),
        mesh=_mesh(),
        compiler_params=pltpu.CompilerParams(use_tc_tiling_on_sc=False),
        scratch_types=[
            pltpu.VMEM_SHARED((NPAD, f), jnp.float32),
            pltpu.VMEM((2, k2 * EPC), jnp.int32),
            pltpu.VMEM((2 * nblk if col_split else nblk, k2 * EPC),
                       jnp.int32),
            pltpu.VMEM((2, k2 * EPC, f), jnp.float32),
            [pltpu.SemaphoreType.DMA] * 2,
            [pltpu.SemaphoreType.DMA] * 2,
            [pltpu.SemaphoreType.DMA] * 2,
        ],
    )
    def k(g_hbm, src_hbm, dst_hbm, z_hbm, out_hbm, acc, isrc, idst, rows,
          gsems, ssems, isems):
        c = lax.axis_index("c")
        s = lax.axis_index("s")
        wid = s * NC + c
        tab = g_hbm.at[c] if (col_split or dup_table) else g_hbm

        def src_blk(t):
            if col_split:
                return src_hbm.at[2 * s + t // nblk, t % nblk]
            return src_hbm.at[wid, t]

        r0 = s * ROWS_PER_TILE
        pltpu.sync_copy(z_hbm.at[pl.ds(r0, ROWS_PER_TILE)],
                        acc.at[pl.ds(r0, ROWS_PER_TILE)])
        if col_split:
            pltpu.sync_copy(dst_hbm.at[2 * s], idst.at[pl.ds(0, nblk)])
            pltpu.sync_copy(dst_hbm.at[2 * s + 1], idst.at[pl.ds(nblk, nblk)])
        else:
            pltpu.sync_copy(dst_hbm.at[wid], idst)
        pltpu.sync_copy(src_blk(0), isrc.at[0])
        plsc.subcore_barrier()

        g0 = pltpu.async_copy(tab.at[isrc.at[0]], rows.at[0], gsems[0])
        i1 = pltpu.async_copy(src_blk(1), isrc.at[1], isems[1])

        def group(tg, _):
            for b in range(2):
                t = tg * 2 + b
                nb = 1 - b

                @pl.when(t >= 1)
                def _():
                    pltpu.make_async_copy(rows.at[nb], acc.at[idst.at[t - 1]],
                                          ssems[nb]).wait()

                @pl.when(t + 1 < nch)
                def _():
                    pltpu.make_async_copy(src_blk(t + 1), isrc.at[nb],
                                          isems[nb]).wait()
                    pltpu.async_copy(tab.at[isrc.at[nb]], rows.at[nb],
                                     gsems[nb])

                pltpu.make_async_copy(tab.at[isrc.at[b]], rows.at[b],
                                      gsems[b]).wait()
                pltpu.async_copy(rows.at[b], acc.at[idst.at[t]], ssems[b],
                                 add=True)

                @pl.when(t + 2 < nch)
                def _():
                    pltpu.async_copy(src_blk(t + 2), isrc.at[b], isems[b])
            return 0

        lax.fori_loop(0, nch // 2, group, 0)
        pltpu.make_async_copy(rows.at[1], acc.at[idst.at[nch - 1]],
                              ssems[1]).wait()
        plsc.subcore_barrier()
        pltpu.sync_copy(acc.at[pl.ds(r0, ROWS_PER_TILE)],
                        out_hbm.at[c, pl.ds(r0, ROWS_PER_TILE)])

    return k(g, src, dst, zrows)


_BM = 512


def _tc_stage1(xp, w1, ppd):

    def body(x_ref, w_ref, p_ref, dis_ref, h_ref, g_ref):
        deg = p_ref[0, :, 0] + p_ref[1, :, 0] + 1.0
        disv = lax.rsqrt(deg)
        h = jnp.dot(x_ref[...], w_ref[...], preferred_element_type=jnp.float32)
        dis_ref[...] = disv[None, :]
        h_ref[...] = h
        gv = disv[:, None] * h
        hf = F_HID // 2
        g_ref[0] = gv[:, :hf]
        g_ref[1] = gv[:, hf:]

    grid = (NPAD // _BM,)
    return pl.pallas_call(
        body,
        grid=grid,
        in_specs=[
            pl.BlockSpec((_BM, F_IN), lambda i: (i, 0)),
            pl.BlockSpec((F_IN, F_HID), lambda i: (0, 0)),
            pl.BlockSpec((NC, _BM, 16), lambda i: (0, i, 0)),
        ],
        out_specs=[
            pl.BlockSpec((1, _BM), lambda i: (0, i)),
            pl.BlockSpec((_BM, F_HID), lambda i: (i, 0)),
            pl.BlockSpec((NC, _BM, F_HID // 2), lambda i: (0, i, 0)),
        ],
        out_shape=[
            jax.ShapeDtypeStruct((1, NPAD), jnp.float32),
            jax.ShapeDtypeStruct((NPAD, F_HID), jnp.float32),
            jax.ShapeDtypeStruct((NC, NPAD, F_HID // 2), jnp.float32),
        ],
    )(xp, w1, ppd)


def _tc_stage2(pp, dis, h1, w2, b1):

    def body(p_ref, d_ref, h_ref, w_ref, b_ref, h2_ref, g2_ref):
        disv = d_ref[0, :]
        p = jnp.concatenate([p_ref[0], p_ref[1]], axis=-1)
        x1 = disv[:, None] * p + (disv * disv)[:, None] * h_ref[...] + b_ref[...]
        x1 = jnp.maximum(x1, 0.0)
        h2 = jnp.dot(x1, w_ref[...], preferred_element_type=jnp.float32)
        h2_ref[...] = h2
        g2 = disv[:, None] * h2
        g2_ref[0] = g2
        g2_ref[1] = g2

    grid = (NPAD // _BM,)
    return pl.pallas_call(
        body,
        grid=grid,
        in_specs=[
            pl.BlockSpec((NC, _BM, F_HID // 2), lambda i: (0, i, 0)),
            pl.BlockSpec((1, _BM), lambda i: (0, i)),
            pl.BlockSpec((_BM, F_HID), lambda i: (i, 0)),
            pl.BlockSpec((F_HID, F_OUT), lambda i: (0, 0)),
            pl.BlockSpec((1, F_HID), lambda i: (0, 0)),
        ],
        out_specs=[
            pl.BlockSpec((_BM, F_OUT), lambda i: (i, 0)),
            pl.BlockSpec((NC, _BM, F_OUT), lambda i: (0, i, 0)),
        ],
        out_shape=[
            jax.ShapeDtypeStruct((NPAD, F_OUT), jnp.float32),
            jax.ShapeDtypeStruct((NC, NPAD, F_OUT), jnp.float32),
        ],
    )(pp, dis, h1, w2, b1)


def _tc_stage3(pp, dis, h2, b2):

    def body(p_ref, d_ref, h_ref, b_ref, o_ref):
        disv = d_ref[0, :]
        p = p_ref[0] + p_ref[1]
        o_ref[...] = (disv[:, None] * p
                      + (disv * disv)[:, None] * h_ref[...] + b_ref[...])

    grid = (NPAD // _BM,)
    return pl.pallas_call(
        body,
        grid=grid,
        in_specs=[
            pl.BlockSpec((NC, _BM, F_OUT), lambda i: (0, i, 0)),
            pl.BlockSpec((1, _BM), lambda i: (0, i)),
            pl.BlockSpec((_BM, F_OUT), lambda i: (i, 0)),
            pl.BlockSpec((1, F_OUT), lambda i: (0, 0)),
        ],
        out_specs=pl.BlockSpec((_BM, F_OUT), lambda i: (i, 0)),
        out_shape=jax.ShapeDtypeStruct((N, F_OUT), jnp.float32),
    )(pp, dis, h2, b2)


K2 = 4


def _pad_edges(ei, epad):
    e = ei.shape[1]
    fill = (jnp.arange(epad - e, dtype=ei.dtype) % (NPAD - N)) + N
    return (jnp.concatenate([ei[0], fill]), jnp.concatenate([ei[1], fill]))


def _rs(a):
    return a.reshape(NW, -1, K2 * EPC)


def _branch(xp, rsrc, rdst, ppd, w1, b1, w2, b2, z64):
    dis, h1, g1 = _tc_stage1(xp, w1, ppd)
    pp1 = _sc_prop(g1, rsrc, rdst, z64, col_split=True, k2=K2)
    h2, g2 = _tc_stage2(pp1, dis, h1, w2, b1.reshape(1, F_HID))
    pp2 = _sc_prop(g2, rsrc, rdst, z64, k2=K2, dup_table=True)
    return _tc_stage3(pp2, dis, h2, b2.reshape(1, F_OUT))


def kernel(x_data_matrix, x_edge_index, y_data_matrix, y_edge_index,
           W1x, b1x, W2x, b2x, W1y, b1y, W2y, b2y):
    e = x_edge_index.shape[1]
    chunk = NW * EPC * K2
    epad = ((e + chunk - 1) // chunk) * chunk

    fsrc_x, fdst_x = _pad_edges(x_edge_index, epad)
    fsrc_y, fdst_y = _pad_edges(y_edge_index, epad)
    rsrc_x, rdst_x = _rs(fsrc_x), _rs(fdst_x)
    rsrc_y, rdst_y = _rs(fsrc_y), _rs(fdst_y)

    xp = jnp.pad(x_data_matrix, ((0, NPAD - N), (0, 0)))
    yp = jnp.pad(y_data_matrix, ((0, NPAD - N), (0, 0)))

    z64 = jnp.zeros((NPAD, F_OUT), jnp.float32)
    z16 = jnp.zeros((NPAD, 16), jnp.float32)
    ones16 = jnp.ones((NC, NPAD, 16), jnp.float32)

    ppd_x = _sc_prop(ones16, rsrc_x, rdst_x, z16, k2=K2, dup_table=True)
    ppd_y = _sc_prop(ones16, rsrc_y, rdst_y, z16, k2=K2, dup_table=True)

    out_x = _branch(xp, rsrc_x, rdst_x, ppd_x, W1x, b1x, W2x, b2x, z64)
    out_y = _branch(yp, rsrc_y, rdst_y, ppd_y, W1y, b1y, W2y, b2y, z64)
    return (out_x, out_y)

# --- scband reference (transcript-rebuilt; emitter-appended) ---
"""Pipeline reference for scband-encoder-gcn2-75265006895439 (READ-ONLY COPY).

The authoritative reference and input builder live on the scoring server;
editing this copy changes nothing except your own understanding.
"""

import jax, jax.numpy as jnp
import numpy as np

N = 10000
E = 320000
F_IN = 128
F_HID = 128
F_OUT = 64


def gcn_conv(x, edge_index, W, b):
    n = x.shape[0]
    loop = jnp.arange(n, dtype=edge_index.dtype)
    src = jnp.concatenate([edge_index[0], loop])
    dst = jnp.concatenate([edge_index[1], loop])
    h = x @ W
    deg = jax.ops.segment_sum(jnp.ones_like(dst, dtype=h.dtype), dst, num_segments=n)
    dis = jnp.where(deg > 0, 1.0 / jnp.sqrt(deg), 0.0)
    norm = dis[src] * dis[dst]
    out = jax.ops.segment_sum(h[src] * norm[:, None], dst, num_segments=n)
    return out + b


def setup_inputs(seed: int = 0):
    key = jax.random.key(seed)
    ks = jax.random.split(key, 12)
    x = jax.random.normal(ks[0], (N, F_IN), dtype=jnp.float32)
    x_ei = jax.random.randint(ks[1], (2, E), 0, N, dtype=jnp.int32)
    y = jax.random.normal(ks[2], (N, F_IN), dtype=jnp.float32)
    y_ei = jax.random.randint(ks[3], (2, E), 0, N, dtype=jnp.int32)
    W1x = jax.random.normal(ks[4], (F_IN, F_HID), dtype=jnp.float32) * (1.0 / np.sqrt(F_IN))
    b1x = jnp.zeros((F_HID,), dtype=jnp.float32)
    W2x = jax.random.normal(ks[5], (F_HID, F_OUT), dtype=jnp.float32) * (1.0 / np.sqrt(F_HID))
    b2x = jnp.zeros((F_OUT,), dtype=jnp.float32)
    W1y = jax.random.normal(ks[6], (F_IN, F_HID), dtype=jnp.float32) * (1.0 / np.sqrt(F_IN))
    b1y = jnp.zeros((F_HID,), dtype=jnp.float32)
    W2y = jax.random.normal(ks[7], (F_HID, F_OUT), dtype=jnp.float32) * (1.0 / np.sqrt(F_HID))
    b2y = jnp.zeros((F_OUT,), dtype=jnp.float32)
    return {"x_data_matrix": x, "x_edge_index": x_ei, "y_data_matrix": y, "y_edge_index": y_ei,
            "W1x": W1x, "b1x": b1x, "W2x": W2x, "b2x": b2x,
            "W1y": W1y, "b1y": b1y, "W2y": W2y, "b2y": b2y}


def reference(x_data_matrix, x_edge_index, y_data_matrix, y_edge_index,
              W1x, b1x, W2x, b2x, W1y, b1y, W2y, b2y):
    # lnc branch: conv1 -> ReLU (dropout is identity in eval) -> conv2
    x = gcn_conv(x_data_matrix, x_edge_index, W1x, b1x)
    x = jax.nn.relu(x)
    x = gcn_conv(x, x_edge_index, W2x, b2x)
    # pcg branch
    y = gcn_conv(y_data_matrix, y_edge_index, W1y, b1y)
    y = jax.nn.relu(y)
    y = gcn_conv(y, y_edge_index, W2y, b2y)
    return (x, y)

if __name__ == "__main__":
    import jax
    _d = setup_inputs()
    print(jax.jit(kernel)(*tuple(_d.values())))

</pallas_src>

<mosaic_0001>
#map = affine_map<(d0, d1) -> (0, 0, 0)>
#map1 = affine_map<(d0, d1) -> (0, 0)>
module attributes {stable_mosaic.version = 14 : i64} {
  func.func @k(%arg0: i32, %arg1: i32, %arg2: memref<2x10240x64xf32, #tpu.memory_space<hbm>>, %arg3: memref<32x20x512xi32, #tpu.memory_space<hbm>>, %arg4: memref<32x20x512xi32, #tpu.memory_space<hbm>>, %arg5: memref<10240x64xf32, #tpu.memory_space<hbm>>, %arg6: memref<2x10240x64xf32, #tpu.memory_space<hbm>>, %arg7: memref<10240x64xf32, #tpu.memory_space<vmem_shared>>, %arg8: memref<2x512xi32, #tpu.memory_space<vmem>>, %arg9: memref<40x512xi32, #tpu.memory_space<vmem>>, %arg10: memref<2x512x64xf32, #tpu.memory_space<vmem>>, %arg11: memref<!tpu.dma_semaphore, #tpu.memory_space<semaphore_mem>>, %arg12: memref<!tpu.dma_semaphore, #tpu.memory_space<semaphore_mem>>, %arg13: memref<!tpu.dma_semaphore, #tpu.memory_space<semaphore_mem>>, %arg14: memref<!tpu.dma_semaphore, #tpu.memory_space<semaphore_mem>>, %arg15: memref<!tpu.dma_semaphore, #tpu.memory_space<semaphore_mem>>, %arg16: memref<!tpu.dma_semaphore, #tpu.memory_space<semaphore_mem>>) attributes {dimension_semantics = [#tpu.dimension_semantics<core_parallel>, #tpu.dimension_semantics<subcore_parallel>], iteration_bounds = array<i64: 2, 16>, scalar_prefetch = 0 : i64, scratch_operands = 10 : i64, tpu.core_type = #tpu.core_type<sc_vector_subcore>, window_params = [{transform_indices = #map}, {transform_indices = #map}, {transform_indices = #map}, {transform_indices = #map1}, {transform_indices = #map}]} {
    %mul3A = arith.constant 2 : i32
    %mul3A_0 = arith.muli %arg1, %mul3A : i32
    %add3A = arith.addi %mul3A_0, %arg0 : i32
    %mul3A_1 = arith.constant 640 : i32
    %mul3A_2 = arith.muli %arg1, %mul3A_1 : i32
    "tpu.region"() ({
      %run_scoped3A_65 = tpu.sem_alloc : memref<!tpu.dma_semaphore, #tpu.memory_space<semaphore_mem>>
      %dma_start3A_66 = arith.constant 0 : i32
      %dma_start3A_67 = tpu.memref_slice %arg7[%mul3A_2, %dma_start3A_66] : memref<10240x64xf32, #tpu.memory_space<vmem_shared>> -> memref<640x64xf32, #tpu.memory_space<vmem_shared>>
      %dma_start3A_68 = arith.constant 0 : i32
      %dma_start3A_69 = tpu.memref_slice %arg5[%mul3A_2, %dma_start3A_68] : memref<10240x64xf32, #tpu.memory_space<hbm>> -> memref<640x64xf32, #tpu.memory_space<hbm>>
      tpu.enqueue_dma source(%dma_start3A_69 : memref<640x64xf32, #tpu.memory_space<hbm>>) target(%dma_start3A_67 : memref<640x64xf32, #tpu.memory_space<vmem_shared>>) target_semaphore(%run_scoped3A_65 : memref<!tpu.dma_semaphore, #tpu.memory_space<semaphore_mem>>)
      %dma_wait3A_70 = arith.constant 0 : i32
      %dma_wait3A_71 = tpu.memref_slice %arg7[%mul3A_2, %dma_wait3A_70] : memref<10240x64xf32, #tpu.memory_space<vmem_shared>> -> memref<640x64xf32, #tpu.memory_space<vmem_shared>>
      %dma_wait3A_72 = arith.constant 0 : i32
      %dma_wait3A_73 = tpu.memref_slice %arg5[%mul3A_2, %dma_wait3A_72] : memref<10240x64xf32, #tpu.memory_space<hbm>> -> memref<640x64xf32, #tpu.memory_space<hbm>>
      tpu.wait_dma2 semaphore(%run_scoped3A_65 : memref<!tpu.dma_semaphore, #tpu.memory_space<semaphore_mem>>) src(%dma_wait3A_73 : memref<640x64xf32, #tpu.memory_space<hbm>>) dst(%dma_wait3A_71 : memref<640x64xf32, #tpu.memory_space<vmem_shared>>)
      tpu.yield
    }) : () -> ()
    %mul3A_3 = arith.constant 2 : i32
    %mul3A_4 = arith.muli %mul3A_3, %arg1 : i32
    "tpu.region"() ({
      %run_scoped3A_65 = tpu.sem_alloc : memref<!tpu.dma_semaphore, #tpu.memory_space<semaphore_mem>>
      %dma_start3A_66 = arith.constant 0 : i32
      %dma_start3A_67 = arith.constant 0 : i32
      %dma_start3A_68 = tpu.memref_slice %arg9[%dma_start3A_66, %dma_start3A_67] : memref<40x512xi32, #tpu.memory_space<vmem>> -> memref<20x512xi32, #tpu.memory_space<vmem>>
      %dma_start3A_69 = arith.constant 0 : i32
      %dma_start3A_70 = arith.constant 0 : i32
      %dma_start3A_71 = tpu.memref_slice %arg4[%mul3A_4, %dma_start3A_69, %dma_start3A_70] : memref<32x20x512xi32, #tpu.memory_space<hbm>> -> memref<1x20x512xi32, #tpu.memory_space<hbm>>
      %dma_start3A_72 = tpu.memref_squeeze %dma_start3A_71 : memref<1x20x512xi32, #tpu.memory_space<hbm>> -> memref<20x512xi32, #tpu.memory_space<hbm>>
      %dma_start3A_73 = arith.constant 0 : i32
      %dma_start3A_74 = arith.constant 0 : i32
      %dma_start3A_75 = tpu.memref_slice %arg9[%dma_start3A_73, %dma_start3A_74] : memref<40x512xi32, #tpu.memory_space<vmem>> -> memref<20x512xi32, #tpu.memory_space<vmem>>
      %dma_start3A_76 = arith.constant 0 : i32
      %dma_start3A_77 = arith.constant 0 : i32
      %dma_start3A_78 = tpu.memref_slice %arg4[%mul3A_4, %dma_start3A_76, %dma_start3A_77] : memref<32x20x512xi32, #tpu.memory_space<hbm>> -> memref<1x20x512xi32, #tpu.memory_space<hbm>>
      %dma_start3A_79 = tpu.memref_squeeze %dma_start3A_78 : memref<1x20x512xi32, #tpu.memory_space<hbm>> -> memref<20x512xi32, #tpu.memory_space<hbm>>
      tpu.enqueue_dma source(%dma_start3A_79 : memref<20x512xi32, #tpu.memory_space<hbm>>) target(%dma_start3A_75 : memref<20x512xi32, #tpu.memory_space<vmem>>) target_semaphore(%run_scoped3A_65 : memref<!tpu.dma_semaphore, #tpu.memory_space<semaphore_mem>>)
      %dma_wait3A_80 = arith.constant 0 : i32
      %dma_wait3A_81 = arith.constant 0 : i32
      %dma_wait3A_82 = tpu.memref_slice %arg9[%dma_wait3A_80, %dma_wait3A_81] : memref<40x512xi32, #tpu.memory_space<vmem>> -> memref<20x512xi32, #tpu.memory_space<vmem>>
      %dma_wait3A_83 = arith.constant 0 : i32
      %dma_wait3A_84 = arith.constant 0 : i32
      %dma_wait3A_85 = tpu.memref_slice %arg4[%mul3A_4, %dma_wait3A_83, %dma_wait3A_84] : memref<32x20x512xi32, #tpu.memory_space<hbm>> -> memref<1x20x512xi32, #tpu.memory_space<hbm>>
      %dma_wait3A_86 = tpu.memref_squeeze %dma_wait3A_85 : memref<1x20x512xi32, #tpu.memory_space<hbm>> -> memref<20x512xi32, #tpu.memory_space<hbm>>
      %dma_wait3A_87 = arith.constant 0 : i32
      %dma_wait3A_88 = arith.constant 0 : i32
      %dma_wait3A_89 = tpu.memref_slice %arg9[%dma_wait3A_87, %dma_wait3A_88] : memref<40x512xi32, #tpu.memory_space<vmem>> -> memref<20x512xi32, #tpu.memory_space<vmem>>
      %dma_wait3A_90 = arith.constant 0 : i32
      %dma_wait3A_91 = arith.constant 0 : i32
      %dma_wait3A_92 = tpu.memref_slice %arg4[%mul3A_4, %dma_wait3A_90, %dma_wait3A_91] : memref<32x20x512xi32, #tpu.memory_space<hbm>> -> memref<1x20x512xi32, #tpu.memory_space<hbm>>
      %dma_wait3A_93 = tpu.memref_squeeze %dma_wait3A_92 : memref<1x20x512xi32, #tpu.memory_space<hbm>> -> memref<20x512xi32, #tpu.memory_space<hbm>>
      tpu.wait_dma2 semaphore(%run_scoped3A_65 : memref<!tpu.dma_semaphore, #tpu.memory_space<semaphore_mem>>) src(%dma_wait3A_93 : memref<20x512xi32, #tpu.memory_space<hbm>>) dst(%dma_wait3A_89 : memref<20x512xi32, #tpu.memory_space<vmem>>)
      tpu.yield
    }) : () -> ()
    %mul3A_5 = arith.constant 2 : i32
    %mul3A_6 = arith.muli %mul3A_5, %arg1 : i32
    %add3A_7 = arith.constant 1 : i32
    %add3A_8 = arith.addi %mul3A_6, %add3A_7 : i32
    "tpu.region"() ({
      %run_scoped3A_65 = tpu.sem_alloc : memref<!tpu.dma_semaphore, #tpu.memory_space<semaphore_mem>>
      %dma_start3A_66 = arith.constant 20 : i32
      %dma_start3A_67 = arith.constant 0 : i32
      %dma_start3A_68 = tpu.memref_slice %arg9[%dma_start3A_66, %dma_start3A_67] : memref<40x512xi32, #tpu.memory_space<vmem>> -> memref<20x512xi32, #tpu.memory_space<vmem>>
      %dma_start3A_69 = arith.constant 0 : i32
      %dma_start3A_70 = arith.constant 0 : i32
      %dma_start3A_71 = tpu.memref_slice %arg4[%add3A_8, %dma_start3A_69, %dma_start3A_70] : memref<32x20x512xi32, #tpu.memory_space<hbm>> -> memref<1x20x512xi32, #tpu.memory_space<hbm>>
      %dma_start3A_72 = tpu.memref_squeeze %dma_start3A_71 : memref<1x20x512xi32, #tpu.memory_space<hbm>> -> memref<20x512xi32, #tpu.memory_space<hbm>>
      %dma_start3A_73 = arith.constant 20 : i32
      %dma_start3A_74 = arith.constant 0 : i32
      %dma_start3A_75 = tpu.memref_slice %arg9[%dma_start3A_73, %dma_start3A_74] : memref<40x512xi32, #tpu.memory_space<vmem>> -> memref<20x512xi32, #tpu.memory_space<vmem>>
      %dma_start3A_76 = arith.constant 0 : i32
      %dma_start3A_77 = arith.constant 0 : i32
      %dma_start3A_78 = tpu.memref_slice %arg4[%add3A_8, %dma_start3A_76, %dma_start3A_77] : memref<32x20x512xi32, #tpu.memory_space<hbm>> -> memref<1x20x512xi32, #tpu.memory_space<hbm>>
      %dma_start3A_79 = tpu.memref_squeeze %dma_start3A_78 : memref<1x20x512xi32, #tpu.memory_space<hbm>> -> memref<20x512xi32, #tpu.memory_space<hbm>>
      tpu.enqueue_dma source(%dma_start3A_79 : memref<20x512xi32, #tpu.memory_space<hbm>>) target(%dma_start3A_75 : memref<20x512xi32, #tpu.memory_space<vmem>>) target_semaphore(%run_scoped3A_65 : memref<!tpu.dma_semaphore, #tpu.memory_space<semaphore_mem>>)
      %dma_wait3A_80 = arith.constant 20 : i32
      %dma_wait3A_81 = arith.constant 0 : i32
      %dma_wait3A_82 = tpu.memref_slice %arg9[%dma_wait3A_80, %dma_wait3A_81] : memref<40x512xi32, #tpu.memory_space<vmem>> -> memref<20x512xi32, #tpu.memory_space<vmem>>
      %dma_wait3A_83 = arith.constant 0 : i32
      %dma_wait3A_84 = arith.constant 0 : i32
      %dma_wait3A_85 = tpu.memref_slice %arg4[%add3A_8, %dma_wait3A_83, %dma_wait3A_84] : memref<32x20x512xi32, #tpu.memory_space<hbm>> -> memref<1x20x512xi32, #tpu.memory_space<hbm>>
      %dma_wait3A_86 = tpu.memref_squeeze %dma_wait3A_85 : memref<1x20x512xi32, #tpu.memory_space<hbm>> -> memref<20x512xi32, #tpu.memory_space<hbm>>
      %dma_wait3A_87 = arith.constant 20 : i32
      %dma_wait3A_88 = arith.constant 0 : i32
      %dma_wait3A_89 = tpu.memref_slice %arg9[%dma_wait3A_87, %dma_wait3A_88] : memref<40x512xi32, #tpu.memory_space<vmem>> -> memref<20x512xi32, #tpu.memory_space<vmem>>
      %dma_wait3A_90 = arith.constant 0 : i32
      %dma_wait3A_91 = arith.constant 0 : i32
      %dma_wait3A_92 = tpu.memref_slice %arg4[%add3A_8, %dma_wait3A_90, %dma_wait3A_91] : memref<32x20x512xi32, #tpu.memory_space<hbm>> -> memref<1x20x512xi32, #tpu.memory_space<hbm>>
      %dma_wait3A_93 = tpu.memref_squeeze %dma_wait3A_92 : memref<1x20x512xi32, #tpu.memory_space<hbm>> -> memref<20x512xi32, #tpu.memory_space<hbm>>
      tpu.wait_dma2 semaphore(%run_scoped3A_65 : memref<!tpu.dma_semaphore, #tpu.memory_space<semaphore_mem>>) src(%dma_wait3A_93 : memref<20x512xi32, #tpu.memory_space<hbm>>) dst(%dma_wait3A_89 : memref<20x512xi32, #tpu.memory_space<vmem>>)
      tpu.yield
    }) : () -> ()
    %mul3A_9 = arith.constant 2 : i32
    %mul3A_10 = arith.muli %mul3A_9, %arg1 : i32
    %add3A_11 = arith.constant 0 : i32
    %add3A_12 = arith.addi %mul3A_10, %add3A_11 : i32
    %run_scoped3A = arith.constant 0 : i32
    %run_scoped3A_13 = arith.constant 0 : i32
    "tpu.region"() ({
      %run_scoped3A_65 = tpu.sem_alloc : memref<!tpu.dma_semaphore, #tpu.memory_space<semaphore_mem>>
      %dma_start3A_66 = arith.constant 0 : i32
      %dma_start3A_67 = tpu.memref_slice %arg8[%run_scoped3A_13, %dma_start3A_66] : memref<2x512xi32, #tpu.memory_space<vmem>> -> memref<1x512xi32, #tpu.memory_space<vmem>>
      %dma_start3A_68 = tpu.memref_squeeze %dma_start3A_67 : memref<1x512xi32, #tpu.memory_space<vmem>> -> memref<512xi32, #tpu.memory_space<vmem>>
      %dma_start3A_69 = arith.constant 0 : i32
      %dma_start3A_70 = tpu.memref_slice %arg3[%add3A_12, %run_scoped3A, %dma_start3A_69] : memref<32x20x512xi32, #tpu.memory_space<hbm>> -> memref<1x1x512xi32, #tpu.memory_space<hbm>>
      %dma_start3A_71 = tpu.memref_squeeze %dma_start3A_70 : memref<1x1x512xi32, #tpu.memory_space<hbm>> -> memref<512xi32, #tpu.memory_space<hbm>>
      %dma_start3A_72 = arith.constant 0 : i32
      %dma_start3A_73 = tpu.memref_slice %arg8[%run_scoped3A_13, %dma_start3A_72] : memref<2x512xi32, #tpu.memory_space<vmem>> -> memref<1x512xi32, #tpu.memory_space<vmem>>
      %dma_start3A_74 = tpu.memref_squeeze %dma_start3A_73 : memref<1x512xi32, #tpu.memory_space<vmem>> -> memref<512xi32, #tpu.memory_space<vmem>>
      %dma_start3A_75 = arith.constant 0 : i32
      %dma_start3A_76 = tpu.memref_slice %arg3[%add3A_12, %run_scoped3A, %dma_start3A_75] : memref<32x20x512xi32, #tpu.memory_space<hbm>> -> memref<1x1x512xi32, #tpu.memory_space<hbm>>
      %dma_start3A_77 = tpu.memref_squeeze %dma_start3A_76 : memref<1x1x512xi32, #tpu.memory_space<hbm>> -> memref<512xi32, #tpu.memory_space<hbm>>
      tpu.enqueue_dma source(%dma_start3A_77 : memref<512xi32, #tpu.memory_space<hbm>>) target(%dma_start3A_74 : memref<512xi32, #tpu.memory_space<vmem>>) target_semaphore(%run_scoped3A_65 : memref<!tpu.dma_semaphore, #tpu.memory_space<semaphore_mem>>)
      %dma_wait3A_78 = arith.constant 0 : i32
      %dma_wait3A_79 = tpu.memref_slice %arg8[%run_scoped3A_13, %dma_wait3A_78] : memref<2x512xi32, #tpu.memory_space<vmem>> -> memref<1x512xi32, #tpu.memory_space<vmem>>
      %dma_wait3A_80 = tpu.memref_squeeze %dma_wait3A_79 : memref<1x512xi32, #tpu.memory_space<vmem>> -> memref<512xi32, #tpu.memory_space<vmem>>
      %dma_wait3A_81 = arith.constant 0 : i32
      %dma_wait3A_82 = tpu.memref_slice %arg3[%add3A_12, %run_scoped3A, %dma_wait3A_81] : memref<32x20x512xi32, #tpu.memory_space<hbm>> -> memref<1x1x512xi32, #tpu.memory_space<hbm>>
      %dma_wait3A_83 = tpu.memref_squeeze %dma_wait3A_82 : memref<1x1x512xi32, #tpu.memory_space<hbm>> -> memref<512xi32, #tpu.memory_space<hbm>>
      %dma_wait3A_84 = arith.constant 0 : i32
      %dma_wait3A_85 = tpu.memref_slice %arg8[%run_scoped3A_13, %dma_wait3A_84] : memref<2x512xi32, #tpu.memory_space<vmem>> -> memref<1x512xi32, #tpu.memory_space<vmem>>
      %dma_wait3A_86 = tpu.memref_squeeze %dma_wait3A_85 : memref<1x512xi32, #tpu.memory_space<vmem>> -> memref<512xi32, #tpu.memory_space<vmem>>
      %dma_wait3A_87 = arith.constant 0 : i32
      %dma_wait3A_88 = tpu.memref_slice %arg3[%add3A_12, %run_scoped3A, %dma_wait3A_87] : memref<32x20x512xi32, #tpu.memory_space<hbm>> -> memref<1x1x512xi32, #tpu.memory_space<hbm>>
      %dma_wait3A_89 = tpu.memref_squeeze %dma_wait3A_88 : memref<1x1x512xi32, #tpu.memory_space<hbm>> -> memref<512xi32, #tpu.memory_space<hbm>>
      tpu.wait_dma2 semaphore(%run_scoped3A_65 : memref<!tpu.dma_semaphore, #tpu.memory_space<semaphore_mem>>) src(%dma_wait3A_89 : memref<512xi32, #tpu.memory_space<hbm>>) dst(%dma_wait3A_86 : memref<512xi32, #tpu.memory_space<vmem>>)
      tpu.yield
    }) : () -> ()
    %barrier3A = arith.constant 0 : index
    tpu.barrier barrier_id(%barrier3A)
    %dma_start3A = arith.constant 0 : i32
    %dma_start3A_14 = arith.constant 0 : i32
    %dma_start3A_15 = arith.constant 0 : i32
    %dma_start3A_16 = arith.constant 0 : i32
    %dma_start3A_17 = tpu.memref_slice %arg10[%dma_start3A_14, %dma_start3A_15, %dma_start3A_16] : memref<2x512x64xf32, #tpu.memory_space<vmem>> -> memref<1x512x64xf32, #tpu.memory_space<vmem>>
    %dma_start3A_18 = tpu.memref_squeeze %dma_start3A_17 : memref<1x512x64xf32, #tpu.memory_space<vmem>> -> memref<512x64xf32, #tpu.memory_space<vmem>>
    %dma_start3A_19 = arith.constant 0 : i32
    %dma_start3A_20 = tpu.memref_slice %arg8[%dma_start3A, %dma_start3A_19] : memref<2x512xi32, #tpu.memory_space<vmem>> -> memref<1x512xi32, #tpu.memory_space<vmem>>
    %dma_start3A_21 = tpu.memref_squeeze %dma_start3A_20 : memref<1x512xi32, #tpu.memory_space<vmem>> -> memref<512xi32, #tpu.memory_space<vmem>>
    %dma_start3A_22 = arith.constant 0 : i32
    %dma_start3A_23 = arith.constant 0 : i32
    %dma_start3A_24 = tpu.memref_slice %arg2[%arg0, %dma_start3A_22, %dma_start3A_23] : memref<2x10240x64xf32, #tpu.memory_space<hbm>> -> memref<1x10240x64xf32, #tpu.memory_space<hbm>>
    %dma_start3A_25 = tpu.memref_squeeze %dma_start3A_24 : memref<1x10240x64xf32, #tpu.memory_space<hbm>> -> memref<10240x64xf32, #tpu.memory_space<hbm>>
    %dma_start3A_26 = arith.constant 0 : i32
    %dma_start3A_27 = arith.constant 0 : i32
    %dma_start3A_28 = tpu.memref_slice %dma_start3A_25[%dma_start3A_26, %dma_start3A_27] : memref<10240x64xf32, #tpu.memory_space<hbm>> -> memref<10240x64xf32, #tpu.memory_space<hbm>>
    tpu.enqueue_indirect_dma source(%dma_start3A_28 : memref<10240x64xf32, #tpu.memory_space<hbm>>) target(%dma_start3A_18 : memref<512x64xf32, #tpu.memory_space<vmem>>) offsets(%dma_start3A_21 : memref<512xi32, #tpu.memory_space<vmem>>) semaphore(%arg11 : memref<!tpu.dma_semaphore, #tpu.memory_space<semaphore_mem>>)
    %mul3A_29 = arith.constant 2 : i32
    %mul3A_30 = arith.muli %mul3A_29, %arg1 : i32
    %add3A_31 = arith.constant 0 : i32
    %add3A_32 = arith.addi %mul3A_30, %add3A_31 : i32
    %dma_start3A_33 = arith.constant 1 : i32
    %dma_start3A_34 = arith.constant 1 : i32
    %dma_start3A_35 = arith.constant 0 : i32
    %dma_start3A_36 = tpu.memref_slice %arg8[%dma_start3A_34, %dma_start3A_35] : memref<2x512xi32, #tpu.memory_space<vmem>> -> memref<1x512xi32, #tpu.memory_space<vmem>>
    %dma_start3A_37 = tpu.memref_squeeze %dma_start3A_36 : memref<1x512xi32, #tpu.memory_space<vmem>> -> memref<512xi32, #tpu.memory_space<vmem>>
    %dma_start3A_38 = arith.constant 0 : i32
    %dma_start3A_39 = tpu.memref_slice %arg3[%add3A_32, %dma_start3A_33, %dma_start3A_38] : memref<32x20x512xi32, #tpu.memory_space<hbm>> -> memref<1x1x512xi32, #tpu.memory_space<hbm>>
    %dma_start3A_40 = tpu.memref_squeeze %dma_start3A_39 : memref<1x1x512xi32, #tpu.memory_space<hbm>> -> memref<512xi32, #tpu.memory_space<hbm>>
    %dma_start3A_41 = arith.constant 0 : i32
    %dma_start3A_42 = tpu.memref_slice %arg8[%dma_start3A_34, %dma_start3A_41] : memref<2x512xi32, #tpu.memory_space<vmem>> -> memref<1x512xi32, #tpu.memory_space<vmem>>
    %dma_start3A_43 = tpu.memref_squeeze %dma_start3A_42 : memref<1x512xi32, #tpu.memory_space<vmem>> -> memref<512xi32, #tpu.memory_space<vmem>>
    %dma_start3A_44 = arith.constant 0 : i32
    %dma_start3A_45 = tpu.memref_slice %arg3[%add3A_32, %dma_start3A_33, %dma_start3A_44] : memref<32x20x512xi32, #tpu.memory_space<hbm>> -> memref<1x1x512xi32, #tpu.memory_space<hbm>>
    %dma_start3A_46 = tpu.memref_squeeze %dma_start3A_45 : memref<1x1x512xi32, #tpu.memory_space<hbm>> -> memref<512xi32, #tpu.memory_space<hbm>>
    tpu.enqueue_dma source(%dma_start3A_46 : memref<512xi32, #tpu.memory_space<hbm>>) target(%dma_start3A_43 : memref<512xi32, #tpu.memory_space<vmem>>) target_semaphore(%arg16 : memref<!tpu.dma_semaphore, #tpu.memory_space<semaphore_mem>>)
    %scan3A = arith.constant 0 : i32
    %scan3A_47 = arith.constant 0 : i32
    %scan3A_48 = arith.constant 20 : i32
    %scan3A_49 = arith.addi %scan3A_47, %scan3A_48 : i32
    %scan3A_50 = arith.constant 1 : i32
    %scan3A_51 = scf.for %scan3A_65 = %scan3A_47 to %scan3A_49 step %scan3A_50 iter_args(%scan3A_66 = %scan3A) -> (i32)  : i32 {
      %mul3A_67 = arith.constant 2 : i32
      %mul3A_68 = arith.muli %scan3A_65, %mul3A_67 : i32
      %add3A_69 = arith.constant 0 : i32
      %add3A_70 = arith.addi %mul3A_68, %add3A_69 : i32
      %ge3A = arith.constant 1 : i32
      %ge3A_71 = arith.cmpi sge, %add3A_70, %ge3A : i32
      %convert_element_type3A = arith.extui %ge3A_71 : i1 to i32
      %cond3A = arith.constant 0 : i32
      %cond3A_72 = arith.cmpi ne, %convert_element_type3A, %cond3A : i32
      scf.if %cond3A_72 {
        %sub3A = arith.constant 1 : i32
        %sub3A_164 = arith.subi %add3A_70, %sub3A : i32
        %dma_wait3A_165 = arith.constant 1 : i32
        %dma_wait3A_166 = arith.constant 0 : i32
        %dma_wait3A_167 = arith.constant 0 : i32
        %dma_wait3A_168 = tpu.memref_slice %arg10[%dma_wait3A_165, %dma_wait3A_166, %dma_wait3A_167] : memref<2x512x64xf32, #tpu.memory_space<vmem>> -> memref<1x512x64xf32, #tpu.memory_space<vmem>>
        %dma_wait3A_169 = tpu.memref_squeeze %dma_wait3A_168 : memref<1x512x64xf32, #tpu.memory_space<vmem>> -> memref<512x64xf32, #tpu.memory_space<vmem>>
        %dma_wait3A_170 = arith.constant 0 : i32
        %dma_wait3A_171 = tpu.memref_slice %arg9[%sub3A_164, %dma_wait3A_170] : memref<40x512xi32, #tpu.memory_space<vmem>> -> memref<1x512xi32, #tpu.memory_space<vmem>>
        %dma_wait3A_172 = tpu.memref_squeeze %dma_wait3A_171 : memref<1x512xi32, #tpu.memory_space<vmem>> -> memref<512xi32, #tpu.memory_space<vmem>>
        %dma_wait3A_173 = arith.constant 0 : i32
        %dma_wait3A_174 = arith.constant 0 : i32
        %dma_wait3A_175 = tpu.memref_slice %arg7[%dma_wait3A_173, %dma_wait3A_174] : memref<10240x64xf32, #tpu.memory_space<vmem_shared>> -> memref<10240x64xf32, #tpu.memory_space<vmem_shared>>
        tpu.wait_indirect_dma semaphore(%arg14 : memref<!tpu.dma_semaphore, #tpu.memory_space<semaphore_mem>>) src(%dma_wait3A_169 : memref<512x64xf32, #tpu.memory_space<vmem>>) dst(%dma_wait3A_175 : memref<10240x64xf32, #tpu.memory_space<vmem_shared>>)
      } else {
      }
      %add3A_73 = arith.constant 1 : i32
      %add3A_74 = arith.addi %add3A_70, %add3A_73 : i32
      %lt3A = arith.constant 40 : i32
      %lt3A_75 = arith.cmpi slt, %add3A_74, %lt3A : i32
      %convert_element_type3A_76 = arith.extui %lt3A_75 : i1 to i32
      %cond3A_77 = arith.constant 0 : i32
      %cond3A_78 = arith.cmpi ne, %convert_element_type3A_76, %cond3A_77 : i32
      scf.if %cond3A_78 {
        %add3A_164 = arith.constant 1 : i32
        %add3A_165 = arith.addi %add3A_70, %add3A_164 : i32
        %mul3A_166 = arith.constant 2 : i32
        %mul3A_167 = arith.muli %mul3A_166, %arg1 : i32
        %jit3A = arith.constant 20 : i32
        %div3A = arith.divsi %add3A_165, %jit3A : i32
        %sign3A = arith.constant 0 : i32
        %sign3A_168 = arith.cmpi sgt, %add3A_165, %sign3A : i32
        %sign3A_169 = arith.extui %sign3A_168 : i1 to i32
        %sign3A_170 = arith.constant 0 : i32
        %sign3A_171 = arith.cmpi slt, %add3A_165, %sign3A_170 : i32
        %sign3A_172 = arith.extui %sign3A_171 : i1 to i32
        %sign3A_173 = arith.subi %sign3A_169, %sign3A_172 : i32
        %sign3A_174 = arith.constant 0 : i32
        %sign3A_175 = arith.cmpi sgt, %jit3A, %sign3A_174 : i32
        %sign3A_176 = arith.extui %sign3A_175 : i1 to i32
        %sign3A_177 = arith.constant 0 : i32
        %sign3A_178 = arith.cmpi slt, %jit3A, %sign3A_177 : i32
        %sign3A_179 = arith.extui %sign3A_178 : i1 to i32
        %sign3A_180 = arith.subi %sign3A_176, %sign3A_179 : i32
        %ne3A = arith.cmpi ne, %sign3A_173, %sign3A_180 : i32
        %rem3A = arith.remsi %add3A_165, %jit3A : i32
        %ne3A_181 = arith.constant 0 : i32
        %ne3A_182 = arith.cmpi ne, %rem3A, %ne3A_181 : i32
        %and3A = arith.andi %ne3A, %ne3A_182 : i1
        %sub3A = arith.constant 1 : i32
        %sub3A_183 = arith.subi %div3A, %sub3A : i32
        %select_n3A = arith.select %and3A, %sub3A_183, %div3A : i32
        %add3A_184 = arith.addi %mul3A_167, %select_n3A : i32
        %jit3A_185 = arith.constant 20 : i32
        %eq3A = arith.constant 0 : i32
        %eq3A_186 = arith.cmpi eq, %jit3A_185, %eq3A : i32
        %jit3A_187 = arith.constant 1 : i32
        %select_n3A_188 = arith.select %eq3A_186, %jit3A_187, %jit3A_185 : i32
        %rem3A_189 = arith.remsi %add3A_165, %select_n3A_188 : i32
        %ne3A_190 = arith.constant 0 : i32
        %ne3A_191 = arith.cmpi ne, %rem3A_189, %ne3A_190 : i32
        %lt3A_192 = arith.constant 0 : i32
        %lt3A_193 = arith.cmpi slt, %rem3A_189, %lt3A_192 : i32
        %lt3A_194 = arith.constant 0 : i32
        %lt3A_195 = arith.cmpi slt, %select_n3A_188, %lt3A_194 : i32
        %ne3A_196 = arith.xori %lt3A_193, %lt3A_195 : i1
        %and3A_197 = arith.andi %ne3A_196, %ne3A_191 : i1
        %add3A_198 = arith.addi %rem3A_189, %select_n3A_188 : i32
        %select_n3A_199 = arith.select %and3A_197, %add3A_198, %rem3A_189 : i32
        %dma_wait3A_200 = arith.constant 1 : i32
        %dma_wait3A_201 = arith.constant 0 : i32
        %dma_wait3A_202 = tpu.memref_slice %arg8[%dma_wait3A_200, %dma_wait3A_201] : memref<2x512xi32, #tpu.memory_space<vmem>> -> memref<1x512xi32, #tpu.memory_space<vmem>>
        %dma_wait3A_203 = tpu.memref_squeeze %dma_wait3A_202 : memref<1x512xi32, #tpu.memory_space<vmem>> -> memref<512xi32, #tpu.memory_space<vmem>>
        %dma_wait3A_204 = arith.constant 0 : i32
        %dma_wait3A_205 = tpu.memref_slice %arg3[%add3A_184, %select_n3A_199, %dma_wait3A_204] : memref<32x20x512xi32, #tpu.memory_space<hbm>> -> memref<1x1x512xi32, #tpu.memory_space<hbm>>
        %dma_wait3A_206 = tpu.memref_squeeze %dma_wait3A_205 : memref<1x1x512xi32, #tpu.memory_space<hbm>> -> memref<512xi32, #tpu.memory_space<hbm>>
        %dma_wait3A_207 = arith.constant 0 : i32
        %dma_wait3A_208 = tpu.memref_slice %arg8[%dma_wait3A_200, %dma_wait3A_207] : memref<2x512xi32, #tpu.memory_space<vmem>> -> memref<1x512xi32, #tpu.memory_space<vmem>>
        %dma_wait3A_209 = tpu.memref_squeeze %dma_wait3A_208 : memref<1x512xi32, #tpu.memory_space<vmem>> -> memref<512xi32, #tpu.memory_space<vmem>>
        %dma_wait3A_210 = arith.constant 0 : i32
        %dma_wait3A_211 = tpu.memref_slice %arg3[%add3A_184, %select_n3A_199, %dma_wait3A_210] : memref<32x20x512xi32, #tpu.memory_space<hbm>> -> memref<1x1x512xi32, #tpu.memory_space<hbm>>
        %dma_wait3A_212 = tpu.memref_squeeze %dma_wait3A_211 : memref<1x1x512xi32, #tpu.memory_space<hbm>> -> memref<512xi32, #tpu.memory_space<hbm>>
        tpu.wait_dma2 semaphore(%arg16 : memref<!tpu.dma_semaphore, #tpu.memory_space<semaphore_mem>>) src(%dma_wait3A_212 : memref<512xi32, #tpu.memory_space<hbm>>) dst(%dma_wait3A_209 : memref<512xi32, #tpu.memory_space<vmem>>)
        %dma_start3A_213 = arith.constant 1 : i32
        %dma_start3A_214 = arith.constant 1 : i32
        %dma_start3A_215 = arith.constant 0 : i32
        %dma_start3A_216 = arith.constant 0 : i32
        %dma_start3A_217 = tpu.memref_slice %arg10[%dma_start3A_214, %dma_start3A_215, %dma_start3A_216] : memref<2x512x64xf32, #tpu.memory_space<vmem>> -> memref<1x512x64xf32, #tpu.memory_space<vmem>>
        %dma_start3A_218 = tpu.memref_squeeze %dma_start3A_217 : memref<1x512x64xf32, #tpu.memory_space<vmem>> -> memref<512x64xf32, #tpu.memory_space<vmem>>
        %dma_start3A_219 = arith.constant 0 : i32
        %dma_start3A_220 = tpu.memref_slice %arg8[%dma_start3A_213, %dma_start3A_219] : memref<2x512xi32, #tpu.memory_space<vmem>> -> memref<1x512xi32, #tpu.memory_space<vmem>>
        %dma_start3A_221 = tpu.memref_squeeze %dma_start3A_220 : memref<1x512xi32, #tpu.memory_space<vmem>> -> memref<512xi32, #tpu.memory_space<vmem>>
        %dma_start3A_222 = arith.constant 0 : i32
        %dma_start3A_223 = arith.constant 0 : i32
        %dma_start3A_224 = tpu.memref_slice %arg2[%arg0, %dma_start3A_222, %dma_start3A_223] : memref<2x10240x64xf32, #tpu.memory_space<hbm>> -> memref<1x10240x64xf32, #tpu.memory_space<hbm>>
        %dma_start3A_225 = tpu.memref_squeeze %dma_start3A_224 : memref<1x10240x64xf32, #tpu.memory_space<hbm>> -> memref<10240x64xf32, #tpu.memory_space<hbm>>
        %dma_start3A_226 = arith.constant 0 : i32
        %dma_start3A_227 = arith.constant 0 : i32
        %dma_start3A_228 = tpu.memref_slice %dma_start3A_225[%dma_start3A_226, %dma_start3A_227] : memref<10240x64xf32, #tpu.memory_space<hbm>> -> memref<10240x64xf32, #tpu.memory_space<hbm>>
        tpu.enqueue_indirect_dma source(%dma_start3A_228 : memref<10240x64xf32, #tpu.memory_space<hbm>>) target(%dma_start3A_218 : memref<512x64xf32, #tpu.memory_space<vmem>>) offsets(%dma_start3A_221 : memref<512xi32, #tpu.memory_space<vmem>>) semaphore(%arg12 : memref<!tpu.dma_semaphore, #tpu.memory_space<semaphore_mem>>)
      } else {
      }
      %dma_wait3A_79 = arith.constant 0 : i32
      %dma_wait3A_80 = arith.constant 0 : i32
      %dma_wait3A_81 = arith.constant 0 : i32
      %dma_wait3A_82 = arith.constant 0 : i32
      %dma_wait3A_83 = tpu.memref_slice %arg10[%dma_wait3A_80, %dma_wait3A_81, %dma_wait3A_82] : memref<2x512x64xf32, #tpu.memory_space<vmem>> -> memref<1x512x64xf32, #tpu.memory_space<vmem>>
      %dma_wait3A_84 = tpu.memref_squeeze %dma_wait3A_83 : memref<1x512x64xf32, #tpu.memory_space<vmem>> -> memref<512x64xf32, #tpu.memory_space<vmem>>
      %dma_wait3A_85 = arith.constant 0 : i32
      %dma_wait3A_86 = tpu.memref_slice %arg8[%dma_wait3A_79, %dma_wait3A_85] : memref<2x512xi32, #tpu.memory_space<vmem>> -> memref<1x512xi32, #tpu.memory_space<vmem>>
      %dma_wait3A_87 = tpu.memref_squeeze %dma_wait3A_86 : memref<1x512xi32, #tpu.memory_space<vmem>> -> memref<512xi32, #tpu.memory_space<vmem>>
      %dma_wait3A_88 = arith.constant 0 : i32
      %dma_wait3A_89 = arith.constant 0 : i32
      %dma_wait3A_90 = tpu.memref_slice %arg2[%arg0, %dma_wait3A_88, %dma_wait3A_89] : memref<2x10240x64xf32, #tpu.memory_space<hbm>> -> memref<1x10240x64xf32, #tpu.memory_space<hbm>>
      %dma_wait3A_91 = tpu.memref_squeeze %dma_wait3A_90 : memref<1x10240x64xf32, #tpu.memory_space<hbm>> -> memref<10240x64xf32, #tpu.memory_space<hbm>>
      %dma_wait3A_92 = arith.constant 0 : i32
      %dma_wait3A_93 = arith.constant 0 : i32
      %dma_wait3A_94 = tpu.memref_slice %dma_wait3A_91[%dma_wait3A_92, %dma_wait3A_93] : memref<10240x64xf32, #tpu.memory_space<hbm>> -> memref<10240x64xf32, #tpu.memory_space<hbm>>
      tpu.wait_indirect_dma semaphore(%arg11 : memref<!tpu.dma_semaphore, #tpu.memory_space<semaphore_mem>>) src(%dma_wait3A_94 : memref<10240x64xf32, #tpu.memory_space<hbm>>) dst(%dma_wait3A_84 : memref<512x64xf32, #tpu.memory_space<vmem>>)
      %dma_start3A_95 = arith.constant 0 : i32
      %dma_start3A_96 = arith.constant 0 : i32
      %dma_start3A_97 = arith.constant 0 : i32
      %dma_start3A_98 = tpu.memref_slice %arg10[%dma_start3A_95, %dma_start3A_96, %dma_start3A_97] : memref<2x512x64xf32, #tpu.memory_space<vmem>> -> memref<1x512x64xf32, #tpu.memory_space<vmem>>
      %dma_start3A_99 = tpu.memref_squeeze %dma_start3A_98 : memref<1x512x64xf32, #tpu.memory_space<vmem>> -> memref<512x64xf32, #tpu.memory_space<vmem>>
      %dma_start3A_100 = arith.constant 0 : i32
      %dma_start3A_101 = tpu.memref_slice %arg9[%add3A_70, %dma_start3A_100] : memref<40x512xi32, #tpu.memory_space<vmem>> -> memref<1x512xi32, #tpu.memory_space<vmem>>
      %dma_start3A_102 = tpu.memref_squeeze %dma_start3A_101 : memref<1x512xi32, #tpu.memory_space<vmem>> -> memref<512xi32, #tpu.memory_space<vmem>>
      %dma_start3A_103 = arith.constant 0 : i32
      %dma_start3A_104 = arith.constant 0 : i32
      %dma_start3A_105 = tpu.memref_slice %arg7[%dma_start3A_103, %dma_start3A_104] : memref<10240x64xf32, #tpu.memory_space<vmem_shared>> -> memref<10240x64xf32, #tpu.memory_space<vmem_shared>>
      tpu.enqueue_indirect_dma source(%dma_start3A_99 : memref<512x64xf32, #tpu.memory_space<vmem>>) target(%dma_start3A_105 : memref<10240x64xf32, #tpu.memory_space<vmem_shared>>) offsets(%dma_start3A_102 : memref<512xi32, #tpu.memory_space<vmem>>) semaphore(%arg13 : memref<!tpu.dma_semaphore, #tpu.memory_space<semaphore_mem>>) {add = true}
      %add3A_106 = arith.constant 2 : i32
      %add3A_107 = arith.addi %add3A_70, %add3A_106 : i32
      %lt3A_108 = arith.constant 40 : i32
      %lt3A_109 = arith.cmpi slt, %add3A_107, %lt3A_108 : i32
      %convert_element_type3A_110 = arith.extui %lt3A_109 : i1 to i32
      %cond3A_111 = arith.constant 0 : i32
      %cond3A_112 = arith.cmpi ne, %convert_element_type3A_110, %cond3A_111 : i32
      scf.if %cond3A_112 {
        %add3A_164 = arith.constant 2 : i32
        %add3A_165 = arith.addi %add3A_70, %add3A_164 : i32
        %mul3A_166 = arith.constant 2 : i32
        %mul3A_167 = arith.muli %mul3A_166, %arg1 : i32
        %jit3A = arith.constant 20 : i32
        %div3A = arith.divsi %add3A_165, %jit3A : i32
        %sign3A = arith.constant 0 : i32
        %sign3A_168 = arith.cmpi sgt, %add3A_165, %sign3A : i32
        %sign3A_169 = arith.extui %sign3A_168 : i1 to i32
        %sign3A_170 = arith.constant 0 : i32
        %sign3A_171 = arith.cmpi slt, %add3A_165, %sign3A_170 : i32
        %sign3A_172 = arith.extui %sign3A_171 : i1 to i32
        %sign3A_173 = arith.subi %sign3A_169, %sign3A_172 : i32
        %sign3A_174 = arith.constant 0 : i32
        %sign3A_175 = arith.cmpi sgt, %jit3A, %sign3A_174 : i32
        %sign3A_176 = arith.extui %sign3A_175 : i1 to i32
        %sign3A_177 = arith.constant 0 : i32
        %sign3A_178 = arith.cmpi slt, %jit3A, %sign3A_177 : i32
        %sign3A_179 = arith.extui %sign3A_178 : i1 to i32
        %sign3A_180 = arith.subi %sign3A_176, %sign3A_179 : i32
        %ne3A = arith.cmpi ne, %sign3A_173, %sign3A_180 : i32
        %rem3A = arith.remsi %add3A_165, %jit3A : i32
        %ne3A_181 = arith.constant 0 : i32
        %ne3A_182 = arith.cmpi ne, %rem3A, %ne3A_181 : i32
        %and3A = arith.andi %ne3A, %ne3A_182 : i1
        %sub3A = arith.constant 1 : i32
        %sub3A_183 = arith.subi %div3A, %sub3A : i32
        %select_n3A = arith.select %and3A, %sub3A_183, %div3A : i32
        %add3A_184 = arith.addi %mul3A_167, %select_n3A : i32
        %jit3A_185 = arith.constant 20 : i32
        %eq3A = arith.constant 0 : i32
        %eq3A_186 = arith.cmpi eq, %jit3A_185, %eq3A : i32
        %jit3A_187 = arith.constant 1 : i32
        %select_n3A_188 = arith.select %eq3A_186, %jit3A_187, %jit3A_185 : i32
        %rem3A_189 = arith.remsi %add3A_165, %select_n3A_188 : i32
        %ne3A_190 = arith.constant 0 : i32
        %ne3A_191 = arith.cmpi ne, %rem3A_189, %ne3A_190 : i32
        %lt3A_192 = arith.constant 0 : i32
        %lt3A_193 = arith.cmpi slt, %rem3A_189, %lt3A_192 : i32
        %lt3A_194 = arith.constant 0 : i32
        %lt3A_195 = arith.cmpi slt, %select_n3A_188, %lt3A_194 : i32
        %ne3A_196 = arith.xori %lt3A_193, %lt3A_195 : i1
        %and3A_197 = arith.andi %ne3A_196, %ne3A_191 : i1
        %add3A_198 = arith.addi %rem3A_189, %select_n3A_188 : i32
        %select_n3A_199 = arith.select %and3A_197, %add3A_198, %rem3A_189 : i32
        %dma_start3A_200 = arith.constant 0 : i32
        %dma_start3A_201 = arith.constant 0 : i32
        %dma_start3A_202 = tpu.memref_slice %arg8[%dma_start3A_200, %dma_start3A_201] : memref<2x512xi32, #tpu.memory_space<vmem>> -> memref<1x512xi32, #tpu.memory_space<vmem>>
        %dma_start3A_203 = tpu.memref_squeeze %dma_start3A_202 : memref<1x512xi32, #tpu.memory_space<vmem>> -> memref<512xi32, #tpu.memory_space<vmem>>
        %dma_start3A_204 = arith.constant 0 : i32
        %dma_start3A_205 = tpu.memref_slice %arg3[%add3A_184, %select_n3A_199, %dma_start3A_204] : memref<32x20x512xi32, #tpu.memory_space<hbm>> -> memref<1x1x512xi32, #tpu.memory_space<hbm>>
        %dma_start3A_206 = tpu.memref_squeeze %dma_start3A_205 : memref<1x1x512xi32, #tpu.memory_space<hbm>> -> memref<512xi32, #tpu.memory_space<hbm>>
        %dma_start3A_207 = arith.constant 0 : i32
        %dma_start3A_208 = tpu.memref_slice %arg8[%dma_start3A_200, %dma_start3A_207] : memref<2x512xi32, #tpu.memory_space<vmem>> -> memref<1x512xi32, #tpu.memory_space<vmem>>
        %dma_start3A_209 = tpu.memref_squeeze %dma_start3A_208 : memref<1x512xi32, #tpu.memory_space<vmem>> -> memref<512xi32, #tpu.memory_space<vmem>>
        %dma_start3A_210 = arith.constant 0 : i32
        %dma_start3A_211 = tpu.memref_slice %arg3[%add3A_184, %select_n3A_199, %dma_start3A_210] : memref<32x20x512xi32, #tpu.memory_space<hbm>> -> memref<1x1x512xi32, #tpu.memory_space<hbm>>
        %dma_start3A_212 = tpu.memref_squeeze %dma_start3A_211 : memref<1x1x512xi32, #tpu.memory_space<hbm>> -> memref<512xi32, #tpu.memory_space<hbm>>
        tpu.enqueue_dma source(%dma_start3A_212 : memref<512xi32, #tpu.memory_space<hbm>>) target(%dma_start3A_209 : memref<512xi32, #tpu.memory_space<vmem>>) target_semaphore(%arg15 : memref<!tpu.dma_semaphore, #tpu.memory_space<semaphore_mem>>)
      } else {
      }
      %mul3A_113 = arith.constant 2 : i32
      %mul3A_114 = arith.muli %scan3A_65, %mul3A_113 : i32
      %add3A_115 = arith.constant 1 : i32
      %add3A_116 = arith.addi %mul3A_114, %add3A_115 : i32
      %ge3A_117 = arith.constant 1 : i32
      %ge3A_118 = arith.cmpi sge, %add3A_116, %ge3A_117 : i32
      %convert_element_type3A_119 = arith.extui %ge3A_118 : i1 to i32
      %cond3A_120 = arith.constant 0 : i32
      %cond3A_121 = arith.cmpi ne, %convert_element_type3A_119, %cond3A_120 : i32
      scf.if %cond3A_121 {
        %sub3A = arith.constant 1 : i32
        %sub3A_164 = arith.subi %add3A_116, %sub3A : i32
        %dma_wait3A_165 = arith.constant 0 : i32
        %dma_wait3A_166 = arith.constant 0 : i32
        %dma_wait3A_167 = arith.constant 0 : i32
        %dma_wait3A_168 = tpu.memref_slice %arg10[%dma_wait3A_165, %dma_wait3A_166, %dma_wait3A_167] : memref<2x512x64xf32, #tpu.memory_space<vmem>> -> memref<1x512x64xf32, #tpu.memory_space<vmem>>
        %dma_wait3A_169 = tpu.memref_squeeze %dma_wait3A_168 : memref<1x512x64xf32, #tpu.memory_space<vmem>> -> memref<512x64xf32, #tpu.memory_space<vmem>>
        %dma_wait3A_170 = arith.constant 0 : i32
        %dma_wait3A_171 = tpu.memref_slice %arg9[%sub3A_164, %dma_wait3A_170] : memref<40x512xi32, #tpu.memory_space<vmem>> -> memref<1x512xi32, #tpu.memory_space<vmem>>
        %dma_wait3A_172 = tpu.memref_squeeze %dma_wait3A_171 : memref<1x512xi32, #tpu.memory_space<vmem>> -> memref<512xi32, #tpu.memory_space<vmem>>
        %dma_wait3A_173 = arith.constant 0 : i32
        %dma_wait3A_174 = arith.constant 0 : i32
        %dma_wait3A_175 = tpu.memref_slice %arg7[%dma_wait3A_173, %dma_wait3A_174] : memref<10240x64xf32, #tpu.memory_space<vmem_shared>> -> memref<10240x64xf32, #tpu.memory_space<vmem_shared>>
        tpu.wait_indirect_dma semaphore(%arg13 : memref<!tpu.dma_semaphore, #tpu.memory_space<semaphore_mem>>) src(%dma_wait3A_169 : memref<512x64xf32, #tpu.memory_space<vmem>>) dst(%dma_wait3A_175 : memref<10240x64xf32, #tpu.memory_space<vmem_shared>>)
      } else {
      }
      %add3A_122 = arith.constant 1 : i32
      %add3A_123 = arith.addi %add3A_116, %add3A_122 : i32
      %lt3A_124 = arith.constant 40 : i32
      %lt3A_125 = arith.cmpi slt, %add3A_123, %lt3A_124 : i32
      %convert_element_type3A_126 = arith.extui %lt3A_125 : i1 to i32
      %cond3A_127 = arith.constant 0 : i32
      %cond3A_128 = arith.cmpi ne, %convert_element_type3A_126, %cond3A_127 : i32
      scf.if %cond3A_128 {
        %add3A_164 = arith.constant 1 : i32
        %add3A_165 = arith.addi %add3A_116, %add3A_164 : i32
        %mul3A_166 = arith.constant 2 : i32
        %mul3A_167 = arith.muli %mul3A_166, %arg1 : i32
        %jit3A = arith.constant 20 : i32
        %div3A = arith.divsi %add3A_165, %jit3A : i32
        %sign3A = arith.constant 0 : i32
        %sign3A_168 = arith.cmpi sgt, %add3A_165, %sign3A : i32
        %sign3A_169 = arith.extui %sign3A_168 : i1 to i32
        %sign3A_170 = arith.constant 0 : i32
        %sign3A_171 = arith.cmpi slt, %add3A_165, %sign3A_170 : i32
        %sign3A_172 = arith.extui %sign3A_171 : i1 to i32
        %sign3A_173 = arith.subi %sign3A_169, %sign3A_172 : i32
        %sign3A_174 = arith.constant 0 : i32
        %sign3A_175 = arith.cmpi sgt, %jit3A, %sign3A_174 : i32
        %sign3A_176 = arith.extui %sign3A_175 : i1 to i32
        %sign3A_177 = arith.constant 0 : i32
        %sign3A_178 = arith.cmpi slt, %jit3A, %sign3A_177 : i32
        %sign3A_179 = arith.extui %sign3A_178 : i1 to i32
        %sign3A_180 = arith.subi %sign3A_176, %sign3A_179 : i32
        %ne3A = arith.cmpi ne, %sign3A_173, %sign3A_180 : i32
        %rem3A = arith.remsi %add3A_165, %jit3A : i32
        %ne3A_181 = arith.constant 0 : i32
        %ne3A_182 = arith.cmpi ne, %rem3A, %ne3A_181 : i32
        %and3A = arith.andi %ne3A, %ne3A_182 : i1
        %sub3A = arith.constant 1 : i32
        %sub3A_183 = arith.subi %div3A, %sub3A : i32
        %select_n3A = arith.select %and3A, %sub3A_183, %div3A : i32
        %add3A_184 = arith.addi %mul3A_167, %select_n3A : i32
        %jit3A_185 = arith.constant 20 : i32
        %eq3A = arith.constant 0 : i32
        %eq3A_186 = arith.cmpi eq, %jit3A_185, %eq3A : i32
        %jit3A_187 = arith.constant 1 : i32
        %select_n3A_188 = arith.select %eq3A_186, %jit3A_187, %jit3A_185 : i32
        %rem3A_189 = arith.remsi %add3A_165, %select_n3A_188 : i32
        %ne3A_190 = arith.constant 0 : i32
        %ne3A_191 = arith.cmpi ne, %rem3A_189, %ne3A_190 : i32
        %lt3A_192 = arith.constant 0 : i32
        %lt3A_193 = arith.cmpi slt, %rem3A_189, %lt3A_192 : i32
        %lt3A_194 = arith.constant 0 : i32
        %lt3A_195 = arith.cmpi slt, %select_n3A_188, %lt3A_194 : i32
        %ne3A_196 = arith.xori %lt3A_193, %lt3A_195 : i1
        %and3A_197 = arith.andi %ne3A_196, %ne3A_191 : i1
        %add3A_198 = arith.addi %rem3A_189, %select_n3A_188 : i32
        %select_n3A_199 = arith.select %and3A_197, %add3A_198, %rem3A_189 : i32
        %dma_wait3A_200 = arith.constant 0 : i32
        %dma_wait3A_201 = arith.constant 0 : i32
        %dma_wait3A_202 = tpu.memref_slice %arg8[%dma_wait3A_200, %dma_wait3A_201] : memref<2x512xi32, #tpu.memory_space<vmem>> -> memref<1x512xi32, #tpu.memory_space<vmem>>
        %dma_wait3A_203 = tpu.memref_squeeze %dma_wait3A_202 : memref<1x512xi32, #tpu.memory_space<vmem>> -> memref<512xi32, #tpu.memory_space<vmem>>
        %dma_wait3A_204 = arith.constant 0 : i32
        %dma_wait3A_205 = tpu.memref_slice %arg3[%add3A_184, %select_n3A_199, %dma_wait3A_204] : memref<32x20x512xi32, #tpu.memory_space<hbm>> -> memref<1x1x512xi32, #tpu.memory_space<hbm>>
        %dma_wait3A_206 = tpu.memref_squeeze %dma_wait3A_205 : memref<1x1x512xi32, #tpu.memory_space<hbm>> -> memref<512xi32, #tpu.memory_space<hbm>>
        %dma_wait3A_207 = arith.constant 0 : i32
        %dma_wait3A_208 = tpu.memref_slice %arg8[%dma_wait3A_200, %dma_wait3A_207] : memref<2x512xi32, #tpu.memory_space<vmem>> -> memref<1x512xi32, #tpu.memory_space<vmem>>
        %dma_wait3A_209 = tpu.memref_squeeze %dma_wait3A_208 : memref<1x512xi32, #tpu.memory_space<vmem>> -> memref<512xi32, #tpu.memory_space<vmem>>
        %dma_wait3A_210 = arith.constant 0 : i32
        %dma_wait3A_211 = tpu.memref_slice %arg3[%add3A_184, %select_n3A_199, %dma_wait3A_210] : memref<32x20x512xi32, #tpu.memory_space<hbm>> -> memref<1x1x512xi32, #tpu.memory_space<hbm>>
        %dma_wait3A_212 = tpu.memref_squeeze %dma_wait3A_211 : memref<1x1x512xi32, #tpu.memory_space<hbm>> -> memref<512xi32, #tpu.memory_space<hbm>>
        tpu.wait_dma2 semaphore(%arg15 : memref<!tpu.dma_semaphore, #tpu.memory_space<semaphore_mem>>) src(%dma_wait3A_212 : memref<512xi32, #tpu.memory_space<hbm>>) dst(%dma_wait3A_209 : memref<512xi32, #tpu.memory_space<vmem>>)
        %dma_start3A_213 = arith.constant 0 : i32
        %dma_start3A_214 = arith.constant 0 : i32
        %dma_start3A_215 = arith.constant 0 : i32
        %dma_start3A_216 = arith.constant 0 : i32
        %dma_start3A_217 = tpu.memref_slice %arg10[%dma_start3A_214, %dma_start3A_215, %dma_start3A_216] : memref<2x512x64xf32, #tpu.memory_space<vmem>> -> memref<1x512x64xf32, #tpu.memory_space<vmem>>
        %dma_start3A_218 = tpu.memref_squeeze %dma_start3A_217 : memref<1x512x64xf32, #tpu.memory_space<vmem>> -> memref<512x64xf32, #tpu.memory_space<vmem>>
        %dma_start3A_219 = arith.constant 0 : i32
        %dma_start3A_220 = tpu.memref_slice %arg8[%dma_start3A_213, %dma_start3A_219] : memref<2x512xi32, #tpu.memory_space<vmem>> -> memref<1x512xi32, #tpu.memory_space<vmem>>
        %dma_start3A_221 = tpu.memref_squeeze %dma_start3A_220 : memref<1x512xi32, #tpu.memory_space<vmem>> -> memref<512xi32, #tpu.memory_space<vmem>>
        %dma_start3A_222 = arith.constant 0 : i32
        %dma_start3A_223 = arith.constant 0 : i32
        %dma_start3A_224 = tpu.memref_slice %arg2[%arg0, %dma_start3A_222, %dma_start3A_223] : memref<2x10240x64xf32, #tpu.memory_space<hbm>> -> memref<1x10240x64xf32, #tpu.memory_space<hbm>>
        %dma_start3A_225 = tpu.memref_squeeze %dma_start3A_224 : memref<1x10240x64xf32, #tpu.memory_space<hbm>> -> memref<10240x64xf32, #tpu.memory_space<hbm>>
        %dma_start3A_226 = arith.constant 0 : i32
        %dma_start3A_227 = arith.constant 0 : i32
        %dma_start3A_228 = tpu.memref_slice %dma_start3A_225[%dma_start3A_226, %dma_start3A_227] : memref<10240x64xf32, #tpu.memory_space<hbm>> -> memref<10240x64xf32, #tpu.memory_space<hbm>>
        tpu.enqueue_indirect_dma source(%dma_start3A_228 : memref<10240x64xf32, #tpu.memory_space<hbm>>) target(%dma_start3A_218 : memref<512x64xf32, #tpu.memory_space<vmem>>) offsets(%dma_start3A_221 : memref<512xi32, #tpu.memory_space<vmem>>) semaphore(%arg11 : memref<!tpu.dma_semaphore, #tpu.memory_space<semaphore_mem>>)
      } else {
      }
      %dma_wait3A_129 = arith.constant 1 : i32
      %dma_wait3A_130 = arith.constant 1 : i32
      %dma_wait3A_131 = arith.constant 0 : i32
      %dma_wait3A_132 = arith.constant 0 : i32
      %dma_wait3A_133 = tpu.memref_slice %arg10[%dma_wait3A_130, %dma_wait3A_131, %dma_wait3A_132] : memref<2x512x64xf32, #tpu.memory_space<vmem>> -> memref<1x512x64xf32, #tpu.memory_space<vmem>>
      %dma_wait3A_134 = tpu.memref_squeeze %dma_wait3A_133 : memref<1x512x64xf32, #tpu.memory_space<vmem>> -> memref<512x64xf32, #tpu.memory_space<vmem>>
      %dma_wait3A_135 = arith.constant 0 : i32
      %dma_wait3A_136 = tpu.memref_slice %arg8[%dma_wait3A_129, %dma_wait3A_135] : memref<2x512xi32, #tpu.memory_space<vmem>> -> memref<1x512xi32, #tpu.memory_space<vmem>>
      %dma_wait3A_137 = tpu.memref_squeeze %dma_wait3A_136 : memref<1x512xi32, #tpu.memory_space<vmem>> -> memref<512xi32, #tpu.memory_space<vmem>>
      %dma_wait3A_138 = arith.constant 0 : i32
      %dma_wait3A_139 = arith.constant 0 : i32
      %dma_wait3A_140 = tpu.memref_slice %arg2[%arg0, %dma_wait3A_138, %dma_wait3A_139] : memref<2x10240x64xf32, #tpu.memory_space<hbm>> -> memref<1x10240x64xf32, #tpu.memory_space<hbm>>
      %dma_wait3A_141 = tpu.memref_squeeze %dma_wait3A_140 : memref<1x10240x64xf32, #tpu.memory_space<hbm>> -> memref<10240x64xf32, #tpu.memory_space<hbm>>
      %dma_wait3A_142 = arith.constant 0 : i32
      %dma_wait3A_143 = arith.constant 0 : i32
      %dma_wait3A_144 = tpu.memref_slice %dma_wait3A_141[%dma_wait3A_142, %dma_wait3A_143] : memref<10240x64xf32, #tpu.memory_space<hbm>> -> memref<10240x64xf32, #tpu.memory_space<hbm>>
      tpu.wait_indirect_dma semaphore(%arg12 : memref<!tpu.dma_semaphore, #tpu.memory_space<semaphore_mem>>) src(%dma_wait3A_144 : memref<10240x64xf32, #tpu.memory_space<hbm>>) dst(%dma_wait3A_134 : memref<512x64xf32, #tpu.memory_space<vmem>>)
      %dma_start3A_145 = arith.constant 1 : i32
      %dma_start3A_146 = arith.constant 0 : i32
      %dma_start3A_147 = arith.constant 0 : i32
      %dma_start3A_148 = tpu.memref_slice %arg10[%dma_start3A_145, %dma_start3A_146, %dma_start3A_147] : memref<2x512x64xf32, #tpu.memory_space<vmem>> -> memref<1x512x64xf32, #tpu.memory_space<vmem>>
      %dma_start3A_149 = tpu.memref_squeeze %dma_start3A_148 : memref<1x512x64xf32, #tpu.memory_space<vmem>> -> memref<512x64xf32, #tpu.memory_space<vmem>>
      %dma_start3A_150 = arith.constant 0 : i32
      %dma_start3A_151 = tpu.memref_slice %arg9[%add3A_116, %dma_start3A_150] : memref<40x512xi32, #tpu.memory_space<vmem>> -> memref<1x512xi32, #tpu.memory_space<vmem>>
      %dma_start3A_152 = tpu.memref_squeeze %dma_start3A_151 : memref<1x512xi32, #tpu.memory_space<vmem>> -> memref<512xi32, #tpu.memory_space<vmem>>
      %dma_start3A_153 = arith.constant 0 : i32
      %dma_start3A_154 = arith.constant 0 : i32
      %dma_start3A_155 = tpu.memref_slice %arg7[%dma_start3A_153, %dma_start3A_154] : memref<10240x64xf32, #tpu.memory_space<vmem_shared>> -> memref<10240x64xf32, #tpu.memory_space<vmem_shared>>
      tpu.enqueue_indirect_dma source(%dma_start3A_149 : memref<512x64xf32, #tpu.memory_space<vmem>>) target(%dma_start3A_155 : memref<10240x64xf32, #tpu.memory_space<vmem_shared>>) offsets(%dma_start3A_152 : memref<512xi32, #tpu.memory_space<vmem>>) semaphore(%arg14 : memref<!tpu.dma_semaphore, #tpu.memory_space<semaphore_mem>>) {add = true}
      %add3A_156 = arith.constant 2 : i32
      %add3A_157 = arith.addi %add3A_116, %add3A_156 : i32
      %lt3A_158 = arith.constant 40 : i32
      %lt3A_159 = arith.cmpi slt, %add3A_157, %lt3A_158 : i32
      %convert_element_type3A_160 = arith.extui %lt3A_159 : i1 to i32
      %cond3A_161 = arith.constant 0 : i32
      %cond3A_162 = arith.cmpi ne, %convert_element_type3A_160, %cond3A_161 : i32
      scf.if %cond3A_162 {
        %add3A_164 = arith.constant 2 : i32
        %add3A_165 = arith.addi %add3A_116, %add3A_164 : i32
        %mul3A_166 = arith.constant 2 : i32
        %mul3A_167 = arith.muli %mul3A_166, %arg1 : i32
        %jit3A = arith.constant 20 : i32
        %div3A = arith.divsi %add3A_165, %jit3A : i32
        %sign3A = arith.constant 0 : i32
        %sign3A_168 = arith.cmpi sgt, %add3A_165, %sign3A : i32
        %sign3A_169 = arith.extui %sign3A_168 : i1 to i32
        %sign3A_170 = arith.constant 0 : i32
        %sign3A_171 = arith.cmpi slt, %add3A_165, %sign3A_170 : i32
        %sign3A_172 = arith.extui %sign3A_171 : i1 to i32
        %sign3A_173 = arith.subi %sign3A_169, %sign3A_172 : i32
        %sign3A_174 = arith.constant 0 : i32
        %sign3A_175 = arith.cmpi sgt, %jit3A, %sign3A_174 : i32
        %sign3A_176 = arith.extui %sign3A_175 : i1 to i32
        %sign3A_177 = arith.constant 0 : i32
        %sign3A_178 = arith.cmpi slt, %jit3A, %sign3A_177 : i32
        %sign3A_179 = arith.extui %sign3A_178 : i1 to i32
        %sign3A_180 = arith.subi %sign3A_176, %sign3A_179 : i32
        %ne3A = arith.cmpi ne, %sign3A_173, %sign3A_180 : i32
        %rem3A = arith.remsi %add3A_165, %jit3A : i32
        %ne3A_181 = arith.constant 0 : i32
        %ne3A_182 = arith.cmpi ne, %rem3A, %ne3A_181 : i32
        %and3A = arith.andi %ne3A, %ne3A_182 : i1
        %sub3A = arith.constant 1 : i32
        %sub3A_183 = arith.subi %div3A, %sub3A : i32
        %select_n3A = arith.select %and3A, %sub3A_183, %div3A : i32
        %add3A_184 = arith.addi %mul3A_167, %select_n3A : i32
        %jit3A_185 = arith.constant 20 : i32
        %eq3A = arith.constant 0 : i32
        %eq3A_186 = arith.cmpi eq, %jit3A_185, %eq3A : i32
        %jit3A_187 = arith.constant 1 : i32
        %select_n3A_188 = arith.select %eq3A_186, %jit3A_187, %jit3A_185 : i32
        %rem3A_189 = arith.remsi %add3A_165, %select_n3A_188 : i32
        %ne3A_190 = arith.constant 0 : i32
        %ne3A_191 = arith.cmpi ne, %rem3A_189, %ne3A_190 : i32
        %lt3A_192 = arith.constant 0 : i32
        %lt3A_193 = arith.cmpi slt, %rem3A_189, %lt3A_192 : i32
        %lt3A_194 = arith.constant 0 : i32
        %lt3A_195 = arith.cmpi slt, %select_n3A_188, %lt3A_194 : i32
        %ne3A_196 = arith.xori %lt3A_193, %lt3A_195 : i1
        %and3A_197 = arith.andi %ne3A_196, %ne3A_191 : i1
        %add3A_198 = arith.addi %rem3A_189, %select_n3A_188 : i32
        %select_n3A_199 = arith.select %and3A_197, %add3A_198, %rem3A_189 : i32
        %dma_start3A_200 = arith.constant 1 : i32
        %dma_start3A_201 = arith.constant 0 : i32
        %dma_start3A_202 = tpu.memref_slice %arg8[%dma_start3A_200, %dma_start3A_201] : memref<2x512xi32, #tpu.memory_space<vmem>> -> memref<1x512xi32, #tpu.memory_space<vmem>>
        %dma_start3A_203 = tpu.memref_squeeze %dma_start3A_202 : memref<1x512xi32, #tpu.memory_space<vmem>> -> memref<512xi32, #tpu.memory_space<vmem>>
        %dma_start3A_204 = arith.constant 0 : i32
        %dma_start3A_205 = tpu.memref_slice %arg3[%add3A_184, %select_n3A_199, %dma_start3A_204] : memref<32x20x512xi32, #tpu.memory_space<hbm>> -> memref<1x1x512xi32, #tpu.memory_space<hbm>>
        %dma_start3A_206 = tpu.memref_squeeze %dma_start3A_205 : memref<1x1x512xi32, #tpu.memory_space<hbm>> -> memref<512xi32, #tpu.memory_space<hbm>>
        %dma_start3A_207 = arith.constant 0 : i32
        %dma_start3A_208 = tpu.memref_slice %arg8[%dma_start3A_200, %dma_start3A_207] : memref<2x512xi32, #tpu.memory_space<vmem>> -> memref<1x512xi32, #tpu.memory_space<vmem>>
        %dma_start3A_209 = tpu.memref_squeeze %dma_start3A_208 : memref<1x512xi32, #tpu.memory_space<vmem>> -> memref<512xi32, #tpu.memory_space<vmem>>
        %dma_start3A_210 = arith.constant 0 : i32
        %dma_start3A_211 = tpu.memref_slice %arg3[%add3A_184, %select_n3A_199, %dma_start3A_210] : memref<32x20x512xi32, #tpu.memory_space<hbm>> -> memref<1x1x512xi32, #tpu.memory_space<hbm>>
        %dma_start3A_212 = tpu.memref_squeeze %dma_start3A_211 : memref<1x1x512xi32, #tpu.memory_space<hbm>> -> memref<512xi32, #tpu.memory_space<hbm>>
        tpu.enqueue_dma source(%dma_start3A_212 : memref<512xi32, #tpu.memory_space<hbm>>) target(%dma_start3A_209 : memref<512xi32, #tpu.memory_space<vmem>>) target_semaphore(%arg16 : memref<!tpu.dma_semaphore, #tpu.memory_space<semaphore_mem>>)
      } else {
      }
      %scan3A_163 = arith.constant 0 : i32
      scf.yield %scan3A_163 : i32
    }
    %scan3A_52 = arith.constant 20 : i32
    %dma_wait3A = arith.constant 1 : i32
    %dma_wait3A_53 = arith.constant 39 : i32
    %dma_wait3A_54 = arith.constant 0 : i32
    %dma_wait3A_55 = arith.constant 0 : i32
    %dma_wait3A_56 = tpu.memref_slice %arg10[%dma_wait3A, %dma_wait3A_54, %dma_wait3A_55] : memref<2x512x64xf32, #tpu.memory_space<vmem>> -> memref<1x512x64xf32, #tpu.memory_space<vmem>>
    %dma_wait3A_57 = tpu.memref_squeeze %dma_wait3A_56 : memref<1x512x64xf32, #tpu.memory_space<vmem>> -> memref<512x64xf32, #tpu.memory_space<vmem>>
    %dma_wait3A_58 = arith.constant 0 : i32
    %dma_wait3A_59 = tpu.memref_slice %arg9[%dma_wait3A_53, %dma_wait3A_58] : memref<40x512xi32, #tpu.memory_space<vmem>> -> memref<1x512xi32, #tpu.memory_space<vmem>>
    %dma_wait3A_60 = tpu.memref_squeeze %dma_wait3A_59 : memref<1x512xi32, #tpu.memory_space<vmem>> -> memref<512xi32, #tpu.memory_space<vmem>>
    %dma_wait3A_61 = arith.constant 0 : i32
    %dma_wait3A_62 = arith.constant 0 : i32
    %dma_wait3A_63 = tpu.memref_slice %arg7[%dma_wait3A_61, %dma_wait3A_62] : memref<10240x64xf32, #tpu.memory_space<vmem_shared>> -> memref<10240x64xf32, #tpu.memory_space<vmem_shared>>
    tpu.wait_indirect_dma semaphore(%arg14 : memref<!tpu.dma_semaphore, #tpu.memory_space<semaphore_mem>>) src(%dma_wait3A_57 : memref<512x64xf32, #tpu.memory_space<vmem>>) dst(%dma_wait3A_63 : memref<10240x64xf32, #tpu.memory_space<vmem_shared>>)
    %barrier3A_64 = arith.constant 0 : index
    tpu.barrier barrier_id(%barrier3A_64)
    "tpu.region"() ({
      %run_scoped3A_65 = tpu.sem_alloc : memref<!tpu.dma_semaphore, #tpu.memory_space<semaphore_mem>>
      %dma_start3A_66 = arith.constant 0 : i32
      %dma_start3A_67 = tpu.memref_slice %arg6[%arg0, %mul3A_2, %dma_start3A_66] : memref<2x10240x64xf32, #tpu.memory_space<hbm>> -> memref<1x640x64xf32, #tpu.memory_space<hbm>>
      %dma_start3A_68 = tpu.memref_squeeze %dma_start3A_67 : memref<1x640x64xf32, #tpu.memory_space<hbm>> -> memref<640x64xf32, #tpu.memory_space<hbm>>
      %dma_start3A_69 = arith.constant 0 : i32
      %dma_start3A_70 = tpu.memref_slice %arg7[%mul3A_2, %dma_start3A_69] : memref<10240x64xf32, #tpu.memory_space<vmem_shared>> -> memref<640x64xf32, #tpu.memory_space<vmem_shared>>
      tpu.enqueue_dma source(%dma_start3A_70 : memref<640x64xf32, #tpu.memory_space<vmem_shared>>) target(%dma_start3A_68 : memref<640x64xf32, #tpu.memory_space<hbm>>) target_semaphore(%run_scoped3A_65 : memref<!tpu.dma_semaphore, #tpu.memory_space<semaphore_mem>>)
      %dma_wait3A_71 = arith.constant 0 : i32
      %dma_wait3A_72 = tpu.memref_slice %arg6[%arg0, %mul3A_2, %dma_wait3A_71] : memref<2x10240x64xf32, #tpu.memory_space<hbm>> -> memref<1x640x64xf32, #tpu.memory_space<hbm>>
      %dma_wait3A_73 = tpu.memref_squeeze %dma_wait3A_72 : memref<1x640x64xf32, #tpu.memory_space<hbm>> -> memref<640x64xf32, #tpu.memory_space<hbm>>
      %dma_wait3A_74 = arith.constant 0 : i32
      %dma_wait3A_75 = tpu.memref_slice %arg7[%mul3A_2, %dma_wait3A_74] : memref<10240x64xf32, #tpu.memory_space<vmem_shared>> -> memref<640x64xf32, #tpu.memory_space<vmem_shared>>
      tpu.wait_dma2 semaphore(%run_scoped3A_65 : memref<!tpu.dma_semaphore, #tpu.memory_space<semaphore_mem>>) src(%dma_wait3A_75 : memref<640x64xf32, #tpu.memory_space<vmem_shared>>) dst(%dma_wait3A_73 : memref<640x64xf32, #tpu.memory_space<hbm>>)
      tpu.yield
    }) : () -> ()
    return
  }
}

#map = affine_map<(d0, d1) -> (0, 0, 0)>
#map1 = affine_map<(d0, d1) -> (0, 0)>
module attributes {stable_mosaic.version = 14 : i64} {
  func.func @k(%arg0: i32, %arg1: i32, %arg2: memref<2x10240x16xf32, #tpu.memory_space<hbm>>, %arg3: memref<32x20x512xi32, #tpu.memory_space<hbm>>, %arg4: memref<32x20x512xi32, #tpu.memory_space<hbm>>, %arg5: memref<10240x16xf32, #tpu.memory_space<hbm>>, %arg6: memref<2x10240x16xf32, #tpu.memory_space<hbm>>, %arg7: memref<10240x16xf32, #tpu.memory_space<vmem_shared>>, %arg8: memref<2x512xi32, #tpu.memory_space<vmem>>, %arg9: memref<20x512xi32, #tpu.memory_space<vmem>>, %arg10: memref<2x512x16xf32, #tpu.memory_space<vmem>>, %arg11: memref<!tpu.dma_semaphore, #tpu.memory_space<semaphore_mem>>, %arg12: memref<!tpu.dma_semaphore, #tpu.memory_space<semaphore_mem>>, %arg13: memref<!tpu.dma_semaphore, #tpu.memory_space<semaphore_mem>>, %arg14: memref<!tpu.dma_semaphore, #tpu.memory_space<semaphore_mem>>, %arg15: memref<!tpu.dma_semaphore, #tpu.memory_space<semaphore_mem>>, %arg16: memref<!tpu.dma_semaphore, #tpu.memory_space<semaphore_mem>>) attributes {dimension_semantics = [#tpu.dimension_semantics<core_parallel>, #tpu.dimension_semantics<subcore_parallel>], iteration_bounds = array<i64: 2, 16>, scalar_prefetch = 0 : i64, scratch_operands = 10 : i64, tpu.core_type = #tpu.core_type<sc_vector_subcore>, window_params = [{transform_indices = #map}, {transform_indices = #map}, {transform_indices = #map}, {transform_indices = #map1}, {transform_indices = #map}]} {
    %mul3A = arith.constant 2 : i32
    %mul3A_0 = arith.muli %arg1, %mul3A : i32
    %add3A = arith.addi %mul3A_0, %arg0 : i32
    %mul3A_1 = arith.constant 640 : i32
    %mul3A_2 = arith.muli %arg1, %mul3A_1 : i32
    "tpu.region"() ({
      %run_scoped3A_51 = tpu.sem_alloc : memref<!tpu.dma_semaphore, #tpu.memory_space<semaphore_mem>>
      %dma_start3A_52 = arith.constant 0 : i32
      %dma_start3A_53 = tpu.memref_slice %arg7[%mul3A_2, %dma_start3A_52] : memref<10240x16xf32, #tpu.memory_space<vmem_shared>> -> memref<640x16xf32, #tpu.memory_space<vmem_shared>>
      %dma_start3A_54 = arith.constant 0 : i32
      %dma_start3A_55 = tpu.memref_slice %arg5[%mul3A_2, %dma_start3A_54] : memref<10240x16xf32, #tpu.memory_space<hbm>> -> memref<640x16xf32, #tpu.memory_space<hbm>>
      tpu.enqueue_dma source(%dma_start3A_55 : memref<640x16xf32, #tpu.memory_space<hbm>>) target(%dma_start3A_53 : memref<640x16xf32, #tpu.memory_space<vmem_shared>>) target_semaphore(%run_scoped3A_51 : memref<!tpu.dma_semaphore, #tpu.memory_space<semaphore_mem>>)
      %dma_wait3A_56 = arith.constant 0 : i32
      %dma_wait3A_57 = tpu.memref_slice %arg7[%mul3A_2, %dma_wait3A_56] : memref<10240x16xf32, #tpu.memory_space<vmem_shared>> -> memref<640x16xf32, #tpu.memory_space<vmem_shared>>
      %dma_wait3A_58 = arith.constant 0 : i32
      %dma_wait3A_59 = tpu.memref_slice %arg5[%mul3A_2, %dma_wait3A_58] : memref<10240x16xf32, #tpu.memory_space<hbm>> -> memref<640x16xf32, #tpu.memory_space<hbm>>
      tpu.wait_dma2 semaphore(%run_scoped3A_51 : memref<!tpu.dma_semaphore, #tpu.memory_space<semaphore_mem>>) src(%dma_wait3A_59 : memref<640x16xf32, #tpu.memory_space<hbm>>) dst(%dma_wait3A_57 : memref<640x16xf32, #tpu.memory_space<vmem_shared>>)
      tpu.yield
    }) : () -> ()
    "tpu.region"() ({
      %run_scoped3A_51 = tpu.sem_alloc : memref<!tpu.dma_semaphore, #tpu.memory_space<semaphore_mem>>
      %dma_start3A_52 = arith.constant 0 : i32
      %dma_start3A_53 = arith.constant 0 : i32
      %dma_start3A_54 = tpu.memref_slice %arg4[%add3A, %dma_start3A_52, %dma_start3A_53] : memref<32x20x512xi32, #tpu.memory_space<hbm>> -> memref<1x20x512xi32, #tpu.memory_space<hbm>>
      %dma_start3A_55 = tpu.memref_squeeze %dma_start3A_54 : memref<1x20x512xi32, #tpu.memory_space<hbm>> -> memref<20x512xi32, #tpu.memory_space<hbm>>
      %dma_start3A_56 = arith.constant 0 : i32
      %dma_start3A_57 = arith.constant 0 : i32
      %dma_start3A_58 = tpu.memref_slice %arg4[%add3A, %dma_start3A_56, %dma_start3A_57] : memref<32x20x512xi32, #tpu.memory_space<hbm>> -> memref<1x20x512xi32, #tpu.memory_space<hbm>>
      %dma_start3A_59 = tpu.memref_squeeze %dma_start3A_58 : memref<1x20x512xi32, #tpu.memory_space<hbm>> -> memref<20x512xi32, #tpu.memory_space<hbm>>
      tpu.enqueue_dma source(%dma_start3A_59 : memref<20x512xi32, #tpu.memory_space<hbm>>) target(%arg9 : memref<20x512xi32, #tpu.memory_space<vmem>>) target_semaphore(%run_scoped3A_51 : memref<!tpu.dma_semaphore, #tpu.memory_space<semaphore_mem>>)
      %dma_wait3A_60 = arith.constant 0 : i32
      %dma_wait3A_61 = arith.constant 0 : i32
      %dma_wait3A_62 = tpu.memref_slice %arg4[%add3A, %dma_wait3A_60, %dma_wait3A_61] : memref<32x20x512xi32, #tpu.memory_space<hbm>> -> memref<1x20x512xi32, #tpu.memory_space<hbm>>
      %dma_wait3A_63 = tpu.memref_squeeze %dma_wait3A_62 : memref<1x20x512xi32, #tpu.memory_space<hbm>> -> memref<20x512xi32, #tpu.memory_space<hbm>>
      %dma_wait3A_64 = arith.constant 0 : i32
      %dma_wait3A_65 = arith.constant 0 : i32
      %dma_wait3A_66 = tpu.memref_slice %arg4[%add3A, %dma_wait3A_64, %dma_wait3A_65] : memref<32x20x512xi32, #tpu.memory_space<hbm>> -> memref<1x20x512xi32, #tpu.memory_space<hbm>>
      %dma_wait3A_67 = tpu.memref_squeeze %dma_wait3A_66 : memref<1x20x512xi32, #tpu.memory_space<hbm>> -> memref<20x512xi32, #tpu.memory_space<hbm>>
      tpu.wait_dma2 semaphore(%run_scoped3A_51 : memref<!tpu.dma_semaphore, #tpu.memory_space<semaphore_mem>>) src(%dma_wait3A_67 : memref<20x512xi32, #tpu.memory_space<hbm>>) dst(%arg9 : memref<20x512xi32, #tpu.memory_space<vmem>>)
      tpu.yield
    }) : () -> ()
    %run_scoped3A = arith.constant 0 : i32
    %run_scoped3A_3 = arith.constant 0 : i32
    "tpu.region"() ({
      %run_scoped3A_51 = tpu.sem_alloc : memref<!tpu.dma_semaphore, #tpu.memory_space<semaphore_mem>>
      %dma_start3A_52 = arith.constant 0 : i32
      %dma_start3A_53 = tpu.memref_slice %arg8[%run_scoped3A_3, %dma_start3A_52] : memref<2x512xi32, #tpu.memory_space<vmem>> -> memref<1x512xi32, #tpu.memory_space<vmem>>
      %dma_start3A_54 = tpu.memref_squeeze %dma_start3A_53 : memref<1x512xi32, #tpu.memory_space<vmem>> -> memref<512xi32, #tpu.memory_space<vmem>>
      %dma_start3A_55 = arith.constant 0 : i32
      %dma_start3A_56 = tpu.memref_slice %arg3[%add3A, %run_scoped3A, %dma_start3A_55] : memref<32x20x512xi32, #tpu.memory_space<hbm>> -> memref<1x1x512xi32, #tpu.memory_space<hbm>>
      %dma_start3A_57 = tpu.memref_squeeze %dma_start3A_56 : memref<1x1x512xi32, #tpu.memory_space<hbm>> -> memref<512xi32, #tpu.memory_space<hbm>>
      %dma_start3A_58 = arith.constant 0 : i32
      %dma_start3A_59 = tpu.memref_slice %arg8[%run_scoped3A_3, %dma_start3A_58] : memref<2x512xi32, #tpu.memory_space<vmem>> -> memref<1x512xi32, #tpu.memory_space<vmem>>
      %dma_start3A_60 = tpu.memref_squeeze %dma_start3A_59 : memref<1x512xi32, #tpu.memory_space<vmem>> -> memref<512xi32, #tpu.memory_space<vmem>>
      %dma_start3A_61 = arith.constant 0 : i32
      %dma_start3A_62 = tpu.memref_slice %arg3[%add3A, %run_scoped3A, %dma_start3A_61] : memref<32x20x512xi32, #tpu.memory_space<hbm>> -> memref<1x1x512xi32, #tpu.memory_space<hbm>>
      %dma_start3A_63 = tpu.memref_squeeze %dma_start3A_62 : memref<1x1x512xi32, #tpu.memory_space<hbm>> -> memref<512xi32, #tpu.memory_space<hbm>>
      tpu.enqueue_dma source(%dma_start3A_63 : memref<512xi32, #tpu.memory_space<hbm>>) target(%dma_start3A_60 : memref<512xi32, #tpu.memory_space<vmem>>) target_semaphore(%run_scoped3A_51 : memref<!tpu.dma_semaphore, #tpu.memory_space<semaphore_mem>>)
      %dma_wait3A_64 = arith.constant 0 : i32
      %dma_wait3A_65 = tpu.memref_slice %arg8[%run_scoped3A_3, %dma_wait3A_64] : memref<2x512xi32, #tpu.memory_space<vmem>> -> memref<1x512xi32, #tpu.memory_space<vmem>>
      %dma_wait3A_66 = tpu.memref_squeeze %dma_wait3A_65 : memref<1x512xi32, #tpu.memory_space<vmem>> -> memref<512xi32, #tpu.memory_space<vmem>>
      %dma_wait3A_67 = arith.constant 0 : i32
      %dma_wait3A_68 = tpu.memref_slice %arg3[%add3A, %run_scoped3A, %dma_wait3A_67] : memref<32x20x512xi32, #tpu.memory_space<hbm>> -> memref<1x1x512xi32, #tpu.memory_space<hbm>>
      %dma_wait3A_69 = tpu.memref_squeeze %dma_wait3A_68 : memref<1x1x512xi32, #tpu.memory_space<hbm>> -> memref<512xi32, #tpu.memory_space<hbm>>
      %dma_wait3A_70 = arith.constant 0 : i32
      %dma_wait3A_71 = tpu.memref_slice %arg8[%run_scoped3A_3, %dma_wait3A_70] : memref<2x512xi32, #tpu.memory_space<vmem>> -> memref<1x512xi32, #tpu.memory_space<vmem>>
      %dma_wait3A_72 = tpu.memref_squeeze %dma_wait3A_71 : memref<1x512xi32, #tpu.memory_space<vmem>> -> memref<512xi32, #tpu.memory_space<vmem>>
      %dma_wait3A_73 = arith.constant 0 : i32
      %dma_wait3A_74 = tpu.memref_slice %arg3[%add3A, %run_scoped3A, %dma_wait3A_73] : memref<32x20x512xi32, #tpu.memory_space<hbm>> -> memref<1x1x512xi32, #tpu.memory_space<hbm>>
      %dma_wait3A_75 = tpu.memref_squeeze %dma_wait3A_74 : memref<1x1x512xi32, #tpu.memory_space<hbm>> -> memref<512xi32, #tpu.memory_space<hbm>>
      tpu.wait_dma2 semaphore(%run_scoped3A_51 : memref<!tpu.dma_semaphore, #tpu.memory_space<semaphore_mem>>) src(%dma_wait3A_75 : memref<512xi32, #tpu.memory_space<hbm>>) dst(%dma_wait3A_72 : memref<512xi32, #tpu.memory_space<vmem>>)
      tpu.yield
    }) : () -> ()
    %barrier3A = arith.constant 0 : index
    tpu.barrier barrier_id(%barrier3A)
    %dma_start3A = arith.constant 0 : i32
    %dma_start3A_4 = arith.constant 0 : i32
    %dma_start3A_5 = arith.constant 0 : i32
    %dma_start3A_6 = arith.constant 0 : i32
    %dma_start3A_7 = tpu.memref_slice %arg10[%dma_start3A_4, %dma_start3A_5, %dma_start3A_6] : memref<2x512x16xf32, #tpu.memory_space<vmem>> -> memref<1x512x16xf32, #tpu.memory_space<vmem>>
    %dma_start3A_8 = tpu.memref_squeeze %dma_start3A_7 : memref<1x512x16xf32, #tpu.memory_space<vmem>> -> memref<512x16xf32, #tpu.memory_space<vmem>>
    %dma_start3A_9 = arith.constant 0 : i32
    %dma_start3A_10 = tpu.memref_slice %arg8[%dma_start3A, %dma_start3A_9] : memref<2x512xi32, #tpu.memory_space<vmem>> -> memref<1x512xi32, #tpu.memory_space<vmem>>
    %dma_start3A_11 = tpu.memref_squeeze %dma_start3A_10 : memref<1x512xi32, #tpu.memory_space<vmem>> -> memref<512xi32, #tpu.memory_space<vmem>>
    %dma_start3A_12 = arith.constant 0 : i32
    %dma_start3A_13 = arith.constant 0 : i32
    %dma_start3A_14 = tpu.memref_slice %arg2[%arg0, %dma_start3A_12, %dma_start3A_13] : memref<2x10240x16xf32, #tpu.memory_space<hbm>> -> memref<1x10240x16xf32, #tpu.memory_space<hbm>>
    %dma_start3A_15 = tpu.memref_squeeze %dma_start3A_14 : memref<1x10240x16xf32, #tpu.memory_space<hbm>> -> memref<10240x16xf32, #tpu.memory_space<hbm>>
    %dma_start3A_16 = arith.constant 0 : i32
    %dma_start3A_17 = arith.constant 0 : i32
    %dma_start3A_18 = tpu.memref_slice %dma_start3A_15[%dma_start3A_16, %dma_start3A_17] : memref<10240x16xf32, #tpu.memory_space<hbm>> -> memref<10240x16xf32, #tpu.memory_space<hbm>>
    tpu.enqueue_indirect_dma source(%dma_start3A_18 : memref<10240x16xf32, #tpu.memory_space<hbm>>) target(%dma_start3A_8 : memref<512x16xf32, #tpu.memory_space<vmem>>) offsets(%dma_start3A_11 : memref<512xi32, #tpu.memory_space<vmem>>) semaphore(%arg11 : memref<!tpu.dma_semaphore, #tpu.memory_space<semaphore_mem>>)
    %dma_start3A_19 = arith.constant 1 : i32
    %dma_start3A_20 = arith.constant 1 : i32
    %dma_start3A_21 = arith.constant 0 : i32
    %dma_start3A_22 = tpu.memref_slice %arg8[%dma_start3A_20, %dma_start3A_21] : memref<2x512xi32, #tpu.memory_space<vmem>> -> memref<1x512xi32, #tpu.memory_space<vmem>>
    %dma_start3A_23 = tpu.memref_squeeze %dma_start3A_22 : memref<1x512xi32, #tpu.memory_space<vmem>> -> memref<512xi32, #tpu.memory_space<vmem>>
    %dma_start3A_24 = arith.constant 0 : i32
    %dma_start3A_25 = tpu.memref_slice %arg3[%add3A, %dma_start3A_19, %dma_start3A_24] : memref<32x20x512xi32, #tpu.memory_space<hbm>> -> memref<1x1x512xi32, #tpu.memory_space<hbm>>
    %dma_start3A_26 = tpu.memref_squeeze %dma_start3A_25 : memref<1x1x512xi32, #tpu.memory_space<hbm>> -> memref<512xi32, #tpu.memory_space<hbm>>
    %dma_start3A_27 = arith.constant 0 : i32
    %dma_start3A_28 = tpu.memref_slice %arg8[%dma_start3A_20, %dma_start3A_27] : memref<2x512xi32, #tpu.memory_space<vmem>> -> memref<1x512xi32, #tpu.memory_space<vmem>>
    %dma_start3A_29 = tpu.memref_squeeze %dma_start3A_28 : memref<1x512xi32, #tpu.memory_space<vmem>> -> memref<512xi32, #tpu.memory_space<vmem>>
    %dma_start3A_30 = arith.constant 0 : i32
    %dma_start3A_31 = tpu.memref_slice %arg3[%add3A, %dma_start3A_19, %dma_start3A_30] : memref<32x20x512xi32, #tpu.memory_space<hbm>> -> memref<1x1x512xi32, #tpu.memory_space<hbm>>
    %dma_start3A_32 = tpu.memref_squeeze %dma_start3A_31 : memref<1x1x512xi32, #tpu.memory_space<hbm>> -> memref<512xi32, #tpu.memory_space<hbm>>
    tpu.enqueue_dma source(%dma_start3A_32 : memref<512xi32, #tpu.memory_space<hbm>>) target(%dma_start3A_29 : memref<512xi32, #tpu.memory_space<vmem>>) target_semaphore(%arg16 : memref<!tpu.dma_semaphore, #tpu.memory_space<semaphore_mem>>)
    %scan3A = arith.constant 0 : i32
    %scan3A_33 = arith.constant 0 : i32
    %scan3A_34 = arith.constant 10 : i32
    %scan3A_35 = arith.addi %scan3A_33, %scan3A_34 : i32
    %scan3A_36 = arith.constant 1 : i32
    %scan3A_37 = scf.for %scan3A_51 = %scan3A_33 to %scan3A_35 step %scan3A_36 iter_args(%scan3A_52 = %scan3A) -> (i32)  : i32 {
      %mul3A_53 = arith.constant 2 : i32
      %mul3A_54 = arith.muli %scan3A_51, %mul3A_53 : i32
      %add3A_55 = arith.constant 0 : i32
      %add3A_56 = arith.addi %mul3A_54, %add3A_55 : i32
      %ge3A = arith.constant 1 : i32
      %ge3A_57 = arith.cmpi sge, %add3A_56, %ge3A : i32
      %convert_element_type3A = arith.extui %ge3A_57 : i1 to i32
      %cond3A = arith.constant 0 : i32
      %cond3A_58 = arith.cmpi ne, %convert_element_type3A, %cond3A : i32
      scf.if %cond3A_58 {
        %sub3A = arith.constant 1 : i32
        %sub3A_150 = arith.subi %add3A_56, %sub3A : i32
        %dma_wait3A_151 = arith.constant 1 : i32
        %dma_wait3A_152 = arith.constant 0 : i32
        %dma_wait3A_153 = arith.constant 0 : i32
        %dma_wait3A_154 = tpu.memref_slice %arg10[%dma_wait3A_151, %dma_wait3A_152, %dma_wait3A_153] : memref<2x512x16xf32, #tpu.memory_space<vmem>> -> memref<1x512x16xf32, #tpu.memory_space<vmem>>
        %dma_wait3A_155 = tpu.memref_squeeze %dma_wait3A_154 : memref<1x512x16xf32, #tpu.memory_space<vmem>> -> memref<512x16xf32, #tpu.memory_space<vmem>>
        %dma_wait3A_156 = arith.constant 0 : i32
        %dma_wait3A_157 = tpu.memref_slice %arg9[%sub3A_150, %dma_wait3A_156] : memref<20x512xi32, #tpu.memory_space<vmem>> -> memref<1x512xi32, #tpu.memory_space<vmem>>
        %dma_wait3A_158 = tpu.memref_squeeze %dma_wait3A_157 : memref<1x512xi32, #tpu.memory_space<vmem>> -> memref<512xi32, #tpu.memory_space<vmem>>
        %dma_wait3A_159 = arith.constant 0 : i32
        %dma_wait3A_160 = arith.constant 0 : i32
        %dma_wait3A_161 = tpu.memref_slice %arg7[%dma_wait3A_159, %dma_wait3A_160] : memref<10240x16xf32, #tpu.memory_space<vmem_shared>> -> memref<10240x16xf32, #tpu.memory_space<vmem_shared>>
        tpu.wait_indirect_dma semaphore(%arg14 : memref<!tpu.dma_semaphore, #tpu.memory_space<semaphore_mem>>) src(%dma_wait3A_155 : memref<512x16xf32, #tpu.memory_space<vmem>>) dst(%dma_wait3A_161 : memref<10240x16xf32, #tpu.memory_space<vmem_shared>>)
      } else {
      }
      %add3A_59 = arith.constant 1 : i32
      %add3A_60 = arith.addi %add3A_56, %add3A_59 : i32
      %lt3A = arith.constant 20 : i32
      %lt3A_61 = arith.cmpi slt, %add3A_60, %lt3A : i32
      %convert_element_type3A_62 = arith.extui %lt3A_61 : i1 to i32
      %cond3A_63 = arith.constant 0 : i32
      %cond3A_64 = arith.cmpi ne, %convert_element_type3A_62, %cond3A_63 : i32
      scf.if %cond3A_64 {
        %add3A_150 = arith.constant 1 : i32
        %add3A_151 = arith.addi %add3A_56, %add3A_150 : i32
        %dma_wait3A_152 = arith.constant 1 : i32
        %dma_wait3A_153 = arith.constant 0 : i32
        %dma_wait3A_154 = tpu.memref_slice %arg8[%dma_wait3A_152, %dma_wait3A_153] : memref<2x512xi32, #tpu.memory_space<vmem>> -> memref<1x512xi32, #tpu.memory_space<vmem>>
        %dma_wait3A_155 = tpu.memref_squeeze %dma_wait3A_154 : memref<1x512xi32, #tpu.memory_space<vmem>> -> memref<512xi32, #tpu.memory_space<vmem>>
        %dma_wait3A_156 = arith.constant 0 : i32
        %dma_wait3A_157 = tpu.memref_slice %arg3[%add3A, %add3A_151, %dma_wait3A_156] : memref<32x20x512xi32, #tpu.memory_space<hbm>> -> memref<1x1x512xi32, #tpu.memory_space<hbm>>
        %dma_wait3A_158 = tpu.memref_squeeze %dma_wait3A_157 : memref<1x1x512xi32, #tpu.memory_space<hbm>> -> memref<512xi32, #tpu.memory_space<hbm>>
        %dma_wait3A_159 = arith.constant 0 : i32
        %dma_wait3A_160 = tpu.memref_slice %arg8[%dma_wait3A_152, %dma_wait3A_159] : memref<2x512xi32, #tpu.memory_space<vmem>> -> memref<1x512xi32, #tpu.memory_space<vmem>>
        %dma_wait3A_161 = tpu.memref_squeeze %dma_wait3A_160 : memref<1x512xi32, #tpu.memory_space<vmem>> -> memref<512xi32, #tpu.memory_space<vmem>>
        %dma_wait3A_162 = arith.constant 0 : i32
        %dma_wait3A_163 = tpu.memref_slice %arg3[%add3A, %add3A_151, %dma_wait3A_162] : memref<32x20x512xi32, #tpu.memory_space<hbm>> -> memref<1x1x512xi32, #tpu.memory_space<hbm>>
        %dma_wait3A_164 = tpu.memref_squeeze %dma_wait3A_163 : memref<1x1x512xi32, #tpu.memory_space<hbm>> -> memref<512xi32, #tpu.memory_space<hbm>>
        tpu.wait_dma2 semaphore(%arg16 : memref<!tpu.dma_semaphore, #tpu.memory_space<semaphore_mem>>) src(%dma_wait3A_164 : memref<512xi32, #tpu.memory_space<hbm>>) dst(%dma_wait3A_161 : memref<512xi32, #tpu.memory_space<vmem>>)
        %dma_start3A_165 = arith.constant 1 : i32
        %dma_start3A_166 = arith.constant 1 : i32
        %dma_start3A_167 = arith.constant 0 : i32
        %dma_start3A_168 = arith.constant 0 : i32
        %dma_start3A_169 = tpu.memref_slice %arg10[%dma_start3A_166, %dma_start3A_167, %dma_start3A_168] : memref<2x512x16xf32, #tpu.memory_space<vmem>> -> memref<1x512x16xf32, #tpu.memory_space<vmem>>
        %dma_start3A_170 = tpu.memref_squeeze %dma_start3A_169 : memref<1x512x16xf32, #tpu.memory_space<vmem>> -> memref<512x16xf32, #tpu.memory_space<vmem>>
        %dma_start3A_171 = arith.constant 0 : i32
        %dma_start3A_172 = tpu.memref_slice %arg8[%dma_start3A_165, %dma_start3A_171] : memref<2x512xi32, #tpu.memory_space<vmem>> -> memref<1x512xi32, #tpu.memory_space<vmem>>
        %dma_start3A_173 = tpu.memref_squeeze %dma_start3A_172 : memref<1x512xi32, #tpu.memory_space<vmem>> -> memref<512xi32, #tpu.memory_space<vmem>>
        %dma_start3A_174 = arith.constant 0 : i32
        %dma_start3A_175 = arith.constant 0 : i32
        %dma_start3A_176 = tpu.memref_slice %arg2[%arg0, %dma_start3A_174, %dma_start3A_175] : memref<2x10240x16xf32, #tpu.memory_space<hbm>> -> memref<1x10240x16xf32, #tpu.memory_space<hbm>>
        %dma_start3A_177 = tpu.memref_squeeze %dma_start3A_176 : memref<1x10240x16xf32, #tpu.memory_space<hbm>> -> memref<10240x16xf32, #tpu.memory_space<hbm>>
        %dma_start3A_178 = arith.constant 0 : i32
        %dma_start3A_179 = arith.constant 0 : i32
        %dma_start3A_180 = tpu.memref_slice %dma_start3A_177[%dma_start3A_178, %dma_start3A_179] : memref<10240x16xf32, #tpu.memory_space<hbm>> -> memref<10240x16xf32, #tpu.memory_space<hbm>>
        tpu.enqueue_indirect_dma source(%dma_start3A_180 : memref<10240x16xf32, #tpu.memory_space<hbm>>) target(%dma_start3A_170 : memref<512x16xf32, #tpu.memory_space<vmem>>) offsets(%dma_start3A_173 : memref<512xi32, #tpu.memory_space<vmem>>) semaphore(%arg12 : memref<!tpu.dma_semaphore, #tpu.memory_space<semaphore_mem>>)
      } else {
      }
      %dma_wait3A_65 = arith.constant 0 : i32
      %dma_wait3A_66 = arith.constant 0 : i32
      %dma_wait3A_67 = arith.constant 0 : i32
      %dma_wait3A_68 = arith.constant 0 : i32
      %dma_wait3A_69 = tpu.memref_slice %arg10[%dma_wait3A_66, %dma_wait3A_67, %dma_wait3A_68] : memref<2x512x16xf32, #tpu.memory_space<vmem>> -> memref<1x512x16xf32, #tpu.memory_space<vmem>>
      %dma_wait3A_70 = tpu.memref_squeeze %dma_wait3A_69 : memref<1x512x16xf32, #tpu.memory_space<vmem>> -> memref<512x16xf32, #tpu.memory_space<vmem>>
      %dma_wait3A_71 = arith.constant 0 : i32
      %dma_wait3A_72 = tpu.memref_slice %arg8[%dma_wait3A_65, %dma_wait3A_71] : memref<2x512xi32, #tpu.memory_space<vmem>> -> memref<1x512xi32, #tpu.memory_space<vmem>>
      %dma_wait3A_73 = tpu.memref_squeeze %dma_wait3A_72 : memref<1x512xi32, #tpu.memory_space<vmem>> -> memref<512xi32, #tpu.memory_space<vmem>>
      %dma_wait3A_74 = arith.constant 0 : i32
      %dma_wait3A_75 = arith.constant 0 : i32
      %dma_wait3A_76 = tpu.memref_slice %arg2[%arg0, %dma_wait3A_74, %dma_wait3A_75] : memref<2x10240x16xf32, #tpu.memory_space<hbm>> -> memref<1x10240x16xf32, #tpu.memory_space<hbm>>
      %dma_wait3A_77 = tpu.memref_squeeze %dma_wait3A_76 : memref<1x10240x16xf32, #tpu.memory_space<hbm>> -> memref<10240x16xf32, #tpu.memory_space<hbm>>
      %dma_wait3A_78 = arith.constant 0 : i32
      %dma_wait3A_79 = arith.constant 0 : i32
      %dma_wait3A_80 = tpu.memref_slice %dma_wait3A_77[%dma_wait3A_78, %dma_wait3A_79] : memref<10240x16xf32, #tpu.memory_space<hbm>> -> memref<10240x16xf32, #tpu.memory_space<hbm>>
      tpu.wait_indirect_dma semaphore(%arg11 : memref<!tpu.dma_semaphore, #tpu.memory_space<semaphore_mem>>) src(%dma_wait3A_80 : memref<10240x16xf32, #tpu.memory_space<hbm>>) dst(%dma_wait3A_70 : memref<512x16xf32, #tpu.memory_space<vmem>>)
      %dma_start3A_81 = arith.constant 0 : i32
      %dma_start3A_82 = arith.constant 0 : i32
      %dma_start3A_83 = arith.constant 0 : i32
      %dma_start3A_84 = tpu.memref_slice %arg10[%dma_start3A_81, %dma_start3A_82, %dma_start3A_83] : memref<2x512x16xf32, #tpu.memory_space<vmem>> -> memref<1x512x16xf32, #tpu.memory_space<vmem>>
      %dma_start3A_85 = tpu.memref_squeeze %dma_start3A_84 : memref<1x512x16xf32, #tpu.memory_space<vmem>> -> memref<512x16xf32, #tpu.memory_space<vmem>>
      %dma_start3A_86 = arith.constant 0 : i32
      %dma_start3A_87 = tpu.memref_slice %arg9[%add3A_56, %dma_start3A_86] : memref<20x512xi32, #tpu.memory_space<vmem>> -> memref<1x512xi32, #tpu.memory_space<vmem>>
      %dma_start3A_88 = tpu.memref_squeeze %dma_start3A_87 : memref<1x512xi32, #tpu.memory_space<vmem>> -> memref<512xi32, #tpu.memory_space<vmem>>
      %dma_start3A_89 = arith.constant 0 : i32
      %dma_start3A_90 = arith.constant 0 : i32
      %dma_start3A_91 = tpu.memref_slice %arg7[%dma_start3A_89, %dma_start3A_90] : memref<10240x16xf32, #tpu.memory_space<vmem_shared>> -> memref<10240x16xf32, #tpu.memory_space<vmem_shared>>
      tpu.enqueue_indirect_dma source(%dma_start3A_85 : memref<512x16xf32, #tpu.memory_space<vmem>>) target(%dma_start3A_91 : memref<10240x16xf32, #tpu.memory_space<vmem_shared>>) offsets(%dma_start3A_88 : memref<512xi32, #tpu.memory_space<vmem>>) semaphore(%arg13 : memref<!tpu.dma_semaphore, #tpu.memory_space<semaphore_mem>>) {add = true}
      %add3A_92 = arith.constant 2 : i32
      %add3A_93 = arith.addi %add3A_56, %add3A_92 : i32
      %lt3A_94 = arith.constant 20 : i32
      %lt3A_95 = arith.cmpi slt, %add3A_93, %lt3A_94 : i32
      %convert_element_type3A_96 = arith.extui %lt3A_95 : i1 to i32
      %cond3A_97 = arith.constant 0 : i32
      %cond3A_98 = arith.cmpi ne, %convert_element_type3A_96, %cond3A_97 : i32
      scf.if %cond3A_98 {
        %add3A_150 = arith.constant 2 : i32
        %add3A_151 = arith.addi %add3A_56, %add3A_150 : i32
        %dma_start3A_152 = arith.constant 0 : i32
        %dma_start3A_153 = arith.constant 0 : i32
        %dma_start3A_154 = tpu.memref_slice %arg8[%dma_start3A_152, %dma_start3A_153] : memref<2x512xi32, #tpu.memory_space<vmem>> -> memref<1x512xi32, #tpu.memory_space<vmem>>
        %dma_start3A_155 = tpu.memref_squeeze %dma_start3A_154 : memref<1x512xi32, #tpu.memory_space<vmem>> -> memref<512xi32, #tpu.memory_space<vmem>>
        %dma_start3A_156 = arith.constant 0 : i32
        %dma_start3A_157 = tpu.memref_slice %arg3[%add3A, %add3A_151, %dma_start3A_156] : memref<32x20x512xi32, #tpu.memory_space<hbm>> -> memref<1x1x512xi32, #tpu.memory_space<hbm>>
        %dma_start3A_158 = tpu.memref_squeeze %dma_start3A_157 : memref<1x1x512xi32, #tpu.memory_space<hbm>> -> memref<512xi32, #tpu.memory_space<hbm>>
        %dma_start3A_159 = arith.constant 0 : i32
        %dma_start3A_160 = tpu.memref_slice %arg8[%dma_start3A_152, %dma_start3A_159] : memref<2x512xi32, #tpu.memory_space<vmem>> -> memref<1x512xi32, #tpu.memory_space<vmem>>
        %dma_start3A_161 = tpu.memref_squeeze %dma_start3A_160 : memref<1x512xi32, #tpu.memory_space<vmem>> -> memref<512xi32, #tpu.memory_space<vmem>>
        %dma_start3A_162 = arith.constant 0 : i32
        %dma_start3A_163 = tpu.memref_slice %arg3[%add3A, %add3A_151, %dma_start3A_162] : memref<32x20x512xi32, #tpu.memory_space<hbm>> -> memref<1x1x512xi32, #tpu.memory_space<hbm>>
        %dma_start3A_164 = tpu.memref_squeeze %dma_start3A_163 : memref<1x1x512xi32, #tpu.memory_space<hbm>> -> memref<512xi32, #tpu.memory_space<hbm>>
        tpu.enqueue_dma source(%dma_start3A_164 : memref<512xi32, #tpu.memory_space<hbm>>) target(%dma_start3A_161 : memref<512xi32, #tpu.memory_space<vmem>>) target_semaphore(%arg15 : memref<!tpu.dma_semaphore, #tpu.memory_space<semaphore_mem>>)
      } else {
      }
      %mul3A_99 = arith.constant 2 : i32
      %mul3A_100 = arith.muli %scan3A_51, %mul3A_99 : i32
      %add3A_101 = arith.constant 1 : i32
      %add3A_102 = arith.addi %mul3A_100, %add3A_101 : i32
      %ge3A_103 = arith.constant 1 : i32
      %ge3A_104 = arith.cmpi sge, %add3A_102, %ge3A_103 : i32
      %convert_element_type3A_105 = arith.extui %ge3A_104 : i1 to i32
      %cond3A_106 = arith.constant 0 : i32
      %cond3A_107 = arith.cmpi ne, %convert_element_type3A_105, %cond3A_106 : i32
      scf.if %cond3A_107 {
        %sub3A = arith.constant 1 : i32
        %sub3A_150 = arith.subi %add3A_102, %sub3A : i32
        %dma_wait3A_151 = arith.constant 0 : i32
        %dma_wait3A_152 = arith.constant 0 : i32
        %dma_wait3A_153 = arith.constant 0 : i32
        %dma_wait3A_154 = tpu.memref_slice %arg10[%dma_wait3A_151, %dma_wait3A_152, %dma_wait3A_153] : memref<2x512x16xf32, #tpu.memory_space<vmem>> -> memref<1x512x16xf32, #tpu.memory_space<vmem>>
        %dma_wait3A_155 = tpu.memref_squeeze %dma_wait3A_154 : memref<1x512x16xf32, #tpu.memory_space<vmem>> -> memref<512x16xf32, #tpu.memory_space<vmem>>
        %dma_wait3A_156 = arith.constant 0 : i32
        %dma_wait3A_157 = tpu.memref_slice %arg9[%sub3A_150, %dma_wait3A_156] : memref<20x512xi32, #tpu.memory_space<vmem>> -> memref<1x512xi32, #tpu.memory_space<vmem>>
        %dma_wait3A_158 = tpu.memref_squeeze %dma_wait3A_157 : memref<1x512xi32, #tpu.memory_space<vmem>> -> memref<512xi32, #tpu.memory_space<vmem>>
        %dma_wait3A_159 = arith.constant 0 : i32
        %dma_wait3A_160 = arith.constant 0 : i32
        %dma_wait3A_161 = tpu.memref_slice %arg7[%dma_wait3A_159, %dma_wait3A_160] : memref<10240x16xf32, #tpu.memory_space<vmem_shared>> -> memref<10240x16xf32, #tpu.memory_space<vmem_shared>>
        tpu.wait_indirect_dma semaphore(%arg13 : memref<!tpu.dma_semaphore, #tpu.memory_space<semaphore_mem>>) src(%dma_wait3A_155 : memref<512x16xf32, #tpu.memory_space<vmem>>) dst(%dma_wait3A_161 : memref<10240x16xf32, #tpu.memory_space<vmem_shared>>)
      } else {
      }
      %add3A_108 = arith.constant 1 : i32
      %add3A_109 = arith.addi %add3A_102, %add3A_108 : i32
      %lt3A_110 = arith.constant 20 : i32
      %lt3A_111 = arith.cmpi slt, %add3A_109, %lt3A_110 : i32
      %convert_element_type3A_112 = arith.extui %lt3A_111 : i1 to i32
      %cond3A_113 = arith.constant 0 : i32
      %cond3A_114 = arith.cmpi ne, %convert_element_type3A_112, %cond3A_113 : i32
      scf.if %cond3A_114 {
        %add3A_150 = arith.constant 1 : i32
        %add3A_151 = arith.addi %add3A_102, %add3A_150 : i32
        %dma_wait3A_152 = arith.constant 0 : i32
        %dma_wait3A_153 = arith.constant 0 : i32
        %dma_wait3A_154 = tpu.memref_slice %arg8[%dma_wait3A_152, %dma_wait3A_153] : memref<2x512xi32, #tpu.memory_space<vmem>> -> memref<1x512xi32, #tpu.memory_space<vmem>>
        %dma_wait3A_155 = tpu.memref_squeeze %dma_wait3A_154 : memref<1x512xi32, #tpu.memory_space<vmem>> -> memref<512xi32, #tpu.memory_space<vmem>>
        %dma_wait3A_156 = arith.constant 0 : i32
        %dma_wait3A_157 = tpu.memref_slice %arg3[%add3A, %add3A_151, %dma_wait3A_156] : memref<32x20x512xi32, #tpu.memory_space<hbm>> -> memref<1x1x512xi32, #tpu.memory_space<hbm>>
        %dma_wait3A_158 = tpu.memref_squeeze %dma_wait3A_157 : memref<1x1x512xi32, #tpu.memory_space<hbm>> -> memref<512xi32, #tpu.memory_space<hbm>>
        %dma_wait3A_159 = arith.constant 0 : i32
        %dma_wait3A_160 = tpu.memref_slice %arg8[%dma_wait3A_152, %dma_wait3A_159] : memref<2x512xi32, #tpu.memory_space<vmem>> -> memref<1x512xi32, #tpu.memory_space<vmem>>
        %dma_wait3A_161 = tpu.memref_squeeze %dma_wait3A_160 : memref<1x512xi32, #tpu.memory_space<vmem>> -> memref<512xi32, #tpu.memory_space<vmem>>
        %dma_wait3A_162 = arith.constant 0 : i32
        %dma_wait3A_163 = tpu.memref_slice %arg3[%add3A, %add3A_151, %dma_wait3A_162] : memref<32x20x512xi32, #tpu.memory_space<hbm>> -> memref<1x1x512xi32, #tpu.memory_space<hbm>>
        %dma_wait3A_164 = tpu.memref_squeeze %dma_wait3A_163 : memref<1x1x512xi32, #tpu.memory_space<hbm>> -> memref<512xi32, #tpu.memory_space<hbm>>
        tpu.wait_dma2 semaphore(%arg15 : memref<!tpu.dma_semaphore, #tpu.memory_space<semaphore_mem>>) src(%dma_wait3A_164 : memref<512xi32, #tpu.memory_space<hbm>>) dst(%dma_wait3A_161 : memref<512xi32, #tpu.memory_space<vmem>>)
        %dma_start3A_165 = arith.constant 0 : i32
        %dma_start3A_166 = arith.constant 0 : i32
        %dma_start3A_167 = arith.constant 0 : i32
        %dma_start3A_168 = arith.constant 0 : i32
        %dma_start3A_169 = tpu.memref_slice %arg10[%dma_start3A_166, %dma_start3A_167, %dma_start3A_168] : memref<2x512x16xf32, #tpu.memory_space<vmem>> -> memref<1x512x16xf32, #tpu.memory_space<vmem>>
        %dma_start3A_170 = tpu.memref_squeeze %dma_start3A_169 : memref<1x512x16xf32, #tpu.memory_space<vmem>> -> memref<512x16xf32, #tpu.memory_space<vmem>>
        %dma_start3A_171 = arith.constant 0 : i32
        %dma_start3A_172 = tpu.memref_slice %arg8[%dma_start3A_165, %dma_start3A_171] : memref<2x512xi32, #tpu.memory_space<vmem>> -> memref<1x512xi32, #tpu.memory_space<vmem>>
        %dma_start3A_173 = tpu.memref_squeeze %dma_start3A_172 : memref<1x512xi32, #tpu.memory_space<vmem>> -> memref<512xi32, #tpu.memory_space<vmem>>
        %dma_start3A_174 = arith.constant 0 : i32
        %dma_start3A_175 = arith.constant 0 : i32
        %dma_start3A_176 = tpu.memref_slice %arg2[%arg0, %dma_start3A_174, %dma_start3A_175] : memref<2x10240x16xf32, #tpu.memory_space<hbm>> -> memref<1x10240x16xf32, #tpu.memory_space<hbm>>
        %dma_start3A_177 = tpu.memref_squeeze %dma_start3A_176 : memref<1x10240x16xf32, #tpu.memory_space<hbm>> -> memref<10240x16xf32, #tpu.memory_space<hbm>>
        %dma_start3A_178 = arith.constant 0 : i32
        %dma_start3A_179 = arith.constant 0 : i32
        %dma_start3A_180 = tpu.memref_slice %dma_start3A_177[%dma_start3A_178, %dma_start3A_179] : memref<10240x16xf32, #tpu.memory_space<hbm>> -> memref<10240x16xf32, #tpu.memory_space<hbm>>
        tpu.enqueue_indirect_dma source(%dma_start3A_180 : memref<10240x16xf32, #tpu.memory_space<hbm>>) target(%dma_start3A_170 : memref<512x16xf32, #tpu.memory_space<vmem>>) offsets(%dma_start3A_173 : memref<512xi32, #tpu.memory_space<vmem>>) semaphore(%arg11 : memref<!tpu.dma_semaphore, #tpu.memory_space<semaphore_mem>>)
      } else {
      }
      %dma_wait3A_115 = arith.constant 1 : i32
      %dma_wait3A_116 = arith.constant 1 : i32
      %dma_wait3A_117 = arith.constant 0 : i32
      %dma_wait3A_118 = arith.constant 0 : i32
      %dma_wait3A_119 = tpu.memref_slice %arg10[%dma_wait3A_116, %dma_wait3A_117, %dma_wait3A_118] : memref<2x512x16xf32, #tpu.memory_space<vmem>> -> memref<1x512x16xf32, #tpu.memory_space<vmem>>
      %dma_wait3A_120 = tpu.memref_squeeze %dma_wait3A_119 : memref<1x512x16xf32, #tpu.memory_space<vmem>> -> memref<512x16xf32, #tpu.memory_space<vmem>>
      %dma_wait3A_121 = arith.constant 0 : i32
      %dma_wait3A_122 = tpu.memref_slice %arg8[%dma_wait3A_115, %dma_wait3A_121] : memref<2x512xi32, #tpu.memory_space<vmem>> -> memref<1x512xi32, #tpu.memory_space<vmem>>
      %dma_wait3A_123 = tpu.memref_squeeze %dma_wait3A_122 : memref<1x512xi32, #tpu.memory_space<vmem>> -> memref<512xi32, #tpu.memory_space<vmem>>
      %dma_wait3A_124 = arith.constant 0 : i32
      %dma_wait3A_125 = arith.constant 0 : i32
      %dma_wait3A_126 = tpu.memref_slice %arg2[%arg0, %dma_wait3A_124, %dma_wait3A_125] : memref<2x10240x16xf32, #tpu.memory_space<hbm>> -> memref<1x10240x16xf32, #tpu.memory_space<hbm>>
      %dma_wait3A_127 = tpu.memref_squeeze %dma_wait3A_126 : memref<1x10240x16xf32, #tpu.memory_space<hbm>> -> memref<10240x16xf32, #tpu.memory_space<hbm>>
      %dma_wait3A_128 = arith.constant 0 : i32
      %dma_wait3A_129 = arith.constant 0 : i32
      %dma_wait3A_130 = tpu.memref_slice %dma_wait3A_127[%dma_wait3A_128, %dma_wait3A_129] : memref<10240x16xf32, #tpu.memory_space<hbm>> -> memref<10240x16xf32, #tpu.memory_space<hbm>>
      tpu.wait_indirect_dma semaphore(%arg12 : memref<!tpu.dma_semaphore, #tpu.memory_space<semaphore_mem>>) src(%dma_wait3A_130 : memref<10240x16xf32, #tpu.memory_space<hbm>>) dst(%dma_wait3A_120 : memref<512x16xf32, #tpu.memory_space<vmem>>)
      %dma_start3A_131 = arith.constant 1 : i32
      %dma_start3A_132 = arith.constant 0 : i32
      %dma_start3A_133 = arith.constant 0 : i32
      %dma_start3A_134 = tpu.memref_slice %arg10[%dma_start3A_131, %dma_start3A_132, %dma_start3A_133] : memref<2x512x16xf32, #tpu.memory_space<vmem>> -> memref<1x512x16xf32, #tpu.memory_space<vmem>>
      %dma_start3A_135 = tpu.memref_squeeze %dma_start3A_134 : memref<1x512x16xf32, #tpu.memory_space<vmem>> -> memref<512x16xf32, #tpu.memory_space<vmem>>
      %dma_start3A_136 = arith.constant 0 : i32
      %dma_start3A_137 = tpu.memref_slice %arg9[%add3A_102, %dma_start3A_136] : memref<20x512xi32, #tpu.memory_space<vmem>> -> memref<1x512xi32, #tpu.memory_space<vmem>>
      %dma_start3A_138 = tpu.memref_squeeze %dma_start3A_137 : memref<1x512xi32, #tpu.memory_space<vmem>> -> memref<512xi32, #tpu.memory_space<vmem>>
      %dma_start3A_139 = arith.constant 0 : i32
      %dma_start3A_140 = arith.constant 0 : i32
      %dma_start3A_141 = tpu.memref_slice %arg7[%dma_start3A_139, %dma_start3A_140] : memref<10240x16xf32, #tpu.memory_space<vmem_shared>> -> memref<10240x16xf32, #tpu.memory_space<vmem_shared>>
      tpu.enqueue_indirect_dma source(%dma_start3A_135 : memref<512x16xf32, #tpu.memory_space<vmem>>) target(%dma_start3A_141 : memref<10240x16xf32, #tpu.memory_space<vmem_shared>>) offsets(%dma_start3A_138 : memref<512xi32, #tpu.memory_space<vmem>>) semaphore(%arg14 : memref<!tpu.dma_semaphore, #tpu.memory_space<semaphore_mem>>) {add = true}
      %add3A_142 = arith.constant 2 : i32
      %add3A_143 = arith.addi %add3A_102, %add3A_142 : i32
      %lt3A_144 = arith.constant 20 : i32
      %lt3A_145 = arith.cmpi slt, %add3A_143, %lt3A_144 : i32
      %convert_element_type3A_146 = arith.extui %lt3A_145 : i1 to i32
      %cond3A_147 = arith.constant 0 : i32
      %cond3A_148 = arith.cmpi ne, %convert_element_type3A_146, %cond3A_147 : i32
      scf.if %cond3A_148 {
        %add3A_150 = arith.constant 2 : i32
        %add3A_151 = arith.addi %add3A_102, %add3A_150 : i32
        %dma_start3A_152 = arith.constant 1 : i32
        %dma_start3A_153 = arith.constant 0 : i32
        %dma_start3A_154 = tpu.memref_slice %arg8[%dma_start3A_152, %dma_start3A_153] : memref<2x512xi32, #tpu.memory_space<vmem>> -> memref<1x512xi32, #tpu.memory_space<vmem>>
        %dma_start3A_155 = tpu.memref_squeeze %dma_start3A_154 : memref<1x512xi32, #tpu.memory_space<vmem>> -> memref<512xi32, #tpu.memory_space<vmem>>
        %dma_start3A_156 = arith.constant 0 : i32
        %dma_start3A_157 = tpu.memref_slice %arg3[%add3A, %add3A_151, %dma_start3A_156] : memref<32x20x512xi32, #tpu.memory_space<hbm>> -> memref<1x1x512xi32, #tpu.memory_space<hbm>>
        %dma_start3A_158 = tpu.memref_squeeze %dma_start3A_157 : memref<1x1x512xi32, #tpu.memory_space<hbm>> -> memref<512xi32, #tpu.memory_space<hbm>>
        %dma_start3A_159 = arith.constant 0 : i32
        %dma_start3A_160 = tpu.memref_slice %arg8[%dma_start3A_152, %dma_start3A_159] : memref<2x512xi32, #tpu.memory_space<vmem>> -> memref<1x512xi32, #tpu.memory_space<vmem>>
        %dma_start3A_161 = tpu.memref_squeeze %dma_start3A_160 : memref<1x512xi32, #tpu.memory_space<vmem>> -> memref<512xi32, #tpu.memory_space<vmem>>
        %dma_start3A_162 = arith.constant 0 : i32
        %dma_start3A_163 = tpu.memref_slice %arg3[%add3A, %add3A_151, %dma_start3A_162] : memref<32x20x512xi32, #tpu.memory_space<hbm>> -> memref<1x1x512xi32, #tpu.memory_space<hbm>>
        %dma_start3A_164 = tpu.memref_squeeze %dma_start3A_163 : memref<1x1x512xi32, #tpu.memory_space<hbm>> -> memref<512xi32, #tpu.memory_space<hbm>>
        tpu.enqueue_dma source(%dma_start3A_164 : memref<512xi32, #tpu.memory_space<hbm>>) target(%dma_start3A_161 : memref<512xi32, #tpu.memory_space<vmem>>) target_semaphore(%arg16 : memref<!tpu.dma_semaphore, #tpu.memory_space<semaphore_mem>>)
      } else {
      }
      %scan3A_149 = arith.constant 0 : i32
      scf.yield %scan3A_149 : i32
    }
    %scan3A_38 = arith.constant 10 : i32
    %dma_wait3A = arith.constant 1 : i32
    %dma_wait3A_39 = arith.constant 19 : i32
    %dma_wait3A_40 = arith.constant 0 : i32
    %dma_wait3A_41 = arith.constant 0 : i32
    %dma_wait3A_42 = tpu.memref_slice %arg10[%dma_wait3A, %dma_wait3A_40, %dma_wait3A_41] : memref<2x512x16xf32, #tpu.memory_space<vmem>> -> memref<1x512x16xf32, #tpu.memory_space<vmem>>
    %dma_wait3A_43 = tpu.memref_squeeze %dma_wait3A_42 : memref<1x512x16xf32, #tpu.memory_space<vmem>> -> memref<512x16xf32, #tpu.memory_space<vmem>>
    %dma_wait3A_44 = arith.constant 0 : i32
    %dma_wait3A_45 = tpu.memref_slice %arg9[%dma_wait3A_39, %dma_wait3A_44] : memref<20x512xi32, #tpu.memory_space<vmem>> -> memref<1x512xi32, #tpu.memory_space<vmem>>
    %dma_wait3A_46 = tpu.memref_squeeze %dma_wait3A_45 : memref<1x512xi32, #tpu.memory_space<vmem>> -> memref<512xi32, #tpu.memory_space<vmem>>
    %dma_wait3A_47 = arith.constant 0 : i32
    %dma_wait3A_48 = arith.constant 0 : i32
    %dma_wait3A_49 = tpu.memref_slice %arg7[%dma_wait3A_47, %dma_wait3A_48] : memref<10240x16xf32, #tpu.memory_space<vmem_shared>> -> memref<10240x16xf32, #tpu.memory_space<vmem_shared>>
    tpu.wait_indirect_dma semaphore(%arg14 : memref<!tpu.dma_semaphore, #tpu.memory_space<semaphore_mem>>) src(%dma_wait3A_43 : memref<512x16xf32, #tpu.memory_space<vmem>>) dst(%dma_wait3A_49 : memref<10240x16xf32, #tpu.memory_space<vmem_shared>>)
    %barrier3A_50 = arith.constant 0 : index
    tpu.barrier barrier_id(%barrier3A_50)
    "tpu.region"() ({
      %run_scoped3A_51 = tpu.sem_alloc : memref<!tpu.dma_semaphore, #tpu.memory_space<semaphore_mem>>
      %dma_start3A_52 = arith.constant 0 : i32
      %dma_start3A_53 = tpu.memref_slice %arg6[%arg0, %mul3A_2, %dma_start3A_52] : memref<2x10240x16xf32, #tpu.memory_space<hbm>> -> memref<1x640x16xf32, #tpu.memory_space<hbm>>
      %dma_start3A_54 = tpu.memref_squeeze %dma_start3A_53 : memref<1x640x16xf32, #tpu.memory_space<hbm>> -> memref<640x16xf32, #tpu.memory_space<hbm>>
      %dma_start3A_55 = arith.constant 0 : i32
      %dma_start3A_56 = tpu.memref_slice %arg7[%mul3A_2, %dma_start3A_55] : memref<10240x16xf32, #tpu.memory_space<vmem_shared>> -> memref<640x16xf32, #tpu.memory_space<vmem_shared>>
      tpu.enqueue_dma source(%dma_start3A_56 : memref<640x16xf32, #tpu.memory_space<vmem_shared>>) target(%dma_start3A_54 : memref<640x16xf32, #tpu.memory_space<hbm>>) target_semaphore(%run_scoped3A_51 : memref<!tpu.dma_semaphore, #tpu.memory_space<semaphore_mem>>)
      %dma_wait3A_57 = arith.constant 0 : i32
      %dma_wait3A_58 = tpu.memref_slice %arg6[%arg0, %mul3A_2, %dma_wait3A_57] : memref<2x10240x16xf32, #tpu.memory_space<hbm>> -> memref<1x640x16xf32, #tpu.memory_space<hbm>>
      %dma_wait3A_59 = tpu.memref_squeeze %dma_wait3A_58 : memref<1x640x16xf32, #tpu.memory_space<hbm>> -> memref<640x16xf32, #tpu.memory_space<hbm>>
      %dma_wait3A_60 = arith.constant 0 : i32
      %dma_wait3A_61 = tpu.memref_slice %arg7[%mul3A_2, %dma_wait3A_60] : memref<10240x16xf32, #tpu.memory_space<vmem_shared>> -> memref<640x16xf32, #tpu.memory_space<vmem_shared>>
      tpu.wait_dma2 semaphore(%run_scoped3A_51 : memref<!tpu.dma_semaphore, #tpu.memory_space<semaphore_mem>>) src(%dma_wait3A_61 : memref<640x16xf32, #tpu.memory_space<vmem_shared>>) dst(%dma_wait3A_59 : memref<640x16xf32, #tpu.memory_space<hbm>>)
      tpu.yield
    }) : () -> ()
    return
  }
}

#map = affine_map<(d0, d1) -> (0, 0, 0)>
#map1 = affine_map<(d0, d1) -> (0, 0)>
module attributes {stable_mosaic.version = 14 : i64} {
  func.func @k(%arg0: i32, %arg1: i32, %arg2: memref<2x10240x64xf32, #tpu.memory_space<hbm>>, %arg3: memref<32x20x512xi32, #tpu.memory_space<hbm>>, %arg4: memref<32x20x512xi32, #tpu.memory_space<hbm>>, %arg5: memref<10240x64xf32, #tpu.memory_space<hbm>>, %arg6: memref<2x10240x64xf32, #tpu.memory_space<hbm>>, %arg7: memref<10240x64xf32, #tpu.memory_space<vmem_shared>>, %arg8: memref<2x512xi32, #tpu.memory_space<vmem>>, %arg9: memref<40x512xi32, #tpu.memory_space<vmem>>, %arg10: memref<2x512x64xf32, #tpu.memory_space<vmem>>, %arg11: memref<!tpu.dma_semaphore, #tpu.memory_space<semaphore_mem>>, %arg12: memref<!tpu.dma_semaphore, #tpu.memory_space<semaphore_mem>>, %arg13: memref<!tpu.dma_semaphore, #tpu.memory_space<semaphore_mem>>, %arg14: memref<!tpu.dma_semaphore, #tpu.memory_space<semaphore_mem>>, %arg15: memref<!tpu.dma_semaphore, #tpu.memory_space<semaphore_mem>>, %arg16: memref<!tpu.dma_semaphore, #tpu.memory_space<semaphore_mem>>) attributes {dimension_semantics = [#tpu.dimension_semantics<core_parallel>, #tpu.dimension_semantics<subcore_parallel>], iteration_bounds = array<i64: 2, 16>, scalar_prefetch = 0 : i64, scratch_operands = 10 : i64, tpu.core_type = #tpu.core_type<sc_vector_subcore>, window_params = [{transform_indices = #map}, {transform_indices = #map}, {transform_indices = #map}, {transform_indices = #map1}, {transform_indices = #map}]} {
    %mul3A = arith.constant 2 : i32
    %mul3A_0 = arith.muli %arg1, %mul3A : i32
    %add3A = arith.addi %mul3A_0, %arg0 : i32
    %mul3A_1 = arith.constant 640 : i32
    %mul3A_2 = arith.muli %arg1, %mul3A_1 : i32
    "tpu.region"() ({
      %run_scoped3A_65 = tpu.sem_alloc : memref<!tpu.dma_semaphore, #tpu.memory_space<semaphore_mem>>
      %dma_start3A_66 = arith.constant 0 : i32
      %dma_start3A_67 = tpu.memref_slice %arg7[%mul3A_2, %dma_start3A_66] : memref<10240x64xf32, #tpu.memory_space<vmem_shared>> -> memref<640x64xf32, #tpu.memory_space<vmem_shared>>
      %dma_start3A_68 = arith.constant 0 : i32
      %dma_start3A_69 = tpu.memref_slice %arg5[%mul3A_2, %dma_start3A_68] : memref<10240x64xf32, #tpu.memory_space<hbm>> -> memref<640x64xf32, #tpu.memory_space<hbm>>
      tpu.enqueue_dma source(%dma_start3A_69 : memref<640x64xf32, #tpu.memory_space<hbm>>) target(%dma_start3A_67 : memref<640x64xf32, #tpu.memory_space<vmem_shared>>) target_semaphore(%run_scoped3A_65 : memref<!tpu.dma_semaphore, #tpu.memory_space<semaphore_mem>>)
      %dma_wait3A_70 = arith.constant 0 : i32
      %dma_wait3A_71 = tpu.memref_slice %arg7[%mul3A_2, %dma_wait3A_70] : memref<10240x64xf32, #tpu.memory_space<vmem_shared>> -> memref<640x64xf32, #tpu.memory_space<vmem_shared>>
      %dma_wait3A_72 = arith.constant 0 : i32
      %dma_wait3A_73 = tpu.memref_slice %arg5[%mul3A_2, %dma_wait3A_72] : memref<10240x64xf32, #tpu.memory_space<hbm>> -> memref<640x64xf32, #tpu.memory_space<hbm>>
      tpu.wait_dma2 semaphore(%run_scoped3A_65 : memref<!tpu.dma_semaphore, #tpu.memory_space<semaphore_mem>>) src(%dma_wait3A_73 : memref<640x64xf32, #tpu.memory_space<hbm>>) dst(%dma_wait3A_71 : memref<640x64xf32, #tpu.memory_space<vmem_shared>>)
      tpu.yield
    }) : () -> ()
    %mul3A_3 = arith.constant 2 : i32
    %mul3A_4 = arith.muli %mul3A_3, %arg1 : i32
    "tpu.region"() ({
      %run_scoped3A_65 = tpu.sem_alloc : memref<!tpu.dma_semaphore, #tpu.memory_space<semaphore_mem>>
      %dma_start3A_66 = arith.constant 0 : i32
      %dma_start3A_67 = arith.constant 0 : i32
      %dma_start3A_68 = tpu.memref_slice %arg9[%dma_start3A_66, %dma_start3A_67] : memref<40x512xi32, #tpu.memory_space<vmem>> -> memref<20x512xi32, #tpu.memory_space<vmem>>
      %dma_start3A_69 = arith.constant 0 : i32
      %dma_start3A_70 = arith.constant 0 : i32
      %dma_start3A_71 = tpu.memref_slice %arg4[%mul3A_4, %dma_start3A_69, %dma_start3A_70] : memref<32x20x512xi32, #tpu.memory_space<hbm>> -> memref<1x20x512xi32, #tpu.memory_space<hbm>>
      %dma_start3A_72 = tpu.memref_squeeze %dma_start3A_71 : memref<1x20x512xi32, #tpu.memory_space<hbm>> -> memref<20x512xi32, #tpu.memory_space<hbm>>
      %dma_start3A_73 = arith.constant 0 : i32
      %dma_start3A_74 = arith.constant 0 : i32
      %dma_start3A_75 = tpu.memref_slice %arg9[%dma_start3A_73, %dma_start3A_74] : memref<40x512xi32, #tpu.memory_space<vmem>> -> memref<20x512xi32, #tpu.memory_space<vmem>>
      %dma_start3A_76 = arith.constant 0 : i32
      %dma_start3A_77 = arith.constant 0 : i32
      %dma_start3A_78 = tpu.memref_slice %arg4[%mul3A_4, %dma_start3A_76, %dma_start3A_77] : memref<32x20x512xi32, #tpu.memory_space<hbm>> -> memref<1x20x512xi32, #tpu.memory_space<hbm>>
      %dma_start3A_79 = tpu.memref_squeeze %dma_start3A_78 : memref<1x20x512xi32, #tpu.memory_space<hbm>> -> memref<20x512xi32, #tpu.memory_space<hbm>>
      tpu.enqueue_dma source(%dma_start3A_79 : memref<20x512xi32, #tpu.memory_space<hbm>>) target(%dma_start3A_75 : memref<20x512xi32, #tpu.memory_space<vmem>>) target_semaphore(%run_scoped3A_65 : memref<!tpu.dma_semaphore, #tpu.memory_space<semaphore_mem>>)
      %dma_wait3A_80 = arith.constant 0 : i32
      %dma_wait3A_81 = arith.constant 0 : i32
      %dma_wait3A_82 = tpu.memref_slice %arg9[%dma_wait3A_80, %dma_wait3A_81] : memref<40x512xi32, #tpu.memory_space<vmem>> -> memref<20x512xi32, #tpu.memory_space<vmem>>
      %dma_wait3A_83 = arith.constant 0 : i32
      %dma_wait3A_84 = arith.constant 0 : i32
      %dma_wait3A_85 = tpu.memref_slice %arg4[%mul3A_4, %dma_wait3A_83, %dma_wait3A_84] : memref<32x20x512xi32, #tpu.memory_space<hbm>> -> memref<1x20x512xi32, #tpu.memory_space<hbm>>
      %dma_wait3A_86 = tpu.memref_squeeze %dma_wait3A_85 : memref<1x20x512xi32, #tpu.memory_space<hbm>> -> memref<20x512xi32, #tpu.memory_space<hbm>>
      %dma_wait3A_87 = arith.constant 0 : i32
      %dma_wait3A_88 = arith.constant 0 : i32
      %dma_wait3A_89 = tpu.memref_slice %arg9[%dma_wait3A_87, %dma_wait3A_88] : memref<40x512xi32, #tpu.memory_space<vmem>> -> memref<20x512xi32, #tpu.memory_space<vmem>>
      %dma_wait3A_90 = arith.constant 0 : i32
      %dma_wait3A_91 = arith.constant 0 : i32
      %dma_wait3A_92 = tpu.memref_slice %arg4[%mul3A_4, %dma_wait3A_90, %dma_wait3A_91] : memref<32x20x512xi32, #tpu.memory_space<hbm>> -> memref<1x20x512xi32, #tpu.memory_space<hbm>>
      %dma_wait3A_93 = tpu.memref_squeeze %dma_wait3A_92 : memref<1x20x512xi32, #tpu.memory_space<hbm>> -> memref<20x512xi32, #tpu.memory_space<hbm>>
      tpu.wait_dma2 semaphore(%run_scoped3A_65 : memref<!tpu.dma_semaphore, #tpu.memory_space<semaphore_mem>>) src(%dma_wait3A_93 : memref<20x512xi32, #tpu.memory_space<hbm>>) dst(%dma_wait3A_89 : memref<20x512xi32, #tpu.memory_space<vmem>>)
      tpu.yield
    }) : () -> ()
    %mul3A_5 = arith.constant 2 : i32
    %mul3A_6 = arith.muli %mul3A_5, %arg1 : i32
    %add3A_7 = arith.constant 1 : i32
    %add3A_8 = arith.addi %mul3A_6, %add3A_7 : i32
    "tpu.region"() ({
      %run_scoped3A_65 = tpu.sem_alloc : memref<!tpu.dma_semaphore, #tpu.memory_space<semaphore_mem>>
      %dma_start3A_66 = arith.constant 20 : i32
      %dma_start3A_67 = arith.constant 0 : i32
      %dma_start3A_68 = tpu.memref_slice %arg9[%dma_start3A_66, %dma_start3A_67] : memref<40x512xi32, #tpu.memory_space<vmem>> -> memref<20x512xi32, #tpu.memory_space<vmem>>
      %dma_start3A_69 = arith.constant 0 : i32
      %dma_start3A_70 = arith.constant 0 : i32
      %dma_start3A_71 = tpu.memref_slice %arg4[%add3A_8, %dma_start3A_69, %dma_start3A_70] : memref<32x20x512xi32, #tpu.memory_space<hbm>> -> memref<1x20x512xi32, #tpu.memory_space<hbm>>
      %dma_start3A_72 = tpu.memref_squeeze %dma_start3A_71 : memref<1x20x512xi32, #tpu.memory_space<hbm>> -> memref<20x512xi32, #tpu.memory_space<hbm>>
      %dma_start3A_73 = arith.constant 20 : i32
      %dma_start3A_74 = arith.constant 0 : i32
      %dma_start3A_75 = tpu.memref_slice %arg9[%dma_start3A_73, %dma_start3A_74] : memref<40x512xi32, #tpu.memory_space<vmem>> -> memref<20x512xi32, #tpu.memory_space<vmem>>
      %dma_start3A_76 = arith.constant 0 : i32
      %dma_start3A_77 = arith.constant 0 : i32
      %dma_start3A_78 = tpu.memref_slice %arg4[%add3A_8, %dma_start3A_76, %dma_start3A_77] : memref<32x20x512xi32, #tpu.memory_space<hbm>> -> memref<1x20x512xi32, #tpu.memory_space<hbm>>
      %dma_start3A_79 = tpu.memref_squeeze %dma_start3A_78 : memref<1x20x512xi32, #tpu.memory_space<hbm>> -> memref<20x512xi32, #tpu.memory_space<hbm>>
      tpu.enqueue_dma source(%dma_start3A_79 : memref<20x512xi32, #tpu.memory_space<hbm>>) target(%dma_start3A_75 : memref<20x512xi32, #tpu.memory_space<vmem>>) target_semaphore(%run_scoped3A_65 : memref<!tpu.dma_semaphore, #tpu.memory_space<semaphore_mem>>)
      %dma_wait3A_80 = arith.constant 20 : i32
      %dma_wait3A_81 = arith.constant 0 : i32
      %dma_wait3A_82 = tpu.memref_slice %arg9[%dma_wait3A_80, %dma_wait3A_81] : memref<40x512xi32, #tpu.memory_space<vmem>> -> memref<20x512xi32, #tpu.memory_space<vmem>>
      %dma_wait3A_83 = arith.constant 0 : i32
      %dma_wait3A_84 = arith.constant 0 : i32
      %dma_wait3A_85 = tpu.memref_slice %arg4[%add3A_8, %dma_wait3A_83, %dma_wait3A_84] : memref<32x20x512xi32, #tpu.memory_space<hbm>> -> memref<1x20x512xi32, #tpu.memory_space<hbm>>
      %dma_wait3A_86 = tpu.memref_squeeze %dma_wait3A_85 : memref<1x20x512xi32, #tpu.memory_space<hbm>> -> memref<20x512xi32, #tpu.memory_space<hbm>>
      %dma_wait3A_87 = arith.constant 20 : i32
      %dma_wait3A_88 = arith.constant 0 : i32
      %dma_wait3A_89 = tpu.memref_slice %arg9[%dma_wait3A_87, %dma_wait3A_88] : memref<40x512xi32, #tpu.memory_space<vmem>> -> memref<20x512xi32, #tpu.memory_space<vmem>>
      %dma_wait3A_90 = arith.constant 0 : i32
      %dma_wait3A_91 = arith.constant 0 : i32
      %dma_wait3A_92 = tpu.memref_slice %arg4[%add3A_8, %dma_wait3A_90, %dma_wait3A_91] : memref<32x20x512xi32, #tpu.memory_space<hbm>> -> memref<1x20x512xi32, #tpu.memory_space<hbm>>
      %dma_wait3A_93 = tpu.memref_squeeze %dma_wait3A_92 : memref<1x20x512xi32, #tpu.memory_space<hbm>> -> memref<20x512xi32, #tpu.memory_space<hbm>>
      tpu.wait_dma2 semaphore(%run_scoped3A_65 : memref<!tpu.dma_semaphore, #tpu.memory_space<semaphore_mem>>) src(%dma_wait3A_93 : memref<20x512xi32, #tpu.memory_space<hbm>>) dst(%dma_wait3A_89 : memref<20x512xi32, #tpu.memory_space<vmem>>)
      tpu.yield
    }) : () -> ()
    %mul3A_9 = arith.constant 2 : i32
    %mul3A_10 = arith.muli %mul3A_9, %arg1 : i32
    %add3A_11 = arith.constant 0 : i32
    %add3A_12 = arith.addi %mul3A_10, %add3A_11 : i32
    %run_scoped3A = arith.constant 0 : i32
    %run_scoped3A_13 = arith.constant 0 : i32
    "tpu.region"() ({
      %run_scoped3A_65 = tpu.sem_alloc : memref<!tpu.dma_semaphore, #tpu.memory_space<semaphore_mem>>
      %dma_start3A_66 = arith.constant 0 : i32
      %dma_start3A_67 = tpu.memref_slice %arg8[%run_scoped3A_13, %dma_start3A_66] : memref<2x512xi32, #tpu.memory_space<vmem>> -> memref<1x512xi32, #tpu.memory_space<vmem>>
      %dma_start3A_68 = tpu.memref_squeeze %dma_start3A_67 : memref<1x512xi32, #tpu.memory_space<vmem>> -> memref<512xi32, #tpu.memory_space<vmem>>
      %dma_start3A_69 = arith.constant 0 : i32
      %dma_start3A_70 = tpu.memref_slice %arg3[%add3A_12, %run_scoped3A, %dma_start3A_69] : memref<32x20x512xi32, #tpu.memory_space<hbm>> -> memref<1x1x512xi32, #tpu.memory_space<hbm>>
      %dma_start3A_71 = tpu.memref_squeeze %dma_start3A_70 : memref<1x1x512xi32, #tpu.memory_space<hbm>> -> memref<512xi32, #tpu.memory_space<hbm>>
      %dma_start3A_72 = arith.constant 0 : i32
      %dma_start3A_73 = tpu.memref_slice %arg8[%run_scoped3A_13, %dma_start3A_72] : memref<2x512xi32, #tpu.memory_space<vmem>> -> memref<1x512xi32, #tpu.memory_space<vmem>>
      %dma_start3A_74 = tpu.memref_squeeze %dma_start3A_73 : memref<1x512xi32, #tpu.memory_space<vmem>> -> memref<512xi32, #tpu.memory_space<vmem>>
      %dma_start3A_75 = arith.constant 0 : i32
      %dma_start3A_76 = tpu.memref_slice %arg3[%add3A_12, %run_scoped3A, %dma_start3A_75] : memref<32x20x512xi32, #tpu.memory_space<hbm>> -> memref<1x1x512xi32, #tpu.memory_space<hbm>>
      %dma_start3A_77 = tpu.memref_squeeze %dma_start3A_76 : memref<1x1x512xi32, #tpu.memory_space<hbm>> -> memref<512xi32, #tpu.memory_space<hbm>>
      tpu.enqueue_dma source(%dma_start3A_77 : memref<512xi32, #tpu.memory_space<hbm>>) target(%dma_start3A_74 : memref<512xi32, #tpu.memory_space<vmem>>) target_semaphore(%run_scoped3A_65 : memref<!tpu.dma_semaphore, #tpu.memory_space<semaphore_mem>>)
      %dma_wait3A_78 = arith.constant 0 : i32
      %dma_wait3A_79 = tpu.memref_slice %arg8[%run_scoped3A_13, %dma_wait3A_78] : memref<2x512xi32, #tpu.memory_space<vmem>> -> memref<1x512xi32, #tpu.memory_space<vmem>>
      %dma_wait3A_80 = tpu.memref_squeeze %dma_wait3A_79 : memref<1x512xi32, #tpu.memory_space<vmem>> -> memref<512xi32, #tpu.memory_space<vmem>>
      %dma_wait3A_81 = arith.constant 0 : i32
      %dma_wait3A_82 = tpu.memref_slice %arg3[%add3A_12, %run_scoped3A, %dma_wait3A_81] : memref<32x20x512xi32, #tpu.memory_space<hbm>> -> memref<1x1x512xi32, #tpu.memory_space<hbm>>
      %dma_wait3A_83 = tpu.memref_squeeze %dma_wait3A_82 : memref<1x1x512xi32, #tpu.memory_space<hbm>> -> memref<512xi32, #tpu.memory_space<hbm>>
      %dma_wait3A_84 = arith.constant 0 : i32
      %dma_wait3A_85 = tpu.memref_slice %arg8[%run_scoped3A_13, %dma_wait3A_84] : memref<2x512xi32, #tpu.memory_space<vmem>> -> memref<1x512xi32, #tpu.memory_space<vmem>>
      %dma_wait3A_86 = tpu.memref_squeeze %dma_wait3A_85 : memref<1x512xi32, #tpu.memory_space<vmem>> -> memref<512xi32, #tpu.memory_space<vmem>>
      %dma_wait3A_87 = arith.constant 0 : i32
      %dma_wait3A_88 = tpu.memref_slice %arg3[%add3A_12, %run_scoped3A, %dma_wait3A_87] : memref<32x20x512xi32, #tpu.memory_space<hbm>> -> memref<1x1x512xi32, #tpu.memory_space<hbm>>
      %dma_wait3A_89 = tpu.memref_squeeze %dma_wait3A_88 : memref<1x1x512xi32, #tpu.memory_space<hbm>> -> memref<512xi32, #tpu.memory_space<hbm>>
      tpu.wait_dma2 semaphore(%run_scoped3A_65 : memref<!tpu.dma_semaphore, #tpu.memory_space<semaphore_mem>>) src(%dma_wait3A_89 : memref<512xi32, #tpu.memory_space<hbm>>) dst(%dma_wait3A_86 : memref<512xi32, #tpu.memory_space<vmem>>)
      tpu.yield
    }) : () -> ()
    %barrier3A = arith.constant 0 : index
    tpu.barrier barrier_id(%barrier3A)
    %dma_start3A = arith.constant 0 : i32
    %dma_start3A_14 = arith.constant 0 : i32
    %dma_start3A_15 = arith.constant 0 : i32
    %dma_start3A_16 = arith.constant 0 : i32
    %dma_start3A_17 = tpu.memref_slice %arg10[%dma_start3A_14, %dma_start3A_15, %dma_start3A_16] : memref<2x512x64xf32, #tpu.memory_space<vmem>> -> memref<1x512x64xf32, #tpu.memory_space<vmem>>
    %dma_start3A_18 = tpu.memref_squeeze %dma_start3A_17 : memref<1x512x64xf32, #tpu.memory_space<vmem>> -> memref<512x64xf32, #tpu.memory_space<vmem>>
    %dma_start3A_19 = arith.constant 0 : i32
    %dma_start3A_20 = tpu.memref_slice %arg8[%dma_start3A, %dma_start3A_19] : memref<2x512xi32, #tpu.memory_space<vmem>> -> memref<1x512xi32, #tpu.memory_space<vmem>>
    %dma_start3A_21 = tpu.memref_squeeze %dma_start3A_20 : memref<1x512xi32, #tpu.memory_space<vmem>> -> memref<512xi32, #tpu.memory_space<vmem>>
    %dma_start3A_22 = arith.constant 0 : i32
    %dma_start3A_23 = arith.constant 0 : i32
    %dma_start3A_24 = tpu.memref_slice %arg2[%arg0, %dma_start3A_22, %dma_start3A_23] : memref<2x10240x64xf32, #tpu.memory_space<hbm>> -> memref<1x10240x64xf32, #tpu.memory_space<hbm>>
    %dma_start3A_25 = tpu.memref_squeeze %dma_start3A_24 : memref<1x10240x64xf32, #tpu.memory_space<hbm>> -> memref<10240x64xf32, #tpu.memory_space<hbm>>
    %dma_start3A_26 = arith.constant 0 : i32
    %dma_start3A_27 = arith.constant 0 : i32
    %dma_start3A_28 = tpu.memref_slice %dma_start3A_25[%dma_start3A_26, %dma_start3A_27] : memref<10240x64xf32, #tpu.memory_space<hbm>> -> memref<10240x64xf32, #tpu.memory_space<hbm>>
    tpu.enqueue_indirect_dma source(%dma_start3A_28 : memref<10240x64xf32, #tpu.memory_space<hbm>>) target(%dma_start3A_18 : memref<512x64xf32, #tpu.memory_space<vmem>>) offsets(%dma_start3A_21 : memref<512xi32, #tpu.memory_space<vmem>>) semaphore(%arg11 : memref<!tpu.dma_semaphore, #tpu.memory_space<semaphore_mem>>)
    %mul3A_29 = arith.constant 2 : i32
    %mul3A_30 = arith.muli %mul3A_29, %arg1 : i32
    %add3A_31 = arith.constant 0 : i32
    %add3A_32 = arith.addi %mul3A_30, %add3A_31 : i32
    %dma_start3A_33 = arith.constant 1 : i32
    %dma_start3A_34 = arith.constant 1 : i32
    %dma_start3A_35 = arith.constant 0 : i32
    %dma_start3A_36 = tpu.memref_slice %arg8[%dma_start3A_34, %dma_start3A_35] : memref<2x512xi32, #tpu.memory_space<vmem>> -> memref<1x512xi32, #tpu.memory_space<vmem>>
    %dma_start3A_37 = tpu.memref_squeeze %dma_start3A_36 : memref<1x512xi32, #tpu.memory_space<vmem>> -> memref<512xi32, #tpu.memory_space<vmem>>
    %dma_start3A_38 = arith.constant 0 : i32
    %dma_start3A_39 = tpu.memref_slice %arg3[%add3A_32, %dma_start3A_33, %dma_start3A_38] : memref<32x20x512xi32, #tpu.memory_space<hbm>> -> memref<1x1x512xi32, #tpu.memory_space<hbm>>
    %dma_start3A_40 = tpu.memref_squeeze %dma_start3A_39 : memref<1x1x512xi32, #tpu.memory_space<hbm>> -> memref<512xi32, #tpu.memory_space<hbm>>
    %dma_start3A_41 = arith.constant 0 : i32
    %dma_start3A_42 = tpu.memref_slice %arg8[%dma_start3A_34, %dma_start3A_41] : memref<2x512xi32, #tpu.memory_space<vmem>> -> memref<1x512xi32, #tpu.memory_space<vmem>>
    %dma_start3A_43 = tpu.memref_squeeze %dma_start3A_42 : memref<1x512xi32, #tpu.memory_space<vmem>> -> memref<512xi32, #tpu.memory_space<vmem>>
    %dma_start3A_44 = arith.constant 0 : i32
    %dma_start3A_45 = tpu.memref_slice %arg3[%add3A_32, %dma_start3A_33, %dma_start3A_44] : memref<32x20x512xi32, #tpu.memory_space<hbm>> -> memref<1x1x512xi32, #tpu.memory_space<hbm>>
    %dma_start3A_46 = tpu.memref_squeeze %dma_start3A_45 : memref<1x1x512xi32, #tpu.memory_space<hbm>> -> memref<512xi32, #tpu.memory_space<hbm>>
    tpu.enqueue_dma source(%dma_start3A_46 : memref<512xi32, #tpu.memory_space<hbm>>) target(%dma_start3A_43 : memref<512xi32, #tpu.memory_space<vmem>>) target_semaphore(%arg16 : memref<!tpu.dma_semaphore, #tpu.memory_space<semaphore_mem>>)
    %scan3A = arith.constant 0 : i32
    %scan3A_47 = arith.constant 0 : i32
    %scan3A_48 = arith.constant 20 : i32
    %scan3A_49 = arith.addi %scan3A_47, %scan3A_48 : i32
    %scan3A_50 = arith.constant 1 : i32
    %scan3A_51 = scf.for %scan3A_65 = %scan3A_47 to %scan3A_49 step %scan3A_50 iter_args(%scan3A_66 = %scan3A) -> (i32)  : i32 {
      %mul3A_67 = arith.constant 2 : i32
      %mul3A_68 = arith.muli %scan3A_65, %mul3A_67 : i32
      %add3A_69 = arith.constant 0 : i32
      %add3A_70 = arith.addi %mul3A_68, %add3A_69 : i32
      %ge3A = arith.constant 1 : i32
      %ge3A_71 = arith.cmpi sge, %add3A_70, %ge3A : i32
      %convert_element_type3A = arith.extui %ge3A_71 : i1 to i32
      %cond3A = arith.constant 0 : i32
      %cond3A_72 = arith.cmpi ne, %convert_element_type3A, %cond3A : i32
      scf.if %cond3A_72 {
        %sub3A = arith.constant 1 : i32
        %sub3A_164 = arith.subi %add3A_70, %sub3A : i32
        %dma_wait3A_165 = arith.constant 1 : i32
        %dma_wait3A_166 = arith.constant 0 : i32
        %dma_wait3A_167 = arith.constant 0 : i32
        %dma_wait3A_168 = tpu.memref_slice %arg10[%dma_wait3A_165, %dma_wait3A_166, %dma_wait3A_167] : memref<2x512x64xf32, #tpu.memory_space<vmem>> -> memref<1x512x64xf32, #tpu.memory_space<vmem>>
        %dma_wait3A_169 = tpu.memref_squeeze %dma_wait3A_168 : memref<1x512x64xf32, #tpu.memory_space<vmem>> -> memref<512x64xf32, #tpu.memory_space<vmem>>
        %dma_wait3A_170 = arith.constant 0 : i32
        %dma_wait3A_171 = tpu.memref_slice %arg9[%sub3A_164, %dma_wait3A_170] : memref<40x512xi32, #tpu.memory_space<vmem>> -> memref<1x512xi32, #tpu.memory_space<vmem>>
        %dma_wait3A_172 = tpu.memref_squeeze %dma_wait3A_171 : memref<1x512xi32, #tpu.memory_space<vmem>> -> memref<512xi32, #tpu.memory_space<vmem>>
        %dma_wait3A_173 = arith.constant 0 : i32
        %dma_wait3A_174 = arith.constant 0 : i32
        %dma_wait3A_175 = tpu.memref_slice %arg7[%dma_wait3A_173, %dma_wait3A_174] : memref<10240x64xf32, #tpu.memory_space<vmem_shared>> -> memref<10240x64xf32, #tpu.memory_space<vmem_shared>>
        tpu.wait_indirect_dma semaphore(%arg14 : memref<!tpu.dma_semaphore, #tpu.memory_space<semaphore_mem>>) src(%dma_wait3A_169 : memref<512x64xf32, #tpu.memory_space<vmem>>) dst(%dma_wait3A_175 : memref<10240x64xf32, #tpu.memory_space<vmem_shared>>)
      } else {
      }
      %add3A_73 = arith.constant 1 : i32
      %add3A_74 = arith.addi %add3A_70, %add3A_73 : i32
      %lt3A = arith.constant 40 : i32
      %lt3A_75 = arith.cmpi slt, %add3A_74, %lt3A : i32
      %convert_element_type3A_76 = arith.extui %lt3A_75 : i1 to i32
      %cond3A_77 = arith.constant 0 : i32
      %cond3A_78 = arith.cmpi ne, %convert_element_type3A_76, %cond3A_77 : i32
      scf.if %cond3A_78 {
        %add3A_164 = arith.constant 1 : i32
        %add3A_165 = arith.addi %add3A_70, %add3A_164 : i32
        %mul3A_166 = arith.constant 2 : i32
        %mul3A_167 = arith.muli %mul3A_166, %arg1 : i32
        %jit3A = arith.constant 20 : i32
        %div3A = arith.divsi %add3A_165, %jit3A : i32
        %sign3A = arith.constant 0 : i32
        %sign3A_168 = arith.cmpi sgt, %add3A_165, %sign3A : i32
        %sign3A_169 = arith.extui %sign3A_168 : i1 to i32
        %sign3A_170 = arith.constant 0 : i32
        %sign3A_171 = arith.cmpi slt, %add3A_165, %sign3A_170 : i32
        %sign3A_172 = arith.extui %sign3A_171 : i1 to i32
        %sign3A_173 = arith.subi %sign3A_169, %sign3A_172 : i32
        %sign3A_174 = arith.constant 0 : i32
        %sign3A_175 = arith.cmpi sgt, %jit3A, %sign3A_174 : i32
        %sign3A_176 = arith.extui %sign3A_175 : i1 to i32
        %sign3A_177 = arith.constant 0 : i32
        %sign3A_178 = arith.cmpi slt, %jit3A, %sign3A_177 : i32
        %sign3A_179 = arith.extui %sign3A_178 : i1 to i32
        %sign3A_180 = arith.subi %sign3A_176, %sign3A_179 : i32
        %ne3A = arith.cmpi ne, %sign3A_173, %sign3A_180 : i32
        %rem3A = arith.remsi %add3A_165, %jit3A : i32
        %ne3A_181 = arith.constant 0 : i32
        %ne3A_182 = arith.cmpi ne, %rem3A, %ne3A_181 : i32
        %and3A = arith.andi %ne3A, %ne3A_182 : i1
        %sub3A = arith.constant 1 : i32
        %sub3A_183 = arith.subi %div3A, %sub3A : i32
        %select_n3A = arith.select %and3A, %sub3A_183, %div3A : i32
        %add3A_184 = arith.addi %mul3A_167, %select_n3A : i32
        %jit3A_185 = arith.constant 20 : i32
        %eq3A = arith.constant 0 : i32
        %eq3A_186 = arith.cmpi eq, %jit3A_185, %eq3A : i32
        %jit3A_187 = arith.constant 1 : i32
        %select_n3A_188 = arith.select %eq3A_186, %jit3A_187, %jit3A_185 : i32
        %rem3A_189 = arith.remsi %add3A_165, %select_n3A_188 : i32
        %ne3A_190 = arith.constant 0 : i32
        %ne3A_191 = arith.cmpi ne, %rem3A_189, %ne3A_190 : i32
        %lt3A_192 = arith.constant 0 : i32
        %lt3A_193 = arith.cmpi slt, %rem3A_189, %lt3A_192 : i32
        %lt3A_194 = arith.constant 0 : i32
        %lt3A_195 = arith.cmpi slt, %select_n3A_188, %lt3A_194 : i32
        %ne3A_196 = arith.xori %lt3A_193, %lt3A_195 : i1
        %and3A_197 = arith.andi %ne3A_196, %ne3A_191 : i1
        %add3A_198 = arith.addi %rem3A_189, %select_n3A_188 : i32
        %select_n3A_199 = arith.select %and3A_197, %add3A_198, %rem3A_189 : i32
        %dma_wait3A_200 = arith.constant 1 : i32
        %dma_wait3A_201 = arith.constant 0 : i32
        %dma_wait3A_202 = tpu.memref_slice %arg8[%dma_wait3A_200, %dma_wait3A_201] : memref<2x512xi32, #tpu.memory_space<vmem>> -> memref<1x512xi32, #tpu.memory_space<vmem>>
        %dma_wait3A_203 = tpu.memref_squeeze %dma_wait3A_202 : memref<1x512xi32, #tpu.memory_space<vmem>> -> memref<512xi32, #tpu.memory_space<vmem>>
        %dma_wait3A_204 = arith.constant 0 : i32
        %dma_wait3A_205 = tpu.memref_slice %arg3[%add3A_184, %select_n3A_199, %dma_wait3A_204] : memref<32x20x512xi32, #tpu.memory_space<hbm>> -> memref<1x1x512xi32, #tpu.memory_space<hbm>>
        %dma_wait3A_206 = tpu.memref_squeeze %dma_wait3A_205 : memref<1x1x512xi32, #tpu.memory_space<hbm>> -> memref<512xi32, #tpu.memory_space<hbm>>
        %dma_wait3A_207 = arith.constant 0 : i32
        %dma_wait3A_208 = tpu.memref_slice %arg8[%dma_wait3A_200, %dma_wait3A_207] : memref<2x512xi32, #tpu.memory_space<vmem>> -> memref<1x512xi32, #tpu.memory_space<vmem>>
        %dma_wait3A_209 = tpu.memref_squeeze %dma_wait3A_208 : memref<1x512xi32, #tpu.memory_space<vmem>> -> memref<512xi32, #tpu.memory_space<vmem>>
        %dma_wait3A_210 = arith.constant 0 : i32
        %dma_wait3A_211 = tpu.memref_slice %arg3[%add3A_184, %select_n3A_199, %dma_wait3A_210] : memref<32x20x512xi32, #tpu.memory_space<hbm>> -> memref<1x1x512xi32, #tpu.memory_space<hbm>>
        %dma_wait3A_212 = tpu.memref_squeeze %dma_wait3A_211 : memref<1x1x512xi32, #tpu.memory_space<hbm>> -> memref<512xi32, #tpu.memory_space<hbm>>
        tpu.wait_dma2 semaphore(%arg16 : memref<!tpu.dma_semaphore, #tpu.memory_space<semaphore_mem>>) src(%dma_wait3A_212 : memref<512xi32, #tpu.memory_space<hbm>>) dst(%dma_wait3A_209 : memref<512xi32, #tpu.memory_space<vmem>>)
        %dma_start3A_213 = arith.constant 1 : i32
        %dma_start3A_214 = arith.constant 1 : i32
        %dma_start3A_215 = arith.constant 0 : i32
        %dma_start3A_216 = arith.constant 0 : i32
        %dma_start3A_217 = tpu.memref_slice %arg10[%dma_start3A_214, %dma_start3A_215, %dma_start3A_216] : memref<2x512x64xf32, #tpu.memory_space<vmem>> -> memref<1x512x64xf32, #tpu.memory_space<vmem>>
        %dma_start3A_218 = tpu.memref_squeeze %dma_start3A_217 : memref<1x512x64xf32, #tpu.memory_space<vmem>> -> memref<512x64xf32, #tpu.memory_space<vmem>>
        %dma_start3A_219 = arith.constant 0 : i32
        %dma_start3A_220 = tpu.memref_slice %arg8[%dma_start3A_213, %dma_start3A_219] : memref<2x512xi32, #tpu.memory_space<vmem>> -> memref<1x512xi32, #tpu.memory_space<vmem>>
        %dma_start3A_221 = tpu.memref_squeeze %dma_start3A_220 : memref<1x512xi32, #tpu.memory_space<vmem>> -> memref<512xi32, #tpu.memory_space<vmem>>
        %dma_start3A_222 = arith.constant 0 : i32
        %dma_start3A_223 = arith.constant 0 : i32
        %dma_start3A_224 = tpu.memref_slice %arg2[%arg0, %dma_start3A_222, %dma_start3A_223] : memref<2x10240x64xf32, #tpu.memory_space<hbm>> -> memref<1x10240x64xf32, #tpu.memory_space<hbm>>
        %dma_start3A_225 = tpu.memref_squeeze %dma_start3A_224 : memref<1x10240x64xf32, #tpu.memory_space<hbm>> -> memref<10240x64xf32, #tpu.memory_space<hbm>>
        %dma_start3A_226 = arith.constant 0 : i32
        %dma_start3A_227 = arith.constant 0 : i32
        %dma_start3A_228 = tpu.memref_slice %dma_start3A_225[%dma_start3A_226, %dma_start3A_227] : memref<10240x64xf32, #tpu.memory_space<hbm>> -> memref<10240x64xf32, #tpu.memory_space<hbm>>
        tpu.enqueue_indirect_dma source(%dma_start3A_228 : memref<10240x64xf32, #tpu.memory_space<hbm>>) target(%dma_start3A_218 : memref<512x64xf32, #tpu.memory_space<vmem>>) offsets(%dma_start3A_221 : memref<512xi32, #tpu.memory_space<vmem>>) semaphore(%arg12 : memref<!tpu.dma_semaphore, #tpu.memory_space<semaphore_mem>>)
      } else {
      }
      %dma_wait3A_79 = arith.constant 0 : i32
      %dma_wait3A_80 = arith.constant 0 : i32
      %dma_wait3A_81 = arith.constant 0 : i32
      %dma_wait3A_82 = arith.constant 0 : i32
      %dma_wait3A_83 = tpu.memref_slice %arg10[%dma_wait3A_80, %dma_wait3A_81, %dma_wait3A_82] : memref<2x512x64xf32, #tpu.memory_space<vmem>> -> memref<1x512x64xf32, #tpu.memory_space<vmem>>
      %dma_wait3A_84 = tpu.memref_squeeze %dma_wait3A_83 : memref<1x512x64xf32, #tpu.memory_space<vmem>> -> memref<512x64xf32, #tpu.memory_space<vmem>>
      %dma_wait3A_85 = arith.constant 0 : i32
      %dma_wait3A_86 = tpu.memref_slice %arg8[%dma_wait3A_79, %dma_wait3A_85] : memref<2x512xi32, #tpu.memory_space<vmem>> -> memref<1x512xi32, #tpu.memory_space<vmem>>
      %dma_wait3A_87 = tpu.memref_squeeze %dma_wait3A_86 : memref<1x512xi32, #tpu.memory_space<vmem>> -> memref<512xi32, #tpu.memory_space<vmem>>
      %dma_wait3A_88 = arith.constant 0 : i32
      %dma_wait3A_89 = arith.constant 0 : i32
      %dma_wait3A_90 = tpu.memref_slice %arg2[%arg0, %dma_wait3A_88, %dma_wait3A_89] : memref<2x10240x64xf32, #tpu.memory_space<hbm>> -> memref<1x10240x64xf32, #tpu.memory_space<hbm>>
      %dma_wait3A_91 = tpu.memref_squeeze %dma_wait3A_90 : memref<1x10240x64xf32, #tpu.memory_space<hbm>> -> memref<10240x64xf32, #tpu.memory_space<hbm>>
      %dma_wait3A_92 = arith.constant 0 : i32
      %dma_wait3A_93 = arith.constant 0 : i32
      %dma_wait3A_94 = tpu.memref_slice %dma_wait3A_91[%dma_wait3A_92, %dma_wait3A_93] : memref<10240x64xf32, #tpu.memory_space<hbm>> -> memref<10240x64xf32, #tpu.memory_space<hbm>>
      tpu.wait_indirect_dma semaphore(%arg11 : memref<!tpu.dma_semaphore, #tpu.memory_space<semaphore_mem>>) src(%dma_wait3A_94 : memref<10240x64xf32, #tpu.memory_space<hbm>>) dst(%dma_wait3A_84 : memref<512x64xf32, #tpu.memory_space<vmem>>)
      %dma_start3A_95 = arith.constant 0 : i32
      %dma_start3A_96 = arith.constant 0 : i32
      %dma_start3A_97 = arith.constant 0 : i32
      %dma_start3A_98 = tpu.memref_slice %arg10[%dma_start3A_95, %dma_start3A_96, %dma_start3A_97] : memref<2x512x64xf32, #tpu.memory_space<vmem>> -> memref<1x512x64xf32, #tpu.memory_space<vmem>>
      %dma_start3A_99 = tpu.memref_squeeze %dma_start3A_98 : memref<1x512x64xf32, #tpu.memory_space<vmem>> -> memref<512x64xf32, #tpu.memory_space<vmem>>
      %dma_start3A_100 = arith.constant 0 : i32
      %dma_start3A_101 = tpu.memref_slice %arg9[%add3A_70, %dma_start3A_100] : memref<40x512xi32, #tpu.memory_space<vmem>> -> memref<1x512xi32, #tpu.memory_space<vmem>>
      %dma_start3A_102 = tpu.memref_squeeze %dma_start3A_101 : memref<1x512xi32, #tpu.memory_space<vmem>> -> memref<512xi32, #tpu.memory_space<vmem>>
      %dma_start3A_103 = arith.constant 0 : i32
      %dma_start3A_104 = arith.constant 0 : i32
      %dma_start3A_105 = tpu.memref_slice %arg7[%dma_start3A_103, %dma_start3A_104] : memref<10240x64xf32, #tpu.memory_space<vmem_shared>> -> memref<10240x64xf32, #tpu.memory_space<vmem_shared>>
      tpu.enqueue_indirect_dma source(%dma_start3A_99 : memref<512x64xf32, #tpu.memory_space<vmem>>) target(%dma_start3A_105 : memref<10240x64xf32, #tpu.memory_space<vmem_shared>>) offsets(%dma_start3A_102 : memref<512xi32, #tpu.memory_space<vmem>>) semaphore(%arg13 : memref<!tpu.dma_semaphore, #tpu.memory_space<semaphore_mem>>) {add = true}
      %add3A_106 = arith.constant 2 : i32
      %add3A_107 = arith.addi %add3A_70, %add3A_106 : i32
      %lt3A_108 = arith.constant 40 : i32
      %lt3A_109 = arith.cmpi slt, %add3A_107, %lt3A_108 : i32
      %convert_element_type3A_110 = arith.extui %lt3A_109 : i1 to i32
      %cond3A_111 = arith.constant 0 : i32
      %cond3A_112 = arith.cmpi ne, %convert_element_type3A_110, %cond3A_111 : i32
      scf.if %cond3A_112 {
        %add3A_164 = arith.constant 2 : i32
        %add3A_165 = arith.addi %add3A_70, %add3A_164 : i32
        %mul3A_166 = arith.constant 2 : i32
        %mul3A_167 = arith.muli %mul3A_166, %arg1 : i32
        %jit3A = arith.constant 20 : i32
        %div3A = arith.divsi %add3A_165, %jit3A : i32
        %sign3A = arith.constant 0 : i32
        %sign3A_168 = arith.cmpi sgt, %add3A_165, %sign3A : i32
        %sign3A_169 = arith.extui %sign3A_168 : i1 to i32
        %sign3A_170 = arith.constant 0 : i32
        %sign3A_171 = arith.cmpi slt, %add3A_165, %sign3A_170 : i32
        %sign3A_172 = arith.extui %sign3A_171 : i1 to i32
        %sign3A_173 = arith.subi %sign3A_169, %sign3A_172 : i32
        %sign3A_174 = arith.constant 0 : i32
        %sign3A_175 = arith.cmpi sgt, %jit3A, %sign3A_174 : i32
        %sign3A_176 = arith.extui %sign3A_175 : i1 to i32
        %sign3A_177 = arith.constant 0 : i32
        %sign3A_178 = arith.cmpi slt, %jit3A, %sign3A_177 : i32
        %sign3A_179 = arith.extui %sign3A_178 : i1 to i32
        %sign3A_180 = arith.subi %sign3A_176, %sign3A_179 : i32
        %ne3A = arith.cmpi ne, %sign3A_173, %sign3A_180 : i32
        %rem3A = arith.remsi %add3A_165, %jit3A : i32
        %ne3A_181 = arith.constant 0 : i32
        %ne3A_182 = arith.cmpi ne, %rem3A, %ne3A_181 : i32
        %and3A = arith.andi %ne3A, %ne3A_182 : i1
        %sub3A = arith.constant 1 : i32
        %sub3A_183 = arith.subi %div3A, %sub3A : i32
        %select_n3A = arith.select %and3A, %sub3A_183, %div3A : i32
        %add3A_184 = arith.addi %mul3A_167, %select_n3A : i32
        %jit3A_185 = arith.constant 20 : i32
        %eq3A = arith.constant 0 : i32
        %eq3A_186 = arith.cmpi eq, %jit3A_185, %eq3A : i32
        %jit3A_187 = arith.constant 1 : i32
        %select_n3A_188 = arith.select %eq3A_186, %jit3A_187, %jit3A_185 : i32
        %rem3A_189 = arith.remsi %add3A_165, %select_n3A_188 : i32
        %ne3A_190 = arith.constant 0 : i32
        %ne3A_191 = arith.cmpi ne, %rem3A_189, %ne3A_190 : i32
        %lt3A_192 = arith.constant 0 : i32
        %lt3A_193 = arith.cmpi slt, %rem3A_189, %lt3A_192 : i32
        %lt3A_194 = arith.constant 0 : i32
        %lt3A_195 = arith.cmpi slt, %select_n3A_188, %lt3A_194 : i32
        %ne3A_196 = arith.xori %lt3A_193, %lt3A_195 : i1
        %and3A_197 = arith.andi %ne3A_196, %ne3A_191 : i1
        %add3A_198 = arith.addi %rem3A_189, %select_n3A_188 : i32
        %select_n3A_199 = arith.select %and3A_197, %add3A_198, %rem3A_189 : i32
        %dma_start3A_200 = arith.constant 0 : i32
        %dma_start3A_201 = arith.constant 0 : i32
        %dma_start3A_202 = tpu.memref_slice %arg8[%dma_start3A_200, %dma_start3A_201] : memref<2x512xi32, #tpu.memory_space<vmem>> -> memref<1x512xi32, #tpu.memory_space<vmem>>
        %dma_start3A_203 = tpu.memref_squeeze %dma_start3A_202 : memref<1x512xi32, #tpu.memory_space<vmem>> -> memref<512xi32, #tpu.memory_space<vmem>>
        %dma_start3A_204 = arith.constant 0 : i32
        %dma_start3A_205 = tpu.memref_slice %arg3[%add3A_184, %select_n3A_199, %dma_start3A_204] : memref<32x20x512xi32, #tpu.memory_space<hbm>> -> memref<1x1x512xi32, #tpu.memory_space<hbm>>
        %dma_start3A_206 = tpu.memref_squeeze %dma_start3A_205 : memref<1x1x512xi32, #tpu.memory_space<hbm>> -> memref<512xi32, #tpu.memory_space<hbm>>
        %dma_start3A_207 = arith.constant 0 : i32
        %dma_start3A_208 = tpu.memref_slice %arg8[%dma_start3A_200, %dma_start3A_207] : memref<2x512xi32, #tpu.memory_space<vmem>> -> memref<1x512xi32, #tpu.memory_space<vmem>>
        %dma_start3A_209 = tpu.memref_squeeze %dma_start3A_208 : memref<1x512xi32, #tpu.memory_space<vmem>> -> memref<512xi32, #tpu.memory_space<vmem>>
        %dma_start3A_210 = arith.constant 0 : i32
        %dma_start3A_211 = tpu.memref_slice %arg3[%add3A_184, %select_n3A_199, %dma_start3A_210] : memref<32x20x512xi32, #tpu.memory_space<hbm>> -> memref<1x1x512xi32, #tpu.memory_space<hbm>>
        %dma_start3A_212 = tpu.memref_squeeze %dma_start3A_211 : memref<1x1x512xi32, #tpu.memory_space<hbm>> -> memref<512xi32, #tpu.memory_space<hbm>>
        tpu.enqueue_dma source(%dma_start3A_212 : memref<512xi32, #tpu.memory_space<hbm>>) target(%dma_start3A_209 : memref<512xi32, #tpu.memory_space<vmem>>) target_semaphore(%arg15 : memref<!tpu.dma_semaphore, #tpu.memory_space<semaphore_mem>>)
      } else {
      }
      %mul3A_113 = arith.constant 2 : i32
      %mul3A_114 = arith.muli %scan3A_65, %mul3A_113 : i32
      %add3A_115 = arith.constant 1 : i32
      %add3A_116 = arith.addi %mul3A_114, %add3A_115 : i32
      %ge3A_117 = arith.constant 1 : i32
      %ge3A_118 = arith.cmpi sge, %add3A_116, %ge3A_117 : i32
      %convert_element_type3A_119 = arith.extui %ge3A_118 : i1 to i32
      %cond3A_120 = arith.constant 0 : i32
      %cond3A_121 = arith.cmpi ne, %convert_element_type3A_119, %cond3A_120 : i32
      scf.if %cond3A_121 {
        %sub3A = arith.constant 1 : i32
        %sub3A_164 = arith.subi %add3A_116, %sub3A : i32
        %dma_wait3A_165 = arith.constant 0 : i32
        %dma_wait3A_166 = arith.constant 0 : i32
        %dma_wait3A_167 = arith.constant 0 : i32
        %dma_wait3A_168 = tpu.memref_slice %arg10[%dma_wait3A_165, %dma_wait3A_166, %dma_wait3A_167] : memref<2x512x64xf32, #tpu.memory_space<vmem>> -> memref<1x512x64xf32, #tpu.memory_space<vmem>>
        %dma_wait3A_169 = tpu.memref_squeeze %dma_wait3A_168 : memref<1x512x64xf32, #tpu.memory_space<vmem>> -> memref<512x64xf32, #tpu.memory_space<vmem>>
        %dma_wait3A_170 = arith.constant 0 : i32
        %dma_wait3A_171 = tpu.memref_slice %arg9[%sub3A_164, %dma_wait3A_170] : memref<40x512xi32, #tpu.memory_space<vmem>> -> memref<1x512xi32, #tpu.memory_space<vmem>>
        %dma_wait3A_172 = tpu.memref_squeeze %dma_wait3A_171 : memref<1x512xi32, #tpu.memory_space<vmem>> -> memref<512xi32, #tpu.memory_space<vmem>>
        %dma_wait3A_173 = arith.constant 0 : i32
        %dma_wait3A_174 = arith.constant 0 : i32
        %dma_wait3A_175 = tpu.memref_slice %arg7[%dma_wait3A_173, %dma_wait3A_174] : memref<10240x64xf32, #tpu.memory_space<vmem_shared>> -> memref<10240x64xf32, #tpu.memory_space<vmem_shared>>
        tpu.wait_indirect_dma semaphore(%arg13 : memref<!tpu.dma_semaphore, #tpu.memory_space<semaphore_mem>>) src(%dma_wait3A_169 : memref<512x64xf32, #tpu.memory_space<vmem>>) dst(%dma_wait3A_175 : memref<10240x64xf32, #tpu.memory_space<vmem_shared>>)
      } else {
      }
      %add3A_122 = arith.constant 1 : i32
      %add3A_123 = arith.addi %add3A_116, %add3A_122 : i32
      %lt3A_124 = arith.constant 40 : i32
      %lt3A_125 = arith.cmpi slt, %add3A_123, %lt3A_124 : i32
      %convert_element_type3A_126 = arith.extui %lt3A_125 : i1 to i32
      %cond3A_127 = arith.constant 0 : i32
      %cond3A_128 = arith.cmpi ne, %convert_element_type3A_126, %cond3A_127 : i32
      scf.if %cond3A_128 {
        %add3A_164 = arith.constant 1 : i32
        %add3A_165 = arith.addi %add3A_116, %add3A_164 : i32
        %mul3A_166 = arith.constant 2 : i32
        %mul3A_167 = arith.muli %mul3A_166, %arg1 : i32
        %jit3A = arith.constant 20 : i32
        %div3A = arith.divsi %add3A_165, %jit3A : i32
        %sign3A = arith.constant 0 : i32
        %sign3A_168 = arith.cmpi sgt, %add3A_165, %sign3A : i32
        %sign3A_169 = arith.extui %sign3A_168 : i1 to i32
        %sign3A_170 = arith.constant 0 : i32
        %sign3A_171 = arith.cmpi slt, %add3A_165, %sign3A_170 : i32
        %sign3A_172 = arith.extui %sign3A_171 : i1 to i32
        %sign3A_173 = arith.subi %sign3A_169, %sign3A_172 : i32
        %sign3A_174 = arith.constant 0 : i32
        %sign3A_175 = arith.cmpi sgt, %jit3A, %sign3A_174 : i32
        %sign3A_176 = arith.extui %sign3A_175 : i1 to i32
        %sign3A_177 = arith.constant 0 : i32
        %sign3A_178 = arith.cmpi slt, %jit3A, %sign3A_177 : i32
        %sign3A_179 = arith.extui %sign3A_178 : i1 to i32
        %sign3A_180 = arith.subi %sign3A_176, %sign3A_179 : i32
        %ne3A = arith.cmpi ne, %sign3A_173, %sign3A_180 : i32
        %rem3A = arith.remsi %add3A_165, %jit3A : i32
        %ne3A_181 = arith.constant 0 : i32
        %ne3A_182 = arith.cmpi ne, %rem3A, %ne3A_181 : i32
        %and3A = arith.andi %ne3A, %ne3A_182 : i1
        %sub3A = arith.constant 1 : i32
        %sub3A_183 = arith.subi %div3A, %sub3A : i32
        %select_n3A = arith.select %and3A, %sub3A_183, %div3A : i32
        %add3A_184 = arith.addi %mul3A_167, %select_n3A : i32
        %jit3A_185 = arith.constant 20 : i32
        %eq3A = arith.constant 0 : i32
        %eq3A_186 = arith.cmpi eq, %jit3A_185, %eq3A : i32
        %jit3A_187 = arith.constant 1 : i32
        %select_n3A_188 = arith.select %eq3A_186, %jit3A_187, %jit3A_185 : i32
        %rem3A_189 = arith.remsi %add3A_165, %select_n3A_188 : i32
        %ne3A_190 = arith.constant 0 : i32
        %ne3A_191 = arith.cmpi ne, %rem3A_189, %ne3A_190 : i32
        %lt3A_192 = arith.constant 0 : i32
        %lt3A_193 = arith.cmpi slt, %rem3A_189, %lt3A_192 : i32
        %lt3A_194 = arith.constant 0 : i32
        %lt3A_195 = arith.cmpi slt, %select_n3A_188, %lt3A_194 : i32
        %ne3A_196 = arith.xori %lt3A_193, %lt3A_195 : i1
        %and3A_197 = arith.andi %ne3A_196, %ne3A_191 : i1
        %add3A_198 = arith.addi %rem3A_189, %select_n3A_188 : i32
        %select_n3A_199 = arith.select %and3A_197, %add3A_198, %rem3A_189 : i32
        %dma_wait3A_200 = arith.constant 0 : i32
        %dma_wait3A_201 = arith.constant 0 : i32
        %dma_wait3A_202 = tpu.memref_slice %arg8[%dma_wait3A_200, %dma_wait3A_201] : memref<2x512xi32, #tpu.memory_space<vmem>> -> memref<1x512xi32, #tpu.memory_space<vmem>>
        %dma_wait3A_203 = tpu.memref_squeeze %dma_wait3A_202 : memref<1x512xi32, #tpu.memory_space<vmem>> -> memref<512xi32, #tpu.memory_space<vmem>>
        %dma_wait3A_204 = arith.constant 0 : i32
        %dma_wait3A_205 = tpu.memref_slice %arg3[%add3A_184, %select_n3A_199, %dma_wait3A_204] : memref<32x20x512xi32, #tpu.memory_space<hbm>> -> memref<1x1x512xi32, #tpu.memory_space<hbm>>
        %dma_wait3A_206 = tpu.memref_squeeze %dma_wait3A_205 : memref<1x1x512xi32, #tpu.memory_space<hbm>> -> memref<512xi32, #tpu.memory_space<hbm>>
        %dma_wait3A_207 = arith.constant 0 : i32
        %dma_wait3A_208 = tpu.memref_slice %arg8[%dma_wait3A_200, %dma_wait3A_207] : memref<2x512xi32, #tpu.memory_space<vmem>> -> memref<1x512xi32, #tpu.memory_space<vmem>>
        %dma_wait3A_209 = tpu.memref_squeeze %dma_wait3A_208 : memref<1x512xi32, #tpu.memory_space<vmem>> -> memref<512xi32, #tpu.memory_space<vmem>>
        %dma_wait3A_210 = arith.constant 0 : i32
        %dma_wait3A_211 = tpu.memref_slice %arg3[%add3A_184, %select_n3A_199, %dma_wait3A_210] : memref<32x20x512xi32, #tpu.memory_space<hbm>> -> memref<1x1x512xi32, #tpu.memory_space<hbm>>
        %dma_wait3A_212 = tpu.memref_squeeze %dma_wait3A_211 : memref<1x1x512xi32, #tpu.memory_space<hbm>> -> memref<512xi32, #tpu.memory_space<hbm>>
        tpu.wait_dma2 semaphore(%arg15 : memref<!tpu.dma_semaphore, #tpu.memory_space<semaphore_mem>>) src(%dma_wait3A_212 : memref<512xi32, #tpu.memory_space<hbm>>) dst(%dma_wait3A_209 : memref<512xi32, #tpu.memory_space<vmem>>)
        %dma_start3A_213 = arith.constant 0 : i32
        %dma_start3A_214 = arith.constant 0 : i32
        %dma_start3A_215 = arith.constant 0 : i32
        %dma_start3A_216 = arith.constant 0 : i32
        %dma_start3A_217 = tpu.memref_slice %arg10[%dma_start3A_214, %dma_start3A_215, %dma_start3A_216] : memref<2x512x64xf32, #tpu.memory_space<vmem>> -> memref<1x512x64xf32, #tpu.memory_space<vmem>>
        %dma_start3A_218 = tpu.memref_squeeze %dma_start3A_217 : memref<1x512x64xf32, #tpu.memory_space<vmem>> -> memref<512x64xf32, #tpu.memory_space<vmem>>
        %dma_start3A_219 = arith.constant 0 : i32
        %dma_start3A_220 = tpu.memref_slice %arg8[%dma_start3A_213, %dma_start3A_219] : memref<2x512xi32, #tpu.memory_space<vmem>> -> memref<1x512xi32, #tpu.memory_space<vmem>>
        %dma_start3A_221 = tpu.memref_squeeze %dma_start3A_220 : memref<1x512xi32, #tpu.memory_space<vmem>> -> memref<512xi32, #tpu.memory_space<vmem>>
        %dma_start3A_222 = arith.constant 0 : i32
        %dma_start3A_223 = arith.constant 0 : i32
        %dma_start3A_224 = tpu.memref_slice %arg2[%arg0, %dma_start3A_222, %dma_start3A_223] : memref<2x10240x64xf32, #tpu.memory_space<hbm>> -> memref<1x10240x64xf32, #tpu.memory_space<hbm>>
        %dma_start3A_225 = tpu.memref_squeeze %dma_start3A_224 : memref<1x10240x64xf32, #tpu.memory_space<hbm>> -> memref<10240x64xf32, #tpu.memory_space<hbm>>
        %dma_start3A_226 = arith.constant 0 : i32
        %dma_start3A_227 = arith.constant 0 : i32
        %dma_start3A_228 = tpu.memref_slice %dma_start3A_225[%dma_start3A_226, %dma_start3A_227] : memref<10240x64xf32, #tpu.memory_space<hbm>> -> memref<10240x64xf32, #tpu.memory_space<hbm>>
        tpu.enqueue_indirect_dma source(%dma_start3A_228 : memref<10240x64xf32, #tpu.memory_space<hbm>>) target(%dma_start3A_218 : memref<512x64xf32, #tpu.memory_space<vmem>>) offsets(%dma_start3A_221 : memref<512xi32, #tpu.memory_space<vmem>>) semaphore(%arg11 : memref<!tpu.dma_semaphore, #tpu.memory_space<semaphore_mem>>)
      } else {
      }
      %dma_wait3A_129 = arith.constant 1 : i32
      %dma_wait3A_130 = arith.constant 1 : i32
      %dma_wait3A_131 = arith.constant 0 : i32
      %dma_wait3A_132 = arith.constant 0 : i32
      %dma_wait3A_133 = tpu.memref_slice %arg10[%dma_wait3A_130, %dma_wait3A_131, %dma_wait3A_132] : memref<2x512x64xf32, #tpu.memory_space<vmem>> -> memref<1x512x64xf32, #tpu.memory_space<vmem>>
      %dma_wait3A_134 = tpu.memref_squeeze %dma_wait3A_133 : memref<1x512x64xf32, #tpu.memory_space<vmem>> -> memref<512x64xf32, #tpu.memory_space<vmem>>
      %dma_wait3A_135 = arith.constant 0 : i32
      %dma_wait3A_136 = tpu.memref_slice %arg8[%dma_wait3A_129, %dma_wait3A_135] : memref<2x512xi32, #tpu.memory_space<vmem>> -> memref<1x512xi32, #tpu.memory_space<vmem>>
      %dma_wait3A_137 = tpu.memref_squeeze %dma_wait3A_136 : memref<1x512xi32, #tpu.memory_space<vmem>> -> memref<512xi32, #tpu.memory_space<vmem>>
      %dma_wait3A_138 = arith.constant 0 : i32
      %dma_wait3A_139 = arith.constant 0 : i32
      %dma_wait3A_140 = tpu.memref_slice %arg2[%arg0, %dma_wait3A_138, %dma_wait3A_139] : memref<2x10240x64xf32, #tpu.memory_space<hbm>> -> memref<1x10240x64xf32, #tpu.memory_space<hbm>>
      %dma_wait3A_141 = tpu.memref_squeeze %dma_wait3A_140 : memref<1x10240x64xf32, #tpu.memory_space<hbm>> -> memref<10240x64xf32, #tpu.memory_space<hbm>>
      %dma_wait3A_142 = arith.constant 0 : i32
      %dma_wait3A_143 = arith.constant 0 : i32
      %dma_wait3A_144 = tpu.memref_slice %dma_wait3A_141[%dma_wait3A_142, %dma_wait3A_143] : memref<10240x64xf32, #tpu.memory_space<hbm>> -> memref<10240x64xf32, #tpu.memory_space<hbm>>
      tpu.wait_indirect_dma semaphore(%arg12 : memref<!tpu.dma_semaphore, #tpu.memory_space<semaphore_mem>>) src(%dma_wait3A_144 : memref<10240x64xf32, #tpu.memory_space<hbm>>) dst(%dma_wait3A_134 : memref<512x64xf32, #tpu.memory_space<vmem>>)
      %dma_start3A_145 = arith.constant 1 : i32
      %dma_start3A_146 = arith.constant 0 : i32
      %dma_start3A_147 = arith.constant 0 : i32
      %dma_start3A_148 = tpu.memref_slice %arg10[%dma_start3A_145, %dma_start3A_146, %dma_start3A_147] : memref<2x512x64xf32, #tpu.memory_space<vmem>> -> memref<1x512x64xf32, #tpu.memory_space<vmem>>
      %dma_start3A_149 = tpu.memref_squeeze %dma_start3A_148 : memref<1x512x64xf32, #tpu.memory_space<vmem>> -> memref<512x64xf32, #tpu.memory_space<vmem>>
      %dma_start3A_150 = arith.constant 0 : i32
      %dma_start3A_151 = tpu.memref_slice %arg9[%add3A_116, %dma_start3A_150] : memref<40x512xi32, #tpu.memory_space<vmem>> -> memref<1x512xi32, #tpu.memory_space<vmem>>
      %dma_start3A_152 = tpu.memref_squeeze %dma_start3A_151 : memref<1x512xi32, #tpu.memory_space<vmem>> -> memref<512xi32, #tpu.memory_space<vmem>>
      %dma_start3A_153 = arith.constant 0 : i32
      %dma_start3A_154 = arith.constant 0 : i32
      %dma_start3A_155 = tpu.memref_slice %arg7[%dma_start3A_153, %dma_start3A_154] : memref<10240x64xf32, #tpu.memory_space<vmem_shared>> -> memref<10240x64xf32, #tpu.memory_space<vmem_shared>>
      tpu.enqueue_indirect_dma source(%dma_start3A_149 : memref<512x64xf32, #tpu.memory_space<vmem>>) target(%dma_start3A_155 : memref<10240x64xf32, #tpu.memory_space<vmem_shared>>) offsets(%dma_start3A_152 : memref<512xi32, #tpu.memory_space<vmem>>) semaphore(%arg14 : memref<!tpu.dma_semaphore, #tpu.memory_space<semaphore_mem>>) {add = true}
      %add3A_156 = arith.constant 2 : i32
      %add3A_157 = arith.addi %add3A_116, %add3A_156 : i32
      %lt3A_158 = arith.constant 40 : i32
      %lt3A_159 = arith.cmpi slt, %add3A_157, %lt3A_158 : i32
      %convert_element_type3A_160 = arith.extui %lt3A_159 : i1 to i32
      %cond3A_161 = arith.constant 0 : i32
      %cond3A_162 = arith.cmpi ne, %convert_element_type3A_160, %cond3A_161 : i32
      scf.if %cond3A_162 {
        %add3A_164 = arith.constant 2 : i32
        %add3A_165 = arith.addi %add3A_116, %add3A_164 : i32
        %mul3A_166 = arith.constant 2 : i32
        %mul3A_167 = arith.muli %mul3A_166, %arg1 : i32
        %jit3A = arith.constant 20 : i32
        %div3A = arith.divsi %add3A_165, %jit3A : i32
        %sign3A = arith.constant 0 : i32
        %sign3A_168 = arith.cmpi sgt, %add3A_165, %sign3A : i32
        %sign3A_169 = arith.extui %sign3A_168 : i1 to i32
        %sign3A_170 = arith.constant 0 : i32
        %sign3A_171 = arith.cmpi slt, %add3A_165, %sign3A_170 : i32
        %sign3A_172 = arith.extui %sign3A_171 : i1 to i32
        %sign3A_173 = arith.subi %sign3A_169, %sign3A_172 : i32
        %sign3A_174 = arith.constant 0 : i32
        %sign3A_175 = arith.cmpi sgt, %jit3A, %sign3A_174 : i32
        %sign3A_176 = arith.extui %sign3A_175 : i1 to i32
        %sign3A_177 = arith.constant 0 : i32
        %sign3A_178 = arith.cmpi slt, %jit3A, %sign3A_177 : i32
        %sign3A_179 = arith.extui %sign3A_178 : i1 to i32
        %sign3A_180 = arith.subi %sign3A_176, %sign3A_179 : i32
        %ne3A = arith.cmpi ne, %sign3A_173, %sign3A_180 : i32
        %rem3A = arith.remsi %add3A_165, %jit3A : i32
        %ne3A_181 = arith.constant 0 : i32
        %ne3A_182 = arith.cmpi ne, %rem3A, %ne3A_181 : i32
        %and3A = arith.andi %ne3A, %ne3A_182 : i1
        %sub3A = arith.constant 1 : i32
        %sub3A_183 = arith.subi %div3A, %sub3A : i32
        %select_n3A = arith.select %and3A, %sub3A_183, %div3A : i32
        %add3A_184 = arith.addi %mul3A_167, %select_n3A : i32
        %jit3A_185 = arith.constant 20 : i32
        %eq3A = arith.constant 0 : i32
        %eq3A_186 = arith.cmpi eq, %jit3A_185, %eq3A : i32
        %jit3A_187 = arith.constant 1 : i32
        %select_n3A_188 = arith.select %eq3A_186, %jit3A_187, %jit3A_185 : i32
        %rem3A_189 = arith.remsi %add3A_165, %select_n3A_188 : i32
        %ne3A_190 = arith.constant 0 : i32
        %ne3A_191 = arith.cmpi ne, %rem3A_189, %ne3A_190 : i32
        %lt3A_192 = arith.constant 0 : i32
        %lt3A_193 = arith.cmpi slt, %rem3A_189, %lt3A_192 : i32
        %lt3A_194 = arith.constant 0 : i32
        %lt3A_195 = arith.cmpi slt, %select_n3A_188, %lt3A_194 : i32
        %ne3A_196 = arith.xori %lt3A_193, %lt3A_195 : i1
        %and3A_197 = arith.andi %ne3A_196, %ne3A_191 : i1
        %add3A_198 = arith.addi %rem3A_189, %select_n3A_188 : i32
        %select_n3A_199 = arith.select %and3A_197, %add3A_198, %rem3A_189 : i32
        %dma_start3A_200 = arith.constant 1 : i32
        %dma_start3A_201 = arith.constant 0 : i32
        %dma_start3A_202 = tpu.memref_slice %arg8[%dma_start3A_200, %dma_start3A_201] : memref<2x512xi32, #tpu.memory_space<vmem>> -> memref<1x512xi32, #tpu.memory_space<vmem>>
        %dma_start3A_203 = tpu.memref_squeeze %dma_start3A_202 : memref<1x512xi32, #tpu.memory_space<vmem>> -> memref<512xi32, #tpu.memory_space<vmem>>
        %dma_start3A_204 = arith.constant 0 : i32
        %dma_start3A_205 = tpu.memref_slice %arg3[%add3A_184, %select_n3A_199, %dma_start3A_204] : memref<32x20x512xi32, #tpu.memory_space<hbm>> -> memref<1x1x512xi32, #tpu.memory_space<hbm>>
        %dma_start3A_206 = tpu.memref_squeeze %dma_start3A_205 : memref<1x1x512xi32, #tpu.memory_space<hbm>> -> memref<512xi32, #tpu.memory_space<hbm>>
        %dma_start3A_207 = arith.constant 0 : i32
        %dma_start3A_208 = tpu.memref_slice %arg8[%dma_start3A_200, %dma_start3A_207] : memref<2x512xi32, #tpu.memory_space<vmem>> -> memref<1x512xi32, #tpu.memory_space<vmem>>
        %dma_start3A_209 = tpu.memref_squeeze %dma_start3A_208 : memref<1x512xi32, #tpu.memory_space<vmem>> -> memref<512xi32, #tpu.memory_space<vmem>>
        %dma_start3A_210 = arith.constant 0 : i32
        %dma_start3A_211 = tpu.memref_slice %arg3[%add3A_184, %select_n3A_199, %dma_start3A_210] : memref<32x20x512xi32, #tpu.memory_space<hbm>> -> memref<1x1x512xi32, #tpu.memory_space<hbm>>
        %dma_start3A_212 = tpu.memref_squeeze %dma_start3A_211 : memref<1x1x512xi32, #tpu.memory_space<hbm>> -> memref<512xi32, #tpu.memory_space<hbm>>
        tpu.enqueue_dma source(%dma_start3A_212 : memref<512xi32, #tpu.memory_space<hbm>>) target(%dma_start3A_209 : memref<512xi32, #tpu.memory_space<vmem>>) target_semaphore(%arg16 : memref<!tpu.dma_semaphore, #tpu.memory_space<semaphore_mem>>)
      } else {
      }
      %scan3A_163 = arith.constant 0 : i32
      scf.yield %scan3A_163 : i32
    }
    %scan3A_52 = arith.constant 20 : i32
    %dma_wait3A = arith.constant 1 : i32
    %dma_wait3A_53 = arith.constant 39 : i32
    %dma_wait3A_54 = arith.constant 0 : i32
    %dma_wait3A_55 = arith.constant 0 : i32
    %dma_wait3A_56 = tpu.memref_slice %arg10[%dma_wait3A, %dma_wait3A_54, %dma_wait3A_55] : memref<2x512x64xf32, #tpu.memory_space<vmem>> -> memref<1x512x64xf32, #tpu.memory_space<vmem>>
    %dma_wait3A_57 = tpu.memref_squeeze %dma_wait3A_56 : memref<1x512x64xf32, #tpu.memory_space<vmem>> -> memref<512x64xf32, #tpu.memory_space<vmem>>
    %dma_wait3A_58 = arith.constant 0 : i32
    %dma_wait3A_59 = tpu.memref_slice %arg9[%dma_wait3A_53, %dma_wait3A_58] : memref<40x512xi32, #tpu.memory_space<vmem>> -> memref<1x512xi32, #tpu.memory_space<vmem>>
    %dma_wait3A_60 = tpu.memref_squeeze %dma_wait3A_59 : memref<1x512xi32, #tpu.memory_space<vmem>> -> memref<512xi32, #tpu.memory_space<vmem>>
    %dma_wait3A_61 = arith.constant 0 : i32
    %dma_wait3A_62 = arith.constant 0 : i32
    %dma_wait3A_63 = tpu.memref_slice %arg7[%dma_wait3A_61, %dma_wait3A_62] : memref<10240x64xf32, #tpu.memory_space<vmem_shared>> -> memref<10240x64xf32, #tpu.memory_space<vmem_shared>>
    tpu.wait_indirect_dma semaphore(%arg14 : memref<!tpu.dma_semaphore, #tpu.memory_space<semaphore_mem>>) src(%dma_wait3A_57 : memref<512x64xf32, #tpu.memory_space<vmem>>) dst(%dma_wait3A_63 : memref<10240x64xf32, #tpu.memory_space<vmem_shared>>)
    %barrier3A_64 = arith.constant 0 : index
    tpu.barrier barrier_id(%barrier3A_64)
    "tpu.region"() ({
      %run_scoped3A_65 = tpu.sem_alloc : memref<!tpu.dma_semaphore, #tpu.memory_space<semaphore_mem>>
      %dma_start3A_66 = arith.constant 0 : i32
      %dma_start3A_67 = tpu.memref_slice %arg6[%arg0, %mul3A_2, %dma_start3A_66] : memref<2x10240x64xf32, #tpu.memory_space<hbm>> -> memref<1x640x64xf32, #tpu.memory_space<hbm>>
      %dma_start3A_68 = tpu.memref_squeeze %dma_start3A_67 : memref<1x640x64xf32, #tpu.memory_space<hbm>> -> memref<640x64xf32, #tpu.memory_space<hbm>>
      %dma_start3A_69 = arith.constant 0 : i32
      %dma_start3A_70 = tpu.memref_slice %arg7[%mul3A_2, %dma_start3A_69] : memref<10240x64xf32, #tpu.memory_space<vmem_shared>> -> memref<640x64xf32, #tpu.memory_space<vmem_shared>>
      tpu.enqueue_dma source(%dma_start3A_70 : memref<640x64xf32, #tpu.memory_space<vmem_shared>>) target(%dma_start3A_68 : memref<640x64xf32, #tpu.memory_space<hbm>>) target_semaphore(%run_scoped3A_65 : memref<!tpu.dma_semaphore, #tpu.memory_space<semaphore_mem>>)
      %dma_wait3A_71 = arith.constant 0 : i32
      %dma_wait3A_72 = tpu.memref_slice %arg6[%arg0, %mul3A_2, %dma_wait3A_71] : memref<2x10240x64xf32, #tpu.memory_space<hbm>> -> memref<1x640x64xf32, #tpu.memory_space<hbm>>
      %dma_wait3A_73 = tpu.memref_squeeze %dma_wait3A_72 : memref<1x640x64xf32, #tpu.memory_space<hbm>> -> memref<640x64xf32, #tpu.memory_space<hbm>>
      %dma_wait3A_74 = arith.constant 0 : i32
      %dma_wait3A_75 = tpu.memref_slice %arg7[%mul3A_2, %dma_wait3A_74] : memref<10240x64xf32, #tpu.memory_space<vmem_shared>> -> memref<640x64xf32, #tpu.memory_space<vmem_shared>>
      tpu.wait_dma2 semaphore(%run_scoped3A_65 : memref<!tpu.dma_semaphore, #tpu.memory_space<semaphore_mem>>) src(%dma_wait3A_75 : memref<640x64xf32, #tpu.memory_space<vmem_shared>>) dst(%dma_wait3A_73 : memref<640x64xf32, #tpu.memory_space<hbm>>)
      tpu.yield
    }) : () -> ()
    return
  }
}

#map = affine_map<(d0, d1) -> (0, 0, 0)>
#map1 = affine_map<(d0, d1) -> (0, 0)>
module attributes {stable_mosaic.version = 14 : i64} {
  func.func @k(%arg0: i32, %arg1: i32, %arg2: memref<2x10240x16xf32, #tpu.memory_space<hbm>>, %arg3: memref<32x20x512xi32, #tpu.memory_space<hbm>>, %arg4: memref<32x20x512xi32, #tpu.memory_space<hbm>>, %arg5: memref<10240x16xf32, #tpu.memory_space<hbm>>, %arg6: memref<2x10240x16xf32, #tpu.memory_space<hbm>>, %arg7: memref<10240x16xf32, #tpu.memory_space<vmem_shared>>, %arg8: memref<2x512xi32, #tpu.memory_space<vmem>>, %arg9: memref<20x512xi32, #tpu.memory_space<vmem>>, %arg10: memref<2x512x16xf32, #tpu.memory_space<vmem>>, %arg11: memref<!tpu.dma_semaphore, #tpu.memory_space<semaphore_mem>>, %arg12: memref<!tpu.dma_semaphore, #tpu.memory_space<semaphore_mem>>, %arg13: memref<!tpu.dma_semaphore, #tpu.memory_space<semaphore_mem>>, %arg14: memref<!tpu.dma_semaphore, #tpu.memory_space<semaphore_mem>>, %arg15: memref<!tpu.dma_semaphore, #tpu.memory_space<semaphore_mem>>, %arg16: memref<!tpu.dma_semaphore, #tpu.memory_space<semaphore_mem>>) attributes {dimension_semantics = [#tpu.dimension_semantics<core_parallel>, #tpu.dimension_semantics<subcore_parallel>], iteration_bounds = array<i64: 2, 16>, scalar_prefetch = 0 : i64, scratch_operands = 10 : i64, tpu.core_type = #tpu.core_type<sc_vector_subcore>, window_params = [{transform_indices = #map}, {transform_indices = #map}, {transform_indices = #map}, {transform_indices = #map1}, {transform_indices = #map}]} {
    %mul3A = arith.constant 2 : i32
    %mul3A_0 = arith.muli %arg1, %mul3A : i32
    %add3A = arith.addi %mul3A_0, %arg0 : i32
    %mul3A_1 = arith.constant 640 : i32
    %mul3A_2 = arith.muli %arg1, %mul3A_1 : i32
    "tpu.region"() ({
      %run_scoped3A_51 = tpu.sem_alloc : memref<!tpu.dma_semaphore, #tpu.memory_space<semaphore_mem>>
      %dma_start3A_52 = arith.constant 0 : i32
      %dma_start3A_53 = tpu.memref_slice %arg7[%mul3A_2, %dma_start3A_52] : memref<10240x16xf32, #tpu.memory_space<vmem_shared>> -> memref<640x16xf32, #tpu.memory_space<vmem_shared>>
      %dma_start3A_54 = arith.constant 0 : i32
      %dma_start3A_55 = tpu.memref_slice %arg5[%mul3A_2, %dma_start3A_54] : memref<10240x16xf32, #tpu.memory_space<hbm>> -> memref<640x16xf32, #tpu.memory_space<hbm>>
      tpu.enqueue_dma source(%dma_start3A_55 : memref<640x16xf32, #tpu.memory_space<hbm>>) target(%dma_start3A_53 : memref<640x16xf32, #tpu.memory_space<vmem_shared>>) target_semaphore(%run_scoped3A_51 : memref<!tpu.dma_semaphore, #tpu.memory_space<semaphore_mem>>)
      %dma_wait3A_56 = arith.constant 0 : i32
      %dma_wait3A_57 = tpu.memref_slice %arg7[%mul3A_2, %dma_wait3A_56] : memref<10240x16xf32, #tpu.memory_space<vmem_shared>> -> memref<640x16xf32, #tpu.memory_space<vmem_shared>>
      %dma_wait3A_58 = arith.constant 0 : i32
      %dma_wait3A_59 = tpu.memref_slice %arg5[%mul3A_2, %dma_wait3A_58] : memref<10240x16xf32, #tpu.memory_space<hbm>> -> memref<640x16xf32, #tpu.memory_space<hbm>>
      tpu.wait_dma2 semaphore(%run_scoped3A_51 : memref<!tpu.dma_semaphore, #tpu.memory_space<semaphore_mem>>) src(%dma_wait3A_59 : memref<640x16xf32, #tpu.memory_space<hbm>>) dst(%dma_wait3A_57 : memref<640x16xf32, #tpu.memory_space<vmem_shared>>)
      tpu.yield
    }) : () -> ()
    "tpu.region"() ({
      %run_scoped3A_51 = tpu.sem_alloc : memref<!tpu.dma_semaphore, #tpu.memory_space<semaphore_mem>>
      %dma_start3A_52 = arith.constant 0 : i32
      %dma_start3A_53 = arith.constant 0 : i32
      %dma_start3A_54 = tpu.memref_slice %arg4[%add3A, %dma_start3A_52, %dma_start3A_53] : memref<32x20x512xi32, #tpu.memory_space<hbm>> -> memref<1x20x512xi32, #tpu.memory_space<hbm>>
      %dma_start3A_55 = tpu.memref_squeeze %dma_start3A_54 : memref<1x20x512xi32, #tpu.memory_space<hbm>> -> memref<20x512xi32, #tpu.memory_space<hbm>>
      %dma_start3A_56 = arith.constant 0 : i32
      %dma_start3A_57 = arith.constant 0 : i32
      %dma_start3A_58 = tpu.memref_slice %arg4[%add3A, %dma_start3A_56, %dma_start3A_57] : memref<32x20x512xi32, #tpu.memory_space<hbm>> -> memref<1x20x512xi32, #tpu.memory_space<hbm>>
      %dma_start3A_59 = tpu.memref_squeeze %dma_start3A_58 : memref<1x20x512xi32, #tpu.memory_space<hbm>> -> memref<20x512xi32, #tpu.memory_space<hbm>>
      tpu.enqueue_dma source(%dma_start3A_59 : memref<20x512xi32, #tpu.memory_space<hbm>>) target(%arg9 : memref<20x512xi32, #tpu.memory_space<vmem>>) target_semaphore(%run_scoped3A_51 : memref<!tpu.dma_semaphore, #tpu.memory_space<semaphore_mem>>)
      %dma_wait3A_60 = arith.constant 0 : i32
      %dma_wait3A_61 = arith.constant 0 : i32
      %dma_wait3A_62 = tpu.memref_slice %arg4[%add3A, %dma_wait3A_60, %dma_wait3A_61] : memref<32x20x512xi32, #tpu.memory_space<hbm>> -> memref<1x20x512xi32, #tpu.memory_space<hbm>>
      %dma_wait3A_63 = tpu.memref_squeeze %dma_wait3A_62 : memref<1x20x512xi32, #tpu.memory_space<hbm>> -> memref<20x512xi32, #tpu.memory_space<hbm>>
      %dma_wait3A_64 = arith.constant 0 : i32
      %dma_wait3A_65 = arith.constant 0 : i32
      %dma_wait3A_66 = tpu.memref_slice %arg4[%add3A, %dma_wait3A_64, %dma_wait3A_65] : memref<32x20x512xi32, #tpu.memory_space<hbm>> -> memref<1x20x512xi32, #tpu.memory_space<hbm>>
      %dma_wait3A_67 = tpu.memref_squeeze %dma_wait3A_66 : memref<1x20x512xi32, #tpu.memory_space<hbm>> -> memref<20x512xi32, #tpu.memory_space<hbm>>
      tpu.wait_dma2 semaphore(%run_scoped3A_51 : memref<!tpu.dma_semaphore, #tpu.memory_space<semaphore_mem>>) src(%dma_wait3A_67 : memref<20x512xi32, #tpu.memory_space<hbm>>) dst(%arg9 : memref<20x512xi32, #tpu.memory_space<vmem>>)
      tpu.yield
    }) : () -> ()
    %run_scoped3A = arith.constant 0 : i32
    %run_scoped3A_3 = arith.constant 0 : i32
    "tpu.region"() ({
      %run_scoped3A_51 = tpu.sem_alloc : memref<!tpu.dma_semaphore, #tpu.memory_space<semaphore_mem>>
      %dma_start3A_52 = arith.constant 0 : i32
      %dma_start3A_53 = tpu.memref_slice %arg8[%run_scoped3A_3, %dma_start3A_52] : memref<2x512xi32, #tpu.memory_space<vmem>> -> memref<1x512xi32, #tpu.memory_space<vmem>>
      %dma_start3A_54 = tpu.memref_squeeze %dma_start3A_53 : memref<1x512xi32, #tpu.memory_space<vmem>> -> memref<512xi32, #tpu.memory_space<vmem>>
      %dma_start3A_55 = arith.constant 0 : i32
      %dma_start3A_56 = tpu.memref_slice %arg3[%add3A, %run_scoped3A, %dma_start3A_55] : memref<32x20x512xi32, #tpu.memory_space<hbm>> -> memref<1x1x512xi32, #tpu.memory_space<hbm>>
      %dma_start3A_57 = tpu.memref_squeeze %dma_start3A_56 : memref<1x1x512xi32, #tpu.memory_space<hbm>> -> memref<512xi32, #tpu.memory_space<hbm>>
      %dma_start3A_58 = arith.constant 0 : i32
      %dma_start3A_59 = tpu.memref_slice %arg8[%run_scoped3A_3, %dma_start3A_58] : memref<2x512xi32, #tpu.memory_space<vmem>> -> memref<1x512xi32, #tpu.memory_space<vmem>>
      %dma_start3A_60 = tpu.memref_squeeze %dma_start3A_59 : memref<1x512xi32, #tpu.memory_space<vmem>> -> memref<512xi32, #tpu.memory_space<vmem>>
      %dma_start3A_61 = arith.constant 0 : i32
      %dma_start3A_62 = tpu.memref_slice %arg3[%add3A, %run_scoped3A, %dma_start3A_61] : memref<32x20x512xi32, #tpu.memory_space<hbm>> -> memref<1x1x512xi32, #tpu.memory_space<hbm>>
      %dma_start3A_63 = tpu.memref_squeeze %dma_start3A_62 : memref<1x1x512xi32, #tpu.memory_space<hbm>> -> memref<512xi32, #tpu.memory_space<hbm>>
      tpu.enqueue_dma source(%dma_start3A_63 : memref<512xi32, #tpu.memory_space<hbm>>) target(%dma_start3A_60 : memref<512xi32, #tpu.memory_space<vmem>>) target_semaphore(%run_scoped3A_51 : memref<!tpu.dma_semaphore, #tpu.memory_space<semaphore_mem>>)
      %dma_wait3A_64 = arith.constant 0 : i32
      %dma_wait3A_65 = tpu.memref_slice %arg8[%run_scoped3A_3, %dma_wait3A_64] : memref<2x512xi32, #tpu.memory_space<vmem>> -> memref<1x512xi32, #tpu.memory_space<vmem>>
      %dma_wait3A_66 = tpu.memref_squeeze %dma_wait3A_65 : memref<1x512xi32, #tpu.memory_space<vmem>> -> memref<512xi32, #tpu.memory_space<vmem>>
      %dma_wait3A_67 = arith.constant 0 : i32
      %dma_wait3A_68 = tpu.memref_slice %arg3[%add3A, %run_scoped3A, %dma_wait3A_67] : memref<32x20x512xi32, #tpu.memory_space<hbm>> -> memref<1x1x512xi32, #tpu.memory_space<hbm>>
      %dma_wait3A_69 = tpu.memref_squeeze %dma_wait3A_68 : memref<1x1x512xi32, #tpu.memory_space<hbm>> -> memref<512xi32, #tpu.memory_space<hbm>>
      %dma_wait3A_70 = arith.constant 0 : i32
      %dma_wait3A_71 = tpu.memref_slice %arg8[%run_scoped3A_3, %dma_wait3A_70] : memref<2x512xi32, #tpu.memory_space<vmem>> -> memref<1x512xi32, #tpu.memory_space<vmem>>
      %dma_wait3A_72 = tpu.memref_squeeze %dma_wait3A_71 : memref<1x512xi32, #tpu.memory_space<vmem>> -> memref<512xi32, #tpu.memory_space<vmem>>
      %dma_wait3A_73 = arith.constant 0 : i32
      %dma_wait3A_74 = tpu.memref_slice %arg3[%add3A, %run_scoped3A, %dma_wait3A_73] : memref<32x20x512xi32, #tpu.memory_space<hbm>> -> memref<1x1x512xi32, #tpu.memory_space<hbm>>
      %dma_wait3A_75 = tpu.memref_squeeze %dma_wait3A_74 : memref<1x1x512xi32, #tpu.memory_space<hbm>> -> memref<512xi32, #tpu.memory_space<hbm>>
      tpu.wait_dma2 semaphore(%run_scoped3A_51 : memref<!tpu.dma_semaphore, #tpu.memory_space<semaphore_mem>>) src(%dma_wait3A_75 : memref<512xi32, #tpu.memory_space<hbm>>) dst(%dma_wait3A_72 : memref<512xi32, #tpu.memory_space<vmem>>)
      tpu.yield
    }) : () -> ()
    %barrier3A = arith.constant 0 : index
    tpu.barrier barrier_id(%barrier3A)
    %dma_start3A = arith.constant 0 : i32
    %dma_start3A_4 = arith.constant 0 : i32
    %dma_start3A_5 = arith.constant 0 : i32
    %dma_start3A_6 = arith.constant 0 : i32
    %dma_start3A_7 = tpu.memref_slice %arg10[%dma_start3A_4, %dma_start3A_5, %dma_start3A_6] : memref<2x512x16xf32, #tpu.memory_space<vmem>> -> memref<1x512x16xf32, #tpu.memory_space<vmem>>
    %dma_start3A_8 = tpu.memref_squeeze %dma_start3A_7 : memref<1x512x16xf32, #tpu.memory_space<vmem>> -> memref<512x16xf32, #tpu.memory_space<vmem>>
    %dma_start3A_9 = arith.constant 0 : i32
    %dma_start3A_10 = tpu.memref_slice %arg8[%dma_start3A, %dma_start3A_9] : memref<2x512xi32, #tpu.memory_space<vmem>> -> memref<1x512xi32, #tpu.memory_space<vmem>>
    %dma_start3A_11 = tpu.memref_squeeze %dma_start3A_10 : memref<1x512xi32, #tpu.memory_space<vmem>> -> memref<512xi32, #tpu.memory_space<vmem>>
    %dma_start3A_12 = arith.constant 0 : i32
    %dma_start3A_13 = arith.constant 0 : i32
    %dma_start3A_14 = tpu.memref_slice %arg2[%arg0, %dma_start3A_12, %dma_start3A_13] : memref<2x10240x16xf32, #tpu.memory_space<hbm>> -> memref<1x10240x16xf32, #tpu.memory_space<hbm>>
    %dma_start3A_15 = tpu.memref_squeeze %dma_start3A_14 : memref<1x10240x16xf32, #tpu.memory_space<hbm>> -> memref<10240x16xf32, #tpu.memory_space<hbm>>
    %dma_start3A_16 = arith.constant 0 : i32
    %dma_start3A_17 = arith.constant 0 : i32
    %dma_start3A_18 = tpu.memref_slice %dma_start3A_15[%dma_start3A_16, %dma_start3A_17] : memref<10240x16xf32, #tpu.memory_space<hbm>> -> memref<10240x16xf32, #tpu.memory_space<hbm>>
    tpu.enqueue_indirect_dma source(%dma_start3A_18 : memref<10240x16xf32, #tpu.memory_space<hbm>>) target(%dma_start3A_8 : memref<512x16xf32, #tpu.memory_space<vmem>>) offsets(%dma_start3A_11 : memref<512xi32, #tpu.memory_space<vmem>>) semaphore(%arg11 : memref<!tpu.dma_semaphore, #tpu.memory_space<semaphore_mem>>)
    %dma_start3A_19 = arith.constant 1 : i32
    %dma_start3A_20 = arith.constant 1 : i32
    %dma_start3A_21 = arith.constant 0 : i32
    %dma_start3A_22 = tpu.memref_slice %arg8[%dma_start3A_20, %dma_start3A_21] : memref<2x512xi32, #tpu.memory_space<vmem>> -> memref<1x512xi32, #tpu.memory_space<vmem>>
    %dma_start3A_23 = tpu.memref_squeeze %dma_start3A_22 : memref<1x512xi32, #tpu.memory_space<vmem>> -> memref<512xi32, #tpu.memory_space<vmem>>
    %dma_start3A_24 = arith.constant 0 : i32
    %dma_start3A_25 = tpu.memref_slice %arg3[%add3A, %dma_start3A_19, %dma_start3A_24] : memref<32x20x512xi32, #tpu.memory_space<hbm>> -> memref<1x1x512xi32, #tpu.memory_space<hbm>>
    %dma_start3A_26 = tpu.memref_squeeze %dma_start3A_25 : memref<1x1x512xi32, #tpu.memory_space<hbm>> -> memref<512xi32, #tpu.memory_space<hbm>>
    %dma_start3A_27 = arith.constant 0 : i32
    %dma_start3A_28 = tpu.memref_slice %arg8[%dma_start3A_20, %dma_start3A_27] : memref<2x512xi32, #tpu.memory_space<vmem>> -> memref<1x512xi32, #tpu.memory_space<vmem>>
    %dma_start3A_29 = tpu.memref_squeeze %dma_start3A_28 : memref<1x512xi32, #tpu.memory_space<vmem>> -> memref<512xi32, #tpu.memory_space<vmem>>
    %dma_start3A_30 = arith.constant 0 : i32
    %dma_start3A_31 = tpu.memref_slice %arg3[%add3A, %dma_start3A_19, %dma_start3A_30] : memref<32x20x512xi32, #tpu.memory_space<hbm>> -> memref<1x1x512xi32, #tpu.memory_space<hbm>>
    %dma_start3A_32 = tpu.memref_squeeze %dma_start3A_31 : memref<1x1x512xi32, #tpu.memory_space<hbm>> -> memref<512xi32, #tpu.memory_space<hbm>>
    tpu.enqueue_dma source(%dma_start3A_32 : memref<512xi32, #tpu.memory_space<hbm>>) target(%dma_start3A_29 : memref<512xi32, #tpu.memory_space<vmem>>) target_semaphore(%arg16 : memref<!tpu.dma_semaphore, #tpu.memory_space<semaphore_mem>>)
    %scan3A = arith.constant 0 : i32
    %scan3A_33 = arith.constant 0 : i32
    %scan3A_34 = arith.constant 10 : i32
    %scan3A_35 = arith.addi %scan3A_33, %scan3A_34 : i32
    %scan3A_36 = arith.constant 1 : i32
    %scan3A_37 = scf.for %scan3A_51 = %scan3A_33 to %scan3A_35 step %scan3A_36 iter_args(%scan3A_52 = %scan3A) -> (i32)  : i32 {
      %mul3A_53 = arith.constant 2 : i32
      %mul3A_54 = arith.muli %scan3A_51, %mul3A_53 : i32
      %add3A_55 = arith.constant 0 : i32
      %add3A_56 = arith.addi %mul3A_54, %add3A_55 : i32
      %ge3A = arith.constant 1 : i32
      %ge3A_57 = arith.cmpi sge, %add3A_56, %ge3A : i32
      %convert_element_type3A = arith.extui %ge3A_57 : i1 to i32
      %cond3A = arith.constant 0 : i32
      %cond3A_58 = arith.cmpi ne, %convert_element_type3A, %cond3A : i32
      scf.if %cond3A_58 {
        %sub3A = arith.constant 1 : i32
        %sub3A_150 = arith.subi %add3A_56, %sub3A : i32
        %dma_wait3A_151 = arith.constant 1 : i32
        %dma_wait3A_152 = arith.constant 0 : i32
        %dma_wait3A_153 = arith.constant 0 : i32
        %dma_wait3A_154 = tpu.memref_slice %arg10[%dma_wait3A_151, %dma_wait3A_152, %dma_wait3A_153] : memref<2x512x16xf32, #tpu.memory_space<vmem>> -> memref<1x512x16xf32, #tpu.memory_space<vmem>>
        %dma_wait3A_155 = tpu.memref_squeeze %dma_wait3A_154 : memref<1x512x16xf32, #tpu.memory_space<vmem>> -> memref<512x16xf32, #tpu.memory_space<vmem>>
        %dma_wait3A_156 = arith.constant 0 : i32
        %dma_wait3A_157 = tpu.memref_slice %arg9[%sub3A_150, %dma_wait3A_156] : memref<20x512xi32, #tpu.memory_space<vmem>> -> memref<1x512xi32, #tpu.memory_space<vmem>>
        %dma_wait3A_158 = tpu.memref_squeeze %dma_wait3A_157 : memref<1x512xi32, #tpu.memory_space<vmem>> -> memref<512xi32, #tpu.memory_space<vmem>>
        %dma_wait3A_159 = arith.constant 0 : i32
        %dma_wait3A_160 = arith.constant 0 : i32
        %dma_wait3A_161 = tpu.memref_slice %arg7[%dma_wait3A_159, %dma_wait3A_160] : memref<10240x16xf32, #tpu.memory_space<vmem_shared>> -> memref<10240x16xf32, #tpu.memory_space<vmem_shared>>
        tpu.wait_indirect_dma semaphore(%arg14 : memref<!tpu.dma_semaphore, #tpu.memory_space<semaphore_mem>>) src(%dma_wait3A_155 : memref<512x16xf32, #tpu.memory_space<vmem>>) dst(%dma_wait3A_161 : memref<10240x16xf32, #tpu.memory_space<vmem_shared>>)
      } else {
      }
      %add3A_59 = arith.constant 1 : i32
      %add3A_60 = arith.addi %add3A_56, %add3A_59 : i32
      %lt3A = arith.constant 20 : i32
      %lt3A_61 = arith.cmpi slt, %add3A_60, %lt3A : i32
      %convert_element_type3A_62 = arith.extui %lt3A_61 : i1 to i32
      %cond3A_63 = arith.constant 0 : i32
      %cond3A_64 = arith.cmpi ne, %convert_element_type3A_62, %cond3A_63 : i32
      scf.if %cond3A_64 {
        %add3A_150 = arith.constant 1 : i32
        %add3A_151 = arith.addi %add3A_56, %add3A_150 : i32
        %dma_wait3A_152 = arith.constant 1 : i32
        %dma_wait3A_153 = arith.constant 0 : i32
        %dma_wait3A_154 = tpu.memref_slice %arg8[%dma_wait3A_152, %dma_wait3A_153] : memref<2x512xi32, #tpu.memory_space<vmem>> -> memref<1x512xi32, #tpu.memory_space<vmem>>
        %dma_wait3A_155 = tpu.memref_squeeze %dma_wait3A_154 : memref<1x512xi32, #tpu.memory_space<vmem>> -> memref<512xi32, #tpu.memory_space<vmem>>
        %dma_wait3A_156 = arith.constant 0 : i32
        %dma_wait3A_157 = tpu.memref_slice %arg3[%add3A, %add3A_151, %dma_wait3A_156] : memref<32x20x512xi32, #tpu.memory_space<hbm>> -> memref<1x1x512xi32, #tpu.memory_space<hbm>>
        %dma_wait3A_158 = tpu.memref_squeeze %dma_wait3A_157 : memref<1x1x512xi32, #tpu.memory_space<hbm>> -> memref<512xi32, #tpu.memory_space<hbm>>
        %dma_wait3A_159 = arith.constant 0 : i32
        %dma_wait3A_160 = tpu.memref_slice %arg8[%dma_wait3A_152, %dma_wait3A_159] : memref<2x512xi32, #tpu.memory_space<vmem>> -> memref<1x512xi32, #tpu.memory_space<vmem>>
        %dma_wait3A_161 = tpu.memref_squeeze %dma_wait3A_160 : memref<1x512xi32, #tpu.memory_space<vmem>> -> memref<512xi32, #tpu.memory_space<vmem>>
        %dma_wait3A_162 = arith.constant 0 : i32
        %dma_wait3A_163 = tpu.memref_slice %arg3[%add3A, %add3A_151, %dma_wait3A_162] : memref<32x20x512xi32, #tpu.memory_space<hbm>> -> memref<1x1x512xi32, #tpu.memory_space<hbm>>
        %dma_wait3A_164 = tpu.memref_squeeze %dma_wait3A_163 : memref<1x1x512xi32, #tpu.memory_space<hbm>> -> memref<512xi32, #tpu.memory_space<hbm>>
        tpu.wait_dma2 semaphore(%arg16 : memref<!tpu.dma_semaphore, #tpu.memory_space<semaphore_mem>>) src(%dma_wait3A_164 : memref<512xi32, #tpu.memory_space<hbm>>) dst(%dma_wait3A_161 : memref<512xi32, #tpu.memory_space<vmem>>)
        %dma_start3A_165 = arith.constant 1 : i32
        %dma_start3A_166 = arith.constant 1 : i32
        %dma_start3A_167 = arith.constant 0 : i32
        %dma_start3A_168 = arith.constant 0 : i32
        %dma_start3A_169 = tpu.memref_slice %arg10[%dma_start3A_166, %dma_start3A_167, %dma_start3A_168] : memref<2x512x16xf32, #tpu.memory_space<vmem>> -> memref<1x512x16xf32, #tpu.memory_space<vmem>>
        %dma_start3A_170 = tpu.memref_squeeze %dma_start3A_169 : memref<1x512x16xf32, #tpu.memory_space<vmem>> -> memref<512x16xf32, #tpu.memory_space<vmem>>
        %dma_start3A_171 = arith.constant 0 : i32
        %dma_start3A_172 = tpu.memref_slice %arg8[%dma_start3A_165, %dma_start3A_171] : memref<2x512xi32, #tpu.memory_space<vmem>> -> memref<1x512xi32, #tpu.memory_space<vmem>>
        %dma_start3A_173 = tpu.memref_squeeze %dma_start3A_172 : memref<1x512xi32, #tpu.memory_space<vmem>> -> memref<512xi32, #tpu.memory_space<vmem>>
        %dma_start3A_174 = arith.constant 0 : i32
        %dma_start3A_175 = arith.constant 0 : i32
        %dma_start3A_176 = tpu.memref_slice %arg2[%arg0, %dma_start3A_174, %dma_start3A_175] : memref<2x10240x16xf32, #tpu.memory_space<hbm>> -> memref<1x10240x16xf32, #tpu.memory_space<hbm>>
        %dma_start3A_177 = tpu.memref_squeeze %dma_start3A_176 : memref<1x10240x16xf32, #tpu.memory_space<hbm>> -> memref<10240x16xf32, #tpu.memory_space<hbm>>
        %dma_start3A_178 = arith.constant 0 : i32
        %dma_start3A_179 = arith.constant 0 : i32
        %dma_start3A_180 = tpu.memref_slice %dma_start3A_177[%dma_start3A_178, %dma_start3A_179] : memref<10240x16xf32, #tpu.memory_space<hbm>> -> memref<10240x16xf32, #tpu.memory_space<hbm>>
        tpu.enqueue_indirect_dma source(%dma_start3A_180 : memref<10240x16xf32, #tpu.memory_space<hbm>>) target(%dma_start3A_170 : memref<512x16xf32, #tpu.memory_space<vmem>>) offsets(%dma_start3A_173 : memref<512xi32, #tpu.memory_space<vmem>>) semaphore(%arg12 : memref<!tpu.dma_semaphore, #tpu.memory_space<semaphore_mem>>)
      } else {
      }
      %dma_wait3A_65 = arith.constant 0 : i32
      %dma_wait3A_66 = arith.constant 0 : i32
      %dma_wait3A_67 = arith.constant 0 : i32
      %dma_wait3A_68 = arith.constant 0 : i32
      %dma_wait3A_69 = tpu.memref_slice %arg10[%dma_wait3A_66, %dma_wait3A_67, %dma_wait3A_68] : memref<2x512x16xf32, #tpu.memory_space<vmem>> -> memref<1x512x16xf32, #tpu.memory_space<vmem>>
      %dma_wait3A_70 = tpu.memref_squeeze %dma_wait3A_69 : memref<1x512x16xf32, #tpu.memory_space<vmem>> -> memref<512x16xf32, #tpu.memory_space<vmem>>
      %dma_wait3A_71 = arith.constant 0 : i32
      %dma_wait3A_72 = tpu.memref_slice %arg8[%dma_wait3A_65, %dma_wait3A_71] : memref<2x512xi32, #tpu.memory_space<vmem>> -> memref<1x512xi32, #tpu.memory_space<vmem>>
      %dma_wait3A_73 = tpu.memref_squeeze %dma_wait3A_72 : memref<1x512xi32, #tpu.memory_space<vmem>> -> memref<512xi32, #tpu.memory_space<vmem>>
      %dma_wait3A_74 = arith.constant 0 : i32
      %dma_wait3A_75 = arith.constant 0 : i32
      %dma_wait3A_76 = tpu.memref_slice %arg2[%arg0, %dma_wait3A_74, %dma_wait3A_75] : memref<2x10240x16xf32, #tpu.memory_space<hbm>> -> memref<1x10240x16xf32, #tpu.memory_space<hbm>>
      %dma_wait3A_77 = tpu.memref_squeeze %dma_wait3A_76 : memref<1x10240x16xf32, #tpu.memory_space<hbm>> -> memref<10240x16xf32, #tpu.memory_space<hbm>>
      %dma_wait3A_78 = arith.constant 0 : i32
      %dma_wait3A_79 = arith.constant 0 : i32
      %dma_wait3A_80 = tpu.memref_slice %dma_wait3A_77[%dma_wait3A_78, %dma_wait3A_79] : memref<10240x16xf32, #tpu.memory_space<hbm>> -> memref<10240x16xf32, #tpu.memory_space<hbm>>
      tpu.wait_indirect_dma semaphore(%arg11 : memref<!tpu.dma_semaphore, #tpu.memory_space<semaphore_mem>>) src(%dma_wait3A_80 : memref<10240x16xf32, #tpu.memory_space<hbm>>) dst(%dma_wait3A_70 : memref<512x16xf32, #tpu.memory_space<vmem>>)
      %dma_start3A_81 = arith.constant 0 : i32
      %dma_start3A_82 = arith.constant 0 : i32
      %dma_start3A_83 = arith.constant 0 : i32
      %dma_start3A_84 = tpu.memref_slice %arg10[%dma_start3A_81, %dma_start3A_82, %dma_start3A_83] : memref<2x512x16xf32, #tpu.memory_space<vmem>> -> memref<1x512x16xf32, #tpu.memory_space<vmem>>
      %dma_start3A_85 = tpu.memref_squeeze %dma_start3A_84 : memref<1x512x16xf32, #tpu.memory_space<vmem>> -> memref<512x16xf32, #tpu.memory_space<vmem>>
      %dma_start3A_86 = arith.constant 0 : i32
      %dma_start3A_87 = tpu.memref_slice %arg9[%add3A_56, %dma_start3A_86] : memref<20x512xi32, #tpu.memory_space<vmem>> -> memref<1x512xi32, #tpu.memory_space<vmem>>
      %dma_start3A_88 = tpu.memref_squeeze %dma_start3A_87 : memref<1x512xi32, #tpu.memory_space<vmem>> -> memref<512xi32, #tpu.memory_space<vmem>>
      %dma_start3A_89 = arith.constant 0 : i32
      %dma_start3A_90 = arith.constant 0 : i32
      %dma_start3A_91 = tpu.memref_slice %arg7[%dma_start3A_89, %dma_start3A_90] : memref<10240x16xf32, #tpu.memory_space<vmem_shared>> -> memref<10240x16xf32, #tpu.memory_space<vmem_shared>>
      tpu.enqueue_indirect_dma source(%dma_start3A_85 : memref<512x16xf32, #tpu.memory_space<vmem>>) target(%dma_start3A_91 : memref<10240x16xf32, #tpu.memory_space<vmem_shared>>) offsets(%dma_start3A_88 : memref<512xi32, #tpu.memory_space<vmem>>) semaphore(%arg13 : memref<!tpu.dma_semaphore, #tpu.memory_space<semaphore_mem>>) {add = true}
      %add3A_92 = arith.constant 2 : i32
      %add3A_93 = arith.addi %add3A_56, %add3A_92 : i32
      %lt3A_94 = arith.constant 20 : i32
      %lt3A_95 = arith.cmpi slt, %add3A_93, %lt3A_94 : i32
      %convert_element_type3A_96 = arith.extui %lt3A_95 : i1 to i32
      %cond3A_97 = arith.constant 0 : i32
      %cond3A_98 = arith.cmpi ne, %convert_element_type3A_96, %cond3A_97 : i32
      scf.if %cond3A_98 {
        %add3A_150 = arith.constant 2 : i32
        %add3A_151 = arith.addi %add3A_56, %add3A_150 : i32
        %dma_start3A_152 = arith.constant 0 : i32
        %dma_start3A_153 = arith.constant 0 : i32
        %dma_start3A_154 = tpu.memref_slice %arg8[%dma_start3A_152, %dma_start3A_153] : memref<2x512xi32, #tpu.memory_space<vmem>> -> memref<1x512xi32, #tpu.memory_space<vmem>>
        %dma_start3A_155 = tpu.memref_squeeze %dma_start3A_154 : memref<1x512xi32, #tpu.memory_space<vmem>> -> memref<512xi32, #tpu.memory_space<vmem>>
        %dma_start3A_156 = arith.constant 0 : i32
        %dma_start3A_157 = tpu.memref_slice %arg3[%add3A, %add3A_151, %dma_start3A_156] : memref<32x20x512xi32, #tpu.memory_space<hbm>> -> memref<1x1x512xi32, #tpu.memory_space<hbm>>
        %dma_start3A_158 = tpu.memref_squeeze %dma_start3A_157 : memref<1x1x512xi32, #tpu.memory_space<hbm>> -> memref<512xi32, #tpu.memory_space<hbm>>
        %dma_start3A_159 = arith.constant 0 : i32
        %dma_start3A_160 = tpu.memref_slice %arg8[%dma_start3A_152, %dma_start3A_159] : memref<2x512xi32, #tpu.memory_space<vmem>> -> memref<1x512xi32, #tpu.memory_space<vmem>>
        %dma_start3A_161 = tpu.memref_squeeze %dma_start3A_160 : memref<1x512xi32, #tpu.memory_space<vmem>> -> memref<512xi32, #tpu.memory_space<vmem>>
        %dma_start3A_162 = arith.constant 0 : i32
        %dma_start3A_163 = tpu.memref_slice %arg3[%add3A, %add3A_151, %dma_start3A_162] : memref<32x20x512xi32, #tpu.memory_space<hbm>> -> memref<1x1x512xi32, #tpu.memory_space<hbm>>
        %dma_start3A_164 = tpu.memref_squeeze %dma_start3A_163 : memref<1x1x512xi32, #tpu.memory_space<hbm>> -> memref<512xi32, #tpu.memory_space<hbm>>
        tpu.enqueue_dma source(%dma_start3A_164 : memref<512xi32, #tpu.memory_space<hbm>>) target(%dma_start3A_161 : memref<512xi32, #tpu.memory_space<vmem>>) target_semaphore(%arg15 : memref<!tpu.dma_semaphore, #tpu.memory_space<semaphore_mem>>)
      } else {
      }
      %mul3A_99 = arith.constant 2 : i32
      %mul3A_100 = arith.muli %scan3A_51, %mul3A_99 : i32
      %add3A_101 = arith.constant 1 : i32
      %add3A_102 = arith.addi %mul3A_100, %add3A_101 : i32
      %ge3A_103 = arith.constant 1 : i32
      %ge3A_104 = arith.cmpi sge, %add3A_102, %ge3A_103 : i32
      %convert_element_type3A_105 = arith.extui %ge3A_104 : i1 to i32
      %cond3A_106 = arith.constant 0 : i32
      %cond3A_107 = arith.cmpi ne, %convert_element_type3A_105, %cond3A_106 : i32
      scf.if %cond3A_107 {
        %sub3A = arith.constant 1 : i32
        %sub3A_150 = arith.subi %add3A_102, %sub3A : i32
        %dma_wait3A_151 = arith.constant 0 : i32
        %dma_wait3A_152 = arith.constant 0 : i32
        %dma_wait3A_153 = arith.constant 0 : i32
        %dma_wait3A_154 = tpu.memref_slice %arg10[%dma_wait3A_151, %dma_wait3A_152, %dma_wait3A_153] : memref<2x512x16xf32, #tpu.memory_space<vmem>> -> memref<1x512x16xf32, #tpu.memory_space<vmem>>
        %dma_wait3A_155 = tpu.memref_squeeze %dma_wait3A_154 : memref<1x512x16xf32, #tpu.memory_space<vmem>> -> memref<512x16xf32, #tpu.memory_space<vmem>>
        %dma_wait3A_156 = arith.constant 0 : i32
        %dma_wait3A_157 = tpu.memref_slice %arg9[%sub3A_150, %dma_wait3A_156] : memref<20x512xi32, #tpu.memory_space<vmem>> -> memref<1x512xi32, #tpu.memory_space<vmem>>
        %dma_wait3A_158 = tpu.memref_squeeze %dma_wait3A_157 : memref<1x512xi32, #tpu.memory_space<vmem>> -> memref<512xi32, #tpu.memory_space<vmem>>
        %dma_wait3A_159 = arith.constant 0 : i32
        %dma_wait3A_160 = arith.constant 0 : i32
        %dma_wait3A_161 = tpu.memref_slice %arg7[%dma_wait3A_159, %dma_wait3A_160] : memref<10240x16xf32, #tpu.memory_space<vmem_shared>> -> memref<10240x16xf32, #tpu.memory_space<vmem_shared>>
        tpu.wait_indirect_dma semaphore(%arg13 : memref<!tpu.dma_semaphore, #tpu.memory_space<semaphore_mem>>) src(%dma_wait3A_155 : memref<512x16xf32, #tpu.memory_space<vmem>>) dst(%dma_wait3A_161 : memref<10240x16xf32, #tpu.memory_space<vmem_shared>>)
      } else {
      }
      %add3A_108 = arith.constant 1 : i32
      %add3A_109 = arith.addi %add3A_102, %add3A_108 : i32
      %lt3A_110 = arith.constant 20 : i32
      %lt3A_111 = arith.cmpi slt, %add3A_109, %lt3A_110 : i32
      %convert_element_type3A_112 = arith.extui %lt3A_111 : i1 to i32
      %cond3A_113 = arith.constant 0 : i32
      %cond3A_114 = arith.cmpi ne, %convert_element_type3A_112, %cond3A_113 : i32
      scf.if %cond3A_114 {
        %add3A_150 = arith.constant 1 : i32
        %add3A_151 = arith.addi %add3A_102, %add3A_150 : i32
        %dma_wait3A_152 = arith.constant 0 : i32
        %dma_wait3A_153 = arith.constant 0 : i32
        %dma_wait3A_154 = tpu.memref_slice %arg8[%dma_wait3A_152, %dma_wait3A_153] : memref<2x512xi32, #tpu.memory_space<vmem>> -> memref<1x512xi32, #tpu.memory_space<vmem>>
        %dma_wait3A_155 = tpu.memref_squeeze %dma_wait3A_154 : memref<1x512xi32, #tpu.memory_space<vmem>> -> memref<512xi32, #tpu.memory_space<vmem>>
        %dma_wait3A_156 = arith.constant 0 : i32
        %dma_wait3A_157 = tpu.memref_slice %arg3[%add3A, %add3A_151, %dma_wait3A_156] : memref<32x20x512xi32, #tpu.memory_space<hbm>> -> memref<1x1x512xi32, #tpu.memory_space<hbm>>
        %dma_wait3A_158 = tpu.memref_squeeze %dma_wait3A_157 : memref<1x1x512xi32, #tpu.memory_space<hbm>> -> memref<512xi32, #tpu.memory_space<hbm>>
        %dma_wait3A_159 = arith.constant 0 : i32
        %dma_wait3A_160 = tpu.memref_slice %arg8[%dma_wait3A_152, %dma_wait3A_159] : memref<2x512xi32, #tpu.memory_space<vmem>> -> memref<1x512xi32, #tpu.memory_space<vmem>>
        %dma_wait3A_161 = tpu.memref_squeeze %dma_wait3A_160 : memref<1x512xi32, #tpu.memory_space<vmem>> -> memref<512xi32, #tpu.memory_space<vmem>>
        %dma_wait3A_162 = arith.constant 0 : i32
        %dma_wait3A_163 = tpu.memref_slice %arg3[%add3A, %add3A_151, %dma_wait3A_162] : memref<32x20x512xi32, #tpu.memory_space<hbm>> -> memref<1x1x512xi32, #tpu.memory_space<hbm>>
        %dma_wait3A_164 = tpu.memref_squeeze %dma_wait3A_163 : memref<1x1x512xi32, #tpu.memory_space<hbm>> -> memref<512xi32, #tpu.memory_space<hbm>>
        tpu.wait_dma2 semaphore(%arg15 : memref<!tpu.dma_semaphore, #tpu.memory_space<semaphore_mem>>) src(%dma_wait3A_164 : memref<512xi32, #tpu.memory_space<hbm>>) dst(%dma_wait3A_161 : memref<512xi32, #tpu.memory_space<vmem>>)
        %dma_start3A_165 = arith.constant 0 : i32
        %dma_start3A_166 = arith.constant 0 : i32
        %dma_start3A_167 = arith.constant 0 : i32
        %dma_start3A_168 = arith.constant 0 : i32
        %dma_start3A_169 = tpu.memref_slice %arg10[%dma_start3A_166, %dma_start3A_167, %dma_start3A_168] : memref<2x512x16xf32, #tpu.memory_space<vmem>> -> memref<1x512x16xf32, #tpu.memory_space<vmem>>
        %dma_start3A_170 = tpu.memref_squeeze %dma_start3A_169 : memref<1x512x16xf32, #tpu.memory_space<vmem>> -> memref<512x16xf32, #tpu.memory_space<vmem>>
        %dma_start3A_171 = arith.constant 0 : i32
        %dma_start3A_172 = tpu.memref_slice %arg8[%dma_start3A_165, %dma_start3A_171] : memref<2x512xi32, #tpu.memory_space<vmem>> -> memref<1x512xi32, #tpu.memory_space<vmem>>
        %dma_start3A_173 = tpu.memref_squeeze %dma_start3A_172 : memref<1x512xi32, #tpu.memory_space<vmem>> -> memref<512xi32, #tpu.memory_space<vmem>>
        %dma_start3A_174 = arith.constant 0 : i32
        %dma_start3A_175 = arith.constant 0 : i32
        %dma_start3A_176 = tpu.memref_slice %arg2[%arg0, %dma_start3A_174, %dma_start3A_175] : memref<2x10240x16xf32, #tpu.memory_space<hbm>> -> memref<1x10240x16xf32, #tpu.memory_space<hbm>>
        %dma_start3A_177 = tpu.memref_squeeze %dma_start3A_176 : memref<1x10240x16xf32, #tpu.memory_space<hbm>> -> memref<10240x16xf32, #tpu.memory_space<hbm>>
        %dma_start3A_178 = arith.constant 0 : i32
        %dma_start3A_179 = arith.constant 0 : i32
        %dma_start3A_180 = tpu.memref_slice %dma_start3A_177[%dma_start3A_178, %dma_start3A_179] : memref<10240x16xf32, #tpu.memory_space<hbm>> -> memref<10240x16xf32, #tpu.memory_space<hbm>>
        tpu.enqueue_indirect_dma source(%dma_start3A_180 : memref<10240x16xf32, #tpu.memory_space<hbm>>) target(%dma_start3A_170 : memref<512x16xf32, #tpu.memory_space<vmem>>) offsets(%dma_start3A_173 : memref<512xi32, #tpu.memory_space<vmem>>) semaphore(%arg11 : memref<!tpu.dma_semaphore, #tpu.memory_space<semaphore_mem>>)
      } else {
      }
      %dma_wait3A_115 = arith.constant 1 : i32
      %dma_wait3A_116 = arith.constant 1 : i32
      %dma_wait3A_117 = arith.constant 0 : i32
      %dma_wait3A_118 = arith.constant 0 : i32
      %dma_wait3A_119 = tpu.memref_slice %arg10[%dma_wait3A_116, %dma_wait3A_117, %dma_wait3A_118] : memref<2x512x16xf32, #tpu.memory_space<vmem>> -> memref<1x512x16xf32, #tpu.memory_space<vmem>>
      %dma_wait3A_120 = tpu.memref_squeeze %dma_wait3A_119 : memref<1x512x16xf32, #tpu.memory_space<vmem>> -> memref<512x16xf32, #tpu.memory_space<vmem>>
      %dma_wait3A_121 = arith.constant 0 : i32
      %dma_wait3A_122 = tpu.memref_slice %arg8[%dma_wait3A_115, %dma_wait3A_121] : memref<2x512xi32, #tpu.memory_space<vmem>> -> memref<1x512xi32, #tpu.memory_space<vmem>>
      %dma_wait3A_123 = tpu.memref_squeeze %dma_wait3A_122 : memref<1x512xi32, #tpu.memory_space<vmem>> -> memref<512xi32, #tpu.memory_space<vmem>>
      %dma_wait3A_124 = arith.constant 0 : i32
      %dma_wait3A_125 = arith.constant 0 : i32
      %dma_wait3A_126 = tpu.memref_slice %arg2[%arg0, %dma_wait3A_124, %dma_wait3A_125] : memref<2x10240x16xf32, #tpu.memory_space<hbm>> -> memref<1x10240x16xf32, #tpu.memory_space<hbm>>
      %dma_wait3A_127 = tpu.memref_squeeze %dma_wait3A_126 : memref<1x10240x16xf32, #tpu.memory_space<hbm>> -> memref<10240x16xf32, #tpu.memory_space<hbm>>
      %dma_wait3A_128 = arith.constant 0 : i32
      %dma_wait3A_129 = arith.constant 0 : i32
      %dma_wait3A_130 = tpu.memref_slice %dma_wait3A_127[%dma_wait3A_128, %dma_wait3A_129] : memref<10240x16xf32, #tpu.memory_space<hbm>> -> memref<10240x16xf32, #tpu.memory_space<hbm>>
      tpu.wait_indirect_dma semaphore(%arg12 : memref<!tpu.dma_semaphore, #tpu.memory_space<semaphore_mem>>) src(%dma_wait3A_130 : memref<10240x16xf32, #tpu.memory_space<hbm>>) dst(%dma_wait3A_120 : memref<512x16xf32, #tpu.memory_space<vmem>>)
      %dma_start3A_131 = arith.constant 1 : i32
      %dma_start3A_132 = arith.constant 0 : i32
      %dma_start3A_133 = arith.constant 0 : i32
      %dma_start3A_134 = tpu.memref_slice %arg10[%dma_start3A_131, %dma_start3A_132, %dma_start3A_133] : memref<2x512x16xf32, #tpu.memory_space<vmem>> -> memref<1x512x16xf32, #tpu.memory_space<vmem>>
      %dma_start3A_135 = tpu.memref_squeeze %dma_start3A_134 : memref<1x512x16xf32, #tpu.memory_space<vmem>> -> memref<512x16xf32, #tpu.memory_space<vmem>>
      %dma_start3A_136 = arith.constant 0 : i32
      %dma_start3A_137 = tpu.memref_slice %arg9[%add3A_102, %dma_start3A_136] : memref<20x512xi32, #tpu.memory_space<vmem>> -> memref<1x512xi32, #tpu.memory_space<vmem>>
      %dma_start3A_138 = tpu.memref_squeeze %dma_start3A_137 : memref<1x512xi32, #tpu.memory_space<vmem>> -> memref<512xi32, #tpu.memory_space<vmem>>
      %dma_start3A_139 = arith.constant 0 : i32
      %dma_start3A_140 = arith.constant 0 : i32
      %dma_start3A_141 = tpu.memref_slice %arg7[%dma_start3A_139, %dma_start3A_140] : memref<10240x16xf32, #tpu.memory_space<vmem_shared>> -> memref<10240x16xf32, #tpu.memory_space<vmem_shared>>
      tpu.enqueue_indirect_dma source(%dma_start3A_135 : memref<512x16xf32, #tpu.memory_space<vmem>>) target(%dma_start3A_141 : memref<10240x16xf32, #tpu.memory_space<vmem_shared>>) offsets(%dma_start3A_138 : memref<512xi32, #tpu.memory_space<vmem>>) semaphore(%arg14 : memref<!tpu.dma_semaphore, #tpu.memory_space<semaphore_mem>>) {add = true}
      %add3A_142 = arith.constant 2 : i32
      %add3A_143 = arith.addi %add3A_102, %add3A_142 : i32
      %lt3A_144 = arith.constant 20 : i32
      %lt3A_145 = arith.cmpi slt, %add3A_143, %lt3A_144 : i32
      %convert_element_type3A_146 = arith.extui %lt3A_145 : i1 to i32
      %cond3A_147 = arith.constant 0 : i32
      %cond3A_148 = arith.cmpi ne, %convert_element_type3A_146, %cond3A_147 : i32
      scf.if %cond3A_148 {
        %add3A_150 = arith.constant 2 : i32
        %add3A_151 = arith.addi %add3A_102, %add3A_150 : i32
        %dma_start3A_152 = arith.constant 1 : i32
        %dma_start3A_153 = arith.constant 0 : i32
        %dma_start3A_154 = tpu.memref_slice %arg8[%dma_start3A_152, %dma_start3A_153] : memref<2x512xi32, #tpu.memory_space<vmem>> -> memref<1x512xi32, #tpu.memory_space<vmem>>
        %dma_start3A_155 = tpu.memref_squeeze %dma_start3A_154 : memref<1x512xi32, #tpu.memory_space<vmem>> -> memref<512xi32, #tpu.memory_space<vmem>>
        %dma_start3A_156 = arith.constant 0 : i32
        %dma_start3A_157 = tpu.memref_slice %arg3[%add3A, %add3A_151, %dma_start3A_156] : memref<32x20x512xi32, #tpu.memory_space<hbm>> -> memref<1x1x512xi32, #tpu.memory_space<hbm>>
        %dma_start3A_158 = tpu.memref_squeeze %dma_start3A_157 : memref<1x1x512xi32, #tpu.memory_space<hbm>> -> memref<512xi32, #tpu.memory_space<hbm>>
        %dma_start3A_159 = arith.constant 0 : i32
        %dma_start3A_160 = tpu.memref_slice %arg8[%dma_start3A_152, %dma_start3A_159] : memref<2x512xi32, #tpu.memory_space<vmem>> -> memref<1x512xi32, #tpu.memory_space<vmem>>
        %dma_start3A_161 = tpu.memref_squeeze %dma_start3A_160 : memref<1x512xi32, #tpu.memory_space<vmem>> -> memref<512xi32, #tpu.memory_space<vmem>>
        %dma_start3A_162 = arith.constant 0 : i32
        %dma_start3A_163 = tpu.memref_slice %arg3[%add3A, %add3A_151, %dma_start3A_162] : memref<32x20x512xi32, #tpu.memory_space<hbm>> -> memref<1x1x512xi32, #tpu.memory_space<hbm>>
        %dma_start3A_164 = tpu.memref_squeeze %dma_start3A_163 : memref<1x1x512xi32, #tpu.memory_space<hbm>> -> memref<512xi32, #tpu.memory_space<hbm>>
        tpu.enqueue_dma source(%dma_start3A_164 : memref<512xi32, #tpu.memory_space<hbm>>) target(%dma_start3A_161 : memref<512xi32, #tpu.memory_space<vmem>>) target_semaphore(%arg16 : memref<!tpu.dma_semaphore, #tpu.memory_space<semaphore_mem>>)
      } else {
      }
      %scan3A_149 = arith.constant 0 : i32
      scf.yield %scan3A_149 : i32
    }
    %scan3A_38 = arith.constant 10 : i32
    %dma_wait3A = arith.constant 1 : i32
    %dma_wait3A_39 = arith.constant 19 : i32
    %dma_wait3A_40 = arith.constant 0 : i32
    %dma_wait3A_41 = arith.constant 0 : i32
    %dma_wait3A_42 = tpu.memref_slice %arg10[%dma_wait3A, %dma_wait3A_40, %dma_wait3A_41] : memref<2x512x16xf32, #tpu.memory_space<vmem>> -> memref<1x512x16xf32, #tpu.memory_space<vmem>>
    %dma_wait3A_43 = tpu.memref_squeeze %dma_wait3A_42 : memref<1x512x16xf32, #tpu.memory_space<vmem>> -> memref<512x16xf32, #tpu.memory_space<vmem>>
    %dma_wait3A_44 = arith.constant 0 : i32
    %dma_wait3A_45 = tpu.memref_slice %arg9[%dma_wait3A_39, %dma_wait3A_44] : memref<20x512xi32, #tpu.memory_space<vmem>> -> memref<1x512xi32, #tpu.memory_space<vmem>>
    %dma_wait3A_46 = tpu.memref_squeeze %dma_wait3A_45 : memref<1x512xi32, #tpu.memory_space<vmem>> -> memref<512xi32, #tpu.memory_space<vmem>>
    %dma_wait3A_47 = arith.constant 0 : i32
    %dma_wait3A_48 = arith.constant 0 : i32
    %dma_wait3A_49 = tpu.memref_slice %arg7[%dma_wait3A_47, %dma_wait3A_48] : memref<10240x16xf32, #tpu.memory_space<vmem_shared>> -> memref<10240x16xf32, #tpu.memory_space<vmem_shared>>
    tpu.wait_indirect_dma semaphore(%arg14 : memref<!tpu.dma_semaphore, #tpu.memory_space<semaphore_mem>>) src(%dma_wait3A_43 : memref<512x16xf32, #tpu.memory_space<vmem>>) dst(%dma_wait3A_49 : memref<10240x16xf32, #tpu.memory_space<vmem_shared>>)
    %barrier3A_50 = arith.constant 0 : index
    tpu.barrier barrier_id(%barrier3A_50)
    "tpu.region"() ({
      %run_scoped3A_51 = tpu.sem_alloc : memref<!tpu.dma_semaphore, #tpu.memory_space<semaphore_mem>>
      %dma_start3A_52 = arith.constant 0 : i32
      %dma_start3A_53 = tpu.memref_slice %arg6[%arg0, %mul3A_2, %dma_start3A_52] : memref<2x10240x16xf32, #tpu.memory_space<hbm>> -> memref<1x640x16xf32, #tpu.memory_space<hbm>>
      %dma_start3A_54 = tpu.memref_squeeze %dma_start3A_53 : memref<1x640x16xf32, #tpu.memory_space<hbm>> -> memref<640x16xf32, #tpu.memory_space<hbm>>
      %dma_start3A_55 = arith.constant 0 : i32
      %dma_start3A_56 = tpu.memref_slice %arg7[%mul3A_2, %dma_start3A_55] : memref<10240x16xf32, #tpu.memory_space<vmem_shared>> -> memref<640x16xf32, #tpu.memory_space<vmem_shared>>
      tpu.enqueue_dma source(%dma_start3A_56 : memref<640x16xf32, #tpu.memory_space<vmem_shared>>) target(%dma_start3A_54 : memref<640x16xf32, #tpu.memory_space<hbm>>) target_semaphore(%run_scoped3A_51 : memref<!tpu.dma_semaphore, #tpu.memory_space<semaphore_mem>>)
      %dma_wait3A_57 = arith.constant 0 : i32
      %dma_wait3A_58 = tpu.memref_slice %arg6[%arg0, %mul3A_2, %dma_wait3A_57] : memref<2x10240x16xf32, #tpu.memory_space<hbm>> -> memref<1x640x16xf32, #tpu.memory_space<hbm>>
      %dma_wait3A_59 = tpu.memref_squeeze %dma_wait3A_58 : memref<1x640x16xf32, #tpu.memory_space<hbm>> -> memref<640x16xf32, #tpu.memory_space<hbm>>
      %dma_wait3A_60 = arith.constant 0 : i32
      %dma_wait3A_61 = tpu.memref_slice %arg7[%mul3A_2, %dma_wait3A_60] : memref<10240x16xf32, #tpu.memory_space<vmem_shared>> -> memref<640x16xf32, #tpu.memory_space<vmem_shared>>
      tpu.wait_dma2 semaphore(%run_scoped3A_51 : memref<!tpu.dma_semaphore, #tpu.memory_space<semaphore_mem>>) src(%dma_wait3A_61 : memref<640x16xf32, #tpu.memory_space<vmem_shared>>) dst(%dma_wait3A_59 : memref<640x16xf32, #tpu.memory_space<hbm>>)
      tpu.yield
    }) : () -> ()
    return
  }
}

#map = affine_map<(d0, d1) -> (0, 0, 0)>
#map1 = affine_map<(d0, d1) -> (0, 0)>
module attributes {stable_mosaic.version = 14 : i64} {
  func.func @k(%arg0: i32, %arg1: i32, %arg2: memref<2x10240x64xf32, #tpu.memory_space<hbm>>, %arg3: memref<32x20x512xi32, #tpu.memory_space<hbm>>, %arg4: memref<32x20x512xi32, #tpu.memory_space<hbm>>, %arg5: memref<10240x64xf32, #tpu.memory_space<hbm>>, %arg6: memref<2x10240x64xf32, #tpu.memory_space<hbm>>, %arg7: memref<10240x64xf32, #tpu.memory_space<vmem_shared>>, %arg8: memref<2x512xi32, #tpu.memory_space<vmem>>, %arg9: memref<20x512xi32, #tpu.memory_space<vmem>>, %arg10: memref<2x512x64xf32, #tpu.memory_space<vmem>>, %arg11: memref<!tpu.dma_semaphore, #tpu.memory_space<semaphore_mem>>, %arg12: memref<!tpu.dma_semaphore, #tpu.memory_space<semaphore_mem>>, %arg13: memref<!tpu.dma_semaphore, #tpu.memory_space<semaphore_mem>>, %arg14: memref<!tpu.dma_semaphore, #tpu.memory_space<semaphore_mem>>, %arg15: memref<!tpu.dma_semaphore, #tpu.memory_space<semaphore_mem>>, %arg16: memref<!tpu.dma_semaphore, #tpu.memory_space<semaphore_mem>>) attributes {dimension_semantics = [#tpu.dimension_semantics<core_parallel>, #tpu.dimension_semantics<subcore_parallel>], iteration_bounds = array<i64: 2, 16>, scalar_prefetch = 0 : i64, scratch_operands = 10 : i64, tpu.core_type = #tpu.core_type<sc_vector_subcore>, window_params = [{transform_indices = #map}, {transform_indices = #map}, {transform_indices = #map}, {transform_indices = #map1}, {transform_indices = #map}]} {
    %mul3A = arith.constant 2 : i32
    %mul3A_0 = arith.muli %arg1, %mul3A : i32
    %add3A = arith.addi %mul3A_0, %arg0 : i32
    %mul3A_1 = arith.constant 640 : i32
    %mul3A_2 = arith.muli %arg1, %mul3A_1 : i32
    "tpu.region"() ({
      %run_scoped3A_51 = tpu.sem_alloc : memref<!tpu.dma_semaphore, #tpu.memory_space<semaphore_mem>>
      %dma_start3A_52 = arith.constant 0 : i32
      %dma_start3A_53 = tpu.memref_slice %arg7[%mul3A_2, %dma_start3A_52] : memref<10240x64xf32, #tpu.memory_space<vmem_shared>> -> memref<640x64xf32, #tpu.memory_space<vmem_shared>>
      %dma_start3A_54 = arith.constant 0 : i32
      %dma_start3A_55 = tpu.memref_slice %arg5[%mul3A_2, %dma_start3A_54] : memref<10240x64xf32, #tpu.memory_space<hbm>> -> memref<640x64xf32, #tpu.memory_space<hbm>>
      tpu.enqueue_dma source(%dma_start3A_55 : memref<640x64xf32, #tpu.memory_space<hbm>>) target(%dma_start3A_53 : memref<640x64xf32, #tpu.memory_space<vmem_shared>>) target_semaphore(%run_scoped3A_51 : memref<!tpu.dma_semaphore, #tpu.memory_space<semaphore_mem>>)
      %dma_wait3A_56 = arith.constant 0 : i32
      %dma_wait3A_57 = tpu.memref_slice %arg7[%mul3A_2, %dma_wait3A_56] : memref<10240x64xf32, #tpu.memory_space<vmem_shared>> -> memref<640x64xf32, #tpu.memory_space<vmem_shared>>
      %dma_wait3A_58 = arith.constant 0 : i32
      %dma_wait3A_59 = tpu.memref_slice %arg5[%mul3A_2, %dma_wait3A_58] : memref<10240x64xf32, #tpu.memory_space<hbm>> -> memref<640x64xf32, #tpu.memory_space<hbm>>
      tpu.wait_dma2 semaphore(%run_scoped3A_51 : memref<!tpu.dma_semaphore, #tpu.memory_space<semaphore_mem>>) src(%dma_wait3A_59 : memref<640x64xf32, #tpu.memory_space<hbm>>) dst(%dma_wait3A_57 : memref<640x64xf32, #tpu.memory_space<vmem_shared>>)
      tpu.yield
    }) : () -> ()
    "tpu.region"() ({
      %run_scoped3A_51 = tpu.sem_alloc : memref<!tpu.dma_semaphore, #tpu.memory_space<semaphore_mem>>
      %dma_start3A_52 = arith.constant 0 : i32
      %dma_start3A_53 = arith.constant 0 : i32
      %dma_start3A_54 = tpu.memref_slice %arg4[%add3A, %dma_start3A_52, %dma_start3A_53] : memref<32x20x512xi32, #tpu.memory_space<hbm>> -> memref<1x20x512xi32, #tpu.memory_space<hbm>>
      %dma_start3A_55 = tpu.memref_squeeze %dma_start3A_54 : memref<1x20x512xi32, #tpu.memory_space<hbm>> -> memref<20x512xi32, #tpu.memory_space<hbm>>
      %dma_start3A_56 = arith.constant 0 : i32
      %dma_start3A_57 = arith.constant 0 : i32
      %dma_start3A_58 = tpu.memref_slice %arg4[%add3A, %dma_start3A_56, %dma_start3A_57] : memref<32x20x512xi32, #tpu.memory_space<hbm>> -> memref<1x20x512xi32, #tpu.memory_space<hbm>>
      %dma_start3A_59 = tpu.memref_squeeze %dma_start3A_58 : memref<1x20x512xi32, #tpu.memory_space<hbm>> -> memref<20x512xi32, #tpu.memory_space<hbm>>
      tpu.enqueue_dma source(%dma_start3A_59 : memref<20x512xi32, #tpu.memory_space<hbm>>) target(%arg9 : memref<20x512xi32, #tpu.memory_space<vmem>>) target_semaphore(%run_scoped3A_51 : memref<!tpu.dma_semaphore, #tpu.memory_space<semaphore_mem>>)
      %dma_wait3A_60 = arith.constant 0 : i32
      %dma_wait3A_61 = arith.constant 0 : i32
      %dma_wait3A_62 = tpu.memref_slice %arg4[%add3A, %dma_wait3A_60, %dma_wait3A_61] : memref<32x20x512xi32, #tpu.memory_space<hbm>> -> memref<1x20x512xi32, #tpu.memory_space<hbm>>
      %dma_wait3A_63 = tpu.memref_squeeze %dma_wait3A_62 : memref<1x20x512xi32, #tpu.memory_space<hbm>> -> memref<20x512xi32, #tpu.memory_space<hbm>>
      %dma_wait3A_64 = arith.constant 0 : i32
      %dma_wait3A_65 = arith.constant 0 : i32
      %dma_wait3A_66 = tpu.memref_slice %arg4[%add3A, %dma_wait3A_64, %dma_wait3A_65] : memref<32x20x512xi32, #tpu.memory_space<hbm>> -> memref<1x20x512xi32, #tpu.memory_space<hbm>>
      %dma_wait3A_67 = tpu.memref_squeeze %dma_wait3A_66 : memref<1x20x512xi32, #tpu.memory_space<hbm>> -> memref<20x512xi32, #tpu.memory_space<hbm>>
      tpu.wait_dma2 semaphore(%run_scoped3A_51 : memref<!tpu.dma_semaphore, #tpu.memory_space<semaphore_mem>>) src(%dma_wait3A_67 : memref<20x512xi32, #tpu.memory_space<hbm>>) dst(%arg9 : memref<20x512xi32, #tpu.memory_space<vmem>>)
      tpu.yield
    }) : () -> ()
    %run_scoped3A = arith.constant 0 : i32
    %run_scoped3A_3 = arith.constant 0 : i32
    "tpu.region"() ({
      %run_scoped3A_51 = tpu.sem_alloc : memref<!tpu.dma_semaphore, #tpu.memory_space<semaphore_mem>>
      %dma_start3A_52 = arith.constant 0 : i32
      %dma_start3A_53 = tpu.memref_slice %arg8[%run_scoped3A_3, %dma_start3A_52] : memref<2x512xi32, #tpu.memory_space<vmem>> -> memref<1x512xi32, #tpu.memory_space<vmem>>
      %dma_start3A_54 = tpu.memref_squeeze %dma_start3A_53 : memref<1x512xi32, #tpu.memory_space<vmem>> -> memref<512xi32, #tpu.memory_space<vmem>>
      %dma_start3A_55 = arith.constant 0 : i32
      %dma_start3A_56 = tpu.memref_slice %arg3[%add3A, %run_scoped3A, %dma_start3A_55] : memref<32x20x512xi32, #tpu.memory_space<hbm>> -> memref<1x1x512xi32, #tpu.memory_space<hbm>>
      %dma_start3A_57 = tpu.memref_squeeze %dma_start3A_56 : memref<1x1x512xi32, #tpu.memory_space<hbm>> -> memref<512xi32, #tpu.memory_space<hbm>>
      %dma_start3A_58 = arith.constant 0 : i32
      %dma_start3A_59 = tpu.memref_slice %arg8[%run_scoped3A_3, %dma_start3A_58] : memref<2x512xi32, #tpu.memory_space<vmem>> -> memref<1x512xi32, #tpu.memory_space<vmem>>
      %dma_start3A_60 = tpu.memref_squeeze %dma_start3A_59 : memref<1x512xi32, #tpu.memory_space<vmem>> -> memref<512xi32, #tpu.memory_space<vmem>>
      %dma_start3A_61 = arith.constant 0 : i32
      %dma_start3A_62 = tpu.memref_slice %arg3[%add3A, %run_scoped3A, %dma_start3A_61] : memref<32x20x512xi32, #tpu.memory_space<hbm>> -> memref<1x1x512xi32, #tpu.memory_space<hbm>>
      %dma_start3A_63 = tpu.memref_squeeze %dma_start3A_62 : memref<1x1x512xi32, #tpu.memory_space<hbm>> -> memref<512xi32, #tpu.memory_space<hbm>>
      tpu.enqueue_dma source(%dma_start3A_63 : memref<512xi32, #tpu.memory_space<hbm>>) target(%dma_start3A_60 : memref<512xi32, #tpu.memory_space<vmem>>) target_semaphore(%run_scoped3A_51 : memref<!tpu.dma_semaphore, #tpu.memory_space<semaphore_mem>>)
      %dma_wait3A_64 = arith.constant 0 : i32
      %dma_wait3A_65 = tpu.memref_slice %arg8[%run_scoped3A_3, %dma_wait3A_64] : memref<2x512xi32, #tpu.memory_space<vmem>> -> memref<1x512xi32, #tpu.memory_space<vmem>>
      %dma_wait3A_66 = tpu.memref_squeeze %dma_wait3A_65 : memref<1x512xi32, #tpu.memory_space<vmem>> -> memref<512xi32, #tpu.memory_space<vmem>>
      %dma_wait3A_67 = arith.constant 0 : i32
      %dma_wait3A_68 = tpu.memref_slice %arg3[%add3A, %run_scoped3A, %dma_wait3A_67] : memref<32x20x512xi32, #tpu.memory_space<hbm>> -> memref<1x1x512xi32, #tpu.memory_space<hbm>>
      %dma_wait3A_69 = tpu.memref_squeeze %dma_wait3A_68 : memref<1x1x512xi32, #tpu.memory_space<hbm>> -> memref<512xi32, #tpu.memory_space<hbm>>
      %dma_wait3A_70 = arith.constant 0 : i32
      %dma_wait3A_71 = tpu.memref_slice %arg8[%run_scoped3A_3, %dma_wait3A_70] : memref<2x512xi32, #tpu.memory_space<vmem>> -> memref<1x512xi32, #tpu.memory_space<vmem>>
      %dma_wait3A_72 = tpu.memref_squeeze %dma_wait3A_71 : memref<1x512xi32, #tpu.memory_space<vmem>> -> memref<512xi32, #tpu.memory_space<vmem>>
      %dma_wait3A_73 = arith.constant 0 : i32
      %dma_wait3A_74 = tpu.memref_slice %arg3[%add3A, %run_scoped3A, %dma_wait3A_73] : memref<32x20x512xi32, #tpu.memory_space<hbm>> -> memref<1x1x512xi32, #tpu.memory_space<hbm>>
      %dma_wait3A_75 = tpu.memref_squeeze %dma_wait3A_74 : memref<1x1x512xi32, #tpu.memory_space<hbm>> -> memref<512xi32, #tpu.memory_space<hbm>>
      tpu.wait_dma2 semaphore(%run_scoped3A_51 : memref<!tpu.dma_semaphore, #tpu.memory_space<semaphore_mem>>) src(%dma_wait3A_75 : memref<512xi32, #tpu.memory_space<hbm>>) dst(%dma_wait3A_72 : memref<512xi32, #tpu.memory_space<vmem>>)
      tpu.yield
    }) : () -> ()
    %barrier3A = arith.constant 0 : index
    tpu.barrier barrier_id(%barrier3A)
    %dma_start3A = arith.constant 0 : i32
    %dma_start3A_4 = arith.constant 0 : i32
    %dma_start3A_5 = arith.constant 0 : i32
    %dma_start3A_6 = arith.constant 0 : i32
    %dma_start3A_7 = tpu.memref_slice %arg10[%dma_start3A_4, %dma_start3A_5, %dma_start3A_6] : memref<2x512x64xf32, #tpu.memory_space<vmem>> -> memref<1x512x64xf32, #tpu.memory_space<vmem>>
    %dma_start3A_8 = tpu.memref_squeeze %dma_start3A_7 : memref<1x512x64xf32, #tpu.memory_space<vmem>> -> memref<512x64xf32, #tpu.memory_space<vmem>>
    %dma_start3A_9 = arith.constant 0 : i32
    %dma_start3A_10 = tpu.memref_slice %arg8[%dma_start3A, %dma_start3A_9] : memref<2x512xi32, #tpu.memory_space<vmem>> -> memref<1x512xi32, #tpu.memory_space<vmem>>
    %dma_start3A_11 = tpu.memref_squeeze %dma_start3A_10 : memref<1x512xi32, #tpu.memory_space<vmem>> -> memref<512xi32, #tpu.memory_space<vmem>>
    %dma_start3A_12 = arith.constant 0 : i32
    %dma_start3A_13 = arith.constant 0 : i32
    %dma_start3A_14 = tpu.memref_slice %arg2[%arg0, %dma_start3A_12, %dma_start3A_13] : memref<2x10240x64xf32, #tpu.memory_space<hbm>> -> memref<1x10240x64xf32, #tpu.memory_space<hbm>>
    %dma_start3A_15 = tpu.memref_squeeze %dma_start3A_14 : memref<1x10240x64xf32, #tpu.memory_space<hbm>> -> memref<10240x64xf32, #tpu.memory_space<hbm>>
    %dma_start3A_16 = arith.constant 0 : i32
    %dma_start3A_17 = arith.constant 0 : i32
    %dma_start3A_18 = tpu.memref_slice %dma_start3A_15[%dma_start3A_16, %dma_start3A_17] : memref<10240x64xf32, #tpu.memory_space<hbm>> -> memref<10240x64xf32, #tpu.memory_space<hbm>>
    tpu.enqueue_indirect_dma source(%dma_start3A_18 : memref<10240x64xf32, #tpu.memory_space<hbm>>) target(%dma_start3A_8 : memref<512x64xf32, #tpu.memory_space<vmem>>) offsets(%dma_start3A_11 : memref<512xi32, #tpu.memory_space<vmem>>) semaphore(%arg11 : memref<!tpu.dma_semaphore, #tpu.memory_space<semaphore_mem>>)
    %dma_start3A_19 = arith.constant 1 : i32
    %dma_start3A_20 = arith.constant 1 : i32
    %dma_start3A_21 = arith.constant 0 : i32
    %dma_start3A_22 = tpu.memref_slice %arg8[%dma_start3A_20, %dma_start3A_21] : memref<2x512xi32, #tpu.memory_space<vmem>> -> memref<1x512xi32, #tpu.memory_space<vmem>>
    %dma_start3A_23 = tpu.memref_squeeze %dma_start3A_22 : memref<1x512xi32, #tpu.memory_space<vmem>> -> memref<512xi32, #tpu.memory_space<vmem>>
    %dma_start3A_24 = arith.constant 0 : i32
    %dma_start3A_25 = tpu.memref_slice %arg3[%add3A, %dma_start3A_19, %dma_start3A_24] : memref<32x20x512xi32, #tpu.memory_space<hbm>> -> memref<1x1x512xi32, #tpu.memory_space<hbm>>
    %dma_start3A_26 = tpu.memref_squeeze %dma_start3A_25 : memref<1x1x512xi32, #tpu.memory_space<hbm>> -> memref<512xi32, #tpu.memory_space<hbm>>
    %dma_start3A_27 = arith.constant 0 : i32
    %dma_start3A_28 = tpu.memref_slice %arg8[%dma_start3A_20, %dma_start3A_27] : memref<2x512xi32, #tpu.memory_space<vmem>> -> memref<1x512xi32, #tpu.memory_space<vmem>>
    %dma_start3A_29 = tpu.memref_squeeze %dma_start3A_28 : memref<1x512xi32, #tpu.memory_space<vmem>> -> memref<512xi32, #tpu.memory_space<vmem>>
    %dma_start3A_30 = arith.constant 0 : i32
    %dma_start3A_31 = tpu.memref_slice %arg3[%add3A, %dma_start3A_19, %dma_start3A_30] : memref<32x20x512xi32, #tpu.memory_space<hbm>> -> memref<1x1x512xi32, #tpu.memory_space<hbm>>
    %dma_start3A_32 = tpu.memref_squeeze %dma_start3A_31 : memref<1x1x512xi32, #tpu.memory_space<hbm>> -> memref<512xi32, #tpu.memory_space<hbm>>
    tpu.enqueue_dma source(%dma_start3A_32 : memref<512xi32, #tpu.memory_space<hbm>>) target(%dma_start3A_29 : memref<512xi32, #tpu.memory_space<vmem>>) target_semaphore(%arg16 : memref<!tpu.dma_semaphore, #tpu.memory_space<semaphore_mem>>)
    %scan3A = arith.constant 0 : i32
    %scan3A_33 = arith.constant 0 : i32
    %scan3A_34 = arith.constant 10 : i32
    %scan3A_35 = arith.addi %scan3A_33, %scan3A_34 : i32
    %scan3A_36 = arith.constant 1 : i32
    %scan3A_37 = scf.for %scan3A_51 = %scan3A_33 to %scan3A_35 step %scan3A_36 iter_args(%scan3A_52 = %scan3A) -> (i32)  : i32 {
      %mul3A_53 = arith.constant 2 : i32
      %mul3A_54 = arith.muli %scan3A_51, %mul3A_53 : i32
      %add3A_55 = arith.constant 0 : i32
      %add3A_56 = arith.addi %mul3A_54, %add3A_55 : i32
      %ge3A = arith.constant 1 : i32
      %ge3A_57 = arith.cmpi sge, %add3A_56, %ge3A : i32
      %convert_element_type3A = arith.extui %ge3A_57 : i1 to i32
      %cond3A = arith.constant 0 : i32
      %cond3A_58 = arith.cmpi ne, %convert_element_type3A, %cond3A : i32
      scf.if %cond3A_58 {
        %sub3A = arith.constant 1 : i32
        %sub3A_150 = arith.subi %add3A_56, %sub3A : i32
        %dma_wait3A_151 = arith.constant 1 : i32
        %dma_wait3A_152 = arith.constant 0 : i32
        %dma_wait3A_153 = arith.constant 0 : i32
        %dma_wait3A_154 = tpu.memref_slice %arg10[%dma_wait3A_151, %dma_wait3A_152, %dma_wait3A_153] : memref<2x512x64xf32, #tpu.memory_space<vmem>> -> memref<1x512x64xf32, #tpu.memory_space<vmem>>
        %dma_wait3A_155 = tpu.memref_squeeze %dma_wait3A_154 : memref<1x512x64xf32, #tpu.memory_space<vmem>> -> memref<512x64xf32, #tpu.memory_space<vmem>>
        %dma_wait3A_156 = arith.constant 0 : i32
        %dma_wait3A_157 = tpu.memref_slice %arg9[%sub3A_150, %dma_wait3A_156] : memref<20x512xi32, #tpu.memory_space<vmem>> -> memref<1x512xi32, #tpu.memory_space<vmem>>
        %dma_wait3A_158 = tpu.memref_squeeze %dma_wait3A_157 : memref<1x512xi32, #tpu.memory_space<vmem>> -> memref<512xi32, #tpu.memory_space<vmem>>
        %dma_wait3A_159 = arith.constant 0 : i32
        %dma_wait3A_160 = arith.constant 0 : i32
        %dma_wait3A_161 = tpu.memref_slice %arg7[%dma_wait3A_159, %dma_wait3A_160] : memref<10240x64xf32, #tpu.memory_space<vmem_shared>> -> memref<10240x64xf32, #tpu.memory_space<vmem_shared>>
        tpu.wait_indirect_dma semaphore(%arg14 : memref<!tpu.dma_semaphore, #tpu.memory_space<semaphore_mem>>) src(%dma_wait3A_155 : memref<512x64xf32, #tpu.memory_space<vmem>>) dst(%dma_wait3A_161 : memref<10240x64xf32, #tpu.memory_space<vmem_shared>>)
      } else {
      }
      %add3A_59 = arith.constant 1 : i32
      %add3A_60 = arith.addi %add3A_56, %add3A_59 : i32
      %lt3A = arith.constant 20 : i32
      %lt3A_61 = arith.cmpi slt, %add3A_60, %lt3A : i32
      %convert_element_type3A_62 = arith.extui %lt3A_61 : i1 to i32
      %cond3A_63 = arith.constant 0 : i32
      %cond3A_64 = arith.cmpi ne, %convert_element_type3A_62, %cond3A_63 : i32
      scf.if %cond3A_64 {
        %add3A_150 = arith.constant 1 : i32
        %add3A_151 = arith.addi %add3A_56, %add3A_150 : i32
        %dma_wait3A_152 = arith.constant 1 : i32
        %dma_wait3A_153 = arith.constant 0 : i32
        %dma_wait3A_154 = tpu.memref_slice %arg8[%dma_wait3A_152, %dma_wait3A_153] : memref<2x512xi32, #tpu.memory_space<vmem>> -> memref<1x512xi32, #tpu.memory_space<vmem>>
        %dma_wait3A_155 = tpu.memref_squeeze %dma_wait3A_154 : memref<1x512xi32, #tpu.memory_space<vmem>> -> memref<512xi32, #tpu.memory_space<vmem>>
        %dma_wait3A_156 = arith.constant 0 : i32
        %dma_wait3A_157 = tpu.memref_slice %arg3[%add3A, %add3A_151, %dma_wait3A_156] : memref<32x20x512xi32, #tpu.memory_space<hbm>> -> memref<1x1x512xi32, #tpu.memory_space<hbm>>
        %dma_wait3A_158 = tpu.memref_squeeze %dma_wait3A_157 : memref<1x1x512xi32, #tpu.memory_space<hbm>> -> memref<512xi32, #tpu.memory_space<hbm>>
        %dma_wait3A_159 = arith.constant 0 : i32
        %dma_wait3A_160 = tpu.memref_slice %arg8[%dma_wait3A_152, %dma_wait3A_159] : memref<2x512xi32, #tpu.memory_space<vmem>> -> memref<1x512xi32, #tpu.memory_space<vmem>>
        %dma_wait3A_161 = tpu.memref_squeeze %dma_wait3A_160 : memref<1x512xi32, #tpu.memory_space<vmem>> -> memref<512xi32, #tpu.memory_space<vmem>>
        %dma_wait3A_162 = arith.constant 0 : i32
        %dma_wait3A_163 = tpu.memref_slice %arg3[%add3A, %add3A_151, %dma_wait3A_162] : memref<32x20x512xi32, #tpu.memory_space<hbm>> -> memref<1x1x512xi32, #tpu.memory_space<hbm>>
        %dma_wait3A_164 = tpu.memref_squeeze %dma_wait3A_163 : memref<1x1x512xi32, #tpu.memory_space<hbm>> -> memref<512xi32, #tpu.memory_space<hbm>>
        tpu.wait_dma2 semaphore(%arg16 : memref<!tpu.dma_semaphore, #tpu.memory_space<semaphore_mem>>) src(%dma_wait3A_164 : memref<512xi32, #tpu.memory_space<hbm>>) dst(%dma_wait3A_161 : memref<512xi32, #tpu.memory_space<vmem>>)
        %dma_start3A_165 = arith.constant 1 : i32
        %dma_start3A_166 = arith.constant 1 : i32
        %dma_start3A_167 = arith.constant 0 : i32
        %dma_start3A_168 = arith.constant 0 : i32
        %dma_start3A_169 = tpu.memref_slice %arg10[%dma_start3A_166, %dma_start3A_167, %dma_start3A_168] : memref<2x512x64xf32, #tpu.memory_space<vmem>> -> memref<1x512x64xf32, #tpu.memory_space<vmem>>
        %dma_start3A_170 = tpu.memref_squeeze %dma_start3A_169 : memref<1x512x64xf32, #tpu.memory_space<vmem>> -> memref<512x64xf32, #tpu.memory_space<vmem>>
        %dma_start3A_171 = arith.constant 0 : i32
        %dma_start3A_172 = tpu.memref_slice %arg8[%dma_start3A_165, %dma_start3A_171] : memref<2x512xi32, #tpu.memory_space<vmem>> -> memref<1x512xi32, #tpu.memory_space<vmem>>
        %dma_start3A_173 = tpu.memref_squeeze %dma_start3A_172 : memref<1x512xi32, #tpu.memory_space<vmem>> -> memref<512xi32, #tpu.memory_space<vmem>>
        %dma_start3A_174 = arith.constant 0 : i32
        %dma_start3A_175 = arith.constant 0 : i32
        %dma_start3A_176 = tpu.memref_slice %arg2[%arg0, %dma_start3A_174, %dma_start3A_175] : memref<2x10240x64xf32, #tpu.memory_space<hbm>> -> memref<1x10240x64xf32, #tpu.memory_space<hbm>>
        %dma_start3A_177 = tpu.memref_squeeze %dma_start3A_176 : memref<1x10240x64xf32, #tpu.memory_space<hbm>> -> memref<10240x64xf32, #tpu.memory_space<hbm>>
        %dma_start3A_178 = arith.constant 0 : i32
        %dma_start3A_179 = arith.constant 0 : i32
        %dma_start3A_180 = tpu.memref_slice %dma_start3A_177[%dma_start3A_178, %dma_start3A_179] : memref<10240x64xf32, #tpu.memory_space<hbm>> -> memref<10240x64xf32, #tpu.memory_space<hbm>>
        tpu.enqueue_indirect_dma source(%dma_start3A_180 : memref<10240x64xf32, #tpu.memory_space<hbm>>) target(%dma_start3A_170 : memref<512x64xf32, #tpu.memory_space<vmem>>) offsets(%dma_start3A_173 : memref<512xi32, #tpu.memory_space<vmem>>) semaphore(%arg12 : memref<!tpu.dma_semaphore, #tpu.memory_space<semaphore_mem>>)
      } else {
      }
      %dma_wait3A_65 = arith.constant 0 : i32
      %dma_wait3A_66 = arith.constant 0 : i32
      %dma_wait3A_67 = arith.constant 0 : i32
      %dma_wait3A_68 = arith.constant 0 : i32
      %dma_wait3A_69 = tpu.memref_slice %arg10[%dma_wait3A_66, %dma_wait3A_67, %dma_wait3A_68] : memref<2x512x64xf32, #tpu.memory_space<vmem>> -> memref<1x512x64xf32, #tpu.memory_space<vmem>>
      %dma_wait3A_70 = tpu.memref_squeeze %dma_wait3A_69 : memref<1x512x64xf32, #tpu.memory_space<vmem>> -> memref<512x64xf32, #tpu.memory_space<vmem>>
      %dma_wait3A_71 = arith.constant 0 : i32
      %dma_wait3A_72 = tpu.memref_slice %arg8[%dma_wait3A_65, %dma_wait3A_71] : memref<2x512xi32, #tpu.memory_space<vmem>> -> memref<1x512xi32, #tpu.memory_space<vmem>>
      %dma_wait3A_73 = tpu.memref_squeeze %dma_wait3A_72 : memref<1x512xi32, #tpu.memory_space<vmem>> -> memref<512xi32, #tpu.memory_space<vmem>>
      %dma_wait3A_74 = arith.constant 0 : i32
      %dma_wait3A_75 = arith.constant 0 : i32
      %dma_wait3A_76 = tpu.memref_slice %arg2[%arg0, %dma_wait3A_74, %dma_wait3A_75] : memref<2x10240x64xf32, #tpu.memory_space<hbm>> -> memref<1x10240x64xf32, #tpu.memory_space<hbm>>
      %dma_wait3A_77 = tpu.memref_squeeze %dma_wait3A_76 : memref<1x10240x64xf32, #tpu.memory_space<hbm>> -> memref<10240x64xf32, #tpu.memory_space<hbm>>
      %dma_wait3A_78 = arith.constant 0 : i32
      %dma_wait3A_79 = arith.constant 0 : i32
      %dma_wait3A_80 = tpu.memref_slice %dma_wait3A_77[%dma_wait3A_78, %dma_wait3A_79] : memref<10240x64xf32, #tpu.memory_space<hbm>> -> memref<10240x64xf32, #tpu.memory_space<hbm>>
      tpu.wait_indirect_dma semaphore(%arg11 : memref<!tpu.dma_semaphore, #tpu.memory_space<semaphore_mem>>) src(%dma_wait3A_80 : memref<10240x64xf32, #tpu.memory_space<hbm>>) dst(%dma_wait3A_70 : memref<512x64xf32, #tpu.memory_space<vmem>>)
      %dma_start3A_81 = arith.constant 0 : i32
      %dma_start3A_82 = arith.constant 0 : i32
      %dma_start3A_83 = arith.constant 0 : i32
      %dma_start3A_84 = tpu.memref_slice %arg10[%dma_start3A_81, %dma_start3A_82, %dma_start3A_83] : memref<2x512x64xf32, #tpu.memory_space<vmem>> -> memref<1x512x64xf32, #tpu.memory_space<vmem>>
      %dma_start3A_85 = tpu.memref_squeeze %dma_start3A_84 : memref<1x512x64xf32, #tpu.memory_space<vmem>> -> memref<512x64xf32, #tpu.memory_space<vmem>>
      %dma_start3A_86 = arith.constant 0 : i32
      %dma_start3A_87 = tpu.memref_slice %arg9[%add3A_56, %dma_start3A_86] : memref<20x512xi32, #tpu.memory_space<vmem>> -> memref<1x512xi32, #tpu.memory_space<vmem>>
      %dma_start3A_88 = tpu.memref_squeeze %dma_start3A_87 : memref<1x512xi32, #tpu.memory_space<vmem>> -> memref<512xi32, #tpu.memory_space<vmem>>
      %dma_start3A_89 = arith.constant 0 : i32
      %dma_start3A_90 = arith.constant 0 : i32
      %dma_start3A_91 = tpu.memref_slice %arg7[%dma_start3A_89, %dma_start3A_90] : memref<10240x64xf32, #tpu.memory_space<vmem_shared>> -> memref<10240x64xf32, #tpu.memory_space<vmem_shared>>
      tpu.enqueue_indirect_dma source(%dma_start3A_85 : memref<512x64xf32, #tpu.memory_space<vmem>>) target(%dma_start3A_91 : memref<10240x64xf32, #tpu.memory_space<vmem_shared>>) offsets(%dma_start3A_88 : memref<512xi32, #tpu.memory_space<vmem>>) semaphore(%arg13 : memref<!tpu.dma_semaphore, #tpu.memory_space<semaphore_mem>>) {add = true}
      %add3A_92 = arith.constant 2 : i32
      %add3A_93 = arith.addi %add3A_56, %add3A_92 : i32
      %lt3A_94 = arith.constant 20 : i32
      %lt3A_95 = arith.cmpi slt, %add3A_93, %lt3A_94 : i32
      %convert_element_type3A_96 = arith.extui %lt3A_95 : i1 to i32
      %cond3A_97 = arith.constant 0 : i32
      %cond3A_98 = arith.cmpi ne, %convert_element_type3A_96, %cond3A_97 : i32
      scf.if %cond3A_98 {
        %add3A_150 = arith.constant 2 : i32
        %add3A_151 = arith.addi %add3A_56, %add3A_150 : i32
        %dma_start3A_152 = arith.constant 0 : i32
        %dma_start3A_153 = arith.constant 0 : i32
        %dma_start3A_154 = tpu.memref_slice %arg8[%dma_start3A_152, %dma_start3A_153] : memref<2x512xi32, #tpu.memory_space<vmem>> -> memref<1x512xi32, #tpu.memory_space<vmem>>
        %dma_start3A_155 = tpu.memref_squeeze %dma_start3A_154 : memref<1x512xi32, #tpu.memory_space<vmem>> -> memref<512xi32, #tpu.memory_space<vmem>>
        %dma_start3A_156 = arith.constant 0 : i32
        %dma_start3A_157 = tpu.memref_slice %arg3[%add3A, %add3A_151, %dma_start3A_156] : memref<32x20x512xi32, #tpu.memory_space<hbm>> -> memref<1x1x512xi32, #tpu.memory_space<hbm>>
        %dma_start3A_158 = tpu.memref_squeeze %dma_start3A_157 : memref<1x1x512xi32, #tpu.memory_space<hbm>> -> memref<512xi32, #tpu.memory_space<hbm>>
        %dma_start3A_159 = arith.constant 0 : i32
        %dma_start3A_160 = tpu.memref_slice %arg8[%dma_start3A_152, %dma_start3A_159] : memref<2x512xi32, #tpu.memory_space<vmem>> -> memref<1x512xi32, #tpu.memory_space<vmem>>
        %dma_start3A_161 = tpu.memref_squeeze %dma_start3A_160 : memref<1x512xi32, #tpu.memory_space<vmem>> -> memref<512xi32, #tpu.memory_space<vmem>>
        %dma_start3A_162 = arith.constant 0 : i32
        %dma_start3A_163 = tpu.memref_slice %arg3[%add3A, %add3A_151, %dma_start3A_162] : memref<32x20x512xi32, #tpu.memory_space<hbm>> -> memref<1x1x512xi32, #tpu.memory_space<hbm>>
        %dma_start3A_164 = tpu.memref_squeeze %dma_start3A_163 : memref<1x1x512xi32, #tpu.memory_space<hbm>> -> memref<512xi32, #tpu.memory_space<hbm>>
        tpu.enqueue_dma source(%dma_start3A_164 : memref<512xi32, #tpu.memory_space<hbm>>) target(%dma_start3A_161 : memref<512xi32, #tpu.memory_space<vmem>>) target_semaphore(%arg15 : memref<!tpu.dma_semaphore, #tpu.memory_space<semaphore_mem>>)
      } else {
      }
      %mul3A_99 = arith.constant 2 : i32
      %mul3A_100 = arith.muli %scan3A_51, %mul3A_99 : i32
      %add3A_101 = arith.constant 1 : i32
      %add3A_102 = arith.addi %mul3A_100, %add3A_101 : i32
      %ge3A_103 = arith.constant 1 : i32
      %ge3A_104 = arith.cmpi sge, %add3A_102, %ge3A_103 : i32
      %convert_element_type3A_105 = arith.extui %ge3A_104 : i1 to i32
      %cond3A_106 = arith.constant 0 : i32
      %cond3A_107 = arith.cmpi ne, %convert_element_type3A_105, %cond3A_106 : i32
      scf.if %cond3A_107 {
        %sub3A = arith.constant 1 : i32
        %sub3A_150 = arith.subi %add3A_102, %sub3A : i32
        %dma_wait3A_151 = arith.constant 0 : i32
        %dma_wait3A_152 = arith.constant 0 : i32
        %dma_wait3A_153 = arith.constant 0 : i32
        %dma_wait3A_154 = tpu.memref_slice %arg10[%dma_wait3A_151, %dma_wait3A_152, %dma_wait3A_153] : memref<2x512x64xf32, #tpu.memory_space<vmem>> -> memref<1x512x64xf32, #tpu.memory_space<vmem>>
        %dma_wait3A_155 = tpu.memref_squeeze %dma_wait3A_154 : memref<1x512x64xf32, #tpu.memory_space<vmem>> -> memref<512x64xf32, #tpu.memory_space<vmem>>
        %dma_wait3A_156 = arith.constant 0 : i32
        %dma_wait3A_157 = tpu.memref_slice %arg9[%sub3A_150, %dma_wait3A_156] : memref<20x512xi32, #tpu.memory_space<vmem>> -> memref<1x512xi32, #tpu.memory_space<vmem>>
        %dma_wait3A_158 = tpu.memref_squeeze %dma_wait3A_157 : memref<1x512xi32, #tpu.memory_space<vmem>> -> memref<512xi32, #tpu.memory_space<vmem>>
        %dma_wait3A_159 = arith.constant 0 : i32
        %dma_wait3A_160 = arith.constant 0 : i32
        %dma_wait3A_161 = tpu.memref_slice %arg7[%dma_wait3A_159, %dma_wait3A_160] : memref<10240x64xf32, #tpu.memory_space<vmem_shared>> -> memref<10240x64xf32, #tpu.memory_space<vmem_shared>>
        tpu.wait_indirect_dma semaphore(%arg13 : memref<!tpu.dma_semaphore, #tpu.memory_space<semaphore_mem>>) src(%dma_wait3A_155 : memref<512x64xf32, #tpu.memory_space<vmem>>) dst(%dma_wait3A_161 : memref<10240x64xf32, #tpu.memory_space<vmem_shared>>)
      } else {
      }
      %add3A_108 = arith.constant 1 : i32
      %add3A_109 = arith.addi %add3A_102, %add3A_108 : i32
      %lt3A_110 = arith.constant 20 : i32
      %lt3A_111 = arith.cmpi slt, %add3A_109, %lt3A_110 : i32
      %convert_element_type3A_112 = arith.extui %lt3A_111 : i1 to i32
      %cond3A_113 = arith.constant 0 : i32
      %cond3A_114 = arith.cmpi ne, %convert_element_type3A_112, %cond3A_113 : i32
      scf.if %cond3A_114 {
        %add3A_150 = arith.constant 1 : i32
        %add3A_151 = arith.addi %add3A_102, %add3A_150 : i32
        %dma_wait3A_152 = arith.constant 0 : i32
        %dma_wait3A_153 = arith.constant 0 : i32
        %dma_wait3A_154 = tpu.memref_slice %arg8[%dma_wait3A_152, %dma_wait3A_153] : memref<2x512xi32, #tpu.memory_space<vmem>> -> memref<1x512xi32, #tpu.memory_space<vmem>>
        %dma_wait3A_155 = tpu.memref_squeeze %dma_wait3A_154 : memref<1x512xi32, #tpu.memory_space<vmem>> -> memref<512xi32, #tpu.memory_space<vmem>>
        %dma_wait3A_156 = arith.constant 0 : i32
        %dma_wait3A_157 = tpu.memref_slice %arg3[%add3A, %add3A_151, %dma_wait3A_156] : memref<32x20x512xi32, #tpu.memory_space<hbm>> -> memref<1x1x512xi32, #tpu.memory_space<hbm>>
        %dma_wait3A_158 = tpu.memref_squeeze %dma_wait3A_157 : memref<1x1x512xi32, #tpu.memory_space<hbm>> -> memref<512xi32, #tpu.memory_space<hbm>>
        %dma_wait3A_159 = arith.constant 0 : i32
        %dma_wait3A_160 = tpu.memref_slice %arg8[%dma_wait3A_152, %dma_wait3A_159] : memref<2x512xi32, #tpu.memory_space<vmem>> -> memref<1x512xi32, #tpu.memory_space<vmem>>
        %dma_wait3A_161 = tpu.memref_squeeze %dma_wait3A_160 : memref<1x512xi32, #tpu.memory_space<vmem>> -> memref<512xi32, #tpu.memory_space<vmem>>
        %dma_wait3A_162 = arith.constant 0 : i32
        %dma_wait3A_163 = tpu.memref_slice %arg3[%add3A, %add3A_151, %dma_wait3A_162] : memref<32x20x512xi32, #tpu.memory_space<hbm>> -> memref<1x1x512xi32, #tpu.memory_space<hbm>>
        %dma_wait3A_164 = tpu.memref_squeeze %dma_wait3A_163 : memref<1x1x512xi32, #tpu.memory_space<hbm>> -> memref<512xi32, #tpu.memory_space<hbm>>
        tpu.wait_dma2 semaphore(%arg15 : memref<!tpu.dma_semaphore, #tpu.memory_space<semaphore_mem>>) src(%dma_wait3A_164 : memref<512xi32, #tpu.memory_space<hbm>>) dst(%dma_wait3A_161 : memref<512xi32, #tpu.memory_space<vmem>>)
        %dma_start3A_165 = arith.constant 0 : i32
        %dma_start3A_166 = arith.constant 0 : i32
        %dma_start3A_167 = arith.constant 0 : i32
        %dma_start3A_168 = arith.constant 0 : i32
        %dma_start3A_169 = tpu.memref_slice %arg10[%dma_start3A_166, %dma_start3A_167, %dma_start3A_168] : memref<2x512x64xf32, #tpu.memory_space<vmem>> -> memref<1x512x64xf32, #tpu.memory_space<vmem>>
        %dma_start3A_170 = tpu.memref_squeeze %dma_start3A_169 : memref<1x512x64xf32, #tpu.memory_space<vmem>> -> memref<512x64xf32, #tpu.memory_space<vmem>>
        %dma_start3A_171 = arith.constant 0 : i32
        %dma_start3A_172 = tpu.memref_slice %arg8[%dma_start3A_165, %dma_start3A_171] : memref<2x512xi32, #tpu.memory_space<vmem>> -> memref<1x512xi32, #tpu.memory_space<vmem>>
        %dma_start3A_173 = tpu.memref_squeeze %dma_start3A_172 : memref<1x512xi32, #tpu.memory_space<vmem>> -> memref<512xi32, #tpu.memory_space<vmem>>
        %dma_start3A_174 = arith.constant 0 : i32
        %dma_start3A_175 = arith.constant 0 : i32
        %dma_start3A_176 = tpu.memref_slice %arg2[%arg0, %dma_start3A_174, %dma_start3A_175] : memref<2x10240x64xf32, #tpu.memory_space<hbm>> -> memref<1x10240x64xf32, #tpu.memory_space<hbm>>
        %dma_start3A_177 = tpu.memref_squeeze %dma_start3A_176 : memref<1x10240x64xf32, #tpu.memory_space<hbm>> -> memref<10240x64xf32, #tpu.memory_space<hbm>>
        %dma_start3A_178 = arith.constant 0 : i32
        %dma_start3A_179 = arith.constant 0 : i32
        %dma_start3A_180 = tpu.memref_slice %dma_start3A_177[%dma_start3A_178, %dma_start3A_179] : memref<10240x64xf32, #tpu.memory_space<hbm>> -> memref<10240x64xf32, #tpu.memory_space<hbm>>
        tpu.enqueue_indirect_dma source(%dma_start3A_180 : memref<10240x64xf32, #tpu.memory_space<hbm>>) target(%dma_start3A_170 : memref<512x64xf32, #tpu.memory_space<vmem>>) offsets(%dma_start3A_173 : memref<512xi32, #tpu.memory_space<vmem>>) semaphore(%arg11 : memref<!tpu.dma_semaphore, #tpu.memory_space<semaphore_mem>>)
      } else {
      }
      %dma_wait3A_115 = arith.constant 1 : i32
      %dma_wait3A_116 = arith.constant 1 : i32
      %dma_wait3A_117 = arith.constant 0 : i32
      %dma_wait3A_118 = arith.constant 0 : i32
      %dma_wait3A_119 = tpu.memref_slice %arg10[%dma_wait3A_116, %dma_wait3A_117, %dma_wait3A_118] : memref<2x512x64xf32, #tpu.memory_space<vmem>> -> memref<1x512x64xf32, #tpu.memory_space<vmem>>
      %dma_wait3A_120 = tpu.memref_squeeze %dma_wait3A_119 : memref<1x512x64xf32, #tpu.memory_space<vmem>> -> memref<512x64xf32, #tpu.memory_space<vmem>>
      %dma_wait3A_121 = arith.constant 0 : i32
      %dma_wait3A_122 = tpu.memref_slice %arg8[%dma_wait3A_115, %dma_wait3A_121] : memref<2x512xi32, #tpu.memory_space<vmem>> -> memref<1x512xi32, #tpu.memory_space<vmem>>
      %dma_wait3A_123 = tpu.memref_squeeze %dma_wait3A_122 : memref<1x512xi32, #tpu.memory_space<vmem>> -> memref<512xi32, #tpu.memory_space<vmem>>
      %dma_wait3A_124 = arith.constant 0 : i32
      %dma_wait3A_125 = arith.constant 0 : i32
      %dma_wait3A_126 = tpu.memref_slice %arg2[%arg0, %dma_wait3A_124, %dma_wait3A_125] : memref<2x10240x64xf32, #tpu.memory_space<hbm>> -> memref<1x10240x64xf32, #tpu.memory_space<hbm>>
      %dma_wait3A_127 = tpu.memref_squeeze %dma_wait3A_126 : memref<1x10240x64xf32, #tpu.memory_space<hbm>> -> memref<10240x64xf32, #tpu.memory_space<hbm>>
      %dma_wait3A_128 = arith.constant 0 : i32
      %dma_wait3A_129 = arith.constant 0 : i32
      %dma_wait3A_130 = tpu.memref_slice %dma_wait3A_127[%dma_wait3A_128, %dma_wait3A_129] : memref<10240x64xf32, #tpu.memory_space<hbm>> -> memref<10240x64xf32, #tpu.memory_space<hbm>>
      tpu.wait_indirect_dma semaphore(%arg12 : memref<!tpu.dma_semaphore, #tpu.memory_space<semaphore_mem>>) src(%dma_wait3A_130 : memref<10240x64xf32, #tpu.memory_space<hbm>>) dst(%dma_wait3A_120 : memref<512x64xf32, #tpu.memory_space<vmem>>)
      %dma_start3A_131 = arith.constant 1 : i32
      %dma_start3A_132 = arith.constant 0 : i32
      %dma_start3A_133 = arith.constant 0 : i32
      %dma_start3A_134 = tpu.memref_slice %arg10[%dma_start3A_131, %dma_start3A_132, %dma_start3A_133] : memref<2x512x64xf32, #tpu.memory_space<vmem>> -> memref<1x512x64xf32, #tpu.memory_space<vmem>>
      %dma_start3A_135 = tpu.memref_squeeze %dma_start3A_134 : memref<1x512x64xf32, #tpu.memory_space<vmem>> -> memref<512x64xf32, #tpu.memory_space<vmem>>
      %dma_start3A_136 = arith.constant 0 : i32
      %dma_start3A_137 = tpu.memref_slice %arg9[%add3A_102, %dma_start3A_136] : memref<20x512xi32, #tpu.memory_space<vmem>> -> memref<1x512xi32, #tpu.memory_space<vmem>>
      %dma_start3A_138 = tpu.memref_squeeze %dma_start3A_137 : memref<1x512xi32, #tpu.memory_space<vmem>> -> memref<512xi32, #tpu.memory_space<vmem>>
      %dma_start3A_139 = arith.constant 0 : i32
      %dma_start3A_140 = arith.constant 0 : i32
      %dma_start3A_141 = tpu.memref_slice %arg7[%dma_start3A_139, %dma_start3A_140] : memref<10240x64xf32, #tpu.memory_space<vmem_shared>> -> memref<10240x64xf32, #tpu.memory_space<vmem_shared>>
      tpu.enqueue_indirect_dma source(%dma_start3A_135 : memref<512x64xf32, #tpu.memory_space<vmem>>) target(%dma_start3A_141 : memref<10240x64xf32, #tpu.memory_space<vmem_shared>>) offsets(%dma_start3A_138 : memref<512xi32, #tpu.memory_space<vmem>>) semaphore(%arg14 : memref<!tpu.dma_semaphore, #tpu.memory_space<semaphore_mem>>) {add = true}
      %add3A_142 = arith.constant 2 : i32
      %add3A_143 = arith.addi %add3A_102, %add3A_142 : i32
      %lt3A_144 = arith.constant 20 : i32
      %lt3A_145 = arith.cmpi slt, %add3A_143, %lt3A_144 : i32
      %convert_element_type3A_146 = arith.extui %lt3A_145 : i1 to i32
      %cond3A_147 = arith.constant 0 : i32
      %cond3A_148 = arith.cmpi ne, %convert_element_type3A_146, %cond3A_147 : i32
      scf.if %cond3A_148 {
        %add3A_150 = arith.constant 2 : i32
        %add3A_151 = arith.addi %add3A_102, %add3A_150 : i32
        %dma_start3A_152 = arith.constant 1 : i32
        %dma_start3A_153 = arith.constant 0 : i32
        %dma_start3A_154 = tpu.memref_slice %arg8[%dma_start3A_152, %dma_start3A_153] : memref<2x512xi32, #tpu.memory_space<vmem>> -> memref<1x512xi32, #tpu.memory_space<vmem>>
        %dma_start3A_155 = tpu.memref_squeeze %dma_start3A_154 : memref<1x512xi32, #tpu.memory_space<vmem>> -> memref<512xi32, #tpu.memory_space<vmem>>
        %dma_start3A_156 = arith.constant 0 : i32
        %dma_start3A_157 = tpu.memref_slice %arg3[%add3A, %add3A_151, %dma_start3A_156] : memref<32x20x512xi32, #tpu.memory_space<hbm>> -> memref<1x1x512xi32, #tpu.memory_space<hbm>>
        %dma_start3A_158 = tpu.memref_squeeze %dma_start3A_157 : memref<1x1x512xi32, #tpu.memory_space<hbm>> -> memref<512xi32, #tpu.memory_space<hbm>>
        %dma_start3A_159 = arith.constant 0 : i32
        %dma_start3A_160 = tpu.memref_slice %arg8[%dma_start3A_152, %dma_start3A_159] : memref<2x512xi32, #tpu.memory_space<vmem>> -> memref<1x512xi32, #tpu.memory_space<vmem>>
        %dma_start3A_161 = tpu.memref_squeeze %dma_start3A_160 : memref<1x512xi32, #tpu.memory_space<vmem>> -> memref<512xi32, #tpu.memory_space<vmem>>
        %dma_start3A_162 = arith.constant 0 : i32
        %dma_start3A_163 = tpu.memref_slice %arg3[%add3A, %add3A_151, %dma_start3A_162] : memref<32x20x512xi32, #tpu.memory_space<hbm>> -> memref<1x1x512xi32, #tpu.memory_space<hbm>>
        %dma_start3A_164 = tpu.memref_squeeze %dma_start3A_163 : memref<1x1x512xi32, #tpu.memory_space<hbm>> -> memref<512xi32, #tpu.memory_space<hbm>>
        tpu.enqueue_dma source(%dma_start3A_164 : memref<512xi32, #tpu.memory_space<hbm>>) target(%dma_start3A_161 : memref<512xi32, #tpu.memory_space<vmem>>) target_semaphore(%arg16 : memref<!tpu.dma_semaphore, #tpu.memory_space<semaphore_mem>>)
      } else {
      }
      %scan3A_149 = arith.constant 0 : i32
      scf.yield %scan3A_149 : i32
    }
    %scan3A_38 = arith.constant 10 : i32
    %dma_wait3A = arith.constant 1 : i32
    %dma_wait3A_39 = arith.constant 19 : i32
    %dma_wait3A_40 = arith.constant 0 : i32
    %dma_wait3A_41 = arith.constant 0 : i32
    %dma_wait3A_42 = tpu.memref_slice %arg10[%dma_wait3A, %dma_wait3A_40, %dma_wait3A_41] : memref<2x512x64xf32, #tpu.memory_space<vmem>> -> memref<1x512x64xf32, #tpu.memory_space<vmem>>
    %dma_wait3A_43 = tpu.memref_squeeze %dma_wait3A_42 : memref<1x512x64xf32, #tpu.memory_space<vmem>> -> memref<512x64xf32, #tpu.memory_space<vmem>>
    %dma_wait3A_44 = arith.constant 0 : i32
    %dma_wait3A_45 = tpu.memref_slice %arg9[%dma_wait3A_39, %dma_wait3A_44] : memref<20x512xi32, #tpu.memory_space<vmem>> -> memref<1x512xi32, #tpu.memory_space<vmem>>
    %dma_wait3A_46 = tpu.memref_squeeze %dma_wait3A_45 : memref<1x512xi32, #tpu.memory_space<vmem>> -> memref<512xi32, #tpu.memory_space<vmem>>
    %dma_wait3A_47 = arith.constant 0 : i32
    %dma_wait3A_48 = arith.constant 0 : i32
    %dma_wait3A_49 = tpu.memref_slice %arg7[%dma_wait3A_47, %dma_wait3A_48] : memref<10240x64xf32, #tpu.memory_space<vmem_shared>> -> memref<10240x64xf32, #tpu.memory_space<vmem_shared>>
    tpu.wait_indirect_dma semaphore(%arg14 : memref<!tpu.dma_semaphore, #tpu.memory_space<semaphore_mem>>) src(%dma_wait3A_43 : memref<512x64xf32, #tpu.memory_space<vmem>>) dst(%dma_wait3A_49 : memref<10240x64xf32, #tpu.memory_space<vmem_shared>>)
    %barrier3A_50 = arith.constant 0 : index
    tpu.barrier barrier_id(%barrier3A_50)
    "tpu.region"() ({
      %run_scoped3A_51 = tpu.sem_alloc : memref<!tpu.dma_semaphore, #tpu.memory_space<semaphore_mem>>
      %dma_start3A_52 = arith.constant 0 : i32
      %dma_start3A_53 = tpu.memref_slice %arg6[%arg0, %mul3A_2, %dma_start3A_52] : memref<2x10240x64xf32, #tpu.memory_space<hbm>> -> memref<1x640x64xf32, #tpu.memory_space<hbm>>
      %dma_start3A_54 = tpu.memref_squeeze %dma_start3A_53 : memref<1x640x64xf32, #tpu.memory_space<hbm>> -> memref<640x64xf32, #tpu.memory_space<hbm>>
      %dma_start3A_55 = arith.constant 0 : i32
      %dma_start3A_56 = tpu.memref_slice %arg7[%mul3A_2, %dma_start3A_55] : memref<10240x64xf32, #tpu.memory_space<vmem_shared>> -> memref<640x64xf32, #tpu.memory_space<vmem_shared>>
      tpu.enqueue_dma source(%dma_start3A_56 : memref<640x64xf32, #tpu.memory_space<vmem_shared>>) target(%dma_start3A_54 : memref<640x64xf32, #tpu.memory_space<hbm>>) target_semaphore(%run_scoped3A_51 : memref<!tpu.dma_semaphore, #tpu.memory_space<semaphore_mem>>)
      %dma_wait3A_57 = arith.constant 0 : i32
      %dma_wait3A_58 = tpu.memref_slice %arg6[%arg0, %mul3A_2, %dma_wait3A_57] : memref<2x10240x64xf32, #tpu.memory_space<hbm>> -> memref<1x640x64xf32, #tpu.memory_space<hbm>>
      %dma_wait3A_59 = tpu.memref_squeeze %dma_wait3A_58 : memref<1x640x64xf32, #tpu.memory_space<hbm>> -> memref<640x64xf32, #tpu.memory_space<hbm>>
      %dma_wait3A_60 = arith.constant 0 : i32
      %dma_wait3A_61 = tpu.memref_slice %arg7[%mul3A_2, %dma_wait3A_60] : memref<10240x64xf32, #tpu.memory_space<vmem_shared>> -> memref<640x64xf32, #tpu.memory_space<vmem_shared>>
      tpu.wait_dma2 semaphore(%run_scoped3A_51 : memref<!tpu.dma_semaphore, #tpu.memory_space<semaphore_mem>>) src(%dma_wait3A_61 : memref<640x64xf32, #tpu.memory_space<vmem_shared>>) dst(%dma_wait3A_59 : memref<640x64xf32, #tpu.memory_space<hbm>>)
      tpu.yield
    }) : () -> ()
    return
  }
}

#map = affine_map<(d0, d1) -> (0, 0, 0)>
#map1 = affine_map<(d0, d1) -> (0, 0)>
module attributes {stable_mosaic.version = 14 : i64} {
  func.func @k(%arg0: i32, %arg1: i32, %arg2: memref<2x10240x64xf32, #tpu.memory_space<hbm>>, %arg3: memref<32x20x512xi32, #tpu.memory_space<hbm>>, %arg4: memref<32x20x512xi32, #tpu.memory_space<hbm>>, %arg5: memref<10240x64xf32, #tpu.memory_space<hbm>>, %arg6: memref<2x10240x64xf32, #tpu.memory_space<hbm>>, %arg7: memref<10240x64xf32, #tpu.memory_space<vmem_shared>>, %arg8: memref<2x512xi32, #tpu.memory_space<vmem>>, %arg9: memref<20x512xi32, #tpu.memory_space<vmem>>, %arg10: memref<2x512x64xf32, #tpu.memory_space<vmem>>, %arg11: memref<!tpu.dma_semaphore, #tpu.memory_space<semaphore_mem>>, %arg12: memref<!tpu.dma_semaphore, #tpu.memory_space<semaphore_mem>>, %arg13: memref<!tpu.dma_semaphore, #tpu.memory_space<semaphore_mem>>, %arg14: memref<!tpu.dma_semaphore, #tpu.memory_space<semaphore_mem>>, %arg15: memref<!tpu.dma_semaphore, #tpu.memory_space<semaphore_mem>>, %arg16: memref<!tpu.dma_semaphore, #tpu.memory_space<semaphore_mem>>) attributes {dimension_semantics = [#tpu.dimension_semantics<core_parallel>, #tpu.dimension_semantics<subcore_parallel>], iteration_bounds = array<i64: 2, 16>, scalar_prefetch = 0 : i64, scratch_operands = 10 : i64, tpu.core_type = #tpu.core_type<sc_vector_subcore>, window_params = [{transform_indices = #map}, {transform_indices = #map}, {transform_indices = #map}, {transform_indices = #map1}, {transform_indices = #map}]} {
    %mul3A = arith.constant 2 : i32
    %mul3A_0 = arith.muli %arg1, %mul3A : i32
    %add3A = arith.addi %mul3A_0, %arg0 : i32
    %mul3A_1 = arith.constant 640 : i32
    %mul3A_2 = arith.muli %arg1, %mul3A_1 : i32
    "tpu.region"() ({
      %run_scoped3A_51 = tpu.sem_alloc : memref<!tpu.dma_semaphore, #tpu.memory_space<semaphore_mem>>
      %dma_start3A_52 = arith.constant 0 : i32
      %dma_start3A_53 = tpu.memref_slice %arg7[%mul3A_2, %dma_start3A_52] : memref<10240x64xf32, #tpu.memory_space<vmem_shared>> -> memref<640x64xf32, #tpu.memory_space<vmem_shared>>
      %dma_start3A_54 = arith.constant 0 : i32
      %dma_start3A_55 = tpu.memref_slice %arg5[%mul3A_2, %dma_start3A_54] : memref<10240x64xf32, #tpu.memory_space<hbm>> -> memref<640x64xf32, #tpu.memory_space<hbm>>
      tpu.enqueue_dma source(%dma_start3A_55 : memref<640x64xf32, #tpu.memory_space<hbm>>) target(%dma_start3A_53 : memref<640x64xf32, #tpu.memory_space<vmem_shared>>) target_semaphore(%run_scoped3A_51 : memref<!tpu.dma_semaphore, #tpu.memory_space<semaphore_mem>>)
      %dma_wait3A_56 = arith.constant 0 : i32
      %dma_wait3A_57 = tpu.memref_slice %arg7[%mul3A_2, %dma_wait3A_56] : memref<10240x64xf32, #tpu.memory_space<vmem_shared>> -> memref<640x64xf32, #tpu.memory_space<vmem_shared>>
      %dma_wait3A_58 = arith.constant 0 : i32
      %dma_wait3A_59 = tpu.memref_slice %arg5[%mul3A_2, %dma_wait3A_58] : memref<10240x64xf32, #tpu.memory_space<hbm>> -> memref<640x64xf32, #tpu.memory_space<hbm>>
      tpu.wait_dma2 semaphore(%run_scoped3A_51 : memref<!tpu.dma_semaphore, #tpu.memory_space<semaphore_mem>>) src(%dma_wait3A_59 : memref<640x64xf32, #tpu.memory_space<hbm>>) dst(%dma_wait3A_57 : memref<640x64xf32, #tpu.memory_space<vmem_shared>>)
      tpu.yield
    }) : () -> ()
    "tpu.region"() ({
      %run_scoped3A_51 = tpu.sem_alloc : memref<!tpu.dma_semaphore, #tpu.memory_space<semaphore_mem>>
      %dma_start3A_52 = arith.constant 0 : i32
      %dma_start3A_53 = arith.constant 0 : i32
      %dma_start3A_54 = tpu.memref_slice %arg4[%add3A, %dma_start3A_52, %dma_start3A_53] : memref<32x20x512xi32, #tpu.memory_space<hbm>> -> memref<1x20x512xi32, #tpu.memory_space<hbm>>
      %dma_start3A_55 = tpu.memref_squeeze %dma_start3A_54 : memref<1x20x512xi32, #tpu.memory_space<hbm>> -> memref<20x512xi32, #tpu.memory_space<hbm>>
      %dma_start3A_56 = arith.constant 0 : i32
      %dma_start3A_57 = arith.constant 0 : i32
      %dma_start3A_58 = tpu.memref_slice %arg4[%add3A, %dma_start3A_56, %dma_start3A_57] : memref<32x20x512xi32, #tpu.memory_space<hbm>> -> memref<1x20x512xi32, #tpu.memory_space<hbm>>
      %dma_start3A_59 = tpu.memref_squeeze %dma_start3A_58 : memref<1x20x512xi32, #tpu.memory_space<hbm>> -> memref<20x512xi32, #tpu.memory_space<hbm>>
      tpu.enqueue_dma source(%dma_start3A_59 : memref<20x512xi32, #tpu.memory_space<hbm>>) target(%arg9 : memref<20x512xi32, #tpu.memory_space<vmem>>) target_semaphore(%run_scoped3A_51 : memref<!tpu.dma_semaphore, #tpu.memory_space<semaphore_mem>>)
      %dma_wait3A_60 = arith.constant 0 : i32
      %dma_wait3A_61 = arith.constant 0 : i32
      %dma_wait3A_62 = tpu.memref_slice %arg4[%add3A, %dma_wait3A_60, %dma_wait3A_61] : memref<32x20x512xi32, #tpu.memory_space<hbm>> -> memref<1x20x512xi32, #tpu.memory_space<hbm>>
      %dma_wait3A_63 = tpu.memref_squeeze %dma_wait3A_62 : memref<1x20x512xi32, #tpu.memory_space<hbm>> -> memref<20x512xi32, #tpu.memory_space<hbm>>
      %dma_wait3A_64 = arith.constant 0 : i32
      %dma_wait3A_65 = arith.constant 0 : i32
      %dma_wait3A_66 = tpu.memref_slice %arg4[%add3A, %dma_wait3A_64, %dma_wait3A_65] : memref<32x20x512xi32, #tpu.memory_space<hbm>> -> memref<1x20x512xi32, #tpu.memory_space<hbm>>
      %dma_wait3A_67 = tpu.memref_squeeze %dma_wait3A_66 : memref<1x20x512xi32, #tpu.memory_space<hbm>> -> memref<20x512xi32, #tpu.memory_space<hbm>>
      tpu.wait_dma2 semaphore(%run_scoped3A_51 : memref<!tpu.dma_semaphore, #tpu.memory_space<semaphore_mem>>) src(%dma_wait3A_67 : memref<20x512xi32, #tpu.memory_space<hbm>>) dst(%arg9 : memref<20x512xi32, #tpu.memory_space<vmem>>)
      tpu.yield
    }) : () -> ()
    %run_scoped3A = arith.constant 0 : i32
    %run_scoped3A_3 = arith.constant 0 : i32
    "tpu.region"() ({
      %run_scoped3A_51 = tpu.sem_alloc : memref<!tpu.dma_semaphore, #tpu.memory_space<semaphore_mem>>
      %dma_start3A_52 = arith.constant 0 : i32
      %dma_start3A_53 = tpu.memref_slice %arg8[%run_scoped3A_3, %dma_start3A_52] : memref<2x512xi32, #tpu.memory_space<vmem>> -> memref<1x512xi32, #tpu.memory_space<vmem>>
      %dma_start3A_54 = tpu.memref_squeeze %dma_start3A_53 : memref<1x512xi32, #tpu.memory_space<vmem>> -> memref<512xi32, #tpu.memory_space<vmem>>
      %dma_start3A_55 = arith.constant 0 : i32
      %dma_start3A_56 = tpu.memref_slice %arg3[%add3A, %run_scoped3A, %dma_start3A_55] : memref<32x20x512xi32, #tpu.memory_space<hbm>> -> memref<1x1x512xi32, #tpu.memory_space<hbm>>
      %dma_start3A_57 = tpu.memref_squeeze %dma_start3A_56 : memref<1x1x512xi32, #tpu.memory_space<hbm>> -> memref<512xi32, #tpu.memory_space<hbm>>
      %dma_start3A_58 = arith.constant 0 : i32
      %dma_start3A_59 = tpu.memref_slice %arg8[%run_scoped3A_3, %dma_start3A_58] : memref<2x512xi32, #tpu.memory_space<vmem>> -> memref<1x512xi32, #tpu.memory_space<vmem>>
      %dma_start3A_60 = tpu.memref_squeeze %dma_start3A_59 : memref<1x512xi32, #tpu.memory_space<vmem>> -> memref<512xi32, #tpu.memory_space<vmem>>
      %dma_start3A_61 = arith.constant 0 : i32
      %dma_start3A_62 = tpu.memref_slice %arg3[%add3A, %run_scoped3A, %dma_start3A_61] : memref<32x20x512xi32, #tpu.memory_space<hbm>> -> memref<1x1x512xi32, #tpu.memory_space<hbm>>
      %dma_start3A_63 = tpu.memref_squeeze %dma_start3A_62 : memref<1x1x512xi32, #tpu.memory_space<hbm>> -> memref<512xi32, #tpu.memory_space<hbm>>
      tpu.enqueue_dma source(%dma_start3A_63 : memref<512xi32, #tpu.memory_space<hbm>>) target(%dma_start3A_60 : memref<512xi32, #tpu.memory_space<vmem>>) target_semaphore(%run_scoped3A_51 : memref<!tpu.dma_semaphore, #tpu.memory_space<semaphore_mem>>)
      %dma_wait3A_64 = arith.constant 0 : i32
      %dma_wait3A_65 = tpu.memref_slice %arg8[%run_scoped3A_3, %dma_wait3A_64] : memref<2x512xi32, #tpu.memory_space<vmem>> -> memref<1x512xi32, #tpu.memory_space<vmem>>
      %dma_wait3A_66 = tpu.memref_squeeze %dma_wait3A_65 : memref<1x512xi32, #tpu.memory_space<vmem>> -> memref<512xi32, #tpu.memory_space<vmem>>
      %dma_wait3A_67 = arith.constant 0 : i32
      %dma_wait3A_68 = tpu.memref_slice %arg3[%add3A, %run_scoped3A, %dma_wait3A_67] : memref<32x20x512xi32, #tpu.memory_space<hbm>> -> memref<1x1x512xi32, #tpu.memory_space<hbm>>
      %dma_wait3A_69 = tpu.memref_squeeze %dma_wait3A_68 : memref<1x1x512xi32, #tpu.memory_space<hbm>> -> memref<512xi32, #tpu.memory_space<hbm>>
      %dma_wait3A_70 = arith.constant 0 : i32
      %dma_wait3A_71 = tpu.memref_slice %arg8[%run_scoped3A_3, %dma_wait3A_70] : memref<2x512xi32, #tpu.memory_space<vmem>> -> memref<1x512xi32, #tpu.memory_space<vmem>>
      %dma_wait3A_72 = tpu.memref_squeeze %dma_wait3A_71 : memref<1x512xi32, #tpu.memory_space<vmem>> -> memref<512xi32, #tpu.memory_space<vmem>>
      %dma_wait3A_73 = arith.constant 0 : i32
      %dma_wait3A_74 = tpu.memref_slice %arg3[%add3A, %run_scoped3A, %dma_wait3A_73] : memref<32x20x512xi32, #tpu.memory_space<hbm>> -> memref<1x1x512xi32, #tpu.memory_space<hbm>>
      %dma_wait3A_75 = tpu.memref_squeeze %dma_wait3A_74 : memref<1x1x512xi32, #tpu.memory_space<hbm>> -> memref<512xi32, #tpu.memory_space<hbm>>
      tpu.wait_dma2 semaphore(%run_scoped3A_51 : memref<!tpu.dma_semaphore, #tpu.memory_space<semaphore_mem>>) src(%dma_wait3A_75 : memref<512xi32, #tpu.memory_space<hbm>>) dst(%dma_wait3A_72 : memref<512xi32, #tpu.memory_space<vmem>>)
      tpu.yield
    }) : () -> ()
    %barrier3A = arith.constant 0 : index
    tpu.barrier barrier_id(%barrier3A)
    %dma_start3A = arith.constant 0 : i32
    %dma_start3A_4 = arith.constant 0 : i32
    %dma_start3A_5 = arith.constant 0 : i32
    %dma_start3A_6 = arith.constant 0 : i32
    %dma_start3A_7 = tpu.memref_slice %arg10[%dma_start3A_4, %dma_start3A_5, %dma_start3A_6] : memref<2x512x64xf32, #tpu.memory_space<vmem>> -> memref<1x512x64xf32, #tpu.memory_space<vmem>>
    %dma_start3A_8 = tpu.memref_squeeze %dma_start3A_7 : memref<1x512x64xf32, #tpu.memory_space<vmem>> -> memref<512x64xf32, #tpu.memory_space<vmem>>
    %dma_start3A_9 = arith.constant 0 : i32
    %dma_start3A_10 = tpu.memref_slice %arg8[%dma_start3A, %dma_start3A_9] : memref<2x512xi32, #tpu.memory_space<vmem>> -> memref<1x512xi32, #tpu.memory_space<vmem>>
    %dma_start3A_11 = tpu.memref_squeeze %dma_start3A_10 : memref<1x512xi32, #tpu.memory_space<vmem>> -> memref<512xi32, #tpu.memory_space<vmem>>
    %dma_start3A_12 = arith.constant 0 : i32
    %dma_start3A_13 = arith.constant 0 : i32
    %dma_start3A_14 = tpu.memref_slice %arg2[%arg0, %dma_start3A_12, %dma_start3A_13] : memref<2x10240x64xf32, #tpu.memory_space<hbm>> -> memref<1x10240x64xf32, #tpu.memory_space<hbm>>
    %dma_start3A_15 = tpu.memref_squeeze %dma_start3A_14 : memref<1x10240x64xf32, #tpu.memory_space<hbm>> -> memref<10240x64xf32, #tpu.memory_space<hbm>>
    %dma_start3A_16 = arith.constant 0 : i32
    %dma_start3A_17 = arith.constant 0 : i32
    %dma_start3A_18 = tpu.memref_slice %dma_start3A_15[%dma_start3A_16, %dma_start3A_17] : memref<10240x64xf32, #tpu.memory_space<hbm>> -> memref<10240x64xf32, #tpu.memory_space<hbm>>
    tpu.enqueue_indirect_dma source(%dma_start3A_18 : memref<10240x64xf32, #tpu.memory_space<hbm>>) target(%dma_start3A_8 : memref<512x64xf32, #tpu.memory_space<vmem>>) offsets(%dma_start3A_11 : memref<512xi32, #tpu.memory_space<vmem>>) semaphore(%arg11 : memref<!tpu.dma_semaphore, #tpu.memory_space<semaphore_mem>>)
    %dma_start3A_19 = arith.constant 1 : i32
    %dma_start3A_20 = arith.constant 1 : i32
    %dma_start3A_21 = arith.constant 0 : i32
    %dma_start3A_22 = tpu.memref_slice %arg8[%dma_start3A_20, %dma_start3A_21] : memref<2x512xi32, #tpu.memory_space<vmem>> -> memref<1x512xi32, #tpu.memory_space<vmem>>
    %dma_start3A_23 = tpu.memref_squeeze %dma_start3A_22 : memref<1x512xi32, #tpu.memory_space<vmem>> -> memref<512xi32, #tpu.memory_space<vmem>>
    %dma_start3A_24 = arith.constant 0 : i32
    %dma_start3A_25 = tpu.memref_slice %arg3[%add3A, %dma_start3A_19, %dma_start3A_24] : memref<32x20x512xi32, #tpu.memory_space<hbm>> -> memref<1x1x512xi32, #tpu.memory_space<hbm>>
    %dma_start3A_26 = tpu.memref_squeeze %dma_start3A_25 : memref<1x1x512xi32, #tpu.memory_space<hbm>> -> memref<512xi32, #tpu.memory_space<hbm>>
    %dma_start3A_27 = arith.constant 0 : i32
    %dma_start3A_28 = tpu.memref_slice %arg8[%dma_start3A_20, %dma_start3A_27] : memref<2x512xi32, #tpu.memory_space<vmem>> -> memref<1x512xi32, #tpu.memory_space<vmem>>
    %dma_start3A_29 = tpu.memref_squeeze %dma_start3A_28 : memref<1x512xi32, #tpu.memory_space<vmem>> -> memref<512xi32, #tpu.memory_space<vmem>>
    %dma_start3A_30 = arith.constant 0 : i32
    %dma_start3A_31 = tpu.memref_slice %arg3[%add3A, %dma_start3A_19, %dma_start3A_30] : memref<32x20x512xi32, #tpu.memory_space<hbm>> -> memref<1x1x512xi32, #tpu.memory_space<hbm>>
    %dma_start3A_32 = tpu.memref_squeeze %dma_start3A_31 : memref<1x1x512xi32, #tpu.memory_space<hbm>> -> memref<512xi32, #tpu.memory_space<hbm>>
    tpu.enqueue_dma source(%dma_start3A_32 : memref<512xi32, #tpu.memory_space<hbm>>) target(%dma_start3A_29 : memref<512xi32, #tpu.memory_space<vmem>>) target_semaphore(%arg16 : memref<!tpu.dma_semaphore, #tpu.memory_space<semaphore_mem>>)
    %scan3A = arith.constant 0 : i32
    %scan3A_33 = arith.constant 0 : i32
    %scan3A_34 = arith.constant 10 : i32
    %scan3A_35 = arith.addi %scan3A_33, %scan3A_34 : i32
    %scan3A_36 = arith.constant 1 : i32
    %scan3A_37 = scf.for %scan3A_51 = %scan3A_33 to %scan3A_35 step %scan3A_36 iter_args(%scan3A_52 = %scan3A) -> (i32)  : i32 {
      %mul3A_53 = arith.constant 2 : i32
      %mul3A_54 = arith.muli %scan3A_51, %mul3A_53 : i32
      %add3A_55 = arith.constant 0 : i32
      %add3A_56 = arith.addi %mul3A_54, %add3A_55 : i32
      %ge3A = arith.constant 1 : i32
      %ge3A_57 = arith.cmpi sge, %add3A_56, %ge3A : i32
      %convert_element_type3A = arith.extui %ge3A_57 : i1 to i32
      %cond3A = arith.constant 0 : i32
      %cond3A_58 = arith.cmpi ne, %convert_element_type3A, %cond3A : i32
      scf.if %cond3A_58 {
        %sub3A = arith.constant 1 : i32
        %sub3A_150 = arith.subi %add3A_56, %sub3A : i32
        %dma_wait3A_151 = arith.constant 1 : i32
        %dma_wait3A_152 = arith.constant 0 : i32
        %dma_wait3A_153 = arith.constant 0 : i32
        %dma_wait3A_154 = tpu.memref_slice %arg10[%dma_wait3A_151, %dma_wait3A_152, %dma_wait3A_153] : memref<2x512x64xf32, #tpu.memory_space<vmem>> -> memref<1x512x64xf32, #tpu.memory_space<vmem>>
        %dma_wait3A_155 = tpu.memref_squeeze %dma_wait3A_154 : memref<1x512x64xf32, #tpu.memory_space<vmem>> -> memref<512x64xf32, #tpu.memory_space<vmem>>
        %dma_wait3A_156 = arith.constant 0 : i32
        %dma_wait3A_157 = tpu.memref_slice %arg9[%sub3A_150, %dma_wait3A_156] : memref<20x512xi32, #tpu.memory_space<vmem>> -> memref<1x512xi32, #tpu.memory_space<vmem>>
        %dma_wait3A_158 = tpu.memref_squeeze %dma_wait3A_157 : memref<1x512xi32, #tpu.memory_space<vmem>> -> memref<512xi32, #tpu.memory_space<vmem>>
        %dma_wait3A_159 = arith.constant 0 : i32
        %dma_wait3A_160 = arith.constant 0 : i32
        %dma_wait3A_161 = tpu.memref_slice %arg7[%dma_wait3A_159, %dma_wait3A_160] : memref<10240x64xf32, #tpu.memory_space<vmem_shared>> -> memref<10240x64xf32, #tpu.memory_space<vmem_shared>>
        tpu.wait_indirect_dma semaphore(%arg14 : memref<!tpu.dma_semaphore, #tpu.memory_space<semaphore_mem>>) src(%dma_wait3A_155 : memref<512x64xf32, #tpu.memory_space<vmem>>) dst(%dma_wait3A_161 : memref<10240x64xf32, #tpu.memory_space<vmem_shared>>)
      } else {
      }
      %add3A_59 = arith.constant 1 : i32
      %add3A_60 = arith.addi %add3A_56, %add3A_59 : i32
      %lt3A = arith.constant 20 : i32
      %lt3A_61 = arith.cmpi slt, %add3A_60, %lt3A : i32
      %convert_element_type3A_62 = arith.extui %lt3A_61 : i1 to i32
      %cond3A_63 = arith.constant 0 : i32
      %cond3A_64 = arith.cmpi ne, %convert_element_type3A_62, %cond3A_63 : i32
      scf.if %cond3A_64 {
        %add3A_150 = arith.constant 1 : i32
        %add3A_151 = arith.addi %add3A_56, %add3A_150 : i32
        %dma_wait3A_152 = arith.constant 1 : i32
        %dma_wait3A_153 = arith.constant 0 : i32
        %dma_wait3A_154 = tpu.memref_slice %arg8[%dma_wait3A_152, %dma_wait3A_153] : memref<2x512xi32, #tpu.memory_space<vmem>> -> memref<1x512xi32, #tpu.memory_space<vmem>>
        %dma_wait3A_155 = tpu.memref_squeeze %dma_wait3A_154 : memref<1x512xi32, #tpu.memory_space<vmem>> -> memref<512xi32, #tpu.memory_space<vmem>>
        %dma_wait3A_156 = arith.constant 0 : i32
        %dma_wait3A_157 = tpu.memref_slice %arg3[%add3A, %add3A_151, %dma_wait3A_156] : memref<32x20x512xi32, #tpu.memory_space<hbm>> -> memref<1x1x512xi32, #tpu.memory_space<hbm>>
        %dma_wait3A_158 = tpu.memref_squeeze %dma_wait3A_157 : memref<1x1x512xi32, #tpu.memory_space<hbm>> -> memref<512xi32, #tpu.memory_space<hbm>>
        %dma_wait3A_159 = arith.constant 0 : i32
        %dma_wait3A_160 = tpu.memref_slice %arg8[%dma_wait3A_152, %dma_wait3A_159] : memref<2x512xi32, #tpu.memory_space<vmem>> -> memref<1x512xi32, #tpu.memory_space<vmem>>
        %dma_wait3A_161 = tpu.memref_squeeze %dma_wait3A_160 : memref<1x512xi32, #tpu.memory_space<vmem>> -> memref<512xi32, #tpu.memory_space<vmem>>
        %dma_wait3A_162 = arith.constant 0 : i32
        %dma_wait3A_163 = tpu.memref_slice %arg3[%add3A, %add3A_151, %dma_wait3A_162] : memref<32x20x512xi32, #tpu.memory_space<hbm>> -> memref<1x1x512xi32, #tpu.memory_space<hbm>>
        %dma_wait3A_164 = tpu.memref_squeeze %dma_wait3A_163 : memref<1x1x512xi32, #tpu.memory_space<hbm>> -> memref<512xi32, #tpu.memory_space<hbm>>
        tpu.wait_dma2 semaphore(%arg16 : memref<!tpu.dma_semaphore, #tpu.memory_space<semaphore_mem>>) src(%dma_wait3A_164 : memref<512xi32, #tpu.memory_space<hbm>>) dst(%dma_wait3A_161 : memref<512xi32, #tpu.memory_space<vmem>>)
        %dma_start3A_165 = arith.constant 1 : i32
        %dma_start3A_166 = arith.constant 1 : i32
        %dma_start3A_167 = arith.constant 0 : i32
        %dma_start3A_168 = arith.constant 0 : i32
        %dma_start3A_169 = tpu.memref_slice %arg10[%dma_start3A_166, %dma_start3A_167, %dma_start3A_168] : memref<2x512x64xf32, #tpu.memory_space<vmem>> -> memref<1x512x64xf32, #tpu.memory_space<vmem>>
        %dma_start3A_170 = tpu.memref_squeeze %dma_start3A_169 : memref<1x512x64xf32, #tpu.memory_space<vmem>> -> memref<512x64xf32, #tpu.memory_space<vmem>>
        %dma_start3A_171 = arith.constant 0 : i32
        %dma_start3A_172 = tpu.memref_slice %arg8[%dma_start3A_165, %dma_start3A_171] : memref<2x512xi32, #tpu.memory_space<vmem>> -> memref<1x512xi32, #tpu.memory_space<vmem>>
        %dma_start3A_173 = tpu.memref_squeeze %dma_start3A_172 : memref<1x512xi32, #tpu.memory_space<vmem>> -> memref<512xi32, #tpu.memory_space<vmem>>
        %dma_start3A_174 = arith.constant 0 : i32
        %dma_start3A_175 = arith.constant 0 : i32
        %dma_start3A_176 = tpu.memref_slice %arg2[%arg0, %dma_start3A_174, %dma_start3A_175] : memref<2x10240x64xf32, #tpu.memory_space<hbm>> -> memref<1x10240x64xf32, #tpu.memory_space<hbm>>
        %dma_start3A_177 = tpu.memref_squeeze %dma_start3A_176 : memref<1x10240x64xf32, #tpu.memory_space<hbm>> -> memref<10240x64xf32, #tpu.memory_space<hbm>>
        %dma_start3A_178 = arith.constant 0 : i32
        %dma_start3A_179 = arith.constant 0 : i32
        %dma_start3A_180 = tpu.memref_slice %dma_start3A_177[%dma_start3A_178, %dma_start3A_179] : memref<10240x64xf32, #tpu.memory_space<hbm>> -> memref<10240x64xf32, #tpu.memory_space<hbm>>
        tpu.enqueue_indirect_dma source(%dma_start3A_180 : memref<10240x64xf32, #tpu.memory_space<hbm>>) target(%dma_start3A_170 : memref<512x64xf32, #tpu.memory_space<vmem>>) offsets(%dma_start3A_173 : memref<512xi32, #tpu.memory_space<vmem>>) semaphore(%arg12 : memref<!tpu.dma_semaphore, #tpu.memory_space<semaphore_mem>>)
      } else {
      }
      %dma_wait3A_65 = arith.constant 0 : i32
      %dma_wait3A_66 = arith.constant 0 : i32
      %dma_wait3A_67 = arith.constant 0 : i32
      %dma_wait3A_68 = arith.constant 0 : i32
      %dma_wait3A_69 = tpu.memref_slice %arg10[%dma_wait3A_66, %dma_wait3A_67, %dma_wait3A_68] : memref<2x512x64xf32, #tpu.memory_space<vmem>> -> memref<1x512x64xf32, #tpu.memory_space<vmem>>
      %dma_wait3A_70 = tpu.memref_squeeze %dma_wait3A_69 : memref<1x512x64xf32, #tpu.memory_space<vmem>> -> memref<512x64xf32, #tpu.memory_space<vmem>>
      %dma_wait3A_71 = arith.constant 0 : i32
      %dma_wait3A_72 = tpu.memref_slice %arg8[%dma_wait3A_65, %dma_wait3A_71] : memref<2x512xi32, #tpu.memory_space<vmem>> -> memref<1x512xi32, #tpu.memory_space<vmem>>
      %dma_wait3A_73 = tpu.memref_squeeze %dma_wait3A_72 : memref<1x512xi32, #tpu.memory_space<vmem>> -> memref<512xi32, #tpu.memory_space<vmem>>
      %dma_wait3A_74 = arith.constant 0 : i32
      %dma_wait3A_75 = arith.constant 0 : i32
      %dma_wait3A_76 = tpu.memref_slice %arg2[%arg0, %dma_wait3A_74, %dma_wait3A_75] : memref<2x10240x64xf32, #tpu.memory_space<hbm>> -> memref<1x10240x64xf32, #tpu.memory_space<hbm>>
      %dma_wait3A_77 = tpu.memref_squeeze %dma_wait3A_76 : memref<1x10240x64xf32, #tpu.memory_space<hbm>> -> memref<10240x64xf32, #tpu.memory_space<hbm>>
      %dma_wait3A_78 = arith.constant 0 : i32
      %dma_wait3A_79 = arith.constant 0 : i32
      %dma_wait3A_80 = tpu.memref_slice %dma_wait3A_77[%dma_wait3A_78, %dma_wait3A_79] : memref<10240x64xf32, #tpu.memory_space<hbm>> -> memref<10240x64xf32, #tpu.memory_space<hbm>>
      tpu.wait_indirect_dma semaphore(%arg11 : memref<!tpu.dma_semaphore, #tpu.memory_space<semaphore_mem>>) src(%dma_wait3A_80 : memref<10240x64xf32, #tpu.memory_space<hbm>>) dst(%dma_wait3A_70 : memref<512x64xf32, #tpu.memory_space<vmem>>)
      %dma_start3A_81 = arith.constant 0 : i32
      %dma_start3A_82 = arith.constant 0 : i32
      %dma_start3A_83 = arith.constant 0 : i32
      %dma_start3A_84 = tpu.memref_slice %arg10[%dma_start3A_81, %dma_start3A_82, %dma_start3A_83] : memref<2x512x64xf32, #tpu.memory_space<vmem>> -> memref<1x512x64xf32, #tpu.memory_space<vmem>>
      %dma_start3A_85 = tpu.memref_squeeze %dma_start3A_84 : memref<1x512x64xf32, #tpu.memory_space<vmem>> -> memref<512x64xf32, #tpu.memory_space<vmem>>
      %dma_start3A_86 = arith.constant 0 : i32
      %dma_start3A_87 = tpu.memref_slice %arg9[%add3A_56, %dma_start3A_86] : memref<20x512xi32, #tpu.memory_space<vmem>> -> memref<1x512xi32, #tpu.memory_space<vmem>>
      %dma_start3A_88 = tpu.memref_squeeze %dma_start3A_87 : memref<1x512xi32, #tpu.memory_space<vmem>> -> memref<512xi32, #tpu.memory_space<vmem>>
      %dma_start3A_89 = arith.constant 0 : i32
      %dma_start3A_90 = arith.constant 0 : i32
      %dma_start3A_91 = tpu.memref_slice %arg7[%dma_start3A_89, %dma_start3A_90] : memref<10240x64xf32, #tpu.memory_space<vmem_shared>> -> memref<10240x64xf32, #tpu.memory_space<vmem_shared>>
      tpu.enqueue_indirect_dma source(%dma_start3A_85 : memref<512x64xf32, #tpu.memory_space<vmem>>) target(%dma_start3A_91 : memref<10240x64xf32, #tpu.memory_space<vmem_shared>>) offsets(%dma_start3A_88 : memref<512xi32, #tpu.memory_space<vmem>>) semaphore(%arg13 : memref<!tpu.dma_semaphore, #tpu.memory_space<semaphore_mem>>) {add = true}
      %add3A_92 = arith.constant 2 : i32
      %add3A_93 = arith.addi %add3A_56, %add3A_92 : i32
      %lt3A_94 = arith.constant 20 : i32
      %lt3A_95 = arith.cmpi slt, %add3A_93, %lt3A_94 : i32
      %convert_element_type3A_96 = arith.extui %lt3A_95 : i1 to i32
      %cond3A_97 = arith.constant 0 : i32
      %cond3A_98 = arith.cmpi ne, %convert_element_type3A_96, %cond3A_97 : i32
      scf.if %cond3A_98 {
        %add3A_150 = arith.constant 2 : i32
        %add3A_151 = arith.addi %add3A_56, %add3A_150 : i32
        %dma_start3A_152 = arith.constant 0 : i32
        %dma_start3A_153 = arith.constant 0 : i32
        %dma_start3A_154 = tpu.memref_slice %arg8[%dma_start3A_152, %dma_start3A_153] : memref<2x512xi32, #tpu.memory_space<vmem>> -> memref<1x512xi32, #tpu.memory_space<vmem>>
        %dma_start3A_155 = tpu.memref_squeeze %dma_start3A_154 : memref<1x512xi32, #tpu.memory_space<vmem>> -> memref<512xi32, #tpu.memory_space<vmem>>
        %dma_start3A_156 = arith.constant 0 : i32
        %dma_start3A_157 = tpu.memref_slice %arg3[%add3A, %add3A_151, %dma_start3A_156] : memref<32x20x512xi32, #tpu.memory_space<hbm>> -> memref<1x1x512xi32, #tpu.memory_space<hbm>>
        %dma_start3A_158 = tpu.memref_squeeze %dma_start3A_157 : memref<1x1x512xi32, #tpu.memory_space<hbm>> -> memref<512xi32, #tpu.memory_space<hbm>>
        %dma_start3A_159 = arith.constant 0 : i32
        %dma_start3A_160 = tpu.memref_slice %arg8[%dma_start3A_152, %dma_start3A_159] : memref<2x512xi32, #tpu.memory_space<vmem>> -> memref<1x512xi32, #tpu.memory_space<vmem>>
        %dma_start3A_161 = tpu.memref_squeeze %dma_start3A_160 : memref<1x512xi32, #tpu.memory_space<vmem>> -> memref<512xi32, #tpu.memory_space<vmem>>
        %dma_start3A_162 = arith.constant 0 : i32
        %dma_start3A_163 = tpu.memref_slice %arg3[%add3A, %add3A_151, %dma_start3A_162] : memref<32x20x512xi32, #tpu.memory_space<hbm>> -> memref<1x1x512xi32, #tpu.memory_space<hbm>>
        %dma_start3A_164 = tpu.memref_squeeze %dma_start3A_163 : memref<1x1x512xi32, #tpu.memory_space<hbm>> -> memref<512xi32, #tpu.memory_space<hbm>>
        tpu.enqueue_dma source(%dma_start3A_164 : memref<512xi32, #tpu.memory_space<hbm>>) target(%dma_start3A_161 : memref<512xi32, #tpu.memory_space<vmem>>) target_semaphore(%arg15 : memref<!tpu.dma_semaphore, #tpu.memory_space<semaphore_mem>>)
      } else {
      }
      %mul3A_99 = arith.constant 2 : i32
      %mul3A_100 = arith.muli %scan3A_51, %mul3A_99 : i32
      %add3A_101 = arith.constant 1 : i32
      %add3A_102 = arith.addi %mul3A_100, %add3A_101 : i32
      %ge3A_103 = arith.constant 1 : i32
      %ge3A_104 = arith.cmpi sge, %add3A_102, %ge3A_103 : i32
      %convert_element_type3A_105 = arith.extui %ge3A_104 : i1 to i32
      %cond3A_106 = arith.constant 0 : i32
      %cond3A_107 = arith.cmpi ne, %convert_element_type3A_105, %cond3A_106 : i32
      scf.if %cond3A_107 {
        %sub3A = arith.constant 1 : i32
        %sub3A_150 = arith.subi %add3A_102, %sub3A : i32
        %dma_wait3A_151 = arith.constant 0 : i32
        %dma_wait3A_152 = arith.constant 0 : i32
        %dma_wait3A_153 = arith.constant 0 : i32
        %dma_wait3A_154 = tpu.memref_slice %arg10[%dma_wait3A_151, %dma_wait3A_152, %dma_wait3A_153] : memref<2x512x64xf32, #tpu.memory_space<vmem>> -> memref<1x512x64xf32, #tpu.memory_space<vmem>>
        %dma_wait3A_155 = tpu.memref_squeeze %dma_wait3A_154 : memref<1x512x64xf32, #tpu.memory_space<vmem>> -> memref<512x64xf32, #tpu.memory_space<vmem>>
        %dma_wait3A_156 = arith.constant 0 : i32
        %dma_wait3A_157 = tpu.memref_slice %arg9[%sub3A_150, %dma_wait3A_156] : memref<20x512xi32, #tpu.memory_space<vmem>> -> memref<1x512xi32, #tpu.memory_space<vmem>>
        %dma_wait3A_158 = tpu.memref_squeeze %dma_wait3A_157 : memref<1x512xi32, #tpu.memory_space<vmem>> -> memref<512xi32, #tpu.memory_space<vmem>>
        %dma_wait3A_159 = arith.constant 0 : i32
        %dma_wait3A_160 = arith.constant 0 : i32
        %dma_wait3A_161 = tpu.memref_slice %arg7[%dma_wait3A_159, %dma_wait3A_160] : memref<10240x64xf32, #tpu.memory_space<vmem_shared>> -> memref<10240x64xf32, #tpu.memory_space<vmem_shared>>
        tpu.wait_indirect_dma semaphore(%arg13 : memref<!tpu.dma_semaphore, #tpu.memory_space<semaphore_mem>>) src(%dma_wait3A_155 : memref<512x64xf32, #tpu.memory_space<vmem>>) dst(%dma_wait3A_161 : memref<10240x64xf32, #tpu.memory_space<vmem_shared>>)
      } else {
      }
      %add3A_108 = arith.constant 1 : i32
      %add3A_109 = arith.addi %add3A_102, %add3A_108 : i32
      %lt3A_110 = arith.constant 20 : i32
      %lt3A_111 = arith.cmpi slt, %add3A_109, %lt3A_110 : i32
      %convert_element_type3A_112 = arith.extui %lt3A_111 : i1 to i32
      %cond3A_113 = arith.constant 0 : i32
      %cond3A_114 = arith.cmpi ne, %convert_element_type3A_112, %cond3A_113 : i32
      scf.if %cond3A_114 {
        %add3A_150 = arith.constant 1 : i32
        %add3A_151 = arith.addi %add3A_102, %add3A_150 : i32
        %dma_wait3A_152 = arith.constant 0 : i32
        %dma_wait3A_153 = arith.constant 0 : i32
        %dma_wait3A_154 = tpu.memref_slice %arg8[%dma_wait3A_152, %dma_wait3A_153] : memref<2x512xi32, #tpu.memory_space<vmem>> -> memref<1x512xi32, #tpu.memory_space<vmem>>
        %dma_wait3A_155 = tpu.memref_squeeze %dma_wait3A_154 : memref<1x512xi32, #tpu.memory_space<vmem>> -> memref<512xi32, #tpu.memory_space<vmem>>
        %dma_wait3A_156 = arith.constant 0 : i32
        %dma_wait3A_157 = tpu.memref_slice %arg3[%add3A, %add3A_151, %dma_wait3A_156] : memref<32x20x512xi32, #tpu.memory_space<hbm>> -> memref<1x1x512xi32, #tpu.memory_space<hbm>>
        %dma_wait3A_158 = tpu.memref_squeeze %dma_wait3A_157 : memref<1x1x512xi32, #tpu.memory_space<hbm>> -> memref<512xi32, #tpu.memory_space<hbm>>
        %dma_wait3A_159 = arith.constant 0 : i32
        %dma_wait3A_160 = tpu.memref_slice %arg8[%dma_wait3A_152, %dma_wait3A_159] : memref<2x512xi32, #tpu.memory_space<vmem>> -> memref<1x512xi32, #tpu.memory_space<vmem>>
        %dma_wait3A_161 = tpu.memref_squeeze %dma_wait3A_160 : memref<1x512xi32, #tpu.memory_space<vmem>> -> memref<512xi32, #tpu.memory_space<vmem>>
        %dma_wait3A_162 = arith.constant 0 : i32
        %dma_wait3A_163 = tpu.memref_slice %arg3[%add3A, %add3A_151, %dma_wait3A_162] : memref<32x20x512xi32, #tpu.memory_space<hbm>> -> memref<1x1x512xi32, #tpu.memory_space<hbm>>
        %dma_wait3A_164 = tpu.memref_squeeze %dma_wait3A_163 : memref<1x1x512xi32, #tpu.memory_space<hbm>> -> memref<512xi32, #tpu.memory_space<hbm>>
        tpu.wait_dma2 semaphore(%arg15 : memref<!tpu.dma_semaphore, #tpu.memory_space<semaphore_mem>>) src(%dma_wait3A_164 : memref<512xi32, #tpu.memory_space<hbm>>) dst(%dma_wait3A_161 : memref<512xi32, #tpu.memory_space<vmem>>)
        %dma_start3A_165 = arith.constant 0 : i32
        %dma_start3A_166 = arith.constant 0 : i32
        %dma_start3A_167 = arith.constant 0 : i32
        %dma_start3A_168 = arith.constant 0 : i32
        %dma_start3A_169 = tpu.memref_slice %arg10[%dma_start3A_166, %dma_start3A_167, %dma_start3A_168] : memref<2x512x64xf32, #tpu.memory_space<vmem>> -> memref<1x512x64xf32, #tpu.memory_space<vmem>>
        %dma_start3A_170 = tpu.memref_squeeze %dma_start3A_169 : memref<1x512x64xf32, #tpu.memory_space<vmem>> -> memref<512x64xf32, #tpu.memory_space<vmem>>
        %dma_start3A_171 = arith.constant 0 : i32
        %dma_start3A_172 = tpu.memref_slice %arg8[%dma_start3A_165, %dma_start3A_171] : memref<2x512xi32, #tpu.memory_space<vmem>> -> memref<1x512xi32, #tpu.memory_space<vmem>>
        %dma_start3A_173 = tpu.memref_squeeze %dma_start3A_172 : memref<1x512xi32, #tpu.memory_space<vmem>> -> memref<512xi32, #tpu.memory_space<vmem>>
        %dma_start3A_174 = arith.constant 0 : i32
        %dma_start3A_175 = arith.constant 0 : i32
        %dma_start3A_176 = tpu.memref_slice %arg2[%arg0, %dma_start3A_174, %dma_start3A_175] : memref<2x10240x64xf32, #tpu.memory_space<hbm>> -> memref<1x10240x64xf32, #tpu.memory_space<hbm>>
        %dma_start3A_177 = tpu.memref_squeeze %dma_start3A_176 : memref<1x10240x64xf32, #tpu.memory_space<hbm>> -> memref<10240x64xf32, #tpu.memory_space<hbm>>
        %dma_start3A_178 = arith.constant 0 : i32
        %dma_start3A_179 = arith.constant 0 : i32
        %dma_start3A_180 = tpu.memref_slice %dma_start3A_177[%dma_start3A_178, %dma_start3A_179] : memref<10240x64xf32, #tpu.memory_space<hbm>> -> memref<10240x64xf32, #tpu.memory_space<hbm>>
        tpu.enqueue_indirect_dma source(%dma_start3A_180 : memref<10240x64xf32, #tpu.memory_space<hbm>>) target(%dma_start3A_170 : memref<512x64xf32, #tpu.memory_space<vmem>>) offsets(%dma_start3A_173 : memref<512xi32, #tpu.memory_space<vmem>>) semaphore(%arg11 : memref<!tpu.dma_semaphore, #tpu.memory_space<semaphore_mem>>)
      } else {
      }
      %dma_wait3A_115 = arith.constant 1 : i32
      %dma_wait3A_116 = arith.constant 1 : i32
      %dma_wait3A_117 = arith.constant 0 : i32
      %dma_wait3A_118 = arith.constant 0 : i32
      %dma_wait3A_119 = tpu.memref_slice %arg10[%dma_wait3A_116, %dma_wait3A_117, %dma_wait3A_118] : memref<2x512x64xf32, #tpu.memory_space<vmem>> -> memref<1x512x64xf32, #tpu.memory_space<vmem>>
      %dma_wait3A_120 = tpu.memref_squeeze %dma_wait3A_119 : memref<1x512x64xf32, #tpu.memory_space<vmem>> -> memref<512x64xf32, #tpu.memory_space<vmem>>
      %dma_wait3A_121 = arith.constant 0 : i32
      %dma_wait3A_122 = tpu.memref_slice %arg8[%dma_wait3A_115, %dma_wait3A_121] : memref<2x512xi32, #tpu.memory_space<vmem>> -> memref<1x512xi32, #tpu.memory_space<vmem>>
      %dma_wait3A_123 = tpu.memref_squeeze %dma_wait3A_122 : memref<1x512xi32, #tpu.memory_space<vmem>> -> memref<512xi32, #tpu.memory_space<vmem>>
      %dma_wait3A_124 = arith.constant 0 : i32
      %dma_wait3A_125 = arith.constant 0 : i32
      %dma_wait3A_126 = tpu.memref_slice %arg2[%arg0, %dma_wait3A_124, %dma_wait3A_125] : memref<2x10240x64xf32, #tpu.memory_space<hbm>> -> memref<1x10240x64xf32, #tpu.memory_space<hbm>>
      %dma_wait3A_127 = tpu.memref_squeeze %dma_wait3A_126 : memref<1x10240x64xf32, #tpu.memory_space<hbm>> -> memref<10240x64xf32, #tpu.memory_space<hbm>>
      %dma_wait3A_128 = arith.constant 0 : i32
      %dma_wait3A_129 = arith.constant 0 : i32
      %dma_wait3A_130 = tpu.memref_slice %dma_wait3A_127[%dma_wait3A_128, %dma_wait3A_129] : memref<10240x64xf32, #tpu.memory_space<hbm>> -> memref<10240x64xf32, #tpu.memory_space<hbm>>
      tpu.wait_indirect_dma semaphore(%arg12 : memref<!tpu.dma_semaphore, #tpu.memory_space<semaphore_mem>>) src(%dma_wait3A_130 : memref<10240x64xf32, #tpu.memory_space<hbm>>) dst(%dma_wait3A_120 : memref<512x64xf32, #tpu.memory_space<vmem>>)
      %dma_start3A_131 = arith.constant 1 : i32
      %dma_start3A_132 = arith.constant 0 : i32
      %dma_start3A_133 = arith.constant 0 : i32
      %dma_start3A_134 = tpu.memref_slice %arg10[%dma_start3A_131, %dma_start3A_132, %dma_start3A_133] : memref<2x512x64xf32, #tpu.memory_space<vmem>> -> memref<1x512x64xf32, #tpu.memory_space<vmem>>
      %dma_start3A_135 = tpu.memref_squeeze %dma_start3A_134 : memref<1x512x64xf32, #tpu.memory_space<vmem>> -> memref<512x64xf32, #tpu.memory_space<vmem>>
      %dma_start3A_136 = arith.constant 0 : i32
      %dma_start3A_137 = tpu.memref_slice %arg9[%add3A_102, %dma_start3A_136] : memref<20x512xi32, #tpu.memory_space<vmem>> -> memref<1x512xi32, #tpu.memory_space<vmem>>
      %dma_start3A_138 = tpu.memref_squeeze %dma_start3A_137 : memref<1x512xi32, #tpu.memory_space<vmem>> -> memref<512xi32, #tpu.memory_space<vmem>>
      %dma_start3A_139 = arith.constant 0 : i32
      %dma_start3A_140 = arith.constant 0 : i32
      %dma_start3A_141 = tpu.memref_slice %arg7[%dma_start3A_139, %dma_start3A_140] : memref<10240x64xf32, #tpu.memory_space<vmem_shared>> -> memref<10240x64xf32, #tpu.memory_space<vmem_shared>>
      tpu.enqueue_indirect_dma source(%dma_start3A_135 : memref<512x64xf32, #tpu.memory_space<vmem>>) target(%dma_start3A_141 : memref<10240x64xf32, #tpu.memory_space<vmem_shared>>) offsets(%dma_start3A_138 : memref<512xi32, #tpu.memory_space<vmem>>) semaphore(%arg14 : memref<!tpu.dma_semaphore, #tpu.memory_space<semaphore_mem>>) {add = true}
      %add3A_142 = arith.constant 2 : i32
      %add3A_143 = arith.addi %add3A_102, %add3A_142 : i32
      %lt3A_144 = arith.constant 20 : i32
      %lt3A_145 = arith.cmpi slt, %add3A_143, %lt3A_144 : i32
      %convert_element_type3A_146 = arith.extui %lt3A_145 : i1 to i32
      %cond3A_147 = arith.constant 0 : i32
      %cond3A_148 = arith.cmpi ne, %convert_element_type3A_146, %cond3A_147 : i32
      scf.if %cond3A_148 {
        %add3A_150 = arith.constant 2 : i32
        %add3A_151 = arith.addi %add3A_102, %add3A_150 : i32
        %dma_start3A_152 = arith.constant 1 : i32
        %dma_start3A_153 = arith.constant 0 : i32
        %dma_start3A_154 = tpu.memref_slice %arg8[%dma_start3A_152, %dma_start3A_153] : memref<2x512xi32, #tpu.memory_space<vmem>> -> memref<1x512xi32, #tpu.memory_space<vmem>>
        %dma_start3A_155 = tpu.memref_squeeze %dma_start3A_154 : memref<1x512xi32, #tpu.memory_space<vmem>> -> memref<512xi32, #tpu.memory_space<vmem>>
        %dma_start3A_156 = arith.constant 0 : i32
        %dma_start3A_157 = tpu.memref_slice %arg3[%add3A, %add3A_151, %dma_start3A_156] : memref<32x20x512xi32, #tpu.memory_space<hbm>> -> memref<1x1x512xi32, #tpu.memory_space<hbm>>
        %dma_start3A_158 = tpu.memref_squeeze %dma_start3A_157 : memref<1x1x512xi32, #tpu.memory_space<hbm>> -> memref<512xi32, #tpu.memory_space<hbm>>
        %dma_start3A_159 = arith.constant 0 : i32
        %dma_start3A_160 = tpu.memref_slice %arg8[%dma_start3A_152, %dma_start3A_159] : memref<2x512xi32, #tpu.memory_space<vmem>> -> memref<1x512xi32, #tpu.memory_space<vmem>>
        %dma_start3A_161 = tpu.memref_squeeze %dma_start3A_160 : memref<1x512xi32, #tpu.memory_space<vmem>> -> memref<512xi32, #tpu.memory_space<vmem>>
        %dma_start3A_162 = arith.constant 0 : i32
        %dma_start3A_163 = tpu.memref_slice %arg3[%add3A, %add3A_151, %dma_start3A_162] : memref<32x20x512xi32, #tpu.memory_space<hbm>> -> memref<1x1x512xi32, #tpu.memory_space<hbm>>
        %dma_start3A_164 = tpu.memref_squeeze %dma_start3A_163 : memref<1x1x512xi32, #tpu.memory_space<hbm>> -> memref<512xi32, #tpu.memory_space<hbm>>
        tpu.enqueue_dma source(%dma_start3A_164 : memref<512xi32, #tpu.memory_space<hbm>>) target(%dma_start3A_161 : memref<512xi32, #tpu.memory_space<vmem>>) target_semaphore(%arg16 : memref<!tpu.dma_semaphore, #tpu.memory_space<semaphore_mem>>)
      } else {
      }
      %scan3A_149 = arith.constant 0 : i32
      scf.yield %scan3A_149 : i32
    }
    %scan3A_38 = arith.constant 10 : i32
    %dma_wait3A = arith.constant 1 : i32
    %dma_wait3A_39 = arith.constant 19 : i32
    %dma_wait3A_40 = arith.constant 0 : i32
    %dma_wait3A_41 = arith.constant 0 : i32
    %dma_wait3A_42 = tpu.memref_slice %arg10[%dma_wait3A, %dma_wait3A_40, %dma_wait3A_41] : memref<2x512x64xf32, #tpu.memory_space<vmem>> -> memref<1x512x64xf32, #tpu.memory_space<vmem>>
    %dma_wait3A_43 = tpu.memref_squeeze %dma_wait3A_42 : memref<1x512x64xf32, #tpu.memory_space<vmem>> -> memref<512x64xf32, #tpu.memory_space<vmem>>
    %dma_wait3A_44 = arith.constant 0 : i32
    %dma_wait3A_45 = tpu.memref_slice %arg9[%dma_wait3A_39, %dma_wait3A_44] : memref<20x512xi32, #tpu.memory_space<vmem>> -> memref<1x512xi32, #tpu.memory_space<vmem>>
    %dma_wait3A_46 = tpu.memref_squeeze %dma_wait3A_45 : memref<1x512xi32, #tpu.memory_space<vmem>> -> memref<512xi32, #tpu.memory_space<vmem>>
    %dma_wait3A_47 = arith.constant 0 : i32
    %dma_wait3A_48 = arith.constant 0 : i32
    %dma_wait3A_49 = tpu.memref_slice %arg7[%dma_wait3A_47, %dma_wait3A_48] : memref<10240x64xf32, #tpu.memory_space<vmem_shared>> -> memref<10240x64xf32, #tpu.memory_space<vmem_shared>>
    tpu.wait_indirect_dma semaphore(%arg14 : memref<!tpu.dma_semaphore, #tpu.memory_space<semaphore_mem>>) src(%dma_wait3A_43 : memref<512x64xf32, #tpu.memory_space<vmem>>) dst(%dma_wait3A_49 : memref<10240x64xf32, #tpu.memory_space<vmem_shared>>)
    %barrier3A_50 = arith.constant 0 : index
    tpu.barrier barrier_id(%barrier3A_50)
    "tpu.region"() ({
      %run_scoped3A_51 = tpu.sem_alloc : memref<!tpu.dma_semaphore, #tpu.memory_space<semaphore_mem>>
      %dma_start3A_52 = arith.constant 0 : i32
      %dma_start3A_53 = tpu.memref_slice %arg6[%arg0, %mul3A_2, %dma_start3A_52] : memref<2x10240x64xf32, #tpu.memory_space<hbm>> -> memref<1x640x64xf32, #tpu.memory_space<hbm>>
      %dma_start3A_54 = tpu.memref_squeeze %dma_start3A_53 : memref<1x640x64xf32, #tpu.memory_space<hbm>> -> memref<640x64xf32, #tpu.memory_space<hbm>>
      %dma_start3A_55 = arith.constant 0 : i32
      %dma_start3A_56 = tpu.memref_slice %arg7[%mul3A_2, %dma_start3A_55] : memref<10240x64xf32, #tpu.memory_space<vmem_shared>> -> memref<640x64xf32, #tpu.memory_space<vmem_shared>>
      tpu.enqueue_dma source(%dma_start3A_56 : memref<640x64xf32, #tpu.memory_space<vmem_shared>>) target(%dma_start3A_54 : memref<640x64xf32, #tpu.memory_space<hbm>>) target_semaphore(%run_scoped3A_51 : memref<!tpu.dma_semaphore, #tpu.memory_space<semaphore_mem>>)
      %dma_wait3A_57 = arith.constant 0 : i32
      %dma_wait3A_58 = tpu.memref_slice %arg6[%arg0, %mul3A_2, %dma_wait3A_57] : memref<2x10240x64xf32, #tpu.memory_space<hbm>> -> memref<1x640x64xf32, #tpu.memory_space<hbm>>
      %dma_wait3A_59 = tpu.memref_squeeze %dma_wait3A_58 : memref<1x640x64xf32, #tpu.memory_space<hbm>> -> memref<640x64xf32, #tpu.memory_space<hbm>>
      %dma_wait3A_60 = arith.constant 0 : i32
      %dma_wait3A_61 = tpu.memref_slice %arg7[%mul3A_2, %dma_wait3A_60] : memref<10240x64xf32, #tpu.memory_space<vmem_shared>> -> memref<640x64xf32, #tpu.memory_space<vmem_shared>>
      tpu.wait_dma2 semaphore(%run_scoped3A_51 : memref<!tpu.dma_semaphore, #tpu.memory_space<semaphore_mem>>) src(%dma_wait3A_61 : memref<640x64xf32, #tpu.memory_space<vmem_shared>>) dst(%dma_wait3A_59 : memref<640x64xf32, #tpu.memory_space<hbm>>)
      tpu.yield
    }) : () -> ()
    return
  }
}

module attributes {stable_mosaic.version = 14 : i64} {
  func.func @body(%arg0: i32, %arg1: memref<512x128xf32, #tpu.memory_space<vmem>>, %arg2: memref<128x128xf32, #tpu.memory_space<vmem>>, %arg3: memref<2x512x16xf32, #tpu.memory_space<vmem>>, %arg4: memref<1x512xf32, #tpu.memory_space<vmem>>, %arg5: memref<512x128xf32, #tpu.memory_space<vmem>>, %arg6: memref<2x512x64xf32, #tpu.memory_space<vmem>>) attributes {dimension_semantics = [#tpu.dimension_semantics<arbitrary>], iteration_bounds = array<i64: 20>, scalar_prefetch = 0 : i64, scratch_operands = 0 : i64, tpu.core_type = #tpu.core_type<tc>, window_params = [{transform_indices = @transform_0, window_bounds = array<i64: 512, 128>}, {pipeline_mode = #tpu.pipeline_mode<synchronous>, transform_indices = @transform_1, window_bounds = array<i64: 128, 128>}, {transform_indices = @transform_2, window_bounds = array<i64: 2, 512, 16>}, {transform_indices = @transform_3, window_bounds = array<i64: 1, 512>}, {transform_indices = @transform_4, window_bounds = array<i64: 512, 128>}, {transform_indices = @transform_5, window_bounds = array<i64: 2, 512, 64>}]} {
    %get3A = arith.constant 0 : index
    %get3A_0 = arith.constant 0 : index
    %get3A_1 = arith.constant 0 : index
    %get3A_2 = vector.load %arg3[%get3A, %get3A_0, %get3A_1] : memref<2x512x16xf32, #tpu.memory_space<vmem>>, vector<1x512x1xf32>
    %get3A_3 = vector.shape_cast %get3A_2 : vector<1x512x1xf32> to vector<512xf32>
    %get3A_4 = arith.constant 1 : index
    %get3A_5 = arith.constant 0 : index
    %get3A_6 = arith.constant 0 : index
    %get3A_7 = vector.load %arg3[%get3A_4, %get3A_5, %get3A_6] : memref<2x512x16xf32, #tpu.memory_space<vmem>>, vector<1x512x1xf32>
    %get3A_8 = vector.shape_cast %get3A_7 : vector<1x512x1xf32> to vector<512xf32>
    %add3A = arith.addf %get3A_3, %get3A_8 : vector<512xf32>
    %add3A_9 = arith.constant 1.000000e+00 : f32
    %add3A_10 = vector.broadcast %add3A_9 : f32 to vector<512xf32>
    %add3A_11 = arith.addf %add3A, %add3A_10 : vector<512xf32>
    %rsqrt3A = math.rsqrt %add3A_11 : vector<512xf32>
    %get3A_12 = arith.constant 0 : index
    %get3A_13 = arith.constant 0 : index
    %get3A_14 = vector.load %arg1[%get3A_12, %get3A_13] : memref<512x128xf32, #tpu.memory_space<vmem>>, vector<512x128xf32>
    %get3A_15 = arith.constant 0 : index
    %get3A_16 = arith.constant 0 : index
    %get3A_17 = vector.load %arg2[%get3A_15, %get3A_16] : memref<128x128xf32, #tpu.memory_space<vmem>>, vector<128x128xf32>
    %dot_general3A = arith.constant dense<0.000000e+00> : vector<512x128xf32>
    %dot_general3A_18 = tpu.matmul %get3A_14, %get3A_17, %dot_general3A {dimension_numbers = #tpu.dot_dimension_numbers<[1], [0], [0], [1], [0, 0, 1, 1], [], []>, transpose_lhs_hint = false} : vector<512x128xf32>, vector<128x128xf32>, vector<512x128xf32> -> vector<512x128xf32>
    %broadcast_in_dim3A = vector.shape_cast %rsqrt3A : vector<512xf32> to vector<1x512xf32>
    %swap3A = arith.constant 0 : index
    %swap3A_19 = arith.constant 0 : index
    %swap3A_20 = vector.load %arg4[%swap3A, %swap3A_19] : memref<1x512xf32, #tpu.memory_space<vmem>>, vector<1x512xf32>
    tpu.vector_store %arg4[%swap3A, %swap3A_19], %broadcast_in_dim3A {strides = array<i32>} : memref<1x512xf32, #tpu.memory_space<vmem>>, vector<1x512xf32>,
    %swap3A_21 = arith.constant 0 : index
    %swap3A_22 = arith.constant 0 : index
    %swap3A_23 = vector.load %arg5[%swap3A_21, %swap3A_22] : memref<512x128xf32, #tpu.memory_space<vmem>>, vector<512x128xf32>
    tpu.vector_store %arg5[%swap3A_21, %swap3A_22], %dot_general3A_18 {strides = array<i32>} : memref<512x128xf32, #tpu.memory_space<vmem>>, vector<512x128xf32>,
    %broadcast_in_dim3A_24 = vector.shape_cast %rsqrt3A : vector<512xf32> to vector<512x1xf32>
    %mul3A = vector.broadcast %broadcast_in_dim3A_24 : vector<512x1xf32> to vector<512x128xf32>
    %mul3A_25 = arith.mulf %mul3A, %dot_general3A_18 : vector<512x128xf32>
    %slice3A = vector.extract_strided_slice %mul3A_25 {offsets = [0, 0], sizes = [512, 64], strides = [1, 1]} : vector<512x128xf32> to vector<512x64xf32>
    %swap3A_26 = arith.constant 0 : index
    %swap3A_27 = arith.constant 0 : index
    %swap3A_28 = arith.constant 0 : index
    %swap3A_29 = vector.load %arg6[%swap3A_26, %swap3A_27, %swap3A_28] : memref<2x512x64xf32, #tpu.memory_space<vmem>>, vector<1x512x64xf32>
    %swap3A_30 = vector.shape_cast %swap3A_29 : vector<1x512x64xf32> to vector<512x64xf32>
    %swap3A_31 = vector.shape_cast %slice3A : vector<512x64xf32> to vector<1x512x64xf32>
    tpu.vector_store %arg6[%swap3A_26, %swap3A_27, %swap3A_28], %swap3A_31 {strides = array<i32>} : memref<2x512x64xf32, #tpu.memory_space<vmem>>, vector<1x512x64xf32>,
    %slice3A_32 = vector.extract_strided_slice %mul3A_25 {offsets = [0, 64], sizes = [512, 64], strides = [1, 1]} : vector<512x128xf32> to vector<512x64xf32>
    %swap3A_33 = arith.constant 1 : index
    %swap3A_34 = arith.constant 0 : index
    %swap3A_35 = arith.constant 0 : index
    %swap3A_36 = vector.load %arg6[%swap3A_33, %swap3A_34, %swap3A_35] : memref<2x512x64xf32, #tpu.memory_space<vmem>>, vector<1x512x64xf32>
    %swap3A_37 = vector.shape_cast %swap3A_36 : vector<1x512x64xf32> to vector<512x64xf32>
    %swap3A_38 = vector.shape_cast %slice3A_32 : vector<512x64xf32> to vector<1x512x64xf32>
    tpu.vector_store %arg6[%swap3A_33, %swap3A_34, %swap3A_35], %swap3A_38 {strides = array<i32>} : memref<2x512x64xf32, #tpu.memory_space<vmem>>, vector<1x512x64xf32>,
    return
  }
  func.func @transform_0(%arg0: i32) -> (i32, i32) {
    %c0_i32 = arith.constant 0 : i32
    %c0_i32_0 = arith.constant 0 : i32
    return %arg0, %c0_i32 : i32, i32
  }
  func.func @transform_1(%arg0: i32) -> (i32, i32) {
    %c0_i32 = arith.constant 0 : i32
    %c0_i32_0 = arith.constant 0 : i32
    %c0_i32_1 = arith.constant 0 : i32
    return %c0_i32, %c0_i32_0 : i32, i32
  }
  func.func @transform_2(%arg0: i32) -> (i32, i32, i32) {
    %c0_i32 = arith.constant 0 : i32
    %c0_i32_0 = arith.constant 0 : i32
    %c0_i32_1 = arith.constant 0 : i32
    return %c0_i32, %arg0, %c0_i32_0 : i32, i32, i32
  }
  func.func @transform_3(%arg0: i32) -> (i32, i32) {
    %c0_i32 = arith.constant 0 : i32
    %c0_i32_0 = arith.constant 0 : i32
    return %c0_i32, %arg0 : i32, i32
  }
  func.func @transform_4(%arg0: i32) -> (i32, i32) {
    %c0_i32 = arith.constant 0 : i32
    %c0_i32_0 = arith.constant 0 : i32
    return %arg0, %c0_i32 : i32, i32
  }
  func.func @transform_5(%arg0: i32) -> (i32, i32, i32) {
    %c0_i32 = arith.constant 0 : i32
    %c0_i32_0 = arith.constant 0 : i32
    %c0_i32_1 = arith.constant 0 : i32
    return %c0_i32, %arg0, %c0_i32_0 : i32, i32, i32
  }
}

module attributes {stable_mosaic.version = 14 : i64} {
  func.func @body(%arg0: i32, %arg1: memref<2x512x64xf32, #tpu.memory_space<vmem>>, %arg2: memref<1x512xf32, #tpu.memory_space<vmem>>, %arg3: memref<512x128xf32, #tpu.memory_space<vmem>>, %arg4: memref<128x64xf32, #tpu.memory_space<vmem>>, %arg5: memref<1x128xf32, #tpu.memory_space<vmem>>, %arg6: memref<512x64xf32, #tpu.memory_space<vmem>>, %arg7: memref<2x512x64xf32, #tpu.memory_space<vmem>>) attributes {dimension_semantics = [#tpu.dimension_semantics<arbitrary>], iteration_bounds = array<i64: 20>, scalar_prefetch = 0 : i64, scratch_operands = 0 : i64, tpu.core_type = #tpu.core_type<tc>, window_params = [{transform_indices = @transform_0, window_bounds = array<i64: 2, 512, 64>}, {transform_indices = @transform_1, window_bounds = array<i64: 1, 512>}, {transform_indices = @transform_2, window_bounds = array<i64: 512, 128>}, {pipeline_mode = #tpu.pipeline_mode<synchronous>, transform_indices = @transform_3, window_bounds = array<i64: 128, 64>}, {pipeline_mode = #tpu.pipeline_mode<synchronous>, transform_indices = @transform_4, window_bounds = array<i64: 1, 128>}, {transform_indices = @transform_5, window_bounds = array<i64: 512, 64>}, {transform_indices = @transform_6, window_bounds = array<i64: 2, 512, 64>}]} {
    %get3A = arith.constant 0 : index
    %get3A_0 = arith.constant 0 : index
    %get3A_1 = vector.load %arg2[%get3A, %get3A_0] : memref<1x512xf32, #tpu.memory_space<vmem>>, vector<1x512xf32>
    %get3A_2 = vector.shape_cast %get3A_1 : vector<1x512xf32> to vector<512xf32>
    %get3A_3 = arith.constant 0 : index
    %get3A_4 = arith.constant 0 : index
    %get3A_5 = arith.constant 0 : index
    %get3A_6 = vector.load %arg1[%get3A_3, %get3A_4, %get3A_5] : memref<2x512x64xf32, #tpu.memory_space<vmem>>, vector<1x512x64xf32>
    %get3A_7 = vector.shape_cast %get3A_6 : vector<1x512x64xf32> to vector<512x64xf32>
    %get3A_8 = arith.constant 1 : index
    %get3A_9 = arith.constant 0 : index
    %get3A_10 = arith.constant 0 : index
    %get3A_11 = vector.load %arg1[%get3A_8, %get3A_9, %get3A_10] : memref<2x512x64xf32, #tpu.memory_space<vmem>>, vector<1x512x64xf32>
    %get3A_12 = vector.shape_cast %get3A_11 : vector<1x512x64xf32> to vector<512x64xf32>
    %concatenate3A = tpu.concatenate %get3A_7, %get3A_12 in 1 : vector<512x64xf32>, vector<512x64xf32> -> vector<512x128xf32>
    %broadcast_in_dim3A = vector.shape_cast %get3A_2 : vector<512xf32> to vector<512x1xf32>
    %mul3A = vector.broadcast %broadcast_in_dim3A : vector<512x1xf32> to vector<512x128xf32>
    %mul3A_13 = arith.mulf %mul3A, %concatenate3A : vector<512x128xf32>
    %mul3A_14 = arith.mulf %get3A_2, %get3A_2 : vector<512xf32>
    %broadcast_in_dim3A_15 = vector.shape_cast %mul3A_14 : vector<512xf32> to vector<512x1xf32>
    %get3A_16 = arith.constant 0 : index
    %get3A_17 = arith.constant 0 : index
    %get3A_18 = vector.load %arg3[%get3A_16, %get3A_17] : memref<512x128xf32, #tpu.memory_space<vmem>>, vector<512x128xf32>
    %mul3A_19 = vector.broadcast %broadcast_in_dim3A_15 : vector<512x1xf32> to vector<512x128xf32>
    %mul3A_20 = arith.mulf %mul3A_19, %get3A_18 : vector<512x128xf32>
    %add3A = arith.addf %mul3A_13, %mul3A_20 : vector<512x128xf32>
    %get3A_21 = arith.constant 0 : index
    %get3A_22 = arith.constant 0 : index
    %get3A_23 = vector.load %arg5[%get3A_21, %get3A_22] : memref<1x128xf32, #tpu.memory_space<vmem>>, vector<1x128xf32>
    %add3A_24 = vector.broadcast %get3A_23 : vector<1x128xf32> to vector<512x128xf32>
    %add3A_25 = arith.addf %add3A, %add3A_24 : vector<512x128xf32>
    %max3A = arith.constant 0.000000e+00 : f32
    %max3A_26 = vector.broadcast %max3A : f32 to vector<512x128xf32>
    %max3A_27 = arith.maximumf %add3A_25, %max3A_26 : vector<512x128xf32>
    %get3A_28 = arith.constant 0 : index
    %get3A_29 = arith.constant 0 : index
    %get3A_30 = vector.load %arg4[%get3A_28, %get3A_29] : memref<128x64xf32, #tpu.memory_space<vmem>>, vector<128x64xf32>
    %dot_general3A = arith.constant dense<0.000000e+00> : vector<512x64xf32>
    %dot_general3A_31 = tpu.matmul %max3A_27, %get3A_30, %dot_general3A {dimension_numbers = #tpu.dot_dimension_numbers<[1], [0], [0], [1], [0, 0, 1, 1], [], []>, transpose_lhs_hint = false} : vector<512x128xf32>, vector<128x64xf32>, vector<512x64xf32> -> vector<512x64xf32>
    %swap3A = arith.constant 0 : index
    %swap3A_32 = arith.constant 0 : index
    %swap3A_33 = vector.load %arg6[%swap3A, %swap3A_32] : memref<512x64xf32, #tpu.memory_space<vmem>>, vector<512x64xf32>
    tpu.vector_store %arg6[%swap3A, %swap3A_32], %dot_general3A_31 {strides = array<i32>} : memref<512x64xf32, #tpu.memory_space<vmem>>, vector<512x64xf32>,
    %broadcast_in_dim3A_34 = vector.shape_cast %get3A_2 : vector<512xf32> to vector<512x1xf32>
    %mul3A_35 = vector.broadcast %broadcast_in_dim3A_34 : vector<512x1xf32> to vector<512x64xf32>
    %mul3A_36 = arith.mulf %mul3A_35, %dot_general3A_31 : vector<512x64xf32>
    %swap3A_37 = arith.constant 0 : index
    %swap3A_38 = arith.constant 0 : index
    %swap3A_39 = arith.constant 0 : index
    %swap3A_40 = vector.load %arg7[%swap3A_37, %swap3A_38, %swap3A_39] : memref<2x512x64xf32, #tpu.memory_space<vmem>>, vector<1x512x64xf32>
    %swap3A_41 = vector.shape_cast %swap3A_40 : vector<1x512x64xf32> to vector<512x64xf32>
    %swap3A_42 = vector.shape_cast %mul3A_36 : vector<512x64xf32> to vector<1x512x64xf32>
    tpu.vector_store %arg7[%swap3A_37, %swap3A_38, %swap3A_39], %swap3A_42 {strides = array<i32>} : memref<2x512x64xf32, #tpu.memory_space<vmem>>, vector<1x512x64xf32>,
    %swap3A_43 = arith.constant 1 : index
    %swap3A_44 = arith.constant 0 : index
    %swap3A_45 = arith.constant 0 : index
    %swap3A_46 = vector.load %arg7[%swap3A_43, %swap3A_44, %swap3A_45] : memref<2x512x64xf32, #tpu.memory_space<vmem>>, vector<1x512x64xf32>
    %swap3A_47 = vector.shape_cast %swap3A_46 : vector<1x512x64xf32> to vector<512x64xf32>
    %swap3A_48 = vector.shape_cast %mul3A_36 : vector<512x64xf32> to vector<1x512x64xf32>
    tpu.vector_store %arg7[%swap3A_43, %swap3A_44, %swap3A_45], %swap3A_48 {strides = array<i32>} : memref<2x512x64xf32, #tpu.memory_space<vmem>>, vector<1x512x64xf32>,
    return
  }
  func.func @transform_0(%arg0: i32) -> (i32, i32, i32) {
    %c0_i32 = arith.constant 0 : i32
    %c0_i32_0 = arith.constant 0 : i32
    %c0_i32_1 = arith.constant 0 : i32
    return %c0_i32, %arg0, %c0_i32_0 : i32, i32, i32
  }
  func.func @transform_1(%arg0: i32) -> (i32, i32) {
    %c0_i32 = arith.constant 0 : i32
    %c0_i32_0 = arith.constant 0 : i32
    return %c0_i32, %arg0 : i32, i32
  }
  func.func @transform_2(%arg0: i32) -> (i32, i32) {
    %c0_i32 = arith.constant 0 : i32
    %c0_i32_0 = arith.constant 0 : i32
    return %arg0, %c0_i32 : i32, i32
  }
  func.func @transform_3(%arg0: i32) -> (i32, i32) {
    %c0_i32 = arith.constant 0 : i32
    %c0_i32_0 = arith.constant 0 : i32
    %c0_i32_1 = arith.constant 0 : i32
    return %c0_i32, %c0_i32_0 : i32, i32
  }
  func.func @transform_4(%arg0: i32) -> (i32, i32) {
    %c0_i32 = arith.constant 0 : i32
    %c0_i32_0 = arith.constant 0 : i32
    %c0_i32_1 = arith.constant 0 : i32
    return %c0_i32, %c0_i32_0 : i32, i32
  }
  func.func @transform_5(%arg0: i32) -> (i32, i32) {
    %c0_i32 = arith.constant 0 : i32
    %c0_i32_0 = arith.constant 0 : i32
    return %arg0, %c0_i32 : i32, i32
  }
  func.func @transform_6(%arg0: i32) -> (i32, i32, i32) {
    %c0_i32 = arith.constant 0 : i32
    %c0_i32_0 = arith.constant 0 : i32
    %c0_i32_1 = arith.constant 0 : i32
    return %c0_i32, %arg0, %c0_i32_0 : i32, i32, i32
  }
}

module attributes {stable_mosaic.version = 14 : i64} {
  func.func @body(%arg0: i32, %arg1: memref<2x512x64xf32, #tpu.memory_space<vmem>>, %arg2: memref<1x512xf32, #tpu.memory_space<vmem>>, %arg3: memref<512x64xf32, #tpu.memory_space<vmem>>, %arg4: memref<1x64xf32, #tpu.memory_space<vmem>>, %arg5: memref<512x64xf32, #tpu.memory_space<vmem>>) attributes {dimension_semantics = [#tpu.dimension_semantics<arbitrary>], iteration_bounds = array<i64: 20>, scalar_prefetch = 0 : i64, scratch_operands = 0 : i64, tpu.core_type = #tpu.core_type<tc>, window_params = [{transform_indices = @transform_0, window_bounds = array<i64: 2, 512, 64>}, {transform_indices = @transform_1, window_bounds = array<i64: 1, 512>}, {transform_indices = @transform_2, window_bounds = array<i64: 512, 64>}, {pipeline_mode = #tpu.pipeline_mode<synchronous>, transform_indices = @transform_3, window_bounds = array<i64: 1, 64>}, {transform_indices = @transform_4, window_bounds = array<i64: 512, 64>}]} {
    %get3A = arith.constant 0 : index
    %get3A_0 = arith.constant 0 : index
    %get3A_1 = vector.load %arg2[%get3A, %get3A_0] : memref<1x512xf32, #tpu.memory_space<vmem>>, vector<1x512xf32>
    %get3A_2 = vector.shape_cast %get3A_1 : vector<1x512xf32> to vector<512xf32>
    %get3A_3 = arith.constant 0 : index
    %get3A_4 = arith.constant 0 : index
    %get3A_5 = arith.constant 0 : index
    %get3A_6 = vector.load %arg1[%get3A_3, %get3A_4, %get3A_5] : memref<2x512x64xf32, #tpu.memory_space<vmem>>, vector<1x512x64xf32>
    %get3A_7 = vector.shape_cast %get3A_6 : vector<1x512x64xf32> to vector<512x64xf32>
    %get3A_8 = arith.constant 1 : index
    %get3A_9 = arith.constant 0 : index
    %get3A_10 = arith.constant 0 : index
    %get3A_11 = vector.load %arg1[%get3A_8, %get3A_9, %get3A_10] : memref<2x512x64xf32, #tpu.memory_space<vmem>>, vector<1x512x64xf32>
    %get3A_12 = vector.shape_cast %get3A_11 : vector<1x512x64xf32> to vector<512x64xf32>
    %add3A = arith.addf %get3A_7, %get3A_12 : vector<512x64xf32>
    %broadcast_in_dim3A = vector.shape_cast %get3A_2 : vector<512xf32> to vector<512x1xf32>
    %mul3A = vector.broadcast %broadcast_in_dim3A : vector<512x1xf32> to vector<512x64xf32>
    %mul3A_13 = arith.mulf %mul3A, %add3A : vector<512x64xf32>
    %mul3A_14 = arith.mulf %get3A_2, %get3A_2 : vector<512xf32>
    %broadcast_in_dim3A_15 = vector.shape_cast %mul3A_14 : vector<512xf32> to vector<512x1xf32>
    %get3A_16 = arith.constant 0 : index
    %get3A_17 = arith.constant 0 : index
    %get3A_18 = vector.load %arg3[%get3A_16, %get3A_17] : memref<512x64xf32, #tpu.memory_space<vmem>>, vector<512x64xf32>
    %mul3A_19 = vector.broadcast %broadcast_in_dim3A_15 : vector<512x1xf32> to vector<512x64xf32>
    %mul3A_20 = arith.mulf %mul3A_19, %get3A_18 : vector<512x64xf32>
    %add3A_21 = arith.addf %mul3A_13, %mul3A_20 : vector<512x64xf32>
    %get3A_22 = arith.constant 0 : index
    %get3A_23 = arith.constant 0 : index
    %get3A_24 = vector.load %arg4[%get3A_22, %get3A_23] : memref<1x64xf32, #tpu.memory_space<vmem>>, vector<1x64xf32>
    %add3A_25 = vector.broadcast %get3A_24 : vector<1x64xf32> to vector<512x64xf32>
    %add3A_26 = arith.addf %add3A_21, %add3A_25 : vector<512x64xf32>
    %swap3A = arith.constant 0 : index
    %swap3A_27 = arith.constant 0 : index
    %swap3A_28 = vector.load %arg5[%swap3A, %swap3A_27] : memref<512x64xf32, #tpu.memory_space<vmem>>, vector<512x64xf32>
    tpu.vector_store %arg5[%swap3A, %swap3A_27], %add3A_26 {strides = array<i32>} : memref<512x64xf32, #tpu.memory_space<vmem>>, vector<512x64xf32>,
    return
  }
  func.func @transform_0(%arg0: i32) -> (i32, i32, i32) {
    %c0_i32 = arith.constant 0 : i32
    %c0_i32_0 = arith.constant 0 : i32
    %c0_i32_1 = arith.constant 0 : i32
    return %c0_i32, %arg0, %c0_i32_0 : i32, i32, i32
  }
  func.func @transform_1(%arg0: i32) -> (i32, i32) {
    %c0_i32 = arith.constant 0 : i32
    %c0_i32_0 = arith.constant 0 : i32
    return %c0_i32, %arg0 : i32, i32
  }
  func.func @transform_2(%arg0: i32) -> (i32, i32) {
    %c0_i32 = arith.constant 0 : i32
    %c0_i32_0 = arith.constant 0 : i32
    return %arg0, %c0_i32 : i32, i32
  }
  func.func @transform_3(%arg0: i32) -> (i32, i32) {
    %c0_i32 = arith.constant 0 : i32
    %c0_i32_0 = arith.constant 0 : i32
    %c0_i32_1 = arith.constant 0 : i32
    return %c0_i32, %c0_i32_0 : i32, i32
  }
  func.func @transform_4(%arg0: i32) -> (i32, i32) {
    %c0_i32 = arith.constant 0 : i32
    %c0_i32_0 = arith.constant 0 : i32
    return %arg0, %c0_i32 : i32, i32
  }
}

</mosaic_0001>

<sc_bundles>
// kernel: kernel.14.cloned.1.call-start
scs
__scs_entry_jumppad:
0x0: {  	(pc) =	sbr.rel $0x88, $3  }
0x1: {  	(tag) =	ssettag $0x0;
	lr =	simm.s32 $0x1  }
0x2: {  	[smem:$0x3F95] =	sst lr;
	_ =	strace $0xD0000000  }
0x3: {  	_ = 	snop  }
0x4: {  	_ = 	snop  }
0x5: {  	_ = 	snop  }
0x6: {  	_ = 	snop  }
0x7: {  	_ = 	snop  }
__scs_overlays_trampoline_lowered:
0x8: {  	[smem:$0x3FA4] =	sst s0  }
0x9: {  	[smem:$0x3FA5] =	sst s1  }
0xa: {  	[smem:$0x3FA6] =	sst s2  }
0xb: {  	[smem:$0x3FA7] =	sst s3  }
0xc: {  	[smem:$0x3FA8] =	sst s4  }
0xd: {  	[smem:$0x3FA9] =	sst s5  }
0xe: {  	[smem:$0x3FAA] =	sst s6  }
0xf: {  	[smem:$0x3FAB] =	sst s7  }
0x10: {  	[smem:$0x3FAC] =	sst s8  }
0x11: {  	[smem:$0x3FAD] =	sst s9;
	s0 =	simm.s32 @!p0 $0x0  }
0x12: {  	s1 =	sld [smem:$0x3F93];
	s0 =	simm.s32 @p0 $0x1  }
0x13: {  	[smem:$0x3FAE] =	sst s0;
	s0 =	simm.s32 @!p1 $0x0  }
0x14: {  	s2 =	sld [smem:$0x3F92];
	s0 =	simm.s32 @p1 $0x1  }
0x15: {  	[smem:$0x3FAF] =	sst s0;
	s0 =	simm.s32 @!p2 $0x0  }
0x16: {  	s3 =	sld [smem:$0x3FDB];
	s0 =	simm.s32 @p2 $0x1  }
0x17: {  	s4 =	simm.s32 $0x1BF5;
	[smem:$0x3FB1] =	sst s0  }
0x18: {  	s0 =	sld [smem:$0x3F94];
	_ =	swait.ge [sflag:s4], $0x0  }
0x19: {  	s7 =	sld [smem:$0x3F95]  }
0x1a: {  	s8 =	sadd.s32 $0xFFFFE003, lr  }
0x1b: {  	s9 =	sadd.s32 $0xFFFFFEF7, lr;
	s5 =	simm.s32 $0xFFFFFFFF;
	p2 =	slt.u32 s8, $0xFFFFF086  }
0x1c: {  	p1 =	slt.u32 s9, $0xF7A;
	s5 =	simm.s32 @!p2 $0x0  }
0x1d: {  	s5 =	simm.s32 @p1 $0x1;
	p0 =	seq.s32 s7, s2  }
0x1e: {  	s7 =	smul.u32 @!p0 $0xF7A, s2;
	p2 =	seq.s32 @!p0 s5, $0x0  }
0x1f: {  	s9 =	smul.u32 $0xF7A, s1;
	s8 =	simm.s32 @!p0 $0x1BF5;
	p2 =	por !p2, p0  }
0x20: {  	[sflag:s8] =	ssyncset.s32 @!p0 $0xFFFFF086;
	s6 =	sadd.s32 @!p0 s3, s7;
	s7 =	simm.s32 @!p0 $0x108  }
0x21: {  	s3 =	sadd.s32 s3, s9;
	s6 =	sadd.s32 @!p0 $0x88, s6;
	s7 =	simm.s32 @p2 $0x1082  }
0x22: {  	[simem:s7], [sflag:s8] =	dma.local @!p0 [hbm:s6], $0xF7A  }
0x23: {  	s9 =	sor.u32 $0xD0000000, s2;
	s6 =	simm.s32 $0x108;
	_ =	swait.ge @!p0 [sflag:s8], $0x0  }
0x24: {  	s3 =	sadd.s32 $0x88, s3;
	s6 =	simm.s32 @!p1 $0x1082;
	[sflag:s4] =	ssyncset.s32 $0xFFFFF086  }
0x25: {  	[simem:s6], [sflag:s4] =	dma.local [hbm:s3], $0xF7A  }
0x26: {  	[smem:$0x3F95] =	sst s1;
	(tag) =	ssettag s2;
	_ =	strace s9  }
0x27: {  	s1 =	sld [smem:$0x3FA5]  }
0x28: {  	s2 =	sld [smem:$0x3FA6]  }
0x29: {  	s4 =	sld [smem:$0x3FA8]  }
0x2a: {  	p0 =	seq.s32 s5, $0x0;
	s5 =	sld [smem:$0x3FA9]  }
0x2b: {  	s6 =	sld [smem:$0x3FAA]  }
0x2c: {  	s7 =	sld [smem:$0x3FAB]  }
0x2d: {  	s3 =	simm.s32 $0x108;
	s8 =	sld [smem:$0x3FAC]  }
0x2e: {  	s3 =	simm.s32 @!p0 $0x1082;
	s9 =	sld [smem:$0x3FAD]  }
0x2f: {  	lr =	sadd.s32 s0, s3;
	s0 =	sld [smem:$0x3FA4]  }
0x30: {  	s3 =	sld [smem:$0x3FA7]  }
0x31: {  	[smem:$0x3FB0] =	sst s10  }
0x32: {  	s10 =	sld [smem:$0x3FAE];
	_ =	sdelay $0x3  }
0x33: {  	p0 =	seq.s32 s10, $0x1;
	s10 =	sld [smem:$0x3FB0];
	_ =	sdelay $0x3  }
0x34: {  	[smem:$0x3FB0] =	sst s10  }
0x35: {  	s10 =	sld [smem:$0x3FAF];
	_ =	sdelay $0x3  }
0x36: {  	p1 =	seq.s32 s10, $0x1;
	s10 =	sld [smem:$0x3FB0];
	_ =	sdelay $0x3  }
0x37: {  	[smem:$0x3FB0] =	sst s10  }
0x38: {  	s10 =	sld [smem:$0x3FB1]  }
0x39: {  	_ = 	snop;
	(pc) =	sbr.ind lr, $3  }
0x3a: {  	_ = 	snop  }
0x3b: {  	_ = 	snop  }
0x3c: {  	p2 =	seq.s32 s10, $0x1;
	s10 =	sld [smem:$0x3FB0]  }
0x3d: {  	_ =	shalt  }
0x3e: {  	_ =	shalt  }
0x3f: {  	_ =	shalt  }
0x40: {  	_ =	shalt  }
0x41: {  	_ =	shalt  }
0x42: {  	_ =	shalt  }
0x43: {  	_ =	shalt  }
0x44: {  	_ =	shalt  }
0x45: {  	_ =	shalt  }
0x46: {  	_ =	shalt  }
0x47: {  	_ =	shalt  }
0x48: {  	_ =	shalt  }
0x49: {  	_ =	shalt  }
0x4a: {  	_ =	shalt  }
0x4b: {  	_ =	shalt  }
0x4c: {  	_ =	shalt  }
0x4d: {  	_ =	shalt  }
0x4e: {  	_ =	shalt  }
0x4f: {  	_ =	shalt  }
0x50: {  	_ =	shalt  }
0x51: {  	_ =	shalt  }
0x52: {  	_ =	shalt  }
0x53: {  	_ =	shalt  }
0x54: {  	_ =	shalt  }
0x55: {  	_ =	shalt  }
0x56: {  	_ =	shalt  }
0x57: {  	_ =	shalt  }
0x58: {  	_ =	shalt  }
0x59: {  	_ =	shalt  }
0x5a: {  	_ =	shalt  }
0x5b: {  	_ =	shalt  }
0x5c: {  	_ =	shalt  }
0x5d: {  	_ =	shalt  }
0x5e: {  	_ =	shalt  }
0x5f: {  	_ =	shalt  }
0x60: {  	_ =	shalt  }
0x61: {  	_ =	shalt  }
0x62: {  	_ =	shalt  }
0x63: {  	_ =	shalt  }
0x64: {  	_ =	shalt  }
0x65: {  	_ =	shalt  }
0x66: {  	_ =	shalt  }
0x67: {  	_ =	shalt  }
0x68: {  	_ =	shalt  }
0x69: {  	_ =	shalt  }
0x6a: {  	_ =	shalt  }
0x6b: {  	_ =	shalt  }
0x6c: {  	_ =	shalt  }
0x6d: {  	_ =	shalt  }
0x6e: {  	_ =	shalt  }
0x6f: {  	_ =	shalt  }
0x70: {  	_ =	shalt  }
0x71: {  	_ =	shalt  }
0x72: {  	_ =	shalt  }
0x73: {  	_ =	shalt  }
0x74: {  	_ =	shalt  }
0x75: {  	_ =	shalt  }
0x76: {  	_ =	shalt  }
0x77: {  	_ =	shalt  }
0x78: {  	_ =	shalt  }
0x79: {  	_ =	shalt  }
0x7a: {  	_ =	shalt  }
0x7b: {  	_ =	shalt  }
0x7c: {  	_ =	shalt  }
0x7d: {  	_ =	shalt  }
0x7e: {  	_ =	shalt  }
0x7f: {  	_ =	shalt  }
0x80: {  	_ =	shalt  }
0x81: {  	_ =	shalt  }
0x82: {  	_ =	shalt  }
0x83: {  	_ =	shalt  }
0x84: {  	_ =	shalt  }
0x85: {  	_ =	shalt  }
0x86: {  	_ =	shalt  }
0x87: {  	_ =	shalt  }
.Lfunc_end0:
.L_simem_size_0:
called_computation_lowered:
.L_overlay_start_0:
0x88: {  	s2 =	sld [smem:$0x3FD9]  }
0x89: {  	s3 =	sld [smem:$0x3FFE];
	_ =	sdelay $0x1  }
0x8a: {  	s1 =	srdreg.scid  }
0x8b: {  	s0 =	sand.u32 $0x1, s1  }
0x8c: {  	s15 =	sshll.u32 s0, $0xA;
	s2 =	sadd.s32 s3, s2  }
0x8d: {  	s2 =	sadd.s32 s2, s15  }
0x8e: {  	[smem:$0x3FBC] =	sst s2  }
0x8f: {  	_ = 	snop  }
0x90: {  	s2 =	sld [smem:$0x3FD0];
	_ =	sdelay $0x2  }
0x91: {  	s16 =	simm.s32 $0xB;
	s4 =	simm.s32 $0x10  }
0x92: {  	[smem:s4], [sflag:s16] =	dma.local [hbm:s2], $0x1  }
0x93: {  	_ =	swait.eq [sflag:s16], $0x1  }
0x94: {  	[sflag:s16] =	ssyncset.done $0x0  }
0x95: {  	[sflag:s16] =	ssyncadd.s32 $0xFFFFFFFF  }
0x96: {  	s17 =	sld [smem:$0x11];
	(tm) =	ssettm $0x1  }
0x97: {  	s18 =	sld [smem:$0x3FFB];
	_ =	sdelay $0x3  }
0x98: {  	_ =	strace s18  }
0x99: {  	s2 =	sld [smem:$0x3FFC];
	_ =	sdelay $0x3  }
0x9a: {  	_ =	strace s2  }
0x9b: {  	s2 =	sld [smem:$0x3FFD];
	_ =	sdelay $0x3  }
0x9c: {  	_ =	strace s2  }
0x9d: {  	_ =	strace $0x8FFFFFFF  }
0x9e: {  	s19 =	sld [smem:$0x3FDB];
	_ =	sdelay $0x1  }
0x9f: {  	s20 =	simm.s32 $_scs_section_size  }
0xa0: {  	s5 =	simm.s32 $_size__tile_overlayer_lowered;
	s6 =	simm.s32 $_tile_overlayer_lowered  }
0xa1: {  	s7 =	simm.s32 $0x1BFF;
	s21 =	sshll.u32 s6, $0x1;
	s4 =	sadd.s32 s20, s19  }
0xa2: {  	s22 =	simm.s32 $0x0;
	s5 =	sshll.u32 s5, $0x1;
	s6 =	sadd.s32 s21, s4  }
0xa3: {  	[timem:s22], [sflag:s7] =	dma.local [hbm:s6], s5  }
0xa4: {  	_ =	swait.ge [sflag:s7], s5  }
0xa5: {  	s5 =	ssub.s32 $0x0, s5;
	[sflag:s7] =	ssyncset.done $0x0  }
0xa6: {  	[sflag:s7] =	ssyncadd.s32 s5;
	_ =	sdelay $0x1  }
0xa7: {  	s23 =	simm.s32 $0x1B8B  }
0xa8: {  	_ =	swait.ge [sflag:s23], $0x1  }
0xa9: {  	[sflag:s23] =	ssyncset.done $0x0  }
0xaa: {  	[sflag:s23] =	ssyncadd.s32 $0xFFFFFFFF  }
0xab: {  	s5 =	sld [smem:$0x0]  }
0xac: {  	s6 =	sand.u32 $0xFFFFFFFE, s1  }
0xad: {  	p0 =	sne.s32 s1, s6  }
0xae: {  	s6 =	sshll.u32 @p0 s6, $0xE  }
0xaf: {  	s6 =	sadd.s32 @p0 $0x11B8D, s6;
	s7 =	sshll.u32 @p0 s5, $0x11  }
0xb0: {  	s6 =	sor.u32 @p0 s7, s6  }
0xb1: {  	[sflag:s6] =	ssyncadd.remote.s32 @p0 $0x1;
	_ =	sdelay $0x1  }
0xb2: {  	s6 =	simm.s32 @p0 $0x1B8D  }
0xb3: {  	_ =	swait.eq @p0 [sflag:s6], $0x1  }
0xb4: {  	[sflag:s6] =	ssyncadd.s32 @p0 $0xFFFFFFFF  }
0xb5: {  	s7 =	sshll.u32 @!p0 s1, $0xE  }
0xb6: {  	s7 =	sor.u32 @!p0 $0x4000, s7;
	s6 =	simm.s32 @!p0 $0x1B8D  }
0xb7: {  	s5 =	sshll.u32 @!p0 s5, $0x11;
	s7 =	sadd.s32 @!p0 $0x11B8D, s7;
	_ =	swait.eq @!p0 [sflag:s6], $0x1  }
0xb8: {  	s5 =	sor.u32 @!p0 s5, s7;
	[sflag:s6] =	ssyncadd.s32 @!p0 $0xFFFFFFFF  }
0xb9: {  	s25 =	simm.s32 $0x1B8E;
	s24 =	sld [smem:$0x3FFE];
	[sflag:s5] =	ssyncadd.remote.s32 @!p0 $0x1  }
0xba: {  	s26 =	simm.s32 $execute0_lowered;
	[smem:$0x3FD2] =	sst s25  }
0xbb: {  	s6 =	sshll.u32 s26, $0x1;
	_ =	strace $0x80000049;
	[dreg:$0x1] =	wrdreg $0xFFFFFFFF  }
0xbc: {  	s28 =	simm.s32 $_size_execute0_lowered;
	s4 =	sadd.s32 s4, s6;
	[dreg:$0x0] =	wrdreg $0x0  }
0xbd: {  	s6 =	sshll.u32 s28, $0x1;
	[dreg:$0x2] =	wrdreg s4  }
0xbe: {  	[dreg:$0x3] =	wrdreg s6  }
0xbf: {  	[dreg:$0x4] =	wrdreg $0xC0  }
0xc0: {  	_ =	task [dreg:s22], $0x5FFFF  }
0xc1: {  	[dreg:$0x1] =	wrdreg $0xFFFFFFFF  }
0xc2: {  	[dreg:$0x0] =	wrdreg $0x60  }
0xc3: {  	[dreg:$0x2] =	wrdreg s17  }
0xc4: {  	[dreg:$0x3] =	wrdreg s24  }
0xc5: {  	[dreg:$0x4] =	wrdreg $0x0  }
0xc6: {  	[dreg:$0x5] =	wrdreg $0x9  }
0xc7: {  	_ =	task.clear_ibuf [dreg:s22], $0x6FFFF;
	_ =	strace $0x90000049  }
0xc8: {  	s29 =	simm.s32 $0x9;
	_ =	strace $0x8000004B  }
0xc9: {  	_ =	swait.ge [sflag:s29], $0x1  }
0xca: {  	[sflag:s29] =	ssyncadd.s32 $0xFFFFFFFF  }
0xcb: {  	_ =	strace $0x9000004B  }
0xcc: {  	_ =	sfence  }
0xcd: {  	s30 =	sld [smem:$0x0];
	_ =	sdelay $0x2  }
0xce: {  	s31 =	sshll.u32 s1, $0xD;
	s1 =	sshrl.u32 s1, $0x2  }
0xcf: {  	s4 =	sand.u32 $0x4000, s31;
	s1 =	sadd.s32 s1, s30  }
0xd0: {  	s0 =	sor.u32 s4, s0;
	s1 =	sshll.u32 s1, $0x11  }
0xd1: {  	s0 =	sor.u32 s1, s0  }
0xd2: {  	s0 =	sadd.s32 $0x8F2B, s0  }
0xd3: {  	[sflag:s0] =	ssyncadd.remote.s32 $0x1  }
0xd4: {  	_ =	sfence.sel $0xFFFF  }
0xd5: {  	[dreg:$0x0] =	wrdreg $0xFFFFFFFF;
	(pc) =	sbr.abs _section_cstart, $3  }
0xd6: {  	[dreg:$0x1] =	wrdreg $0xFFFFFFFF  }
0xd7: {  	_ =	task.clear_ibuf [dreg:s22], $0x2FFFF;
	_ =	strace $0x9FFFFFFF  }
0xd8: {  	(tm) =	ssettm $0x7FFFFFFF  }
0xd9: {  	_ =	shalt  }
tec
execute0_lowered:
.L_overlay_start_1:
0x0: {  	(tag) =	ssettag $0x1  }
0x1: {  	s0 =	srdreg.scid;
	s1 =	rddreg [dreg:$0x0]  }
0x2: {  	s17 =	stileid.u32;
	s4 =	rddreg [dreg:$0x1]  }
0x3: {  	s28 =	simm.s32 $0x5;
	s29 =	simm.s32 $0x2;
	s31 =	simm.s32 $0x4  }
0x4: {  	s0 =	sand.u32 $0x1, s0;
	s2 =	sshll.u32 s17, $0x1;
	s5 =	smul.u32 $0x2800, s17  }
0x5: {  	s15 =	sadd.s32 $0x17800, s4;
	s18 =	sshll.u32 s17, $0x6;
	s21 =	smul.u32 $0x5000, s17  }
0x6: {  	s17 =	simm.s32 $0x7;
	s3 =	sor.u32 s0, s2;
	s7 =	smul.u32 $0x28000, s0  }
0x7: {  	s2 =	rddreg [dreg:$0x2];
	s11 =	ssub.s32 $0x2, s0;
	s0 =	smul.u32 $0x2800, s0  }
0x8: {  	s10 =	smul.u32 $0x2800, s3;
	s3 =	simm.s32 $0x0;
	s12 =	sshrl.u32 s5, $0x3  }
0x9: {  	s13 =	sshrl.u32 s11, $0x1;
	s16 =	sadd.s32 s5, s2;
	[smem:$0x7FF] =	sst s3  }
0xa: {  	s9 =	sadd.s32 s5, s7;
	s12 =	sadd.s32 s12, s4;
	s11 =	ssub.s32 s11, s13  }
0xb: {  	s5 =	sor.u32 $0x1C07, s18;
	s20 =	sshrl.u32 s7, $0x3;
	s0 =	sadd.s32 s0, s21  }
0xc: {  	s16 =	sshrl.u32 s16, $0x3;
	s18 =	simm.s32 $0x2C00;
	s21 =	simm.s32 $0x5400  }
0xd: {  	_ =	strace $0x8000004A;
	s8 =	sshrl.u32 s10, $0x3;
	s9 =	sshrl.u32 s9, $0x3  }
0xe: {  	s13 =	sadd.s32 $0x21800, s12;
	s23 =	sor.u32 $0x400, s10;
	s24 =	sor.u32 $0x600, s10  }
0xf: {  	s11 =	smax.u32 s11, $0x1;
	s26 =	sadd.s32 $0xA00, s0;
	s0 =	sadd.s32 $0x800, s0  }
0x10: {  	s6 =	sadd.s32 s8, s4;
	s14 =	sadd.s32 s9, s4;
	[dreg:$0x4] =	wrdreg s13  }
0x11: {  	s7 =	sadd.s32 s15, s8;
	s8 =	sadd.s32 s1, s20;
	s12 =	sshrl.u32 s23, $0x3  }
0x12: {  	s25 =	sshrl.u32 s24, $0x3;
	s30 =	sshrl.u32 s26, $0x3;
	s0 =	sshrl.u32 s0, $0x3  }
0x13: {  	s20 =	simm.s32 $0x200;
	s23 =	simm.s32 $0x6;
	s24 =	simm.s32 $0x7400  }
.Ltmp0:
0x14: {  	s26 =	simm.s32 $0x3;
	s1 =	simm.s32 $0x0;
	(pc) =	sbr.rel .LBB2_1-.Ltmp0, $4  }
0x15: {  	s19 =	sadd.s32 $0xD800, s6;
	s22 =	sadd.s32 $0x40, s7;
	s10 =	sadd.s32 $0x30800, s14  }
0x16: {  	s12 =	sadd.s32 s15, s12;
	s13 =	sadd.s32 s15, s25;
	s14 =	sadd.s32 s30, s15  }
0x17: {  	s15 =	sadd.s32 s0, s15;
	s25 =	simm.s32 $0x1;
	[dreg:$0x5] =	wrdreg s19  }
0x18: {  	[dreg:$0x6] =	wrdreg s22;
	s19 =	simm.s32 $0x2800;
	s22 =	simm.s32 $0x2A00  }
.LBB2_4:
0x19: {  	_ =	swait.ge [sflag:s31], $0x2000  }
0x1a: {  	s1 =	sadd.s32 $0x1, s1;
	[sflag:s31] =	ssyncset.done $0x0  }
0x1b: {  	p0 =	sne.s32 s1, s11;
	[sflag:s31] =	ssyncadd.s32 $0xFFFFE000  }
.Ltmp1:
0x1c: {  	[bflag:$0x0] =	sbarrier.arrive $0xFFFF;
	(pc) =	sbr.rel @!p0 .LBB2_5-.Ltmp1, $4  }
0x1d: {  	[hbm:s10], [sflag:s5] =	dma.local [spmem:s16], $0x500  }
0x1e: {  	_ =	swait.ge [sflag:s17], $0x500  }
0x1f: {  	[sflag:s17] =	ssyncset.done $0x0  }
0x20: {  	[sflag:s17] =	ssyncadd.s32 $0xFFFFFB00  }
.LBB2_1:
0x21: {  	s0 =	rddreg [dreg:$0x4]  }
0x22: {  	[spmem:s16], [sflag:s5] =	dma.local [hbm:s0], $0x500  }
0x23: {  	_ =	swait.ge [sflag:s17], $0x500  }
0x24: {  	[sflag:s17] =	ssyncset.done $0x0  }
0x25: {  	s4 =	rddreg [dreg:$0x5];
	[sflag:s17] =	ssyncadd.s32 $0xFFFFFB00  }
0x26: {  	[tilespmem:s18], [sflag:$0x7] =	stream.linear.gather [hbm4b:s4+s3], $0x2800, $0x38;
	[tilespmem:$0x9400] =	vst v63  }
0x27: {  	_ =	swait.ge [sflag:s17], $0x2800  }
0x28: {  	[sflag:s17] =	ssyncset.done $0x0  }
0x29: {  	[sflag:s17] =	ssyncadd.s32 $0xFFFFD800  }
0x2a: {  	[tilespmem:s19], [sflag:$0x7] =	stream.linear.gather [hbm4b:s7+s3], $0x200, $0x38;
	[tilespmem:$0x9400] =	vst v63  }
0x2b: {  	_ =	swait.ge [sflag:s17], $0x200  }
0x2c: {  	[sflag:s17] =	ssyncset.done $0x0  }
0x2d: {  	[sflag:s17] =	ssyncadd.s32 $0xFFFFFE00  }
0x2e: {  	[bflag:$0x0] =	sbarrier.arrive $0xFFFF  }
0x2f: {  	[tilespmem:s21], [sflag:$0x1] =	stream.indirect.gather [hbm4b:s8+s20], $0x10, s19, s20, $0xb8;
	[tilespmem:$0x9400] =	vst v63  }
0x30: {  	s6 =	rddreg [dreg:$0x6]  }
0x31: {  	[tilespmem:s22], [sflag:$0x6] =	stream.linear.gather [hbm4b:s6+s3], $0x200, $0x38;
	[tilespmem:$0x9400] =	vst v63  }
0x32: {  	_ =	swait.ge [sflag:s23], $0x200  }
0x33: {  	[sflag:s23] =	ssyncset.done $0x0  }
0x34: {  	[sflag:s23] =	ssyncadd.s32 $0xFFFFFE00  }
0x35: {  	[tilespmem:s24], [sflag:$0x2] =	stream.indirect.gather [hbm4b:s8+s20], $0x10, s22, s20, $0xb8;
	[tilespmem:$0x9400] =	vst v63  }
0x36: {  	_ =	swait.ge [sflag:s25], $0x2000  }
0x37: {  	[sflag:s25] =	ssyncset.done $0x0  }
0x38: {  	[sflag:s25] =	ssyncadd.s32 $0xFFFFE000  }
0x39: {  	[spmem:s2] =	stream.indirect.scatter.add.f32 [tilespmem:s21], [sflag:$0x3], $0x10, s18, s20, $0xb8;
	[tilespmem:$0x9400] =	vst v63  }
0x3a: {  	_ = 	snop  }
0x3b: {  	[tilespmem:s19], [sflag:$0x5] =	stream.linear.gather [hbm4b:s12+s3], $0x200, $0x38;
	[tilespmem:$0x9400] =	vst v63  }
0x3c: {  	_ =	swait.ge [sflag:s26], $0x2000  }
0x3d: {  	[sflag:s26] =	ssyncset.done $0x0  }
0x3e: {  	[sflag:s26] =	ssyncadd.s32 $0xFFFFE000  }
0x3f: {  	_ =	swait.ge [sflag:s28], $0x200  }
0x40: {  	[sflag:s28] =	ssyncset.done $0x0  }
0x41: {  	[sflag:s28] =	ssyncadd.s32 $0xFFFFFE00  }
0x42: {  	[tilespmem:s21], [sflag:$0x1] =	stream.indirect.gather [hbm4b:s8+s20], $0x10, s19, s20, $0xb8;
	[tilespmem:$0x9400] =	vst v63  }
0x43: {  	_ =	swait.ge [sflag:s29], $0x2000  }
0x44: {  	[sflag:s29] =	ssyncset.done $0x0  }
0x45: {  	s9 =	simm.s32 $0x2E00;
	[sflag:s29] =	ssyncadd.s32 $0xFFFFE000  }
0x46: {  	[spmem:s2] =	stream.indirect.scatter.add.f32 [tilespmem:s24], [sflag:$0x4], $0x10, s9, s20, $0xb8;
	[tilespmem:$0x9400] =	vst v63  }
0x47: {  	s30 =	simm.s32 $0x0;
	s0 =	simm.s32 $0x3200  }
0x48: {  	[tilespmem:s22], [sflag:$0x6] =	stream.linear.gather [hbm4b:s13+s3], $0x200, $0x38;
	[tilespmem:$0x9400] =	vst v63  }
.LBB2_2:
0x49: {  	_ =	swait.ge [sflag:s31], $0x2000  }
0x4a: {  	[sflag:s31] =	ssyncset.done $0x0  }
0x4b: {  	[sflag:s31] =	ssyncadd.s32 $0xFFFFE000  }
0x4c: {  	_ =	swait.ge [sflag:s23], $0x200  }
0x4d: {  	[sflag:s23] =	ssyncset.done $0x0  }
0x4e: {  	[sflag:s23] =	ssyncadd.s32 $0xFFFFFE00  }
0x4f: {  	[tilespmem:s24], [sflag:$0x2] =	stream.indirect.gather [hbm4b:s8+s20], $0x10, s22, s20, $0xb8;
	[tilespmem:$0x9400] =	vst v63  }
0x50: {  	_ =	swait.ge [sflag:s25], $0x2000  }
0x51: {  	[sflag:s25] =	ssyncset.done $0x0  }
0x52: {  	s4 =	sadd.s32 $0xFFFFFE00, s0;
	p0 =	seq.s32 s30, $0x400;
	[sflag:s25] =	ssyncadd.s32 $0xFFFFE000  }
0x53: {  	[spmem:s2] =	stream.indirect.scatter.add.f32 [tilespmem:s21], [sflag:$0x3], $0x10, s4, s20, $0xb8;
	[tilespmem:$0x9400] =	vst v63  }
0x54: {  	s4 =	simm.s32 @p0 $0x3  }
0x55: {  	_ =	swait.ge @p0 [sflag:s4], $0x2000  }
0x56: {  	s6 =	simm.s32 @!p0 $0x0;
	[sflag:s4] =	ssyncset.done @p0 $0x0  }
0x57: {  	s9 =	simm.s32 @!p0 $0x2800;
	[sflag:s4] =	ssyncadd.s32 @p0 $0xFFFFE000;
	s4 =	sadd.s32 @!p0 s30, s15  }
0x58: {  	[tilespmem:s9], [sflag:$0x5] =	stream.linear.gather @!p0 [hbm4b:s4+s6], $0x200, $0x38;
	[tilespmem:$0x9400] =	vst v63  }
0x59: {  	s4 =	simm.s32 @!p0 $0x3  }
0x5a: {  	_ =	swait.ge @!p0 [sflag:s4], $0x2000  }
0x5b: {  	[sflag:s4] =	ssyncset.done @!p0 $0x0  }
0x5c: {  	[sflag:s4] =	ssyncadd.s32 @!p0 $0xFFFFE000;
	s4 =	simm.s32 @!p0 $0x5  }
0x5d: {  	_ =	swait.ge @!p0 [sflag:s4], $0x200  }
0x5e: {  	[sflag:s4] =	ssyncset.done @!p0 $0x0  }
0x5f: {  	s6 =	simm.s32 @!p0 $0x5400;
	[sflag:s4] =	ssyncadd.s32 @!p0 $0xFFFFFE00;
	s4 =	simm.s32 @!p0 $0x200  }
0x60: {  	[tilespmem:s6], [sflag:$0x1] =	stream.indirect.gather @!p0 [hbm4b:s8+s4], $0x10, s9, s4, $0xb8;
	[tilespmem:$0x9400] =	vst v63  }
.Ltmp2:
0x61: {  	_ = 	snop;
	(pc) =	sbr.rel @p0 .LBB2_4-.Ltmp2, $4  }
0x62: {  	_ =	swait.ge [sflag:s29], $0x2000  }
0x63: {  	[sflag:s29] =	ssyncset.done $0x0  }
0x64: {  	[sflag:s29] =	ssyncadd.s32 $0xFFFFE000  }
0x65: {  	[spmem:s2] =	stream.indirect.scatter.add.f32 [tilespmem:s24], [sflag:$0x4], $0x10, s0, s20, $0xb8;
	[tilespmem:$0x9400] =	vst v63  }
.Ltmp3:
0x66: {  	(pc) =	sbr.rel .LBB2_2-.Ltmp3, $3  }
0x67: {  	_ =	sdelay $0x1  }
0x68: {  	s4 =	sadd.s32 s30, s14;
	s0 =	sadd.s32 $0x400, s0;
	s30 =	sadd.s32 $0x80, s30  }
0x69: {  	[tilespmem:s22], [sflag:$0x6] =	stream.linear.gather [hbm4b:s4+s3], $0x200, $0x38;
	[tilespmem:$0x9400] =	vst v63  }
.LBB2_5:
0x6a: {  	_ =	sfence.sel $0x180000  }
0x6b: {  	[bflag:$0x0] =	sbarrier.arrive $0xFFFF  }
0x6c: {  	_ =	strace $0x9000004A  }
0x6d: {  	s0 =	stileid.u32;
	[bflag:$0x2] =	sbarrier.arrive $0xFFFF  }
0x6e: {  	p0 =	sne.s32 s0, $0x0;
	s0 =	rddreg [dreg:$0x3]  }
0x6f: {  	s0 =	sadd.s32 @!p0 $0x100000, s0  }
0x70: {  	[sflag:s0] =	ssyncadd.tile.s32 @!p0 $0x1;
	_ =	shalt  }
.Lfunc_end2:
_tile_overlayer_lowered:
.L_overlay_start_2:
0x71: {  	(tag) =	ssettag $0x2  }
0x72: {  	s0 =	rddreg [dreg:$0x0];
	s2 =	stileid.u32  }
0x73: {  	s1 =	rddreg [dreg:$0x1];
	p0 =	sne.s32 s2, $0x0  }
0x74: {  	s3 =	rddreg [dreg:$0x2];
	[bflag:$0x3] =	sbarrier.arrive $0xFFFF;
	s2 =	simm.s32 @!p0 $0x1C07  }
0x75: {  	[timem:s3], [sflag:s2] =	dma.local @!p0 [hbm:s0], s1  }
0x76: {  	s0 =	simm.s32 @!p0 $0x7  }
0x77: {  	_ =	swait.ge @!p0 [sflag:s0], s1  }
0x78: {  	s1 =	ssub.s32 @!p0 $0x0, s1;
	[sflag:s0] =	ssyncset.done @!p0 $0x0  }
0x79: {  	[sflag:s0] =	ssyncadd.s32 @!p0 s1  }
0x7a: {  	[bflag:$0x3] =	sbarrier.arrive $0xFFFF  }
0x7b: {  	_ =	shalt  }

// kernel: kernel.17.cloned.1.call-start
scs
__scs_entry_jumppad:
0x0: {  	(pc) =	sbr.rel $0x88, $3  }
0x1: {  	(tag) =	ssettag $0x0;
	lr =	simm.s32 $0x1  }
0x2: {  	[smem:$0x3F95] =	sst lr;
	_ =	strace $0xD0000000  }
0x3: {  	_ = 	snop  }
0x4: {  	_ = 	snop  }
0x5: {  	_ = 	snop  }
0x6: {  	_ = 	snop  }
0x7: {  	_ = 	snop  }
__scs_overlays_trampoline_lowered:
0x8: {  	[smem:$0x3FA4] =	sst s0  }
0x9: {  	[smem:$0x3FA5] =	sst s1  }
0xa: {  	[smem:$0x3FA6] =	sst s2  }
0xb: {  	[smem:$0x3FA7] =	sst s3  }
0xc: {  	[smem:$0x3FA8] =	sst s4  }
0xd: {  	[smem:$0x3FA9] =	sst s5  }
0xe: {  	[smem:$0x3FAA] =	sst s6  }
0xf: {  	[smem:$0x3FAB] =	sst s7  }
0x10: {  	[smem:$0x3FAC] =	sst s8  }
0x11: {  	[smem:$0x3FAD] =	sst s9;
	s0 =	simm.s32 @!p0 $0x0  }
0x12: {  	s1 =	sld [smem:$0x3F93];
	s0 =	simm.s32 @p0 $0x1  }
0x13: {  	[smem:$0x3FAE] =	sst s0;
	s0 =	simm.s32 @!p1 $0x0  }
0x14: {  	s2 =	sld [smem:$0x3F92];
	s0 =	simm.s32 @p1 $0x1  }
0x15: {  	[smem:$0x3FAF] =	sst s0;
	s0 =	simm.s32 @!p2 $0x0  }
0x16: {  	s3 =	sld [smem:$0x3FDB];
	s0 =	simm.s32 @p2 $0x1  }
0x17: {  	s4 =	simm.s32 $0x1BF5;
	[smem:$0x3FB1] =	sst s0  }
0x18: {  	s0 =	sld [smem:$0x3F94];
	_ =	swait.ge [sflag:s4], $0x0  }
0x19: {  	s7 =	sld [smem:$0x3F95]  }
0x1a: {  	s8 =	sadd.s32 $0xFFFFE003, lr  }
0x1b: {  	s9 =	sadd.s32 $0xFFFFFEF7, lr;
	s5 =	simm.s32 $0xFFFFFFFF;
	p2 =	slt.u32 s8, $0xFFFFF086  }
0x1c: {  	p1 =	slt.u32 s9, $0xF7A;
	s5 =	simm.s32 @!p2 $0x0  }
0x1d: {  	s5 =	simm.s32 @p1 $0x1;
	p0 =	seq.s32 s7, s2  }
0x1e: {  	s7 =	smul.u32 @!p0 $0xF7A, s2;
	p2 =	seq.s32 @!p0 s5, $0x0  }
0x1f: {  	s9 =	smul.u32 $0xF7A, s1;
	s8 =	simm.s32 @!p0 $0x1BF5;
	p2 =	por !p2, p0  }
0x20: {  	[sflag:s8] =	ssyncset.s32 @!p0 $0xFFFFF086;
	s6 =	sadd.s32 @!p0 s3, s7;
	s7 =	simm.s32 @!p0 $0x108  }
0x21: {  	s3 =	sadd.s32 s3, s9;
	s6 =	sadd.s32 @!p0 $0x88, s6;
	s7 =	simm.s32 @p2 $0x1082  }
0x22: {  	[simem:s7], [sflag:s8] =	dma.local @!p0 [hbm:s6], $0xF7A  }
0x23: {  	s9 =	sor.u32 $0xD0000000, s2;
	s6 =	simm.s32 $0x108;
	_ =	swait.ge @!p0 [sflag:s8], $0x0  }
0x24: {  	s3 =	sadd.s32 $0x88, s3;
	s6 =	simm.s32 @!p1 $0x1082;
	[sflag:s4] =	ssyncset.s32 $0xFFFFF086  }
0x25: {  	[simem:s6], [sflag:s4] =	dma.local [hbm:s3], $0xF7A  }
0x26: {  	[smem:$0x3F95] =	sst s1;
	(tag) =	ssettag s2;
	_ =	strace s9  }
0x27: {  	s1 =	sld [smem:$0x3FA5]  }
0x28: {  	s2 =	sld [smem:$0x3FA6]  }
0x29: {  	s4 =	sld [smem:$0x3FA8]  }
0x2a: {  	p0 =	seq.s32 s5, $0x0;
	s5 =	sld [smem:$0x3FA9]  }
0x2b: {  	s6 =	sld [smem:$0x3FAA]  }
0x2c: {  	s7 =	sld [smem:$0x3FAB]  }
0x2d: {  	s3 =	simm.s32 $0x108;
	s8 =	sld [smem:$0x3FAC]  }
0x2e: {  	s3 =	simm.s32 @!p0 $0x1082;
	s9 =	sld [smem:$0x3FAD]  }
0x2f: {  	lr =	sadd.s32 s0, s3;
	s0 =	sld [smem:$0x3FA4]  }
0x30: {  	s3 =	sld [smem:$0x3FA7]  }
0x31: {  	[smem:$0x3FB0] =	sst s10  }
0x32: {  	s10 =	sld [smem:$0x3FAE];
	_ =	sdelay $0x3  }
0x33: {  	p0 =	seq.s32 s10, $0x1;
	s10 =	sld [smem:$0x3FB0];
	_ =	sdelay $0x3  }
0x34: {  	[smem:$0x3FB0] =	sst s10  }
0x35: {  	s10 =	sld [smem:$0x3FAF];
	_ =	sdelay $0x3  }
0x36: {  	p1 =	seq.s32 s10, $0x1;
	s10 =	sld [smem:$0x3FB0];
	_ =	sdelay $0x3  }
0x37: {  	[smem:$0x3FB0] =	sst s10  }
0x38: {  	s10 =	sld [smem:$0x3FB1]  }
0x39: {  	_ = 	snop;
	(pc) =	sbr.ind lr, $3  }
0x3a: {  	_ = 	snop  }
0x3b: {  	_ = 	snop  }
0x3c: {  	p2 =	seq.s32 s10, $0x1;
	s10 =	sld [smem:$0x3FB0]  }
0x3d: {  	_ =	shalt  }
0x3e: {  	_ =	shalt  }
0x3f: {  	_ =	shalt  }
0x40: {  	_ =	shalt  }
0x41: {  	_ =	shalt  }
0x42: {  	_ =	shalt  }
0x43: {  	_ =	shalt  }
0x44: {  	_ =	shalt  }
0x45: {  	_ =	shalt  }
0x46: {  	_ =	shalt  }
0x47: {  	_ =	shalt  }
0x48: {  	_ =	shalt  }
0x49: {  	_ =	shalt  }
0x4a: {  	_ =	shalt  }
0x4b: {  	_ =	shalt  }
0x4c: {  	_ =	shalt  }
0x4d: {  	_ =	shalt  }
0x4e: {  	_ =	shalt  }
0x4f: {  	_ =	shalt  }
0x50: {  	_ =	shalt  }
0x51: {  	_ =	shalt  }
0x52: {  	_ =	shalt  }
0x53: {  	_ =	shalt  }
0x54: {  	_ =	shalt  }
0x55: {  	_ =	shalt  }
0x56: {  	_ =	shalt  }
0x57: {  	_ =	shalt  }
0x58: {  	_ =	shalt  }
0x59: {  	_ =	shalt  }
0x5a: {  	_ =	shalt  }
0x5b: {  	_ =	shalt  }
0x5c: {  	_ =	shalt  }
0x5d: {  	_ =	shalt  }
0x5e: {  	_ =	shalt  }
0x5f: {  	_ =	shalt  }
0x60: {  	_ =	shalt  }
0x61: {  	_ =	shalt  }
0x62: {  	_ =	shalt  }
0x63: {  	_ =	shalt  }
0x64: {  	_ =	shalt  }
0x65: {  	_ =	shalt  }
0x66: {  	_ =	shalt  }
0x67: {  	_ =	shalt  }
0x68: {  	_ =	shalt  }
0x69: {  	_ =	shalt  }
0x6a: {  	_ =	shalt  }
0x6b: {  	_ =	shalt  }
0x6c: {  	_ =	shalt  }
0x6d: {  	_ =	shalt  }
0x6e: {  	_ =	shalt  }
0x6f: {  	_ =	shalt  }
0x70: {  	_ =	shalt  }
0x71: {  	_ =	shalt  }
0x72: {  	_ =	shalt  }
0x73: {  	_ =	shalt  }
0x74: {  	_ =	shalt  }
0x75: {  	_ =	shalt  }
0x76: {  	_ =	shalt  }
0x77: {  	_ =	shalt  }
0x78: {  	_ =	shalt  }
0x79: {  	_ =	shalt  }
0x7a: {  	_ =	shalt  }
0x7b: {  	_ =	shalt  }
0x7c: {  	_ =	shalt  }
0x7d: {  	_ =	shalt  }
0x7e: {  	_ =	shalt  }
0x7f: {  	_ =	shalt  }
0x80: {  	_ =	shalt  }
0x81: {  	_ =	shalt  }
0x82: {  	_ =	shalt  }
0x83: {  	_ =	shalt  }
0x84: {  	_ =	shalt  }
0x85: {  	_ =	shalt  }
0x86: {  	_ =	shalt  }
0x87: {  	_ =	shalt  }
.Lfunc_end0:
.L_simem_size_0:
called_computation.1_lowered:
.L_overlay_start_0:
0x88: {  	s2 =	sld [smem:$0x3FD9]  }
0x89: {  	s3 =	sld [smem:$0x3FFE];
	_ =	sdelay $0x1  }
0x8a: {  	s1 =	srdreg.scid  }
0x8b: {  	s0 =	sand.u32 $0x1, s1  }
0x8c: {  	s14 =	sshll.u32 s0, $0xA;
	s2 =	sadd.s32 s3, s2  }
0x8d: {  	s2 =	sadd.s32 s2, s14  }
0x8e: {  	[smem:$0x3FBC] =	sst s2  }
0x8f: {  	_ = 	snop  }
0x90: {  	s2 =	sld [smem:$0x3FD0];
	_ =	sdelay $0x2  }
0x91: {  	s15 =	simm.s32 $0xB;
	s4 =	simm.s32 $0x10  }
0x92: {  	[smem:s4], [sflag:s15] =	dma.local [hbm:s2], $0x1  }
0x93: {  	_ =	swait.eq [sflag:s15], $0x1  }
0x94: {  	[sflag:s15] =	ssyncset.done $0x0  }
0x95: {  	s16 =	sld [smem:$0x10];
	[sflag:s15] =	ssyncadd.s32 $0xFFFFFFFF  }
0x96: {  	s17 =	sld [smem:$0x11];
	(tm) =	ssettm $0x1  }
0x97: {  	s18 =	sld [smem:$0x3FFB];
	_ =	sdelay $0x3  }
0x98: {  	_ =	strace s18  }
0x99: {  	s4 =	sld [smem:$0x3FFC];
	_ =	sdelay $0x3  }
0x9a: {  	_ =	strace s4  }
0x9b: {  	s4 =	sld [smem:$0x3FFD];
	_ =	sdelay $0x3  }
0x9c: {  	_ =	strace s4  }
0x9d: {  	_ =	strace $0x8FFFFFFF  }
0x9e: {  	s19 =	sld [smem:$0x3FDB];
	_ =	sdelay $0x1  }
0x9f: {  	s5 =	simm.s32 $_scs_section_size  }
0xa0: {  	s6 =	simm.s32 $_size__tile_overlayer_lowered;
	s7 =	simm.s32 $_tile_overlayer_lowered  }
0xa1: {  	s22 =	simm.s32 $0x1BFF;
	s21 =	sshll.u32 s7, $0x1;
	s4 =	sadd.s32 s5, s19  }
0xa2: {  	s8 =	simm.s32 $0x0;
	s20 =	sshll.u32 s6, $0x1;
	s6 =	sadd.s32 s21, s4  }
0xa3: {  	[timem:s8], [sflag:s22] =	dma.local [hbm:s6], s20  }
0xa4: {  	_ =	swait.ge [sflag:s22], s20  }
0xa5: {  	s5 =	ssub.s32 $0x0, s20;
	[sflag:s22] =	ssyncset.done $0x0  }
0xa6: {  	[sflag:s22] =	ssyncadd.s32 s5;
	_ =	sdelay $0x1  }
0xa7: {  	s23 =	simm.s32 $0x1B8B  }
0xa8: {  	_ =	swait.ge [sflag:s23], $0x1  }
0xa9: {  	[sflag:s23] =	ssyncset.done $0x0  }
0xaa: {  	s25 =	simm.s32 $0x1B8E;
	s24 =	sld [smem:$0x3FFE];
	[sflag:s23] =	ssyncadd.s32 $0xFFFFFFFF  }
0xab: {  	s26 =	simm.s32 $execute0_lowered;
	[smem:$0x3FD2] =	sst s25  }
0xac: {  	s6 =	sshll.u32 s26, $0x1;
	_ =	strace $0x80000046;
	[dreg:$0x1] =	wrdreg $0xFFFFFFFF  }
0xad: {  	s28 =	simm.s32 $_size_execute0_lowered;
	s4 =	sadd.s32 s4, s6;
	[dreg:$0x0] =	wrdreg $0x0  }
0xae: {  	s6 =	sshll.u32 s28, $0x1;
	[dreg:$0x2] =	wrdreg s4  }
0xaf: {  	[dreg:$0x3] =	wrdreg s6  }
0xb0: {  	[dreg:$0x4] =	wrdreg $0xC0  }
0xb1: {  	_ =	task [dreg:s8], $0x5FFFF  }
0xb2: {  	[dreg:$0x1] =	wrdreg $0xFFFFFFFF  }
0xb3: {  	[dreg:$0x0] =	wrdreg $0x60  }
0xb4: {  	[dreg:$0x2] =	wrdreg s17  }
0xb5: {  	[dreg:$0x3] =	wrdreg s24  }
0xb6: {  	[dreg:$0x4] =	wrdreg s16  }
0xb7: {  	[dreg:$0x5] =	wrdreg $0x0  }
0xb8: {  	[dreg:$0x6] =	wrdreg $0xA  }
0xb9: {  	_ =	task.clear_ibuf [dreg:s8], $0x7FFFF;
	_ =	strace $0x90000046  }
0xba: {  	s29 =	simm.s32 $0xA;
	_ =	strace $0x80000048  }
0xbb: {  	_ =	swait.ge [sflag:s29], $0x1  }
0xbc: {  	[sflag:s29] =	ssyncadd.s32 $0xFFFFFFFF  }
0xbd: {  	_ =	strace $0x90000048  }
0xbe: {  	_ =	sfence  }
0xbf: {  	s30 =	sld [smem:$0x0];
	_ =	sdelay $0x2  }
0xc0: {  	s31 =	sshll.u32 s1, $0xD;
	s1 =	sshrl.u32 s1, $0x2  }
0xc1: {  	s3 =	sand.u32 $0x4000, s31;
	s1 =	sadd.s32 s1, s30  }
0xc2: {  	s0 =	sor.u32 s3, s0;
	s1 =	sshll.u32 s1, $0x11  }
0xc3: {  	s0 =	sor.u32 s1, s0  }
0xc4: {  	s0 =	sadd.s32 $0x8F2B, s0  }
0xc5: {  	[sflag:s0] =	ssyncadd.remote.s32 $0x1  }
0xc6: {  	_ =	sfence.sel $0xFFFF  }
0xc7: {  	[dreg:$0x0] =	wrdreg $0xFFFFFFFF;
	(pc) =	sbr.abs _section_cstart, $3  }
0xc8: {  	[dreg:$0x1] =	wrdreg $0xFFFFFFFF  }
0xc9: {  	_ =	task.clear_ibuf [dreg:s8], $0x2FFFF;
	_ =	strace $0x9FFFFFFF  }
0xca: {  	(tm) =	ssettm $0x7FFFFFFF  }
0xcb: {  	_ =	shalt  }
tec
execute0_lowered:
.L_overlay_start_1:
0x0: {  	(tag) =	ssettag $0x1  }
0x1: {  	s0 =	rddreg [dreg:$0x0]  }
0x2: {  	s1 =	rddreg [dreg:$0x1]  }
0x3: {  	s6 =	rddreg [dreg:$0x2]  }
0x4: {  	s2 =	rddreg [dreg:$0x3]  }
0x5: {  	s14 =	stileid.u32;
	s3 =	simm.s32 $0x0;
	s5 =	srdreg.scid  }
0x6: {  	s28 =	simm.s32 $0x5;
	s29 =	simm.s32 $0x2;
	s31 =	simm.s32 $0x4  }
0x7: {  	s4 =	smul.u32 $0x2800, s14;
	[smem:$0x7FF] =	sst s3;
	s10 =	sand.u32 $0x1, s5  }
0x8: {  	s15 =	sadd.s32 $0x3800, s1;
	s8 =	sshll.u32 s14, $0x1;
	s21 =	smul.u32 $0x5000, s14  }
0x9: {  	s18 =	sshll.u32 s14, $0x6;
	_ =	strace $0x80000047;
	s7 =	smul.u32 $0x28000, s10  }
0xa: {  	s11 =	ssub.s32 $0x2, s10;
	s8 =	sor.u32 s10, s8;
	s24 =	smul.u32 $0x2800, s10  }
0xb: {  	s16 =	sshrl.u32 s4, $0x3;
	s12 =	sshrl.u32 s11, $0x1;
	s13 =	smul.u32 $0x2800, s8  }
0xc: {  	s5 =	sadd.s32 s16, s1;
	s9 =	sadd.s32 s4, s7;
	s11 =	ssub.s32 s11, s12  }
0xd: {  	s16 =	sadd.s32 s4, s2;
	s20 =	sshrl.u32 s7, $0x3;
	s9 =	sshrl.u32 s9, $0x3  }
0xe: {  	s17 =	sadd.s32 $0x21800, s5;
	s8 =	sshrl.u32 s13, $0x3;
	s5 =	sor.u32 $0x1C07, s18  }
0xf: {  	s23 =	sor.u32 $0x400, s13;
	s13 =	sor.u32 $0x600, s13;
	s11 =	smax.u32 s11, $0x1  }
0x10: {  	s16 =	sshrl.u32 s16, $0x3;
	s18 =	simm.s32 $0x2C00;
	s1 =	sadd.s32 s9, s1  }
0x11: {  	[dreg:$0x5] =	wrdreg s17;
	s19 =	sadd.s32 s6, s8;
	s7 =	sadd.s32 s15, s8  }
0x12: {  	s8 =	sadd.s32 s0, s20;
	s25 =	sshrl.u32 s23, $0x3;
	s0 =	sadd.s32 s24, s21  }
0x13: {  	s26 =	sshrl.u32 s13, $0x3;
	s17 =	simm.s32 $0x7;
	s20 =	simm.s32 $0x200  }
0x14: {  	s21 =	simm.s32 $0x5400;
	s23 =	simm.s32 $0x6;
	s24 =	simm.s32 $0x7400  }
0x15: {  	[dreg:$0x6] =	wrdreg s19;
	s22 =	sadd.s32 $0x40, s7;
	s10 =	sadd.s32 $0x26800, s1  }
.Ltmp0:
0x16: {  	s12 =	sadd.s32 s15, s25;
	s14 =	sadd.s32 $0xA00, s0;
	(pc) =	sbr.rel .LBB2_1-.Ltmp0, $4  }
0x17: {  	s0 =	sadd.s32 $0x800, s0;
	s13 =	sadd.s32 s15, s26;
	s19 =	simm.s32 $0x2800  }
0x18: {  	s25 =	simm.s32 $0x1;
	s26 =	simm.s32 $0x3;
	[dreg:$0x7] =	wrdreg s22  }
0x19: {  	s30 =	sshrl.u32 s14, $0x3;
	s0 =	sshrl.u32 s0, $0x3;
	s22 =	simm.s32 $0x2A00  }
0x1a: {  	s14 =	sadd.s32 s30, s15;
	s15 =	sadd.s32 s0, s15;
	s0 =	simm.s32 $0x0  }
.LBB2_4:
0x1b: {  	_ =	swait.ge [sflag:s31], $0x2000  }
0x1c: {  	s0 =	sadd.s32 $0x1, s0;
	[sflag:s31] =	ssyncset.done $0x0  }
0x1d: {  	p0 =	sne.s32 s0, s11;
	[sflag:s31] =	ssyncadd.s32 $0xFFFFE000  }
.Ltmp1:
0x1e: {  	[bflag:$0x0] =	sbarrier.arrive $0xFFFF;
	(pc) =	sbr.rel @!p0 .LBB2_5-.Ltmp1, $4  }
0x1f: {  	[hbm:s10], [sflag:s5] =	dma.local [spmem:s16], $0x500  }
0x20: {  	_ =	swait.ge [sflag:s17], $0x500  }
0x21: {  	[sflag:s17] =	ssyncset.done $0x0  }
0x22: {  	[sflag:s17] =	ssyncadd.s32 $0xFFFFFB00  }
.LBB2_1:
0x23: {  	s1 =	rddreg [dreg:$0x5]  }
0x24: {  	[spmem:s16], [sflag:s5] =	dma.local [hbm:s1], $0x500  }
0x25: {  	_ =	swait.ge [sflag:s17], $0x500  }
0x26: {  	[sflag:s17] =	ssyncset.done $0x0  }
0x27: {  	s4 =	rddreg [dreg:$0x6];
	[sflag:s17] =	ssyncadd.s32 $0xFFFFFB00  }
0x28: {  	[tilespmem:s18], [sflag:$0x7] =	stream.linear.gather [hbm4b:s4+s3], $0x2800, $0x38;
	[tilespmem:$0x9400] =	vst v63  }
0x29: {  	_ =	swait.ge [sflag:s17], $0x2800  }
0x2a: {  	[sflag:s17] =	ssyncset.done $0x0  }
0x2b: {  	[sflag:s17] =	ssyncadd.s32 $0xFFFFD800  }
0x2c: {  	[tilespmem:s19], [sflag:$0x7] =	stream.linear.gather [hbm4b:s7+s3], $0x200, $0x38;
	[tilespmem:$0x9400] =	vst v63  }
0x2d: {  	_ =	swait.ge [sflag:s17], $0x200  }
0x2e: {  	[sflag:s17] =	ssyncset.done $0x0  }
0x2f: {  	[sflag:s17] =	ssyncadd.s32 $0xFFFFFE00  }
0x30: {  	[bflag:$0x0] =	sbarrier.arrive $0xFFFF  }
0x31: {  	[tilespmem:s21], [sflag:$0x1] =	stream.indirect.gather [hbm4b:s8+s20], $0x10, s19, s20, $0xb8;
	[tilespmem:$0x9400] =	vst v63  }
0x32: {  	s6 =	rddreg [dreg:$0x7]  }
0x33: {  	[tilespmem:s22], [sflag:$0x6] =	stream.linear.gather [hbm4b:s6+s3], $0x200, $0x38;
	[tilespmem:$0x9400] =	vst v63  }
0x34: {  	_ =	swait.ge [sflag:s23], $0x200  }
0x35: {  	[sflag:s23] =	ssyncset.done $0x0  }
0x36: {  	[sflag:s23] =	ssyncadd.s32 $0xFFFFFE00  }
0x37: {  	[tilespmem:s24], [sflag:$0x2] =	stream.indirect.gather [hbm4b:s8+s20], $0x10, s22, s20, $0xb8;
	[tilespmem:$0x9400] =	vst v63  }
0x38: {  	_ =	swait.ge [sflag:s25], $0x2000  }
0x39: {  	[sflag:s25] =	ssyncset.done $0x0  }
0x3a: {  	[sflag:s25] =	ssyncadd.s32 $0xFFFFE000  }
0x3b: {  	[spmem:s2] =	stream.indirect.scatter.add.f32 [tilespmem:s21], [sflag:$0x3], $0x10, s18, s20, $0xb8;
	[tilespmem:$0x9400] =	vst v63  }
0x3c: {  	_ = 	snop  }
0x3d: {  	[tilespmem:s19], [sflag:$0x5] =	stream.linear.gather [hbm4b:s12+s3], $0x200, $0x38;
	[tilespmem:$0x9400] =	vst v63  }
0x3e: {  	_ =	swait.ge [sflag:s26], $0x2000  }
0x3f: {  	[sflag:s26] =	ssyncset.done $0x0  }
0x40: {  	[sflag:s26] =	ssyncadd.s32 $0xFFFFE000  }
0x41: {  	_ =	swait.ge [sflag:s28], $0x200  }
0x42: {  	[sflag:s28] =	ssyncset.done $0x0  }
0x43: {  	[sflag:s28] =	ssyncadd.s32 $0xFFFFFE00  }
0x44: {  	[tilespmem:s21], [sflag:$0x1] =	stream.indirect.gather [hbm4b:s8+s20], $0x10, s19, s20, $0xb8;
	[tilespmem:$0x9400] =	vst v63  }
0x45: {  	_ =	swait.ge [sflag:s29], $0x2000  }
0x46: {  	[sflag:s29] =	ssyncset.done $0x0  }
0x47: {  	s9 =	simm.s32 $0x2E00;
	[sflag:s29] =	ssyncadd.s32 $0xFFFFE000  }
0x48: {  	[spmem:s2] =	stream.indirect.scatter.add.f32 [tilespmem:s24], [sflag:$0x4], $0x10, s9, s20, $0xb8;
	[tilespmem:$0x9400] =	vst v63  }
0x49: {  	s30 =	simm.s32 $0x0;
	s1 =	simm.s32 $0x3200  }
0x4a: {  	[tilespmem:s22], [sflag:$0x6] =	stream.linear.gather [hbm4b:s13+s3], $0x200, $0x38;
	[tilespmem:$0x9400] =	vst v63  }
.LBB2_2:
0x4b: {  	_ =	swait.ge [sflag:s31], $0x2000  }
0x4c: {  	[sflag:s31] =	ssyncset.done $0x0  }
0x4d: {  	[sflag:s31] =	ssyncadd.s32 $0xFFFFE000  }
0x4e: {  	_ =	swait.ge [sflag:s23], $0x200  }
0x4f: {  	[sflag:s23] =	ssyncset.done $0x0  }
0x50: {  	[sflag:s23] =	ssyncadd.s32 $0xFFFFFE00  }
0x51: {  	[tilespmem:s24], [sflag:$0x2] =	stream.indirect.gather [hbm4b:s8+s20], $0x10, s22, s20, $0xb8;
	[tilespmem:$0x9400] =	vst v63  }
0x52: {  	_ =	swait.ge [sflag:s25], $0x2000  }
0x53: {  	[sflag:s25] =	ssyncset.done $0x0  }
0x54: {  	s4 =	sadd.s32 $0xFFFFFE00, s1;
	p0 =	seq.s32 s30, $0x400;
	[sflag:s25] =	ssyncadd.s32 $0xFFFFE000  }
0x55: {  	[spmem:s2] =	stream.indirect.scatter.add.f32 [tilespmem:s21], [sflag:$0x3], $0x10, s4, s20, $0xb8;
	[tilespmem:$0x9400] =	vst v63  }
0x56: {  	s4 =	simm.s32 @p0 $0x3  }
0x57: {  	_ =	swait.ge @p0 [sflag:s4], $0x2000  }
0x58: {  	s6 =	simm.s32 @!p0 $0x0;
	[sflag:s4] =	ssyncset.done @p0 $0x0  }
0x59: {  	s9 =	simm.s32 @!p0 $0x2800;
	[sflag:s4] =	ssyncadd.s32 @p0 $0xFFFFE000;
	s4 =	sadd.s32 @!p0 s30, s15  }
0x5a: {  	[tilespmem:s9], [sflag:$0x5] =	stream.linear.gather @!p0 [hbm4b:s4+s6], $0x200, $0x38;
	[tilespmem:$0x9400] =	vst v63  }
0x5b: {  	s4 =	simm.s32 @!p0 $0x3  }
0x5c: {  	_ =	swait.ge @!p0 [sflag:s4], $0x2000  }
0x5d: {  	[sflag:s4] =	ssyncset.done @!p0 $0x0  }
0x5e: {  	[sflag:s4] =	ssyncadd.s32 @!p0 $0xFFFFE000;
	s4 =	simm.s32 @!p0 $0x5  }
0x5f: {  	_ =	swait.ge @!p0 [sflag:s4], $0x200  }
0x60: {  	[sflag:s4] =	ssyncset.done @!p0 $0x0  }
0x61: {  	s6 =	simm.s32 @!p0 $0x5400;
	[sflag:s4] =	ssyncadd.s32 @!p0 $0xFFFFFE00;
	s4 =	simm.s32 @!p0 $0x200  }
0x62: {  	[tilespmem:s6], [sflag:$0x1] =	stream.indirect.gather @!p0 [hbm4b:s8+s4], $0x10, s9, s4, $0xb8;
	[tilespmem:$0x9400] =	vst v63  }
.Ltmp2:
0x63: {  	_ = 	snop;
	(pc) =	sbr.rel @p0 .LBB2_4-.Ltmp2, $4  }
0x64: {  	_ =	swait.ge [sflag:s29], $0x2000  }
0x65: {  	[sflag:s29] =	ssyncset.done $0x0  }
0x66: {  	[sflag:s29] =	ssyncadd.s32 $0xFFFFE000  }
0x67: {  	[spmem:s2] =	stream.indirect.scatter.add.f32 [tilespmem:s24], [sflag:$0x4], $0x10, s1, s20, $0xb8;
	[tilespmem:$0x9400] =	vst v63  }
.Ltmp3:
0x68: {  	(pc) =	sbr.rel .LBB2_2-.Ltmp3, $3  }
0x69: {  	_ =	sdelay $0x1  }
0x6a: {  	s4 =	sadd.s32 s30, s14;
	s1 =	sadd.s32 $0x400, s1;
	s30 =	sadd.s32 $0x80, s30  }
0x6b: {  	[tilespmem:s22], [sflag:$0x6] =	stream.linear.gather [hbm4b:s4+s3], $0x200, $0x38;
	[tilespmem:$0x9400] =	vst v63  }
.LBB2_5:
0x6c: {  	_ =	sfence.sel $0x180000  }
0x6d: {  	[bflag:$0x0] =	sbarrier.arrive $0xFFFF  }
0x6e: {  	_ =	strace $0x90000047  }
0x6f: {  	s0 =	stileid.u32;
	[bflag:$0x2] =	sbarrier.arrive $0xFFFF  }
0x70: {  	p0 =	sne.s32 s0, $0x0;
	s0 =	rddreg [dreg:$0x4]  }
0x71: {  	s0 =	sadd.s32 @!p0 $0x100000, s0  }
0x72: {  	[sflag:s0] =	ssyncadd.tile.s32 @!p0 $0x1;
	_ =	shalt  }
.Lfunc_end2:
_tile_overlayer_lowered:
.L_overlay_start_2:
0x73: {  	(tag) =	ssettag $0x2  }
0x74: {  	s0 =	rddreg [dreg:$0x0];
	s2 =	stileid.u32  }
0x75: {  	s1 =	rddreg [dreg:$0x1];
	p0 =	sne.s32 s2, $0x0  }
0x76: {  	s3 =	rddreg [dreg:$0x2];
	[bflag:$0x3] =	sbarrier.arrive $0xFFFF;
	s2 =	simm.s32 @!p0 $0x1C07  }
0x77: {  	[timem:s3], [sflag:s2] =	dma.local @!p0 [hbm:s0], s1  }
0x78: {  	s0 =	simm.s32 @!p0 $0x7  }
0x79: {  	_ =	swait.ge @!p0 [sflag:s0], s1  }
0x7a: {  	s1 =	ssub.s32 @!p0 $0x0, s1;
	[sflag:s0] =	ssyncset.done @!p0 $0x0  }
0x7b: {  	[sflag:s0] =	ssyncadd.s32 @!p0 s1  }
0x7c: {  	[bflag:$0x3] =	sbarrier.arrive $0xFFFF  }
0x7d: {  	_ =	shalt  }

// kernel: kernel.20.cloned.1.call-start
scs
__scs_entry_jumppad:
0x0: {  	(pc) =	sbr.rel $0x88, $3  }
0x1: {  	(tag) =	ssettag $0x0;
	lr =	simm.s32 $0x1  }
0x2: {  	[smem:$0x3F95] =	sst lr;
	_ =	strace $0xD0000000  }
0x3: {  	_ = 	snop  }
0x4: {  	_ = 	snop  }
0x5: {  	_ = 	snop  }
0x6: {  	_ = 	snop  }
0x7: {  	_ = 	snop  }
__scs_overlays_trampoline_lowered:
0x8: {  	[smem:$0x3FA4] =	sst s0  }
0x9: {  	[smem:$0x3FA5] =	sst s1  }
0xa: {  	[smem:$0x3FA6] =	sst s2  }
0xb: {  	[smem:$0x3FA7] =	sst s3  }
0xc: {  	[smem:$0x3FA8] =	sst s4  }
0xd: {  	[smem:$0x3FA9] =	sst s5  }
0xe: {  	[smem:$0x3FAA] =	sst s6  }
0xf: {  	[smem:$0x3FAB] =	sst s7  }
0x10: {  	[smem:$0x3FAC] =	sst s8  }
0x11: {  	[smem:$0x3FAD] =	sst s9;
	s0 =	simm.s32 @!p0 $0x0  }
0x12: {  	s1 =	sld [smem:$0x3F93];
	s0 =	simm.s32 @p0 $0x1  }
0x13: {  	[smem:$0x3FAE] =	sst s0;
	s0 =	simm.s32 @!p1 $0x0  }
0x14: {  	s2 =	sld [smem:$0x3F92];
	s0 =	simm.s32 @p1 $0x1  }
0x15: {  	[smem:$0x3FAF] =	sst s0;
	s0 =	simm.s32 @!p2 $0x0  }
0x16: {  	s3 =	sld [smem:$0x3FDB];
	s0 =	simm.s32 @p2 $0x1  }
0x17: {  	s4 =	simm.s32 $0x1BF5;
	[smem:$0x3FB1] =	sst s0  }
0x18: {  	s0 =	sld [smem:$0x3F94];
	_ =	swait.ge [sflag:s4], $0x0  }
0x19: {  	s7 =	sld [smem:$0x3F95]  }
0x1a: {  	s8 =	sadd.s32 $0xFFFFE003, lr  }
0x1b: {  	s9 =	sadd.s32 $0xFFFFFEF7, lr;
	s5 =	simm.s32 $0xFFFFFFFF;
	p2 =	slt.u32 s8, $0xFFFFF086  }
0x1c: {  	p1 =	slt.u32 s9, $0xF7A;
	s5 =	simm.s32 @!p2 $0x0  }
0x1d: {  	s5 =	simm.s32 @p1 $0x1;
	p0 =	seq.s32 s7, s2  }
0x1e: {  	s7 =	smul.u32 @!p0 $0xF7A, s2;
	p2 =	seq.s32 @!p0 s5, $0x0  }
0x1f: {  	s9 =	smul.u32 $0xF7A, s1;
	s8 =	simm.s32 @!p0 $0x1BF5;
	p2 =	por !p2, p0  }
0x20: {  	[sflag:s8] =	ssyncset.s32 @!p0 $0xFFFFF086;
	s6 =	sadd.s32 @!p0 s3, s7;
	s7 =	simm.s32 @!p0 $0x108  }
0x21: {  	s3 =	sadd.s32 s3, s9;
	s6 =	sadd.s32 @!p0 $0x88, s6;
	s7 =	simm.s32 @p2 $0x1082  }
0x22: {  	[simem:s7], [sflag:s8] =	dma.local @!p0 [hbm:s6], $0xF7A  }
0x23: {  	s9 =	sor.u32 $0xD0000000, s2;
	s6 =	simm.s32 $0x108;
	_ =	swait.ge @!p0 [sflag:s8], $0x0  }
0x24: {  	s3 =	sadd.s32 $0x88, s3;
	s6 =	simm.s32 @!p1 $0x1082;
	[sflag:s4] =	ssyncset.s32 $0xFFFFF086  }
0x25: {  	[simem:s6], [sflag:s4] =	dma.local [hbm:s3], $0xF7A  }
0x26: {  	[smem:$0x3F95] =	sst s1;
	(tag) =	ssettag s2;
	_ =	strace s9  }
0x27: {  	s1 =	sld [smem:$0x3FA5]  }
0x28: {  	s2 =	sld [smem:$0x3FA6]  }
0x29: {  	s4 =	sld [smem:$0x3FA8]  }
0x2a: {  	p0 =	seq.s32 s5, $0x0;
	s5 =	sld [smem:$0x3FA9]  }
0x2b: {  	s6 =	sld [smem:$0x3FAA]  }
0x2c: {  	s7 =	sld [smem:$0x3FAB]  }
0x2d: {  	s3 =	simm.s32 $0x108;
	s8 =	sld [smem:$0x3FAC]  }
0x2e: {  	s3 =	simm.s32 @!p0 $0x1082;
	s9 =	sld [smem:$0x3FAD]  }
0x2f: {  	lr =	sadd.s32 s0, s3;
	s0 =	sld [smem:$0x3FA4]  }
0x30: {  	s3 =	sld [smem:$0x3FA7]  }
0x31: {  	[smem:$0x3FB0] =	sst s10  }
0x32: {  	s10 =	sld [smem:$0x3FAE];
	_ =	sdelay $0x3  }
0x33: {  	p0 =	seq.s32 s10, $0x1;
	s10 =	sld [smem:$0x3FB0];
	_ =	sdelay $0x3  }
0x34: {  	[smem:$0x3FB0] =	sst s10  }
0x35: {  	s10 =	sld [smem:$0x3FAF];
	_ =	sdelay $0x3  }
0x36: {  	p1 =	seq.s32 s10, $0x1;
	s10 =	sld [smem:$0x3FB0];
	_ =	sdelay $0x3  }
0x37: {  	[smem:$0x3FB0] =	sst s10  }
0x38: {  	s10 =	sld [smem:$0x3FB1]  }
0x39: {  	_ = 	snop;
	(pc) =	sbr.ind lr, $3  }
0x3a: {  	_ = 	snop  }
0x3b: {  	_ = 	snop  }
0x3c: {  	p2 =	seq.s32 s10, $0x1;
	s10 =	sld [smem:$0x3FB0]  }
0x3d: {  	_ =	shalt  }
0x3e: {  	_ =	shalt  }
0x3f: {  	_ =	shalt  }
0x40: {  	_ =	shalt  }
0x41: {  	_ =	shalt  }
0x42: {  	_ =	shalt  }
0x43: {  	_ =	shalt  }
0x44: {  	_ =	shalt  }
0x45: {  	_ =	shalt  }
0x46: {  	_ =	shalt  }
0x47: {  	_ =	shalt  }
0x48: {  	_ =	shalt  }
0x49: {  	_ =	shalt  }
0x4a: {  	_ =	shalt  }
0x4b: {  	_ =	shalt  }
0x4c: {  	_ =	shalt  }
0x4d: {  	_ =	shalt  }
0x4e: {  	_ =	shalt  }
0x4f: {  	_ =	shalt  }
0x50: {  	_ =	shalt  }
0x51: {  	_ =	shalt  }
0x52: {  	_ =	shalt  }
0x53: {  	_ =	shalt  }
0x54: {  	_ =	shalt  }
0x55: {  	_ =	shalt  }
0x56: {  	_ =	shalt  }
0x57: {  	_ =	shalt  }
0x58: {  	_ =	shalt  }
0x59: {  	_ =	shalt  }
0x5a: {  	_ =	shalt  }
0x5b: {  	_ =	shalt  }
0x5c: {  	_ =	shalt  }
0x5d: {  	_ =	shalt  }
0x5e: {  	_ =	shalt  }
0x5f: {  	_ =	shalt  }
0x60: {  	_ =	shalt  }
0x61: {  	_ =	shalt  }
0x62: {  	_ =	shalt  }
0x63: {  	_ =	shalt  }
0x64: {  	_ =	shalt  }
0x65: {  	_ =	shalt  }
0x66: {  	_ =	shalt  }
0x67: {  	_ =	shalt  }
0x68: {  	_ =	shalt  }
0x69: {  	_ =	shalt  }
0x6a: {  	_ =	shalt  }
0x6b: {  	_ =	shalt  }
0x6c: {  	_ =	shalt  }
0x6d: {  	_ =	shalt  }
0x6e: {  	_ =	shalt  }
0x6f: {  	_ =	shalt  }
0x70: {  	_ =	shalt  }
0x71: {  	_ =	shalt  }
0x72: {  	_ =	shalt  }
0x73: {  	_ =	shalt  }
0x74: {  	_ =	shalt  }
0x75: {  	_ =	shalt  }
0x76: {  	_ =	shalt  }
0x77: {  	_ =	shalt  }
0x78: {  	_ =	shalt  }
0x79: {  	_ =	shalt  }
0x7a: {  	_ =	shalt  }
0x7b: {  	_ =	shalt  }
0x7c: {  	_ =	shalt  }
0x7d: {  	_ =	shalt  }
0x7e: {  	_ =	shalt  }
0x7f: {  	_ =	shalt  }
0x80: {  	_ =	shalt  }
0x81: {  	_ =	shalt  }
0x82: {  	_ =	shalt  }
0x83: {  	_ =	shalt  }
0x84: {  	_ =	shalt  }
0x85: {  	_ =	shalt  }
0x86: {  	_ =	shalt  }
0x87: {  	_ =	shalt  }
.Lfunc_end0:
.L_simem_size_0:
called_computation.2_lowered:
.L_overlay_start_0:
0x88: {  	s2 =	sld [smem:$0x3FD9]  }
0x89: {  	s3 =	sld [smem:$0x3FFE];
	_ =	sdelay $0x1  }
0x8a: {  	s1 =	srdreg.scid  }
0x8b: {  	s0 =	sand.u32 $0x1, s1  }
0x8c: {  	s17 =	sshll.u32 s0, $0xA;
	s2 =	sadd.s32 s3, s2  }
0x8d: {  	s2 =	sadd.s32 s2, s17  }
0x8e: {  	[smem:$0x3FBC] =	sst s2  }
0x8f: {  	_ = 	snop  }
0x90: {  	(tm) =	ssettm $0x1  }
0x91: {  	s18 =	sld [smem:$0x3FFB];
	_ =	sdelay $0x3  }
0x92: {  	_ =	strace s18  }
0x93: {  	s2 =	sld [smem:$0x3FFC];
	_ =	sdelay $0x3  }
0x94: {  	_ =	strace s2  }
0x95: {  	s2 =	sld [smem:$0x3FFD];
	_ =	sdelay $0x3  }
0x96: {  	_ =	strace s2  }
0x97: {  	_ =	strace $0x8FFFFFFF  }
0x98: {  	s19 =	sld [smem:$0x3FDB];
	_ =	sdelay $0x1  }
0x99: {  	s20 =	simm.s32 $_scs_section_size  }
0x9a: {  	s4 =	simm.s32 $_size__tile_overlayer_lowered;
	s5 =	simm.s32 $_tile_overlayer_lowered  }
0x9b: {  	s6 =	simm.s32 $0x1BFF;
	s21 =	sshll.u32 s5, $0x1;
	s3 =	sadd.s32 s20, s19  }
0x9c: {  	s22 =	simm.s32 $0x0;
	s4 =	sshll.u32 s4, $0x1;
	s5 =	sadd.s32 s21, s3  }
0x9d: {  	[timem:s22], [sflag:s6] =	dma.local [hbm:s5], s4  }
0x9e: {  	_ =	swait.ge [sflag:s6], s4  }
0x9f: {  	s4 =	ssub.s32 $0x0, s4;
	[sflag:s6] =	ssyncset.done $0x0  }
0xa0: {  	[sflag:s6] =	ssyncadd.s32 s4;
	_ =	sdelay $0x1  }
0xa1: {  	s23 =	simm.s32 $0x1B8B  }
0xa2: {  	_ =	swait.ge [sflag:s23], $0x1  }
0xa3: {  	[sflag:s23] =	ssyncset.done $0x0  }
0xa4: {  	[sflag:s23] =	ssyncadd.s32 $0xFFFFFFFF  }
0xa5: {  	s4 =	sld [smem:$0x0]  }
0xa6: {  	s5 =	sand.u32 $0xFFFFFFFE, s1  }
0xa7: {  	p0 =	sne.s32 s1, s5  }
0xa8: {  	s5 =	sshll.u32 @p0 s5, $0xE  }
0xa9: {  	s5 =	sadd.s32 @p0 $0x11B8D, s5;
	s6 =	sshll.u32 @p0 s4, $0x11  }
0xaa: {  	s5 =	sor.u32 @p0 s6, s5  }
0xab: {  	[sflag:s5] =	ssyncadd.remote.s32 @p0 $0x1;
	_ =	sdelay $0x1  }
0xac: {  	s5 =	simm.s32 @p0 $0x1B8D  }
0xad: {  	_ =	swait.eq @p0 [sflag:s5], $0x1  }
0xae: {  	[sflag:s5] =	ssyncadd.s32 @p0 $0xFFFFFFFF  }
0xaf: {  	s6 =	sshll.u32 @!p0 s1, $0xE  }
0xb0: {  	s6 =	sor.u32 @!p0 $0x4000, s6;
	s5 =	simm.s32 @!p0 $0x1B8D  }
0xb1: {  	s4 =	sshll.u32 @!p0 s4, $0x11;
	s6 =	sadd.s32 @!p0 $0x11B8D, s6;
	_ =	swait.eq @!p0 [sflag:s5], $0x1  }
0xb2: {  	s4 =	sor.u32 @!p0 s4, s6;
	[sflag:s5] =	ssyncadd.s32 @!p0 $0xFFFFFFFF  }
0xb3: {  	s25 =	simm.s32 $0x1B8E;
	s24 =	sld [smem:$0x3FFE];
	[sflag:s4] =	ssyncadd.remote.s32 @!p0 $0x1  }
0xb4: {  	s26 =	simm.s32 $execute0_lowered;
	[smem:$0x3FD2] =	sst s25  }
0xb5: {  	s5 =	sshll.u32 s26, $0x1;
	_ =	strace $0x8000004F;
	[dreg:$0x1] =	wrdreg $0xFFFFFFFF  }
0xb6: {  	s28 =	simm.s32 $_size_execute0_lowered;
	s3 =	sadd.s32 s3, s5;
	[dreg:$0x0] =	wrdreg $0x0  }
0xb7: {  	s5 =	sshll.u32 s28, $0x1;
	[dreg:$0x2] =	wrdreg s3  }
0xb8: {  	[dreg:$0x3] =	wrdreg s5  }
0xb9: {  	[dreg:$0x4] =	wrdreg $0xC0  }
0xba: {  	_ =	task [dreg:s22], $0x5FFFF  }
0xbb: {  	[dreg:$0x1] =	wrdreg $0xFFFFFFFF  }
0xbc: {  	[dreg:$0x0] =	wrdreg $0x60  }
0xbd: {  	[dreg:$0x2] =	wrdreg s24  }
0xbe: {  	[dreg:$0x3] =	wrdreg $0x0  }
0xbf: {  	[dreg:$0x4] =	wrdreg $0x9  }
0xc0: {  	_ =	task.clear_ibuf [dreg:s22], $0x5FFFF;
	_ =	strace $0x9000004F  }
0xc1: {  	s29 =	simm.s32 $0x9;
	_ =	strace $0x80000051  }
0xc2: {  	_ =	swait.ge [sflag:s29], $0x1  }
0xc3: {  	[sflag:s29] =	ssyncadd.s32 $0xFFFFFFFF  }
0xc4: {  	_ =	strace $0x90000051  }
0xc5: {  	_ =	sfence  }
0xc6: {  	s30 =	sld [smem:$0x0];
	_ =	sdelay $0x2  }
0xc7: {  	s31 =	sshll.u32 s1, $0xD;
	s1 =	sshrl.u32 s1, $0x2  }
0xc8: {  	s4 =	sand.u32 $0x4000, s31;
	s1 =	sadd.s32 s1, s30  }
0xc9: {  	s0 =	sor.u32 s4, s0;
	s1 =	sshll.u32 s1, $0x11  }
0xca: {  	s0 =	sor.u32 s1, s0  }
0xcb: {  	s0 =	sadd.s32 $0x8F2B, s0  }
0xcc: {  	[sflag:s0] =	ssyncadd.remote.s32 $0x1  }
0xcd: {  	_ =	sfence.sel $0xFFFF  }
0xce: {  	[dreg:$0x0] =	wrdreg $0xFFFFFFFF;
	(pc) =	sbr.abs _section_cstart, $3  }
0xcf: {  	[dreg:$0x1] =	wrdreg $0xFFFFFFFF  }
0xd0: {  	_ =	task.clear_ibuf [dreg:s22], $0x2FFFF;
	_ =	strace $0x9FFFFFFF  }
0xd1: {  	(tm) =	ssettm $0x7FFFFFFF  }
tec
execute0_lowered:
.L_overlay_start_1:
0x0: {  	(tag) =	ssettag $0x1  }
0x1: {  	s5 =	rddreg [dreg:$0x0];
	s0 =	srdreg.scid  }
0x2: {  	s2 =	rddreg [dreg:$0x1];
	s25 =	stileid.u32  }
0x3: {  	s3 =	simm.s32 $0x0;
	s16 =	simm.s32 $0x7;
	s19 =	simm.s32 $0xA000  }
0x4: {  	s20 =	simm.s32 $0x200;
	s21 =	simm.s32 $0xF400;
	s22 =	simm.s32 $0xA200  }
0x5: {  	s23 =	simm.s32 $0x6;
	s24 =	simm.s32 $0x17400;
	s28 =	simm.s32 $0x4  }
0x6: {  	s29 =	simm.s32 $0x0;
	s6 =	sand.u32 $0x1, s0;
	s4 =	smul.u32 $0x5000, s25  }
0x7: {  	[smem:$0x7FF] =	sst s3;
	s9 =	smul.u32 $0xA000, s25;
	s31 =	sshll.u32 s25, $0x6  }
0x8: {  	s7 =	smul.u32 $0xA0000, s6;
	_ =	strace $0x80000050;
	s6 =	ssub.s32 $0x2, s6  }
0x9: {  	s10 =	sshrl.u32 s4, $0x3;
	s4 =	sadd.s32 $0x17800, s5;
	s26 =	sshrl.u32 s9, $0x3  }
0xa: {  	s30 =	sshrl.u32 s6, $0x1;
	s15 =	sadd.s32 s9, s2;
	s8 =	sshrl.u32 s7, $0x3  }
0xb: {  	s12 =	sadd.s32 s10, s5;
	s7 =	sadd.s32 s9, s7;
	s14 =	ssub.s32 s6, s30  }
0xc: {  	s6 =	sor.u32 $0x1C07, s31;
	s10 =	sadd.s32 s4, s10;
	s15 =	sshrl.u32 s15, $0x3  }
.Ltmp0:
0xd: {  	s11 =	sadd.s32 s8, s5;
	s7 =	sshrl.u32 s7, $0x3;
	(pc) =	sbr.rel .LBB2_1-.Ltmp0, $4  }
0xe: {  	s8 =	sadd.s32 s26, s5;
	s9 =	sadd.s32 $0xDD00, s12;
	s14 =	smax.u32 s14, $0x1  }
0xf: {  	s26 =	simm.s32 $0x2;
	s13 =	sadd.s32 s7, s5;
	s5 =	sadd.s32 $0x62800, s8  }
0x10: {  	s7 =	sshll.u32 s25, $0x1;
	s8 =	sadd.s32 $0xD800, s12;
	s11 =	sadd.s32 $0xC6800, s11  }
0x11: {  	s12 =	sadd.s32 $0x40, s10;
	s25 =	simm.s32 $0x1;
	s13 =	sadd.s32 $0xEE800, s13  }
.LBB2_4:
0x12: {  	_ =	swait.ge [sflag:s28], $0x8000  }
0x13: {  	s29 =	sadd.s32 $0x1, s29;
	[sflag:s28] =	ssyncset.done $0x0  }
0x14: {  	p0 =	sne.s32 s29, s14;
	[sflag:s28] =	ssyncadd.s32 $0xFFFF8000  }
.Ltmp1:
0x15: {  	[bflag:$0x0] =	sbarrier.arrive $0xFFFF;
	(pc) =	sbr.rel @!p0 .LBB2_5-.Ltmp1, $4  }
0x16: {  	[hbm:s13], [sflag:s6] =	dma.local [spmem:s15], $0x1400  }
0x17: {  	_ =	swait.ge [sflag:s16], $0x1400  }
0x18: {  	[sflag:s16] =	ssyncset.done $0x0  }
0x19: {  	[sflag:s16] =	ssyncadd.s32 $0xFFFFEC00  }
.LBB2_1:
0x1a: {  	[spmem:s15], [sflag:s6] =	dma.local [hbm:s5], $0x1400  }
0x1b: {  	_ =	swait.ge [sflag:s16], $0x1400  }
0x1c: {  	[sflag:s16] =	ssyncset.done $0x0  }
0x1d: {  	s0 =	simm.s32 $0xA400;
	[sflag:s16] =	ssyncadd.s32 $0xFFFFEC00  }
0x1e: {  	[tilespmem:s0], [sflag:$0x7] =	stream.linear.gather [hbm4b:s8+s3], $0x2800, $0x38;
	[tilespmem:$0x1F400] =	vst v63  }
0x1f: {  	_ =	swait.ge [sflag:s16], $0x2800  }
0x20: {  	[sflag:s16] =	ssyncset.done $0x0  }
0x21: {  	s18 =	simm.s32 $0xCC00;
	[sflag:s16] =	ssyncadd.s32 $0xFFFFD800  }
0x22: {  	[tilespmem:s18], [sflag:$0x7] =	stream.linear.gather [hbm4b:s9+s3], $0x2800, $0x38;
	[tilespmem:$0x1F400] =	vst v63  }
0x23: {  	_ =	swait.ge [sflag:s16], $0x2800  }
0x24: {  	[sflag:s16] =	ssyncset.done $0x0  }
0x25: {  	[sflag:s16] =	ssyncadd.s32 $0xFFFFD800  }
0x26: {  	[tilespmem:s19], [sflag:$0x7] =	stream.linear.gather [hbm4b:s10+s3], $0x200, $0x38;
	[tilespmem:$0x1F400] =	vst v63  }
0x27: {  	_ =	swait.ge [sflag:s16], $0x200  }
0x28: {  	[sflag:s16] =	ssyncset.done $0x0  }
0x29: {  	[sflag:s16] =	ssyncadd.s32 $0xFFFFFE00  }
0x2a: {  	[bflag:$0x0] =	sbarrier.arrive $0xFFFF  }
0x2b: {  	[tilespmem:s21], [sflag:$0x1] =	stream.indirect.gather [hbm4b:s11+s20], $0x40, s19, s20, $0xb8;
	[tilespmem:$0x1F400] =	vst v63  }
0x2c: {  	s30 =	simm.s32 $0xA600;
	s31 =	simm.s32 $0x0  }
0x2d: {  	[tilespmem:s22], [sflag:$0x6] =	stream.linear.gather [hbm4b:s12+s3], $0x200, $0x38;
	[tilespmem:$0x1F400] =	vst v63  }
.LBB2_2:
0x2e: {  	p0 =	seq.s32 s31, $0x0  }
0x2f: {  	s0 =	simm.s32 @!p0 $0x4  }
0x30: {  	_ =	swait.ge @!p0 [sflag:s0], $0x8000  }
0x31: {  	[sflag:s0] =	ssyncset.done @!p0 $0x0  }
0x32: {  	[sflag:s0] =	ssyncadd.s32 @!p0 $0xFFFF8000;
	p0 =	seq.s32 s31, $0x26  }
0x33: {  	_ =	swait.ge [sflag:s23], $0x200;
	s0 =	sadd.s32 @!p0 $0x2, s31  }
0x34: {  	[sflag:s23] =	ssyncset.done $0x0;
	s1 =	sand.u32 @!p0 $0xFF, s0  }
0x35: {  	[sflag:s23] =	ssyncadd.s32 $0xFFFFFE00;
	s1 =	smul.u32 @!p0 $0xCD, s1  }
0x36: {  	[tilespmem:s24], [sflag:$0x2] =	stream.indirect.gather [hbm4b:s11+s20], $0x40, s22, s20, $0xb8;
	[tilespmem:$0x1F400] =	vst v63  }
0x37: {  	_ =	swait.ge [sflag:s25], $0x8000  }
0x38: {  	s1 =	sshrl.u32 @!p0 s1, $0xC;
	[sflag:s25] =	ssyncset.done $0x0  }
0x39: {  	s17 =	sadd.s32 $0xFFFFFE00, s30;
	s18 =	smul.u32 @!p0 $0x14, s1;
	[sflag:s25] =	ssyncadd.s32 $0xFFFF8000  }
0x3a: {  	[spmem:s2] =	stream.indirect.scatter.add.f32 [tilespmem:s21], [sflag:$0x3], $0x40, s17, s20, $0xb8;
	[tilespmem:$0x1F400] =	vst v63  }
0x3b: {  	s1 =	sadd.s32 @!p0 s1, s7;
	s0 =	ssub.s32 @!p0 s0, s18  }
0x3c: {  	s1 =	smul.u32 @!p0 $0x2800, s1;
	s17 =	simm.s32 @p0 $0x3;
	s0 =	sand.u32 @!p0 $0xFF, s0  }
0x3d: {  	_ =	swait.ge @p0 [sflag:s17], $0x8000;
	s0 =	sshll.u32 @!p0 s0, $0x9  }
0x3e: {  	[sflag:s17] =	ssyncset.done @p0 $0x0;
	s0 =	sadd.s32 @!p0 s0, s1  }
0x3f: {  	[sflag:s17] =	ssyncadd.s32 @p0 $0xFFFF8000;
	s0 =	sshrl.u32 @!p0 s0, $0x3  }
0x40: {  	s1 =	simm.s32 @!p0 $0x0;
	s17 =	simm.s32 @!p0 $0xA000;
	s0 =	sadd.s32 @!p0 s4, s0  }
0x41: {  	[tilespmem:s17], [sflag:$0x5] =	stream.linear.gather @!p0 [hbm4b:s0+s1], $0x200, $0x38;
	[tilespmem:$0x1F400] =	vst v63  }
0x42: {  	s0 =	simm.s32 @!p0 $0x3  }
0x43: {  	_ =	swait.ge @!p0 [sflag:s0], $0x8000  }
0x44: {  	[sflag:s0] =	ssyncset.done @!p0 $0x0  }
0x45: {  	[sflag:s0] =	ssyncadd.s32 @!p0 $0xFFFF8000;
	s0 =	simm.s32 @!p0 $0x5  }
0x46: {  	_ =	swait.ge @!p0 [sflag:s0], $0x200  }
0x47: {  	[sflag:s0] =	ssyncset.done @!p0 $0x0  }
0x48: {  	s1 =	simm.s32 @!p0 $0xF400;
	[sflag:s0] =	ssyncadd.s32 @!p0 $0xFFFFFE00;
	s0 =	simm.s32 @!p0 $0x200  }
0x49: {  	[tilespmem:s1], [sflag:$0x1] =	stream.indirect.gather @!p0 [hbm4b:s11+s0], $0x40, s17, s0, $0xb8;
	[tilespmem:$0x1F400] =	vst v63  }
.Ltmp2:
0x4a: {  	_ = 	snop;
	(pc) =	sbr.rel @p0 .LBB2_4-.Ltmp2, $4  }
0x4b: {  	_ =	swait.ge [sflag:s26], $0x8000  }
0x4c: {  	[sflag:s26] =	ssyncset.done $0x0  }
0x4d: {  	[sflag:s26] =	ssyncadd.s32 $0xFFFF8000  }
0x4e: {  	[spmem:s2] =	stream.indirect.scatter.add.f32 [tilespmem:s24], [sflag:$0x4], $0x40, s30, s20, $0xb8;
	[tilespmem:$0x1F400] =	vst v63  }
0x4f: {  	s0 =	sadd.s32 $0x3, s31  }
0x50: {  	s1 =	sand.u32 $0xFF, s0  }
0x51: {  	s1 =	smul.u32 $0xCD, s1;
	_ =	sdelay $0x1  }
0x52: {  	s1 =	sshrl.u32 s1, $0xC  }
0x53: {  	s17 =	smul.u32 $0x14, s1;
	_ =	sdelay $0x1  }
0x54: {  	s1 =	sadd.s32 s1, s7;
	s0 =	ssub.s32 s0, s17  }
0x55: {  	s1 =	smul.u32 $0x2800, s1;
	s0 =	sand.u32 $0xFF, s0  }
.Ltmp3:
0x56: {  	s0 =	sshll.u32 s0, $0x9;
	(pc) =	sbr.rel .LBB2_2-.Ltmp3, $4  }
0x57: {  	s0 =	sadd.s32 s0, s1  }
0x58: {  	s0 =	sshrl.u32 s0, $0x3  }
0x59: {  	s30 =	sadd.s32 $0x400, s30;
	s31 =	sadd.s32 $0x2, s31;
	s0 =	sadd.s32 s4, s0  }
0x5a: {  	[tilespmem:s22], [sflag:$0x6] =	stream.linear.gather [hbm4b:s0+s3], $0x200, $0x38;
	[tilespmem:$0x1F400] =	vst v63  }
.LBB2_5:
0x5b: {  	_ =	sfence.sel $0x180000  }
0x5c: {  	[bflag:$0x0] =	sbarrier.arrive $0xFFFF  }
0x5d: {  	_ =	strace $0x90000050  }
0x5e: {  	s0 =	stileid.u32;
	[bflag:$0x2] =	sbarrier.arrive $0xFFFF  }
0x5f: {  	p0 =	sne.s32 s0, $0x0;
	s0 =	rddreg [dreg:$0x2]  }
0x60: {  	s0 =	sadd.s32 @!p0 $0x100000, s0  }
0x61: {  	[sflag:s0] =	ssyncadd.tile.s32 @!p0 $0x1;
	_ =	shalt  }
.Lfunc_end2:
_tile_overlayer_lowered:
.L_overlay_start_2:
0x62: {  	(tag) =	ssettag $0x2  }
0x63: {  	s0 =	rddreg [dreg:$0x0];
	s2 =	stileid.u32  }
0x64: {  	s1 =	rddreg [dreg:$0x1];
	p0 =	sne.s32 s2, $0x0  }
0x65: {  	s3 =	rddreg [dreg:$0x2];
	[bflag:$0x3] =	sbarrier.arrive $0xFFFF;
	s2 =	simm.s32 @!p0 $0x1C07  }
0x66: {  	[timem:s3], [sflag:s2] =	dma.local @!p0 [hbm:s0], s1  }
0x67: {  	s0 =	simm.s32 @!p0 $0x7  }
0x68: {  	_ =	swait.ge @!p0 [sflag:s0], s1  }
0x69: {  	s1 =	ssub.s32 @!p0 $0x0, s1;
	[sflag:s0] =	ssyncset.done @!p0 $0x0  }
0x6a: {  	[sflag:s0] =	ssyncadd.s32 @!p0 s1  }
0x6b: {  	[bflag:$0x3] =	sbarrier.arrive $0xFFFF  }
0x6c: {  	_ =	shalt  }

// kernel: kernel.23.cloned.1.call-start
scs
__scs_entry_jumppad:
0x0: {  	(pc) =	sbr.rel $0x88, $3  }
0x1: {  	(tag) =	ssettag $0x0;
	lr =	simm.s32 $0x1  }
0x2: {  	[smem:$0x3F95] =	sst lr;
	_ =	strace $0xD0000000  }
0x3: {  	_ = 	snop  }
0x4: {  	_ = 	snop  }
0x5: {  	_ = 	snop  }
0x6: {  	_ = 	snop  }
0x7: {  	_ = 	snop  }
__scs_overlays_trampoline_lowered:
0x8: {  	[smem:$0x3FA4] =	sst s0  }
0x9: {  	[smem:$0x3FA5] =	sst s1  }
0xa: {  	[smem:$0x3FA6] =	sst s2  }
0xb: {  	[smem:$0x3FA7] =	sst s3  }
0xc: {  	[smem:$0x3FA8] =	sst s4  }
0xd: {  	[smem:$0x3FA9] =	sst s5  }
0xe: {  	[smem:$0x3FAA] =	sst s6  }
0xf: {  	[smem:$0x3FAB] =	sst s7  }
0x10: {  	[smem:$0x3FAC] =	sst s8  }
0x11: {  	[smem:$0x3FAD] =	sst s9;
	s0 =	simm.s32 @!p0 $0x0  }
0x12: {  	s1 =	sld [smem:$0x3F93];
	s0 =	simm.s32 @p0 $0x1  }
0x13: {  	[smem:$0x3FAE] =	sst s0;
	s0 =	simm.s32 @!p1 $0x0  }
0x14: {  	s2 =	sld [smem:$0x3F92];
	s0 =	simm.s32 @p1 $0x1  }
0x15: {  	[smem:$0x3FAF] =	sst s0;
	s0 =	simm.s32 @!p2 $0x0  }
0x16: {  	s3 =	sld [smem:$0x3FDB];
	s0 =	simm.s32 @p2 $0x1  }
0x17: {  	s4 =	simm.s32 $0x1BF5;
	[smem:$0x3FB1] =	sst s0  }
0x18: {  	s0 =	sld [smem:$0x3F94];
	_ =	swait.ge [sflag:s4], $0x0  }
0x19: {  	s7 =	sld [smem:$0x3F95]  }
0x1a: {  	s8 =	sadd.s32 $0xFFFFE003, lr  }
0x1b: {  	s9 =	sadd.s32 $0xFFFFFEF7, lr;
	s5 =	simm.s32 $0xFFFFFFFF;
	p2 =	slt.u32 s8, $0xFFFFF086  }
0x1c: {  	p1 =	slt.u32 s9, $0xF7A;
	s5 =	simm.s32 @!p2 $0x0  }
0x1d: {  	s5 =	simm.s32 @p1 $0x1;
	p0 =	seq.s32 s7, s2  }
0x1e: {  	s7 =	smul.u32 @!p0 $0xF7A, s2;
	p2 =	seq.s32 @!p0 s5, $0x0  }
0x1f: {  	s9 =	smul.u32 $0xF7A, s1;
	s8 =	simm.s32 @!p0 $0x1BF5;
	p2 =	por !p2, p0  }
0x20: {  	[sflag:s8] =	ssyncset.s32 @!p0 $0xFFFFF086;
	s6 =	sadd.s32 @!p0 s3, s7;
	s7 =	simm.s32 @!p0 $0x108  }
0x21: {  	s3 =	sadd.s32 s3, s9;
	s6 =	sadd.s32 @!p0 $0x88, s6;
	s7 =	simm.s32 @p2 $0x1082  }
0x22: {  	[simem:s7], [sflag:s8] =	dma.local @!p0 [hbm:s6], $0xF7A  }
0x23: {  	s9 =	sor.u32 $0xD0000000, s2;
	s6 =	simm.s32 $0x108;
	_ =	swait.ge @!p0 [sflag:s8], $0x0  }
0x24: {  	s3 =	sadd.s32 $0x88, s3;
	s6 =	simm.s32 @!p1 $0x1082;
	[sflag:s4] =	ssyncset.s32 $0xFFFFF086  }
0x25: {  	[simem:s6], [sflag:s4] =	dma.local [hbm:s3], $0xF7A  }
0x26: {  	[smem:$0x3F95] =	sst s1;
	(tag) =	ssettag s2;
	_ =	strace s9  }
0x27: {  	s1 =	sld [smem:$0x3FA5]  }
0x28: {  	s2 =	sld [smem:$0x3FA6]  }
0x29: {  	s4 =	sld [smem:$0x3FA8]  }
0x2a: {  	p0 =	seq.s32 s5, $0x0;
	s5 =	sld [smem:$0x3FA9]  }
0x2b: {  	s6 =	sld [smem:$0x3FAA]  }
0x2c: {  	s7 =	sld [smem:$0x3FAB]  }
0x2d: {  	s3 =	simm.s32 $0x108;
	s8 =	sld [smem:$0x3FAC]  }
0x2e: {  	s3 =	simm.s32 @!p0 $0x1082;
	s9 =	sld [smem:$0x3FAD]  }
0x2f: {  	lr =	sadd.s32 s0, s3;
	s0 =	sld [smem:$0x3FA4]  }
0x30: {  	s3 =	sld [smem:$0x3FA7]  }
0x31: {  	[smem:$0x3FB0] =	sst s10  }
0x32: {  	s10 =	sld [smem:$0x3FAE];
	_ =	sdelay $0x3  }
0x33: {  	p0 =	seq.s32 s10, $0x1;
	s10 =	sld [smem:$0x3FB0];
	_ =	sdelay $0x3  }
0x34: {  	[smem:$0x3FB0] =	sst s10  }
0x35: {  	s10 =	sld [smem:$0x3FAF];
	_ =	sdelay $0x3  }
0x36: {  	p1 =	seq.s32 s10, $0x1;
	s10 =	sld [smem:$0x3FB0];
	_ =	sdelay $0x3  }
0x37: {  	[smem:$0x3FB0] =	sst s10  }
0x38: {  	s10 =	sld [smem:$0x3FB1]  }
0x39: {  	_ = 	snop;
	(pc) =	sbr.ind lr, $3  }
0x3a: {  	_ = 	snop  }
0x3b: {  	_ = 	snop  }
0x3c: {  	p2 =	seq.s32 s10, $0x1;
	s10 =	sld [smem:$0x3FB0]  }
0x3d: {  	_ =	shalt  }
0x3e: {  	_ =	shalt  }
0x3f: {  	_ =	shalt  }
0x40: {  	_ =	shalt  }
0x41: {  	_ =	shalt  }
0x42: {  	_ =	shalt  }
0x43: {  	_ =	shalt  }
0x44: {  	_ =	shalt  }
0x45: {  	_ =	shalt  }
0x46: {  	_ =	shalt  }
0x47: {  	_ =	shalt  }
0x48: {  	_ =	shalt  }
0x49: {  	_ =	shalt  }
0x4a: {  	_ =	shalt  }
0x4b: {  	_ =	shalt  }
0x4c: {  	_ =	shalt  }
0x4d: {  	_ =	shalt  }
0x4e: {  	_ =	shalt  }
0x4f: {  	_ =	shalt  }
0x50: {  	_ =	shalt  }
0x51: {  	_ =	shalt  }
0x52: {  	_ =	shalt  }
0x53: {  	_ =	shalt  }
0x54: {  	_ =	shalt  }
0x55: {  	_ =	shalt  }
0x56: {  	_ =	shalt  }
0x57: {  	_ =	shalt  }
0x58: {  	_ =	shalt  }
0x59: {  	_ =	shalt  }
0x5a: {  	_ =	shalt  }
0x5b: {  	_ =	shalt  }
0x5c: {  	_ =	shalt  }
0x5d: {  	_ =	shalt  }
0x5e: {  	_ =	shalt  }
0x5f: {  	_ =	shalt  }
0x60: {  	_ =	shalt  }
0x61: {  	_ =	shalt  }
0x62: {  	_ =	shalt  }
0x63: {  	_ =	shalt  }
0x64: {  	_ =	shalt  }
0x65: {  	_ =	shalt  }
0x66: {  	_ =	shalt  }
0x67: {  	_ =	shalt  }
0x68: {  	_ =	shalt  }
0x69: {  	_ =	shalt  }
0x6a: {  	_ =	shalt  }
0x6b: {  	_ =	shalt  }
0x6c: {  	_ =	shalt  }
0x6d: {  	_ =	shalt  }
0x6e: {  	_ =	shalt  }
0x6f: {  	_ =	shalt  }
0x70: {  	_ =	shalt  }
0x71: {  	_ =	shalt  }
0x72: {  	_ =	shalt  }
0x73: {  	_ =	shalt  }
0x74: {  	_ =	shalt  }
0x75: {  	_ =	shalt  }
0x76: {  	_ =	shalt  }
0x77: {  	_ =	shalt  }
0x78: {  	_ =	shalt  }
0x79: {  	_ =	shalt  }
0x7a: {  	_ =	shalt  }
0x7b: {  	_ =	shalt  }
0x7c: {  	_ =	shalt  }
0x7d: {  	_ =	shalt  }
0x7e: {  	_ =	shalt  }
0x7f: {  	_ =	shalt  }
0x80: {  	_ =	shalt  }
0x81: {  	_ =	shalt  }
0x82: {  	_ =	shalt  }
0x83: {  	_ =	shalt  }
0x84: {  	_ =	shalt  }
0x85: {  	_ =	shalt  }
0x86: {  	_ =	shalt  }
0x87: {  	_ =	shalt  }
.Lfunc_end0:
.L_simem_size_0:
called_computation.3_lowered:
.L_overlay_start_0:
0x88: {  	s2 =	sld [smem:$0x3FD9]  }
0x89: {  	s3 =	sld [smem:$0x3FFE];
	_ =	sdelay $0x1  }
0x8a: {  	s1 =	srdreg.scid  }
0x8b: {  	s0 =	sand.u32 $0x1, s1  }
0x8c: {  	s17 =	sshll.u32 s0, $0xA;
	s2 =	sadd.s32 s3, s2  }
0x8d: {  	s2 =	sadd.s32 s2, s17  }
0x8e: {  	[smem:$0x3FBC] =	sst s2  }
0x8f: {  	_ = 	snop  }
0x90: {  	(tm) =	ssettm $0x1  }
0x91: {  	s18 =	sld [smem:$0x3FFB];
	_ =	sdelay $0x3  }
0x92: {  	_ =	strace s18  }
0x93: {  	s2 =	sld [smem:$0x3FFC];
	_ =	sdelay $0x3  }
0x94: {  	_ =	strace s2  }
0x95: {  	s2 =	sld [smem:$0x3FFD];
	_ =	sdelay $0x3  }
0x96: {  	_ =	strace s2  }
0x97: {  	_ =	strace $0x8FFFFFFF  }
0x98: {  	s19 =	sld [smem:$0x3FDB];
	_ =	sdelay $0x1  }
0x99: {  	s20 =	simm.s32 $_scs_section_size  }
0x9a: {  	s4 =	simm.s32 $_size__tile_overlayer_lowered;
	s5 =	simm.s32 $_tile_overlayer_lowered  }
0x9b: {  	s6 =	simm.s32 $0x1BFF;
	s21 =	sshll.u32 s5, $0x1;
	s3 =	sadd.s32 s20, s19  }
0x9c: {  	s22 =	simm.s32 $0x0;
	s4 =	sshll.u32 s4, $0x1;
	s5 =	sadd.s32 s21, s3  }
0x9d: {  	[timem:s22], [sflag:s6] =	dma.local [hbm:s5], s4  }
0x9e: {  	_ =	swait.ge [sflag:s6], s4  }
0x9f: {  	s4 =	ssub.s32 $0x0, s4;
	[sflag:s6] =	ssyncset.done $0x0  }
0xa0: {  	[sflag:s6] =	ssyncadd.s32 s4;
	_ =	sdelay $0x1  }
0xa1: {  	s23 =	simm.s32 $0x1B8B  }
0xa2: {  	_ =	swait.ge [sflag:s23], $0x1  }
0xa3: {  	[sflag:s23] =	ssyncset.done $0x0  }
0xa4: {  	[sflag:s23] =	ssyncadd.s32 $0xFFFFFFFF  }
0xa5: {  	s4 =	sld [smem:$0x0]  }
0xa6: {  	s5 =	sand.u32 $0xFFFFFFFE, s1  }
0xa7: {  	p0 =	sne.s32 s1, s5  }
0xa8: {  	s5 =	sshll.u32 @p0 s5, $0xE  }
0xa9: {  	s5 =	sadd.s32 @p0 $0x11B8D, s5;
	s6 =	sshll.u32 @p0 s4, $0x11  }
0xaa: {  	s5 =	sor.u32 @p0 s6, s5  }
0xab: {  	[sflag:s5] =	ssyncadd.remote.s32 @p0 $0x1;
	_ =	sdelay $0x1  }
0xac: {  	s5 =	simm.s32 @p0 $0x1B8D  }
0xad: {  	_ =	swait.eq @p0 [sflag:s5], $0x1  }
0xae: {  	[sflag:s5] =	ssyncadd.s32 @p0 $0xFFFFFFFF  }
0xaf: {  	s6 =	sshll.u32 @!p0 s1, $0xE  }
0xb0: {  	s6 =	sor.u32 @!p0 $0x4000, s6;
	s5 =	simm.s32 @!p0 $0x1B8D  }
0xb1: {  	s4 =	sshll.u32 @!p0 s4, $0x11;
	s6 =	sadd.s32 @!p0 $0x11B8D, s6;
	_ =	swait.eq @!p0 [sflag:s5], $0x1  }
0xb2: {  	s4 =	sor.u32 @!p0 s4, s6;
	[sflag:s5] =	ssyncadd.s32 @!p0 $0xFFFFFFFF  }
0xb3: {  	s25 =	simm.s32 $0x1B8E;
	s24 =	sld [smem:$0x3FFE];
	[sflag:s4] =	ssyncadd.remote.s32 @!p0 $0x1  }
0xb4: {  	s26 =	simm.s32 $execute0_lowered;
	[smem:$0x3FD2] =	sst s25  }
0xb5: {  	s5 =	sshll.u32 s26, $0x1;
	_ =	strace $0x80000055;
	[dreg:$0x1] =	wrdreg $0xFFFFFFFF  }
0xb6: {  	s28 =	simm.s32 $_size_execute0_lowered;
	s3 =	sadd.s32 s3, s5;
	[dreg:$0x0] =	wrdreg $0x0  }
0xb7: {  	s5 =	sshll.u32 s28, $0x1;
	[dreg:$0x2] =	wrdreg s3  }
0xb8: {  	[dreg:$0x3] =	wrdreg s5  }
0xb9: {  	[dreg:$0x4] =	wrdreg $0xC0  }
0xba: {  	_ =	task [dreg:s22], $0x5FFFF  }
0xbb: {  	[dreg:$0x1] =	wrdreg $0xFFFFFFFF  }
0xbc: {  	[dreg:$0x0] =	wrdreg $0x60  }
0xbd: {  	[dreg:$0x2] =	wrdreg s24  }
0xbe: {  	[dreg:$0x3] =	wrdreg $0x0  }
0xbf: {  	[dreg:$0x4] =	wrdreg $0x9  }
0xc0: {  	_ =	task.clear_ibuf [dreg:s22], $0x5FFFF;
	_ =	strace $0x90000055  }
0xc1: {  	s29 =	simm.s32 $0x9;
	_ =	strace $0x80000057  }
0xc2: {  	_ =	swait.ge [sflag:s29], $0x1  }
0xc3: {  	[sflag:s29] =	ssyncadd.s32 $0xFFFFFFFF  }
0xc4: {  	_ =	strace $0x90000057  }
0xc5: {  	_ =	sfence  }
0xc6: {  	s30 =	sld [smem:$0x0];
	_ =	sdelay $0x2  }
0xc7: {  	s31 =	sshll.u32 s1, $0xD;
	s1 =	sshrl.u32 s1, $0x2  }
0xc8: {  	s4 =	sand.u32 $0x4000, s31;
	s1 =	sadd.s32 s1, s30  }
0xc9: {  	s0 =	sor.u32 s4, s0;
	s1 =	sshll.u32 s1, $0x11  }
0xca: {  	s0 =	sor.u32 s1, s0  }
0xcb: {  	s0 =	sadd.s32 $0x8F2B, s0  }
0xcc: {  	[sflag:s0] =	ssyncadd.remote.s32 $0x1  }
0xcd: {  	_ =	sfence.sel $0xFFFF  }
0xce: {  	[dreg:$0x0] =	wrdreg $0xFFFFFFFF;
	(pc) =	sbr.abs _section_cstart, $3  }
0xcf: {  	[dreg:$0x1] =	wrdreg $0xFFFFFFFF  }
0xd0: {  	_ =	task.clear_ibuf [dreg:s22], $0x2FFFF;
	_ =	strace $0x9FFFFFFF  }
0xd1: {  	(tm) =	ssettm $0x7FFFFFFF  }
tec
execute0_lowered:
.L_overlay_start_1:
0x0: {  	(tag) =	ssettag $0x1  }
0x1: {  	s0 =	srdreg.scid;
	s1 =	rddreg [dreg:$0x0]  }
0x2: {  	s12 =	stileid.u32;
	s2 =	rddreg [dreg:$0x1]  }
0x3: {  	s28 =	simm.s32 $0x5;
	s29 =	simm.s32 $0x2;
	s6 =	smul.u32 $0xA000, s12  }
0x4: {  	s31 =	simm.s32 $0x4;
	s0 =	sand.u32 $0x1, s0;
	s13 =	smul.u32 $0x5000, s12  }
0x5: {  	s3 =	sshll.u32 s12, $0x1;
	s15 =	sadd.s32 $0x17800, s1;
	s4 =	smul.u32 $0xA0000, s0  }
0x6: {  	s5 =	sor.u32 s0, s3;
	s11 =	ssub.s32 $0x2, s0;
	s0 =	smul.u32 $0x2800, s0  }
0x7: {  	s19 =	sshll.u32 s12, $0x6;
	s3 =	simm.s32 $0x0;
	s10 =	smul.u32 $0x2800, s5  }
0x8: {  	[smem:$0x7FF] =	sst s3;
	s17 =	sshrl.u32 s6, $0x3;
	s18 =	sshrl.u32 s11, $0x1  }
0x9: {  	s16 =	sshrl.u32 s4, $0x3;
	_ =	strace $0x80000056;
	s4 =	sadd.s32 s6, s4  }
0xa: {  	s5 =	sadd.s32 s17, s1;
	s11 =	ssub.s32 s11, s18;
	s0 =	sadd.s32 s0, s13  }
0xb: {  	s17 =	simm.s32 $0x7;
	s18 =	simm.s32 $0xA400;
	s8 =	sadd.s32 s16, s1  }
0xc: {  	s7 =	sshrl.u32 s10, $0x3;
	s4 =	sshrl.u32 s4, $0x3;
	s16 =	sadd.s32 s6, s2  }
0xd: {  	s20 =	sadd.s32 $0x62800, s5;
	s5 =	sor.u32 $0x1C07, s19;
	s23 =	sor.u32 $0x400, s10  }
0xe: {  	s14 =	sor.u32 $0x600, s10;
	s11 =	smax.u32 s11, $0x1;
	s26 =	sadd.s32 $0xA00, s0  }
0xf: {  	s0 =	sadd.s32 $0x800, s0;
	s19 =	simm.s32 $0xA000;
	s9 =	sadd.s32 s7, s1  }
0x10: {  	s1 =	sadd.s32 s4, s1;
	[dreg:$0x3] =	wrdreg s20;
	s7 =	sadd.s32 s15, s7  }
0x11: {  	s8 =	sadd.s32 $0x9E800, s8;
	s24 =	sshrl.u32 s23, $0x3;
	s25 =	sshrl.u32 s14, $0x3  }
0x12: {  	s30 =	sshrl.u32 s26, $0x3;
	s0 =	sshrl.u32 s0, $0x3;
	s16 =	sshrl.u32 s16, $0x3  }
0x13: {  	s20 =	simm.s32 $0x200;
	s23 =	simm.s32 $0x6;
	s26 =	simm.s32 $0x3  }
.Ltmp0:
0x14: {  	s21 =	sadd.s32 $0xD800, s9;
	s22 =	sadd.s32 $0x40, s7;
	(pc) =	sbr.rel .LBB2_1-.Ltmp0, $4  }
0x15: {  	s10 =	sadd.s32 $0xC6800, s1;
	s12 =	sadd.s32 s15, s24;
	s13 =	sadd.s32 s15, s25  }
0x16: {  	s14 =	sadd.s32 s30, s15;
	s15 =	sadd.s32 s0, s15;
	s24 =	simm.s32 $0x14C00  }
0x17: {  	s25 =	simm.s32 $0x1;
	s1 =	simm.s32 $0x0;
	[dreg:$0x4] =	wrdreg s21  }
0x18: {  	[dreg:$0x5] =	wrdreg s22;
	s21 =	simm.s32 $0xCC00;
	s22 =	simm.s32 $0xA200  }
.LBB2_4:
0x19: {  	_ =	swait.ge [sflag:s31], $0x8000  }
0x1a: {  	s1 =	sadd.s32 $0x1, s1;
	[sflag:s31] =	ssyncset.done $0x0  }
0x1b: {  	p0 =	sne.s32 s1, s11;
	[sflag:s31] =	ssyncadd.s32 $0xFFFF8000  }
.Ltmp1:
0x1c: {  	[bflag:$0x0] =	sbarrier.arrive $0xFFFF;
	(pc) =	sbr.rel @!p0 .LBB2_5-.Ltmp1, $4  }
0x1d: {  	[hbm:s10], [sflag:s5] =	dma.local [spmem:s16], $0x1400  }
0x1e: {  	_ =	swait.ge [sflag:s17], $0x1400  }
0x1f: {  	[sflag:s17] =	ssyncset.done $0x0  }
0x20: {  	[sflag:s17] =	ssyncadd.s32 $0xFFFFEC00  }
.LBB2_1:
0x21: {  	s0 =	rddreg [dreg:$0x3]  }
0x22: {  	[spmem:s16], [sflag:s5] =	dma.local [hbm:s0], $0x1400  }
0x23: {  	_ =	swait.ge [sflag:s17], $0x1400  }
0x24: {  	[sflag:s17] =	ssyncset.done $0x0  }
0x25: {  	s4 =	rddreg [dreg:$0x4];
	[sflag:s17] =	ssyncadd.s32 $0xFFFFEC00  }
0x26: {  	[tilespmem:s18], [sflag:$0x7] =	stream.linear.gather [hbm4b:s4+s3], $0x2800, $0x38;
	[tilespmem:$0x1CC00] =	vst v63  }
0x27: {  	_ =	swait.ge [sflag:s17], $0x2800  }
0x28: {  	[sflag:s17] =	ssyncset.done $0x0  }
0x29: {  	[sflag:s17] =	ssyncadd.s32 $0xFFFFD800  }
0x2a: {  	[tilespmem:s19], [sflag:$0x7] =	stream.linear.gather [hbm4b:s7+s3], $0x200, $0x38;
	[tilespmem:$0x1CC00] =	vst v63  }
0x2b: {  	_ =	swait.ge [sflag:s17], $0x200  }
0x2c: {  	[sflag:s17] =	ssyncset.done $0x0  }
0x2d: {  	[sflag:s17] =	ssyncadd.s32 $0xFFFFFE00  }
0x2e: {  	[bflag:$0x0] =	sbarrier.arrive $0xFFFF  }
0x2f: {  	[tilespmem:s21], [sflag:$0x1] =	stream.indirect.gather [hbm4b:s8+s20], $0x40, s19, s20, $0xb8;
	[tilespmem:$0x1CC00] =	vst v63  }
0x30: {  	s6 =	rddreg [dreg:$0x5]  }
0x31: {  	[tilespmem:s22], [sflag:$0x6] =	stream.linear.gather [hbm4b:s6+s3], $0x200, $0x38;
	[tilespmem:$0x1CC00] =	vst v63  }
0x32: {  	_ =	swait.ge [sflag:s23], $0x200  }
0x33: {  	[sflag:s23] =	ssyncset.done $0x0  }
0x34: {  	[sflag:s23] =	ssyncadd.s32 $0xFFFFFE00  }
0x35: {  	[tilespmem:s24], [sflag:$0x2] =	stream.indirect.gather [hbm4b:s8+s20], $0x40, s22, s20, $0xb8;
	[tilespmem:$0x1CC00] =	vst v63  }
0x36: {  	_ =	swait.ge [sflag:s25], $0x8000  }
0x37: {  	[sflag:s25] =	ssyncset.done $0x0  }
0x38: {  	[sflag:s25] =	ssyncadd.s32 $0xFFFF8000  }
0x39: {  	[spmem:s2] =	stream.indirect.scatter.add.f32 [tilespmem:s21], [sflag:$0x3], $0x40, s18, s20, $0xb8;
	[tilespmem:$0x1CC00] =	vst v63  }
0x3a: {  	_ = 	snop  }
0x3b: {  	[tilespmem:s19], [sflag:$0x5] =	stream.linear.gather [hbm4b:s12+s3], $0x200, $0x38;
	[tilespmem:$0x1CC00] =	vst v63  }
0x3c: {  	_ =	swait.ge [sflag:s26], $0x8000  }
0x3d: {  	[sflag:s26] =	ssyncset.done $0x0  }
0x3e: {  	[sflag:s26] =	ssyncadd.s32 $0xFFFF8000  }
0x3f: {  	_ =	swait.ge [sflag:s28], $0x200  }
0x40: {  	[sflag:s28] =	ssyncset.done $0x0  }
0x41: {  	[sflag:s28] =	ssyncadd.s32 $0xFFFFFE00  }
0x42: {  	[tilespmem:s21], [sflag:$0x1] =	stream.indirect.gather [hbm4b:s8+s20], $0x40, s19, s20, $0xb8;
	[tilespmem:$0x1CC00] =	vst v63  }
0x43: {  	_ =	swait.ge [sflag:s29], $0x8000  }
0x44: {  	[sflag:s29] =	ssyncset.done $0x0  }
0x45: {  	s9 =	simm.s32 $0xA600;
	[sflag:s29] =	ssyncadd.s32 $0xFFFF8000  }
0x46: {  	[spmem:s2] =	stream.indirect.scatter.add.f32 [tilespmem:s24], [sflag:$0x4], $0x40, s9, s20, $0xb8;
	[tilespmem:$0x1CC00] =	vst v63  }
0x47: {  	s30 =	simm.s32 $0x0;
	s0 =	simm.s32 $0xAA00  }
0x48: {  	[tilespmem:s22], [sflag:$0x6] =	stream.linear.gather [hbm4b:s13+s3], $0x200, $0x38;
	[tilespmem:$0x1CC00] =	vst v63  }
.LBB2_2:
0x49: {  	_ =	swait.ge [sflag:s31], $0x8000  }
0x4a: {  	[sflag:s31] =	ssyncset.done $0x0  }
0x4b: {  	[sflag:s31] =	ssyncadd.s32 $0xFFFF8000  }
0x4c: {  	_ =	swait.ge [sflag:s23], $0x200  }
0x4d: {  	[sflag:s23] =	ssyncset.done $0x0  }
0x4e: {  	[sflag:s23] =	ssyncadd.s32 $0xFFFFFE00  }
0x4f: {  	[tilespmem:s24], [sflag:$0x2] =	stream.indirect.gather [hbm4b:s8+s20], $0x40, s22, s20, $0xb8;
	[tilespmem:$0x1CC00] =	vst v63  }
0x50: {  	_ =	swait.ge [sflag:s25], $0x8000  }
0x51: {  	[sflag:s25] =	ssyncset.done $0x0  }
0x52: {  	s4 =	sadd.s32 $0xFFFFFE00, s0;
	p0 =	seq.s32 s30, $0x400;
	[sflag:s25] =	ssyncadd.s32 $0xFFFF8000  }
0x53: {  	[spmem:s2] =	stream.indirect.scatter.add.f32 [tilespmem:s21], [sflag:$0x3], $0x40, s4, s20, $0xb8;
	[tilespmem:$0x1CC00] =	vst v63  }
0x54: {  	s4 =	simm.s32 @p0 $0x3  }
0x55: {  	_ =	swait.ge @p0 [sflag:s4], $0x8000  }
0x56: {  	s6 =	simm.s32 @!p0 $0x0;
	[sflag:s4] =	ssyncset.done @p0 $0x0  }
0x57: {  	s9 =	simm.s32 @!p0 $0xA000;
	[sflag:s4] =	ssyncadd.s32 @p0 $0xFFFF8000;
	s4 =	sadd.s32 @!p0 s30, s15  }
0x58: {  	[tilespmem:s9], [sflag:$0x5] =	stream.linear.gather @!p0 [hbm4b:s4+s6], $0x200, $0x38;
	[tilespmem:$0x1CC00] =	vst v63  }
0x59: {  	s4 =	simm.s32 @!p0 $0x3  }
0x5a: {  	_ =	swait.ge @!p0 [sflag:s4], $0x8000  }
0x5b: {  	[sflag:s4] =	ssyncset.done @!p0 $0x0  }
0x5c: {  	[sflag:s4] =	ssyncadd.s32 @!p0 $0xFFFF8000;
	s4 =	simm.s32 @!p0 $0x5  }
0x5d: {  	_ =	swait.ge @!p0 [sflag:s4], $0x200  }
0x5e: {  	[sflag:s4] =	ssyncset.done @!p0 $0x0  }
0x5f: {  	s6 =	simm.s32 @!p0 $0xCC00;
	[sflag:s4] =	ssyncadd.s32 @!p0 $0xFFFFFE00;
	s4 =	simm.s32 @!p0 $0x200  }
0x60: {  	[tilespmem:s6], [sflag:$0x1] =	stream.indirect.gather @!p0 [hbm4b:s8+s4], $0x40, s9, s4, $0xb8;
	[tilespmem:$0x1CC00] =	vst v63  }
.Ltmp2:
0x61: {  	_ = 	snop;
	(pc) =	sbr.rel @p0 .LBB2_4-.Ltmp2, $4  }
0x62: {  	_ =	swait.ge [sflag:s29], $0x8000  }
0x63: {  	[sflag:s29] =	ssyncset.done $0x0  }
0x64: {  	[sflag:s29] =	ssyncadd.s32 $0xFFFF8000  }
0x65: {  	[spmem:s2] =	stream.indirect.scatter.add.f32 [tilespmem:s24], [sflag:$0x4], $0x40, s0, s20, $0xb8;
	[tilespmem:$0x1CC00] =	vst v63  }
.Ltmp3:
0x66: {  	(pc) =	sbr.rel .LBB2_2-.Ltmp3, $3  }
0x67: {  	_ =	sdelay $0x1  }
0x68: {  	s4 =	sadd.s32 s30, s14;
	s0 =	sadd.s32 $0x400, s0;
	s30 =	sadd.s32 $0x80, s30  }
0x69: {  	[tilespmem:s22], [sflag:$0x6] =	stream.linear.gather [hbm4b:s4+s3], $0x200, $0x38;
	[tilespmem:$0x1CC00] =	vst v63  }
.LBB2_5:
0x6a: {  	_ =	sfence.sel $0x180000  }
0x6b: {  	[bflag:$0x0] =	sbarrier.arrive $0xFFFF  }
0x6c: {  	_ =	strace $0x90000056  }
0x6d: {  	s0 =	stileid.u32;
	[bflag:$0x2] =	sbarrier.arrive $0xFFFF  }
0x6e: {  	p0 =	sne.s32 s0, $0x0;
	s0 =	rddreg [dreg:$0x2]  }
0x6f: {  	s0 =	sadd.s32 @!p0 $0x100000, s0  }
0x70: {  	[sflag:s0] =	ssyncadd.tile.s32 @!p0 $0x1;
	_ =	shalt  }
.Lfunc_end2:
_tile_overlayer_lowered:
.L_overlay_start_2:
0x71: {  	(tag) =	ssettag $0x2  }
0x72: {  	s0 =	rddreg [dreg:$0x0];
	s2 =	stileid.u32  }
0x73: {  	s1 =	rddreg [dreg:$0x1];
	p0 =	sne.s32 s2, $0x0  }
0x74: {  	s3 =	rddreg [dreg:$0x2];
	[bflag:$0x3] =	sbarrier.arrive $0xFFFF;
	s2 =	simm.s32 @!p0 $0x1C07  }
0x75: {  	[timem:s3], [sflag:s2] =	dma.local @!p0 [hbm:s0], s1  }
0x76: {  	s0 =	simm.s32 @!p0 $0x7  }
0x77: {  	_ =	swait.ge @!p0 [sflag:s0], s1  }
0x78: {  	s1 =	ssub.s32 @!p0 $0x0, s1;
	[sflag:s0] =	ssyncset.done @!p0 $0x0  }
0x79: {  	[sflag:s0] =	ssyncadd.s32 @!p0 s1  }
0x7a: {  	[bflag:$0x3] =	sbarrier.arrive $0xFFFF  }
0x7b: {  	_ =	shalt  }

// kernel: kernel.26.cloned.1.call-start
scs
__scs_entry_jumppad:
0x0: {  	(pc) =	sbr.rel $0x88, $3  }
0x1: {  	(tag) =	ssettag $0x0;
	lr =	simm.s32 $0x1  }
0x2: {  	[smem:$0x3F95] =	sst lr;
	_ =	strace $0xD0000000  }
0x3: {  	_ = 	snop  }
0x4: {  	_ = 	snop  }
0x5: {  	_ = 	snop  }
0x6: {  	_ = 	snop  }
0x7: {  	_ = 	snop  }
__scs_overlays_trampoline_lowered:
0x8: {  	[smem:$0x3FA4] =	sst s0  }
0x9: {  	[smem:$0x3FA5] =	sst s1  }
0xa: {  	[smem:$0x3FA6] =	sst s2  }
0xb: {  	[smem:$0x3FA7] =	sst s3  }
0xc: {  	[smem:$0x3FA8] =	sst s4  }
0xd: {  	[smem:$0x3FA9] =	sst s5  }
0xe: {  	[smem:$0x3FAA] =	sst s6  }
0xf: {  	[smem:$0x3FAB] =	sst s7  }
0x10: {  	[smem:$0x3FAC] =	sst s8  }
0x11: {  	[smem:$0x3FAD] =	sst s9;
	s0 =	simm.s32 @!p0 $0x0  }
0x12: {  	s1 =	sld [smem:$0x3F93];
	s0 =	simm.s32 @p0 $0x1  }
0x13: {  	[smem:$0x3FAE] =	sst s0;
	s0 =	simm.s32 @!p1 $0x0  }
0x14: {  	s2 =	sld [smem:$0x3F92];
	s0 =	simm.s32 @p1 $0x1  }
0x15: {  	[smem:$0x3FAF] =	sst s0;
	s0 =	simm.s32 @!p2 $0x0  }
0x16: {  	s3 =	sld [smem:$0x3FDB];
	s0 =	simm.s32 @p2 $0x1  }
0x17: {  	s4 =	simm.s32 $0x1BF5;
	[smem:$0x3FB1] =	sst s0  }
0x18: {  	s0 =	sld [smem:$0x3F94];
	_ =	swait.ge [sflag:s4], $0x0  }
0x19: {  	s7 =	sld [smem:$0x3F95]  }
0x1a: {  	s8 =	sadd.s32 $0xFFFFE003, lr  }
0x1b: {  	s9 =	sadd.s32 $0xFFFFFEF7, lr;
	s5 =	simm.s32 $0xFFFFFFFF;
	p2 =	slt.u32 s8, $0xFFFFF086  }
0x1c: {  	p1 =	slt.u32 s9, $0xF7A;
	s5 =	simm.s32 @!p2 $0x0  }
0x1d: {  	s5 =	simm.s32 @p1 $0x1;
	p0 =	seq.s32 s7, s2  }
0x1e: {  	s7 =	smul.u32 @!p0 $0xF7A, s2;
	p2 =	seq.s32 @!p0 s5, $0x0  }
0x1f: {  	s9 =	smul.u32 $0xF7A, s1;
	s8 =	simm.s32 @!p0 $0x1BF5;
	p2 =	por !p2, p0  }
0x20: {  	[sflag:s8] =	ssyncset.s32 @!p0 $0xFFFFF086;
	s6 =	sadd.s32 @!p0 s3, s7;
	s7 =	simm.s32 @!p0 $0x108  }
0x21: {  	s3 =	sadd.s32 s3, s9;
	s6 =	sadd.s32 @!p0 $0x88, s6;
	s7 =	simm.s32 @p2 $0x1082  }
0x22: {  	[simem:s7], [sflag:s8] =	dma.local @!p0 [hbm:s6], $0xF7A  }
0x23: {  	s9 =	sor.u32 $0xD0000000, s2;
	s6 =	simm.s32 $0x108;
	_ =	swait.ge @!p0 [sflag:s8], $0x0  }
0x24: {  	s3 =	sadd.s32 $0x88, s3;
	s6 =	simm.s32 @!p1 $0x1082;
	[sflag:s4] =	ssyncset.s32 $0xFFFFF086  }
0x25: {  	[simem:s6], [sflag:s4] =	dma.local [hbm:s3], $0xF7A  }
0x26: {  	[smem:$0x3F95] =	sst s1;
	(tag) =	ssettag s2;
	_ =	strace s9  }
0x27: {  	s1 =	sld [smem:$0x3FA5]  }
0x28: {  	s2 =	sld [smem:$0x3FA6]  }
0x29: {  	s4 =	sld [smem:$0x3FA8]  }
0x2a: {  	p0 =	seq.s32 s5, $0x0;
	s5 =	sld [smem:$0x3FA9]  }
0x2b: {  	s6 =	sld [smem:$0x3FAA]  }
0x2c: {  	s7 =	sld [smem:$0x3FAB]  }
0x2d: {  	s3 =	simm.s32 $0x108;
	s8 =	sld [smem:$0x3FAC]  }
0x2e: {  	s3 =	simm.s32 @!p0 $0x1082;
	s9 =	sld [smem:$0x3FAD]  }
0x2f: {  	lr =	sadd.s32 s0, s3;
	s0 =	sld [smem:$0x3FA4]  }
0x30: {  	s3 =	sld [smem:$0x3FA7]  }
0x31: {  	[smem:$0x3FB0] =	sst s10  }
0x32: {  	s10 =	sld [smem:$0x3FAE];
	_ =	sdelay $0x3  }
0x33: {  	p0 =	seq.s32 s10, $0x1;
	s10 =	sld [smem:$0x3FB0];
	_ =	sdelay $0x3  }
0x34: {  	[smem:$0x3FB0] =	sst s10  }
0x35: {  	s10 =	sld [smem:$0x3FAF];
	_ =	sdelay $0x3  }
0x36: {  	p1 =	seq.s32 s10, $0x1;
	s10 =	sld [smem:$0x3FB0];
	_ =	sdelay $0x3  }
0x37: {  	[smem:$0x3FB0] =	sst s10  }
0x38: {  	s10 =	sld [smem:$0x3FB1]  }
0x39: {  	_ = 	snop;
	(pc) =	sbr.ind lr, $3  }
0x3a: {  	_ = 	snop  }
0x3b: {  	_ = 	snop  }
0x3c: {  	p2 =	seq.s32 s10, $0x1;
	s10 =	sld [smem:$0x3FB0]  }
0x3d: {  	_ =	shalt  }
0x3e: {  	_ =	shalt  }
0x3f: {  	_ =	shalt  }
0x40: {  	_ =	shalt  }
0x41: {  	_ =	shalt  }
0x42: {  	_ =	shalt  }
0x43: {  	_ =	shalt  }
0x44: {  	_ =	shalt  }
0x45: {  	_ =	shalt  }
0x46: {  	_ =	shalt  }
0x47: {  	_ =	shalt  }
0x48: {  	_ =	shalt  }
0x49: {  	_ =	shalt  }
0x4a: {  	_ =	shalt  }
0x4b: {  	_ =	shalt  }
0x4c: {  	_ =	shalt  }
0x4d: {  	_ =	shalt  }
0x4e: {  	_ =	shalt  }
0x4f: {  	_ =	shalt  }
0x50: {  	_ =	shalt  }
0x51: {  	_ =	shalt  }
0x52: {  	_ =	shalt  }
0x53: {  	_ =	shalt  }
0x54: {  	_ =	shalt  }
0x55: {  	_ =	shalt  }
0x56: {  	_ =	shalt  }
0x57: {  	_ =	shalt  }
0x58: {  	_ =	shalt  }
0x59: {  	_ =	shalt  }
0x5a: {  	_ =	shalt  }
0x5b: {  	_ =	shalt  }
0x5c: {  	_ =	shalt  }
0x5d: {  	_ =	shalt  }
0x5e: {  	_ =	shalt  }
0x5f: {  	_ =	shalt  }
0x60: {  	_ =	shalt  }
0x61: {  	_ =	shalt  }
0x62: {  	_ =	shalt  }
0x63: {  	_ =	shalt  }
0x64: {  	_ =	shalt  }
0x65: {  	_ =	shalt  }
0x66: {  	_ =	shalt  }
0x67: {  	_ =	shalt  }
0x68: {  	_ =	shalt  }
0x69: {  	_ =	shalt  }
0x6a: {  	_ =	shalt  }
0x6b: {  	_ =	shalt  }
0x6c: {  	_ =	shalt  }
0x6d: {  	_ =	shalt  }
0x6e: {  	_ =	shalt  }
0x6f: {  	_ =	shalt  }
0x70: {  	_ =	shalt  }
0x71: {  	_ =	shalt  }
0x72: {  	_ =	shalt  }
0x73: {  	_ =	shalt  }
0x74: {  	_ =	shalt  }
0x75: {  	_ =	shalt  }
0x76: {  	_ =	shalt  }
0x77: {  	_ =	shalt  }
0x78: {  	_ =	shalt  }
0x79: {  	_ =	shalt  }
0x7a: {  	_ =	shalt  }
0x7b: {  	_ =	shalt  }
0x7c: {  	_ =	shalt  }
0x7d: {  	_ =	shalt  }
0x7e: {  	_ =	shalt  }
0x7f: {  	_ =	shalt  }
0x80: {  	_ =	shalt  }
0x81: {  	_ =	shalt  }
0x82: {  	_ =	shalt  }
0x83: {  	_ =	shalt  }
0x84: {  	_ =	shalt  }
0x85: {  	_ =	shalt  }
0x86: {  	_ =	shalt  }
0x87: {  	_ =	shalt  }
.Lfunc_end0:
.L_simem_size_0:
called_computation.4_lowered:
.L_overlay_start_0:
0x88: {  	s2 =	sld [smem:$0x3FD9]  }
0x89: {  	s3 =	sld [smem:$0x3FFE];
	_ =	sdelay $0x1  }
0x8a: {  	s1 =	srdreg.scid  }
0x8b: {  	s0 =	sand.u32 $0x1, s1  }
0x8c: {  	s15 =	sshll.u32 s0, $0xA;
	s2 =	sadd.s32 s3, s2  }
0x8d: {  	s2 =	sadd.s32 s2, s15  }
0x8e: {  	[smem:$0x3FBC] =	sst s2  }
0x8f: {  	_ = 	snop  }
0x90: {  	s2 =	sld [smem:$0x3FD0];
	_ =	sdelay $0x2  }
0x91: {  	s16 =	simm.s32 $0xB;
	s4 =	simm.s32 $0x10  }
0x92: {  	[smem:s4], [sflag:s16] =	dma.local [hbm:s2], $0x1  }
0x93: {  	_ =	swait.eq [sflag:s16], $0x1  }
0x94: {  	[sflag:s16] =	ssyncset.done $0x0  }
0x95: {  	[sflag:s16] =	ssyncadd.s32 $0xFFFFFFFF  }
0x96: {  	s17 =	sld [smem:$0x10];
	(tm) =	ssettm $0x1  }
0x97: {  	s18 =	sld [smem:$0x3FFB];
	_ =	sdelay $0x3  }
0x98: {  	_ =	strace s18  }
0x99: {  	s2 =	sld [smem:$0x3FFC];
	_ =	sdelay $0x3  }
0x9a: {  	_ =	strace s2  }
0x9b: {  	s2 =	sld [smem:$0x3FFD];
	_ =	sdelay $0x3  }
0x9c: {  	_ =	strace s2  }
0x9d: {  	_ =	strace $0x8FFFFFFF  }
0x9e: {  	s19 =	sld [smem:$0x3FDB];
	_ =	sdelay $0x1  }
0x9f: {  	s20 =	simm.s32 $_scs_section_size  }
0xa0: {  	s5 =	simm.s32 $_size__tile_overlayer_lowered;
	s6 =	simm.s32 $_tile_overlayer_lowered  }
0xa1: {  	s7 =	simm.s32 $0x1BFF;
	s21 =	sshll.u32 s6, $0x1;
	s4 =	sadd.s32 s20, s19  }
0xa2: {  	s22 =	simm.s32 $0x0;
	s5 =	sshll.u32 s5, $0x1;
	s6 =	sadd.s32 s21, s4  }
0xa3: {  	[timem:s22], [sflag:s7] =	dma.local [hbm:s6], s5  }
0xa4: {  	_ =	swait.ge [sflag:s7], s5  }
0xa5: {  	s5 =	ssub.s32 $0x0, s5;
	[sflag:s7] =	ssyncset.done $0x0  }
0xa6: {  	[sflag:s7] =	ssyncadd.s32 s5;
	_ =	sdelay $0x1  }
0xa7: {  	s23 =	simm.s32 $0x1B8B  }
0xa8: {  	_ =	swait.ge [sflag:s23], $0x1  }
0xa9: {  	[sflag:s23] =	ssyncset.done $0x0  }
0xaa: {  	[sflag:s23] =	ssyncadd.s32 $0xFFFFFFFF  }
0xab: {  	s5 =	sld [smem:$0x0]  }
0xac: {  	s6 =	sand.u32 $0xFFFFFFFE, s1  }
0xad: {  	p0 =	sne.s32 s1, s6  }
0xae: {  	s6 =	sshll.u32 @p0 s6, $0xE  }
0xaf: {  	s6 =	sadd.s32 @p0 $0x11B8D, s6;
	s7 =	sshll.u32 @p0 s5, $0x11  }
0xb0: {  	s6 =	sor.u32 @p0 s7, s6  }
0xb1: {  	[sflag:s6] =	ssyncadd.remote.s32 @p0 $0x1;
	_ =	sdelay $0x1  }
0xb2: {  	s6 =	simm.s32 @p0 $0x1B8D  }
0xb3: {  	_ =	swait.eq @p0 [sflag:s6], $0x1  }
0xb4: {  	[sflag:s6] =	ssyncadd.s32 @p0 $0xFFFFFFFF  }
0xb5: {  	s7 =	sshll.u32 @!p0 s1, $0xE  }
0xb6: {  	s7 =	sor.u32 @!p0 $0x4000, s7;
	s6 =	simm.s32 @!p0 $0x1B8D  }
0xb7: {  	s5 =	sshll.u32 @!p0 s5, $0x11;
	s7 =	sadd.s32 @!p0 $0x11B8D, s7;
	_ =	swait.eq @!p0 [sflag:s6], $0x1  }
0xb8: {  	s5 =	sor.u32 @!p0 s5, s7;
	[sflag:s6] =	ssyncadd.s32 @!p0 $0xFFFFFFFF  }
0xb9: {  	s25 =	simm.s32 $0x1B8E;
	s24 =	sld [smem:$0x3FFE];
	[sflag:s5] =	ssyncadd.remote.s32 @!p0 $0x1  }
0xba: {  	s26 =	simm.s32 $execute0_lowered;
	[smem:$0x3FD2] =	sst s25  }
0xbb: {  	s6 =	sshll.u32 s26, $0x1;
	_ =	strace $0x8000004C;
	[dreg:$0x1] =	wrdreg $0xFFFFFFFF  }
0xbc: {  	s28 =	simm.s32 $_size_execute0_lowered;
	s4 =	sadd.s32 s4, s6;
	[dreg:$0x0] =	wrdreg $0x0  }
0xbd: {  	s6 =	sshll.u32 s28, $0x1;
	[dreg:$0x2] =	wrdreg s4  }
0xbe: {  	[dreg:$0x3] =	wrdreg s6  }
0xbf: {  	[dreg:$0x4] =	wrdreg $0xC0  }
0xc0: {  	_ =	task [dreg:s22], $0x5FFFF  }
0xc1: {  	[dreg:$0x1] =	wrdreg $0xFFFFFFFF  }
0xc2: {  	[dreg:$0x0] =	wrdreg $0x60  }
0xc3: {  	[dreg:$0x2] =	wrdreg s24  }
0xc4: {  	[dreg:$0x3] =	wrdreg s17  }
0xc5: {  	[dreg:$0x4] =	wrdreg $0x0  }
0xc6: {  	[dreg:$0x5] =	wrdreg $0xA  }
0xc7: {  	_ =	task.clear_ibuf [dreg:s22], $0x6FFFF;
	_ =	strace $0x9000004C  }
0xc8: {  	s29 =	simm.s32 $0xA;
	_ =	strace $0x8000004E  }
0xc9: {  	_ =	swait.ge [sflag:s29], $0x1  }
0xca: {  	[sflag:s29] =	ssyncadd.s32 $0xFFFFFFFF  }
0xcb: {  	_ =	strace $0x9000004E  }
0xcc: {  	_ =	sfence  }
0xcd: {  	s30 =	sld [smem:$0x0];
	_ =	sdelay $0x2  }
0xce: {  	s31 =	sshll.u32 s1, $0xD;
	s1 =	sshrl.u32 s1, $0x2  }
0xcf: {  	s4 =	sand.u32 $0x4000, s31;
	s1 =	sadd.s32 s1, s30  }
0xd0: {  	s0 =	sor.u32 s4, s0;
	s1 =	sshll.u32 s1, $0x11  }
0xd1: {  	s0 =	sor.u32 s1, s0  }
0xd2: {  	s0 =	sadd.s32 $0x8F2B, s0  }
0xd3: {  	[sflag:s0] =	ssyncadd.remote.s32 $0x1  }
0xd4: {  	_ =	sfence.sel $0xFFFF  }
0xd5: {  	[dreg:$0x0] =	wrdreg $0xFFFFFFFF;
	(pc) =	sbr.abs _section_cstart, $3  }
0xd6: {  	[dreg:$0x1] =	wrdreg $0xFFFFFFFF  }
0xd7: {  	_ =	task.clear_ibuf [dreg:s22], $0x2FFFF;
	_ =	strace $0x9FFFFFFF  }
0xd8: {  	(tm) =	ssettm $0x7FFFFFFF  }
0xd9: {  	_ =	shalt  }
tec
execute0_lowered:
.L_overlay_start_1:
0x0: {  	(tag) =	ssettag $0x1  }
0x1: {  	s5 =	rddreg [dreg:$0x0]  }
0x2: {  	s7 =	rddreg [dreg:$0x1]  }
0x3: {  	s0 =	srdreg.scid;
	s2 =	rddreg [dreg:$0x2]  }
0x4: {  	s3 =	simm.s32 $0x0;
	s26 =	stileid.u32;
	s19 =	simm.s32 $0xA000  }
0x5: {  	s20 =	simm.s32 $0x200;
	s21 =	simm.s32 $0xF400;
	s22 =	simm.s32 $0xA200  }
0x6: {  	s23 =	simm.s32 $0x6;
	s24 =	simm.s32 $0x17400;
	s25 =	simm.s32 $0x1  }
0x7: {  	s28 =	simm.s32 $0x4;
	s29 =	simm.s32 $0x0;
	s9 =	smul.u32 $0xA000, s26  }
0x8: {  	s6 =	sand.u32 $0x1, s0;
	[smem:$0x7FF] =	sst s3;
	s13 =	smul.u32 $0x5000, s26  }
0x9: {  	s30 =	sshll.u32 s26, $0x6;
	s8 =	smul.u32 $0xA0000, s6;
	s6 =	ssub.s32 $0x2, s6  }
0xa: {  	_ =	strace $0x8000004D;
	s10 =	sshrl.u32 s9, $0x3;
	s12 =	sshrl.u32 s6, $0x1  }
0xb: {  	s16 =	sadd.s32 s9, s2;
	s31 =	sshrl.u32 s13, $0x3;
	s4 =	sshrl.u32 s8, $0x3  }
0xc: {  	s8 =	sadd.s32 s9, s8;
	s10 =	sadd.s32 s10, s5;
	s15 =	ssub.s32 s6, s12  }
0xd: {  	s6 =	sor.u32 $0x1C07, s30;
	s7 =	sadd.s32 s7, s31;
	s11 =	sadd.s32 s4, s5  }
.Ltmp0:
0xe: {  	s4 =	sadd.s32 $0x3800, s5;
	s8 =	sshrl.u32 s8, $0x3;
	(pc) =	sbr.rel .LBB2_1-.Ltmp0, $4  }
0xf: {  	s9 =	sadd.s32 $0x500, s7;
	s14 =	sadd.s32 s8, s5;
	s5 =	sadd.s32 $0x62800, s10  }
0x10: {  	s8 =	sshll.u32 s26, $0x1;
	s10 =	sadd.s32 s4, s31;
	s11 =	sadd.s32 $0x3A800, s11  }
0x11: {  	s26 =	simm.s32 $0x2;
	s12 =	sadd.s32 $0x40, s10;
	s13 =	sadd.s32 $0x76800, s14  }
0x12: {  	s14 =	smax.u32 s15, $0x1;
	s15 =	sshrl.u32 s16, $0x3;
	s16 =	simm.s32 $0x7  }
.LBB2_4:
0x13: {  	_ =	swait.ge [sflag:s28], $0x8000  }
0x14: {  	s29 =	sadd.s32 $0x1, s29;
	[sflag:s28] =	ssyncset.done $0x0  }
0x15: {  	p0 =	sne.s32 s29, s14;
	[sflag:s28] =	ssyncadd.s32 $0xFFFF8000  }
.Ltmp1:
0x16: {  	[bflag:$0x0] =	sbarrier.arrive $0xFFFF;
	(pc) =	sbr.rel @!p0 .LBB2_5-.Ltmp1, $4  }
0x17: {  	[hbm:s13], [sflag:s6] =	dma.local [spmem:s15], $0x1400  }
0x18: {  	_ =	swait.ge [sflag:s16], $0x1400  }
0x19: {  	[sflag:s16] =	ssyncset.done $0x0  }
0x1a: {  	[sflag:s16] =	ssyncadd.s32 $0xFFFFEC00  }
.LBB2_1:
0x1b: {  	[spmem:s15], [sflag:s6] =	dma.local [hbm:s5], $0x1400  }
0x1c: {  	_ =	swait.ge [sflag:s16], $0x1400  }
0x1d: {  	[sflag:s16] =	ssyncset.done $0x0  }
0x1e: {  	s0 =	simm.s32 $0xA400;
	[sflag:s16] =	ssyncadd.s32 $0xFFFFEC00  }
0x1f: {  	[tilespmem:s0], [sflag:$0x7] =	stream.linear.gather [hbm4b:s7+s3], $0x2800, $0x38;
	[tilespmem:$0x1F400] =	vst v63  }
0x20: {  	_ =	swait.ge [sflag:s16], $0x2800  }
0x21: {  	[sflag:s16] =	ssyncset.done $0x0  }
0x22: {  	s18 =	simm.s32 $0xCC00;
	[sflag:s16] =	ssyncadd.s32 $0xFFFFD800  }
0x23: {  	[tilespmem:s18], [sflag:$0x7] =	stream.linear.gather [hbm4b:s9+s3], $0x2800, $0x38;
	[tilespmem:$0x1F400] =	vst v63  }
0x24: {  	_ =	swait.ge [sflag:s16], $0x2800  }
0x25: {  	[sflag:s16] =	ssyncset.done $0x0  }
0x26: {  	[sflag:s16] =	ssyncadd.s32 $0xFFFFD800  }
0x27: {  	[tilespmem:s19], [sflag:$0x7] =	stream.linear.gather [hbm4b:s10+s3], $0x200, $0x38;
	[tilespmem:$0x1F400] =	vst v63  }
0x28: {  	_ =	swait.ge [sflag:s16], $0x200  }
0x29: {  	[sflag:s16] =	ssyncset.done $0x0  }
0x2a: {  	[sflag:s16] =	ssyncadd.s32 $0xFFFFFE00  }
0x2b: {  	[bflag:$0x0] =	sbarrier.arrive $0xFFFF  }
0x2c: {  	[tilespmem:s21], [sflag:$0x1] =	stream.indirect.gather [hbm4b:s11+s20], $0x40, s19, s20, $0xb8;
	[tilespmem:$0x1F400] =	vst v63  }
0x2d: {  	s30 =	simm.s32 $0xA600;
	s31 =	simm.s32 $0x0  }
0x2e: {  	[tilespmem:s22], [sflag:$0x6] =	stream.linear.gather [hbm4b:s12+s3], $0x200, $0x38;
	[tilespmem:$0x1F400] =	vst v63  }
.LBB2_2:
0x2f: {  	p0 =	seq.s32 s31, $0x0  }
0x30: {  	s0 =	simm.s32 @!p0 $0x4  }
0x31: {  	_ =	swait.ge @!p0 [sflag:s0], $0x8000  }
0x32: {  	[sflag:s0] =	ssyncset.done @!p0 $0x0  }
0x33: {  	[sflag:s0] =	ssyncadd.s32 @!p0 $0xFFFF8000;
	p0 =	seq.s32 s31, $0x26  }
0x34: {  	_ =	swait.ge [sflag:s23], $0x200;
	s0 =	sadd.s32 @!p0 $0x2, s31  }
0x35: {  	[sflag:s23] =	ssyncset.done $0x0;
	s1 =	sand.u32 @!p0 $0xFF, s0  }
0x36: {  	[sflag:s23] =	ssyncadd.s32 $0xFFFFFE00;
	s1 =	smul.u32 @!p0 $0xCD, s1  }
0x37: {  	[tilespmem:s24], [sflag:$0x2] =	stream.indirect.gather [hbm4b:s11+s20], $0x40, s22, s20, $0xb8;
	[tilespmem:$0x1F400] =	vst v63  }
0x38: {  	_ =	swait.ge [sflag:s25], $0x8000  }
0x39: {  	s1 =	sshrl.u32 @!p0 s1, $0xC;
	[sflag:s25] =	ssyncset.done $0x0  }
0x3a: {  	s17 =	sadd.s32 $0xFFFFFE00, s30;
	s18 =	smul.u32 @!p0 $0x14, s1;
	[sflag:s25] =	ssyncadd.s32 $0xFFFF8000  }
0x3b: {  	[spmem:s2] =	stream.indirect.scatter.add.f32 [tilespmem:s21], [sflag:$0x3], $0x40, s17, s20, $0xb8;
	[tilespmem:$0x1F400] =	vst v63  }
0x3c: {  	s1 =	sadd.s32 @!p0 s1, s8;
	s0 =	ssub.s32 @!p0 s0, s18  }
0x3d: {  	s1 =	smul.u32 @!p0 $0x2800, s1;
	s17 =	simm.s32 @p0 $0x3;
	s0 =	sand.u32 @!p0 $0xFF, s0  }
0x3e: {  	_ =	swait.ge @p0 [sflag:s17], $0x8000;
	s0 =	sshll.u32 @!p0 s0, $0x9  }
0x3f: {  	[sflag:s17] =	ssyncset.done @p0 $0x0;
	s0 =	sadd.s32 @!p0 s0, s1  }
0x40: {  	[sflag:s17] =	ssyncadd.s32 @p0 $0xFFFF8000;
	s0 =	sshrl.u32 @!p0 s0, $0x3  }
0x41: {  	s1 =	simm.s32 @!p0 $0x0;
	s17 =	simm.s32 @!p0 $0xA000;
	s0 =	sadd.s32 @!p0 s4, s0  }
0x42: {  	[tilespmem:s17], [sflag:$0x5] =	stream.linear.gather @!p0 [hbm4b:s0+s1], $0x200, $0x38;
	[tilespmem:$0x1F400] =	vst v63  }
0x43: {  	s0 =	simm.s32 @!p0 $0x3  }
0x44: {  	_ =	swait.ge @!p0 [sflag:s0], $0x8000  }
0x45: {  	[sflag:s0] =	ssyncset.done @!p0 $0x0  }
0x46: {  	[sflag:s0] =	ssyncadd.s32 @!p0 $0xFFFF8000;
	s0 =	simm.s32 @!p0 $0x5  }
0x47: {  	_ =	swait.ge @!p0 [sflag:s0], $0x200  }
0x48: {  	[sflag:s0] =	ssyncset.done @!p0 $0x0  }
0x49: {  	s1 =	simm.s32 @!p0 $0xF400;
	[sflag:s0] =	ssyncadd.s32 @!p0 $0xFFFFFE00;
	s0 =	simm.s32 @!p0 $0x200  }
0x4a: {  	[tilespmem:s1], [sflag:$0x1] =	stream.indirect.gather @!p0 [hbm4b:s11+s0], $0x40, s17, s0, $0xb8;
	[tilespmem:$0x1F400] =	vst v63  }
.Ltmp2:
0x4b: {  	_ = 	snop;
	(pc) =	sbr.rel @p0 .LBB2_4-.Ltmp2, $4  }
0x4c: {  	_ =	swait.ge [sflag:s26], $0x8000  }
0x4d: {  	[sflag:s26] =	ssyncset.done $0x0  }
0x4e: {  	[sflag:s26] =	ssyncadd.s32 $0xFFFF8000  }
0x4f: {  	[spmem:s2] =	stream.indirect.scatter.add.f32 [tilespmem:s24], [sflag:$0x4], $0x40, s30, s20, $0xb8;
	[tilespmem:$0x1F400] =	vst v63  }
0x50: {  	s0 =	sadd.s32 $0x3, s31  }
0x51: {  	s1 =	sand.u32 $0xFF, s0  }
0x52: {  	s1 =	smul.u32 $0xCD, s1;
	_ =	sdelay $0x1  }
0x53: {  	s1 =	sshrl.u32 s1, $0xC  }
0x54: {  	s17 =	smul.u32 $0x14, s1;
	_ =	sdelay $0x1  }
0x55: {  	s1 =	sadd.s32 s1, s8;
	s0 =	ssub.s32 s0, s17  }
0x56: {  	s1 =	smul.u32 $0x2800, s1;
	s0 =	sand.u32 $0xFF, s0  }
.Ltmp3:
0x57: {  	s0 =	sshll.u32 s0, $0x9;
	(pc) =	sbr.rel .LBB2_2-.Ltmp3, $4  }
0x58: {  	s0 =	sadd.s32 s0, s1  }
0x59: {  	s0 =	sshrl.u32 s0, $0x3  }
0x5a: {  	s30 =	sadd.s32 $0x400, s30;
	s31 =	sadd.s32 $0x2, s31;
	s0 =	sadd.s32 s4, s0  }
0x5b: {  	[tilespmem:s22], [sflag:$0x6] =	stream.linear.gather [hbm4b:s0+s3], $0x200, $0x38;
	[tilespmem:$0x1F400] =	vst v63  }
.LBB2_5:
0x5c: {  	_ =	sfence.sel $0x180000  }
0x5d: {  	[bflag:$0x0] =	sbarrier.arrive $0xFFFF  }
0x5e: {  	_ =	strace $0x9000004D  }
0x5f: {  	s0 =	stileid.u32;
	[bflag:$0x2] =	sbarrier.arrive $0xFFFF  }
0x60: {  	p0 =	sne.s32 s0, $0x0;
	s0 =	rddreg [dreg:$0x3]  }
0x61: {  	s0 =	sadd.s32 @!p0 $0x100000, s0  }
0x62: {  	[sflag:s0] =	ssyncadd.tile.s32 @!p0 $0x1;
	_ =	shalt  }
.Lfunc_end2:
_tile_overlayer_lowered:
.L_overlay_start_2:
0x63: {  	(tag) =	ssettag $0x2  }
0x64: {  	s0 =	rddreg [dreg:$0x0];
	s2 =	stileid.u32  }
0x65: {  	s1 =	rddreg [dreg:$0x1];
	p0 =	sne.s32 s2, $0x0  }
0x66: {  	s3 =	rddreg [dreg:$0x2];
	[bflag:$0x3] =	sbarrier.arrive $0xFFFF;
	s2 =	simm.s32 @!p0 $0x1C07  }
0x67: {  	[timem:s3], [sflag:s2] =	dma.local @!p0 [hbm:s0], s1  }
0x68: {  	s0 =	simm.s32 @!p0 $0x7  }
0x69: {  	_ =	swait.ge @!p0 [sflag:s0], s1  }
0x6a: {  	s1 =	ssub.s32 @!p0 $0x0, s1;
	[sflag:s0] =	ssyncset.done @!p0 $0x0  }
0x6b: {  	[sflag:s0] =	ssyncadd.s32 @!p0 s1  }
0x6c: {  	[bflag:$0x3] =	sbarrier.arrive $0xFFFF  }
0x6d: {  	_ =	shalt  }

// kernel: kernel.29.cloned.1.call-start
scs
__scs_entry_jumppad:
0x0: {  	(pc) =	sbr.rel $0x88, $3  }
0x1: {  	(tag) =	ssettag $0x0;
	lr =	simm.s32 $0x1  }
0x2: {  	[smem:$0x3F95] =	sst lr;
	_ =	strace $0xD0000000  }
0x3: {  	_ = 	snop  }
0x4: {  	_ = 	snop  }
0x5: {  	_ = 	snop  }
0x6: {  	_ = 	snop  }
0x7: {  	_ = 	snop  }
__scs_overlays_trampoline_lowered:
0x8: {  	[smem:$0x3FA4] =	sst s0  }
0x9: {  	[smem:$0x3FA5] =	sst s1  }
0xa: {  	[smem:$0x3FA6] =	sst s2  }
0xb: {  	[smem:$0x3FA7] =	sst s3  }
0xc: {  	[smem:$0x3FA8] =	sst s4  }
0xd: {  	[smem:$0x3FA9] =	sst s5  }
0xe: {  	[smem:$0x3FAA] =	sst s6  }
0xf: {  	[smem:$0x3FAB] =	sst s7  }
0x10: {  	[smem:$0x3FAC] =	sst s8  }
0x11: {  	[smem:$0x3FAD] =	sst s9;
	s0 =	simm.s32 @!p0 $0x0  }
0x12: {  	s1 =	sld [smem:$0x3F93];
	s0 =	simm.s32 @p0 $0x1  }
0x13: {  	[smem:$0x3FAE] =	sst s0;
	s0 =	simm.s32 @!p1 $0x0  }
0x14: {  	s2 =	sld [smem:$0x3F92];
	s0 =	simm.s32 @p1 $0x1  }
0x15: {  	[smem:$0x3FAF] =	sst s0;
	s0 =	simm.s32 @!p2 $0x0  }
0x16: {  	s3 =	sld [smem:$0x3FDB];
	s0 =	simm.s32 @p2 $0x1  }
0x17: {  	s4 =	simm.s32 $0x1BF5;
	[smem:$0x3FB1] =	sst s0  }
0x18: {  	s0 =	sld [smem:$0x3F94];
	_ =	swait.ge [sflag:s4], $0x0  }
0x19: {  	s7 =	sld [smem:$0x3F95]  }
0x1a: {  	s8 =	sadd.s32 $0xFFFFE003, lr  }
0x1b: {  	s9 =	sadd.s32 $0xFFFFFEF7, lr;
	s5 =	simm.s32 $0xFFFFFFFF;
	p2 =	slt.u32 s8, $0xFFFFF086  }
0x1c: {  	p1 =	slt.u32 s9, $0xF7A;
	s5 =	simm.s32 @!p2 $0x0  }
0x1d: {  	s5 =	simm.s32 @p1 $0x1;
	p0 =	seq.s32 s7, s2  }
0x1e: {  	s7 =	smul.u32 @!p0 $0xF7A, s2;
	p2 =	seq.s32 @!p0 s5, $0x0  }
0x1f: {  	s9 =	smul.u32 $0xF7A, s1;
	s8 =	simm.s32 @!p0 $0x1BF5;
	p2 =	por !p2, p0  }
0x20: {  	[sflag:s8] =	ssyncset.s32 @!p0 $0xFFFFF086;
	s6 =	sadd.s32 @!p0 s3, s7;
	s7 =	simm.s32 @!p0 $0x108  }
0x21: {  	s3 =	sadd.s32 s3, s9;
	s6 =	sadd.s32 @!p0 $0x88, s6;
	s7 =	simm.s32 @p2 $0x1082  }
0x22: {  	[simem:s7], [sflag:s8] =	dma.local @!p0 [hbm:s6], $0xF7A  }
0x23: {  	s9 =	sor.u32 $0xD0000000, s2;
	s6 =	simm.s32 $0x108;
	_ =	swait.ge @!p0 [sflag:s8], $0x0  }
0x24: {  	s3 =	sadd.s32 $0x88, s3;
	s6 =	simm.s32 @!p1 $0x1082;
	[sflag:s4] =	ssyncset.s32 $0xFFFFF086  }
0x25: {  	[simem:s6], [sflag:s4] =	dma.local [hbm:s3], $0xF7A  }
0x26: {  	[smem:$0x3F95] =	sst s1;
	(tag) =	ssettag s2;
	_ =	strace s9  }
0x27: {  	s1 =	sld [smem:$0x3FA5]  }
0x28: {  	s2 =	sld [smem:$0x3FA6]  }
0x29: {  	s4 =	sld [smem:$0x3FA8]  }
0x2a: {  	p0 =	seq.s32 s5, $0x0;
	s5 =	sld [smem:$0x3FA9]  }
0x2b: {  	s6 =	sld [smem:$0x3FAA]  }
0x2c: {  	s7 =	sld [smem:$0x3FAB]  }
0x2d: {  	s3 =	simm.s32 $0x108;
	s8 =	sld [smem:$0x3FAC]  }
0x2e: {  	s3 =	simm.s32 @!p0 $0x1082;
	s9 =	sld [smem:$0x3FAD]  }
0x2f: {  	lr =	sadd.s32 s0, s3;
	s0 =	sld [smem:$0x3FA4]  }
0x30: {  	s3 =	sld [smem:$0x3FA7]  }
0x31: {  	[smem:$0x3FB0] =	sst s10  }
0x32: {  	s10 =	sld [smem:$0x3FAE];
	_ =	sdelay $0x3  }
0x33: {  	p0 =	seq.s32 s10, $0x1;
	s10 =	sld [smem:$0x3FB0];
	_ =	sdelay $0x3  }
0x34: {  	[smem:$0x3FB0] =	sst s10  }
0x35: {  	s10 =	sld [smem:$0x3FAF];
	_ =	sdelay $0x3  }
0x36: {  	p1 =	seq.s32 s10, $0x1;
	s10 =	sld [smem:$0x3FB0];
	_ =	sdelay $0x3  }
0x37: {  	[smem:$0x3FB0] =	sst s10  }
0x38: {  	s10 =	sld [smem:$0x3FB1]  }
0x39: {  	_ = 	snop;
	(pc) =	sbr.ind lr, $3  }
0x3a: {  	_ = 	snop  }
0x3b: {  	_ = 	snop  }
0x3c: {  	p2 =	seq.s32 s10, $0x1;
	s10 =	sld [smem:$0x3FB0]  }
0x3d: {  	_ =	shalt  }
0x3e: {  	_ =	shalt  }
0x3f: {  	_ =	shalt  }
0x40: {  	_ =	shalt  }
0x41: {  	_ =	shalt  }
0x42: {  	_ =	shalt  }
0x43: {  	_ =	shalt  }
0x44: {  	_ =	shalt  }
0x45: {  	_ =	shalt  }
0x46: {  	_ =	shalt  }
0x47: {  	_ =	shalt  }
0x48: {  	_ =	shalt  }
0x49: {  	_ =	shalt  }
0x4a: {  	_ =	shalt  }
0x4b: {  	_ =	shalt  }
0x4c: {  	_ =	shalt  }
0x4d: {  	_ =	shalt  }
0x4e: {  	_ =	shalt  }
0x4f: {  	_ =	shalt  }
0x50: {  	_ =	shalt  }
0x51: {  	_ =	shalt  }
0x52: {  	_ =	shalt  }
0x53: {  	_ =	shalt  }
0x54: {  	_ =	shalt  }
0x55: {  	_ =	shalt  }
0x56: {  	_ =	shalt  }
0x57: {  	_ =	shalt  }
0x58: {  	_ =	shalt  }
0x59: {  	_ =	shalt  }
0x5a: {  	_ =	shalt  }
0x5b: {  	_ =	shalt  }
0x5c: {  	_ =	shalt  }
0x5d: {  	_ =	shalt  }
0x5e: {  	_ =	shalt  }
0x5f: {  	_ =	shalt  }
0x60: {  	_ =	shalt  }
0x61: {  	_ =	shalt  }
0x62: {  	_ =	shalt  }
0x63: {  	_ =	shalt  }
0x64: {  	_ =	shalt  }
0x65: {  	_ =	shalt  }
0x66: {  	_ =	shalt  }
0x67: {  	_ =	shalt  }
0x68: {  	_ =	shalt  }
0x69: {  	_ =	shalt  }
0x6a: {  	_ =	shalt  }
0x6b: {  	_ =	shalt  }
0x6c: {  	_ =	shalt  }
0x6d: {  	_ =	shalt  }
0x6e: {  	_ =	shalt  }
0x6f: {  	_ =	shalt  }
0x70: {  	_ =	shalt  }
0x71: {  	_ =	shalt  }
0x72: {  	_ =	shalt  }
0x73: {  	_ =	shalt  }
0x74: {  	_ =	shalt  }
0x75: {  	_ =	shalt  }
0x76: {  	_ =	shalt  }
0x77: {  	_ =	shalt  }
0x78: {  	_ =	shalt  }
0x79: {  	_ =	shalt  }
0x7a: {  	_ =	shalt  }
0x7b: {  	_ =	shalt  }
0x7c: {  	_ =	shalt  }
0x7d: {  	_ =	shalt  }
0x7e: {  	_ =	shalt  }
0x7f: {  	_ =	shalt  }
0x80: {  	_ =	shalt  }
0x81: {  	_ =	shalt  }
0x82: {  	_ =	shalt  }
0x83: {  	_ =	shalt  }
0x84: {  	_ =	shalt  }
0x85: {  	_ =	shalt  }
0x86: {  	_ =	shalt  }
0x87: {  	_ =	shalt  }
.Lfunc_end0:
.L_simem_size_0:
called_computation.5_lowered:
.L_overlay_start_0:
0x88: {  	s2 =	sld [smem:$0x3FD9]  }
0x89: {  	s3 =	sld [smem:$0x3FFE];
	_ =	sdelay $0x1  }
0x8a: {  	s1 =	srdreg.scid  }
0x8b: {  	s0 =	sand.u32 $0x1, s1  }
0x8c: {  	s15 =	sshll.u32 s0, $0xA;
	s2 =	sadd.s32 s3, s2  }
0x8d: {  	s2 =	sadd.s32 s2, s15  }
0x8e: {  	[smem:$0x3FBC] =	sst s2  }
0x8f: {  	_ = 	snop  }
0x90: {  	s2 =	sld [smem:$0x3FD0];
	_ =	sdelay $0x2  }
0x91: {  	s16 =	simm.s32 $0xB;
	s4 =	simm.s32 $0x10  }
0x92: {  	[smem:s4], [sflag:s16] =	dma.local [hbm:s2], $0x1  }
0x93: {  	_ =	swait.eq [sflag:s16], $0x1  }
0x94: {  	[sflag:s16] =	ssyncset.done $0x0  }
0x95: {  	[sflag:s16] =	ssyncadd.s32 $0xFFFFFFFF  }
0x96: {  	s17 =	sld [smem:$0x10];
	(tm) =	ssettm $0x1  }
0x97: {  	s18 =	sld [smem:$0x3FFB];
	_ =	sdelay $0x3  }
0x98: {  	_ =	strace s18  }
0x99: {  	s2 =	sld [smem:$0x3FFC];
	_ =	sdelay $0x3  }
0x9a: {  	_ =	strace s2  }
0x9b: {  	s2 =	sld [smem:$0x3FFD];
	_ =	sdelay $0x3  }
0x9c: {  	_ =	strace s2  }
0x9d: {  	_ =	strace $0x8FFFFFFF  }
0x9e: {  	s19 =	sld [smem:$0x3FDB];
	_ =	sdelay $0x1  }
0x9f: {  	s20 =	simm.s32 $_scs_section_size  }
0xa0: {  	s5 =	simm.s32 $_size__tile_overlayer_lowered;
	s6 =	simm.s32 $_tile_overlayer_lowered  }
0xa1: {  	s7 =	simm.s32 $0x1BFF;
	s21 =	sshll.u32 s6, $0x1;
	s4 =	sadd.s32 s20, s19  }
0xa2: {  	s22 =	simm.s32 $0x0;
	s5 =	sshll.u32 s5, $0x1;
	s6 =	sadd.s32 s21, s4  }
0xa3: {  	[timem:s22], [sflag:s7] =	dma.local [hbm:s6], s5  }
0xa4: {  	_ =	swait.ge [sflag:s7], s5  }
0xa5: {  	s5 =	ssub.s32 $0x0, s5;
	[sflag:s7] =	ssyncset.done $0x0  }
0xa6: {  	[sflag:s7] =	ssyncadd.s32 s5;
	_ =	sdelay $0x1  }
0xa7: {  	s23 =	simm.s32 $0x1B8B  }
0xa8: {  	_ =	swait.ge [sflag:s23], $0x1  }
0xa9: {  	[sflag:s23] =	ssyncset.done $0x0  }
0xaa: {  	[sflag:s23] =	ssyncadd.s32 $0xFFFFFFFF  }
0xab: {  	s5 =	sld [smem:$0x0]  }
0xac: {  	s6 =	sand.u32 $0xFFFFFFFE, s1  }
0xad: {  	p0 =	sne.s32 s1, s6  }
0xae: {  	s6 =	sshll.u32 @p0 s6, $0xE  }
0xaf: {  	s6 =	sadd.s32 @p0 $0x11B8D, s6;
	s7 =	sshll.u32 @p0 s5, $0x11  }
0xb0: {  	s6 =	sor.u32 @p0 s7, s6  }
0xb1: {  	[sflag:s6] =	ssyncadd.remote.s32 @p0 $0x1;
	_ =	sdelay $0x1  }
0xb2: {  	s6 =	simm.s32 @p0 $0x1B8D  }
0xb3: {  	_ =	swait.eq @p0 [sflag:s6], $0x1  }
0xb4: {  	[sflag:s6] =	ssyncadd.s32 @p0 $0xFFFFFFFF  }
0xb5: {  	s7 =	sshll.u32 @!p0 s1, $0xE  }
0xb6: {  	s7 =	sor.u32 @!p0 $0x4000, s7;
	s6 =	simm.s32 @!p0 $0x1B8D  }
0xb7: {  	s5 =	sshll.u32 @!p0 s5, $0x11;
	s7 =	sadd.s32 @!p0 $0x11B8D, s7;
	_ =	swait.eq @!p0 [sflag:s6], $0x1  }
0xb8: {  	s5 =	sor.u32 @!p0 s5, s7;
	[sflag:s6] =	ssyncadd.s32 @!p0 $0xFFFFFFFF  }
0xb9: {  	s25 =	simm.s32 $0x1B8E;
	s24 =	sld [smem:$0x3FFE];
	[sflag:s5] =	ssyncadd.remote.s32 @!p0 $0x1  }
0xba: {  	s26 =	simm.s32 $execute0_lowered;
	[smem:$0x3FD2] =	sst s25  }
0xbb: {  	s6 =	sshll.u32 s26, $0x1;
	_ =	strace $0x80000052;
	[dreg:$0x1] =	wrdreg $0xFFFFFFFF  }
0xbc: {  	s28 =	simm.s32 $_size_execute0_lowered;
	s4 =	sadd.s32 s4, s6;
	[dreg:$0x0] =	wrdreg $0x0  }
0xbd: {  	s6 =	sshll.u32 s28, $0x1;
	[dreg:$0x2] =	wrdreg s4  }
0xbe: {  	[dreg:$0x3] =	wrdreg s6  }
0xbf: {  	[dreg:$0x4] =	wrdreg $0xC0  }
0xc0: {  	_ =	task [dreg:s22], $0x5FFFF  }
0xc1: {  	[dreg:$0x1] =	wrdreg $0xFFFFFFFF  }
0xc2: {  	[dreg:$0x0] =	wrdreg $0x60  }
0xc3: {  	[dreg:$0x2] =	wrdreg s24  }
0xc4: {  	[dreg:$0x3] =	wrdreg s17  }
0xc5: {  	[dreg:$0x4] =	wrdreg $0x0  }
0xc6: {  	[dreg:$0x5] =	wrdreg $0xA  }
0xc7: {  	_ =	task.clear_ibuf [dreg:s22], $0x6FFFF;
	_ =	strace $0x90000052  }
0xc8: {  	s29 =	simm.s32 $0xA;
	_ =	strace $0x80000054  }
0xc9: {  	_ =	swait.ge [sflag:s29], $0x1  }
0xca: {  	[sflag:s29] =	ssyncadd.s32 $0xFFFFFFFF  }
0xcb: {  	_ =	strace $0x90000054  }
0xcc: {  	_ =	sfence  }
0xcd: {  	s30 =	sld [smem:$0x0];
	_ =	sdelay $0x2  }
0xce: {  	s31 =	sshll.u32 s1, $0xD;
	s1 =	sshrl.u32 s1, $0x2  }
0xcf: {  	s4 =	sand.u32 $0x4000, s31;
	s1 =	sadd.s32 s1, s30  }
0xd0: {  	s0 =	sor.u32 s4, s0;
	s1 =	sshll.u32 s1, $0x11  }
0xd1: {  	s0 =	sor.u32 s1, s0  }
0xd2: {  	s0 =	sadd.s32 $0x8F2B, s0  }
0xd3: {  	[sflag:s0] =	ssyncadd.remote.s32 $0x1  }
0xd4: {  	_ =	sfence.sel $0xFFFF  }
0xd5: {  	[dreg:$0x0] =	wrdreg $0xFFFFFFFF;
	(pc) =	sbr.abs _section_cstart, $3  }
0xd6: {  	[dreg:$0x1] =	wrdreg $0xFFFFFFFF  }
0xd7: {  	_ =	task.clear_ibuf [dreg:s22], $0x2FFFF;
	_ =	strace $0x9FFFFFFF  }
0xd8: {  	(tm) =	ssettm $0x7FFFFFFF  }
0xd9: {  	_ =	shalt  }
tec
execute0_lowered:
.L_overlay_start_1:
0x0: {  	(tag) =	ssettag $0x1  }
0x1: {  	s0 =	rddreg [dreg:$0x0]  }
0x2: {  	s6 =	rddreg [dreg:$0x1]  }
0x3: {  	s1 =	srdreg.scid;
	s2 =	rddreg [dreg:$0x2]  }
0x4: {  	s3 =	simm.s32 $0x0;
	s13 =	stileid.u32;
	s28 =	simm.s32 $0x5  }
0x5: {  	s29 =	simm.s32 $0x2;
	s31 =	simm.s32 $0x4;
	s1 =	sand.u32 $0x1, s1  }
0x6: {  	[smem:$0x7FF] =	sst s3;
	s7 =	smul.u32 $0xA000, s13;
	s15 =	sadd.s32 $0x3800, s0  }
0x7: {  	s9 =	sshll.u32 s13, $0x1;
	s19 =	sshll.u32 s13, $0x6;
	s13 =	smul.u32 $0x5000, s13  }
0x8: {  	s4 =	smul.u32 $0xA0000, s1;
	_ =	strace $0x80000053;
	s10 =	ssub.s32 $0x2, s1  }
0x9: {  	s9 =	sor.u32 s1, s9;
	s1 =	smul.u32 $0x2800, s1;
	s18 =	sshrl.u32 s7, $0x3  }
0xa: {  	s11 =	sshrl.u32 s10, $0x1;
	s12 =	smul.u32 $0x2800, s9;
	s16 =	sadd.s32 s7, s2  }
0xb: {  	s5 =	sshrl.u32 s4, $0x3;
	s4 =	sadd.s32 s7, s4;
	s11 =	ssub.s32 s10, s11  }
0xc: {  	s24 =	sadd.s32 s1, s13;
	s16 =	sshrl.u32 s16, $0x3;
	s8 =	sadd.s32 s5, s0  }
0xd: {  	s4 =	sshrl.u32 s4, $0x3;
	s5 =	sadd.s32 s18, s0;
	s9 =	sshrl.u32 s12, $0x3  }
0xe: {  	s14 =	sor.u32 $0x400, s12;
	s17 =	sor.u32 $0x600, s12;
	s11 =	smax.u32 s11, $0x1  }
0xf: {  	s26 =	sadd.s32 $0xA00, s24;
	s18 =	simm.s32 $0xA400;
	s0 =	sadd.s32 s4, s0  }
0x10: {  	s20 =	sadd.s32 $0x62800, s5;
	s5 =	sor.u32 $0x1C07, s19;
	s21 =	sadd.s32 s6, s9  }
0x11: {  	s7 =	sadd.s32 s15, s9;
	s8 =	sadd.s32 $0x76800, s8;
	s23 =	sshrl.u32 s14, $0x3  }
0x12: {  	s25 =	sshrl.u32 s17, $0x3;
	s30 =	sshrl.u32 s26, $0x3;
	s17 =	simm.s32 $0x7  }
0x13: {  	s19 =	simm.s32 $0xA000;
	s26 =	simm.s32 $0x3;
	[dreg:$0x4] =	wrdreg s20  }
0x14: {  	[dreg:$0x5] =	wrdreg s21;
	s22 =	sadd.s32 $0x40, s7;
	s10 =	sadd.s32 $0x21800, s0  }
.Ltmp0:
0x15: {  	s12 =	sadd.s32 s15, s23;
	s0 =	sadd.s32 $0x800, s24;
	(pc) =	sbr.rel .LBB2_1-.Ltmp0, $4  }
0x16: {  	s13 =	sadd.s32 s15, s25;
	s14 =	sadd.s32 s30, s15;
	s20 =	simm.s32 $0x200  }
0x17: {  	s21 =	simm.s32 $0xCC00;
	s23 =	simm.s32 $0x6;
	s24 =	simm.s32 $0x14C00  }
0x18: {  	s25 =	simm.s32 $0x1;
	[dreg:$0x6] =	wrdreg s22;
	s0 =	sshrl.u32 s0, $0x3  }
0x19: {  	s22 =	simm.s32 $0xA200;
	s15 =	sadd.s32 s0, s15;
	s0 =	simm.s32 $0x0  }
.LBB2_4:
0x1a: {  	_ =	swait.ge [sflag:s31], $0x8000  }
0x1b: {  	s0 =	sadd.s32 $0x1, s0;
	[sflag:s31] =	ssyncset.done $0x0  }
0x1c: {  	p0 =	sne.s32 s0, s11;
	[sflag:s31] =	ssyncadd.s32 $0xFFFF8000  }
.Ltmp1:
0x1d: {  	[bflag:$0x0] =	sbarrier.arrive $0xFFFF;
	(pc) =	sbr.rel @!p0 .LBB2_5-.Ltmp1, $4  }
0x1e: {  	[hbm:s10], [sflag:s5] =	dma.local [spmem:s16], $0x1400  }
0x1f: {  	_ =	swait.ge [sflag:s17], $0x1400  }
0x20: {  	[sflag:s17] =	ssyncset.done $0x0  }
0x21: {  	[sflag:s17] =	ssyncadd.s32 $0xFFFFEC00  }
.LBB2_1:
0x22: {  	s1 =	rddreg [dreg:$0x4]  }
0x23: {  	[spmem:s16], [sflag:s5] =	dma.local [hbm:s1], $0x1400  }
0x24: {  	_ =	swait.ge [sflag:s17], $0x1400  }
0x25: {  	[sflag:s17] =	ssyncset.done $0x0  }
0x26: {  	s4 =	rddreg [dreg:$0x5];
	[sflag:s17] =	ssyncadd.s32 $0xFFFFEC00  }
0x27: {  	[tilespmem:s18], [sflag:$0x7] =	stream.linear.gather [hbm4b:s4+s3], $0x2800, $0x38;
	[tilespmem:$0x1CC00] =	vst v63  }
0x28: {  	_ =	swait.ge [sflag:s17], $0x2800  }
0x29: {  	[sflag:s17] =	ssyncset.done $0x0  }
0x2a: {  	[sflag:s17] =	ssyncadd.s32 $0xFFFFD800  }
0x2b: {  	[tilespmem:s19], [sflag:$0x7] =	stream.linear.gather [hbm4b:s7+s3], $0x200, $0x38;
	[tilespmem:$0x1CC00] =	vst v63  }
0x2c: {  	_ =	swait.ge [sflag:s17], $0x200  }
0x2d: {  	[sflag:s17] =	ssyncset.done $0x0  }
0x2e: {  	[sflag:s17] =	ssyncadd.s32 $0xFFFFFE00  }
0x2f: {  	[bflag:$0x0] =	sbarrier.arrive $0xFFFF  }
0x30: {  	[tilespmem:s21], [sflag:$0x1] =	stream.indirect.gather [hbm4b:s8+s20], $0x40, s19, s20, $0xb8;
	[tilespmem:$0x1CC00] =	vst v63  }
0x31: {  	s6 =	rddreg [dreg:$0x6]  }
0x32: {  	[tilespmem:s22], [sflag:$0x6] =	stream.linear.gather [hbm4b:s6+s3], $0x200, $0x38;
	[tilespmem:$0x1CC00] =	vst v63  }
0x33: {  	_ =	swait.ge [sflag:s23], $0x200  }
0x34: {  	[sflag:s23] =	ssyncset.done $0x0  }
0x35: {  	[sflag:s23] =	ssyncadd.s32 $0xFFFFFE00  }
0x36: {  	[tilespmem:s24], [sflag:$0x2] =	stream.indirect.gather [hbm4b:s8+s20], $0x40, s22, s20, $0xb8;
	[tilespmem:$0x1CC00] =	vst v63  }
0x37: {  	_ =	swait.ge [sflag:s25], $0x8000  }
0x38: {  	[sflag:s25] =	ssyncset.done $0x0  }
0x39: {  	[sflag:s25] =	ssyncadd.s32 $0xFFFF8000  }
0x3a: {  	[spmem:s2] =	stream.indirect.scatter.add.f32 [tilespmem:s21], [sflag:$0x3], $0x40, s18, s20, $0xb8;
	[tilespmem:$0x1CC00] =	vst v63  }
0x3b: {  	_ = 	snop  }
0x3c: {  	[tilespmem:s19], [sflag:$0x5] =	stream.linear.gather [hbm4b:s12+s3], $0x200, $0x38;
	[tilespmem:$0x1CC00] =	vst v63  }
0x3d: {  	_ =	swait.ge [sflag:s26], $0x8000  }
0x3e: {  	[sflag:s26] =	ssyncset.done $0x0  }
0x3f: {  	[sflag:s26] =	ssyncadd.s32 $0xFFFF8000  }
0x40: {  	_ =	swait.ge [sflag:s28], $0x200  }
0x41: {  	[sflag:s28] =	ssyncset.done $0x0  }
0x42: {  	[sflag:s28] =	ssyncadd.s32 $0xFFFFFE00  }
0x43: {  	[tilespmem:s21], [sflag:$0x1] =	stream.indirect.gather [hbm4b:s8+s20], $0x40, s19, s20, $0xb8;
	[tilespmem:$0x1CC00] =	vst v63  }
0x44: {  	_ =	swait.ge [sflag:s29], $0x8000  }
0x45: {  	[sflag:s29] =	ssyncset.done $0x0  }
0x46: {  	s9 =	simm.s32 $0xA600;
	[sflag:s29] =	ssyncadd.s32 $0xFFFF8000  }
0x47: {  	[spmem:s2] =	stream.indirect.scatter.add.f32 [tilespmem:s24], [sflag:$0x4], $0x40, s9, s20, $0xb8;
	[tilespmem:$0x1CC00] =	vst v63  }
0x48: {  	s30 =	simm.s32 $0x0;
	s1 =	simm.s32 $0xAA00  }
0x49: {  	[tilespmem:s22], [sflag:$0x6] =	stream.linear.gather [hbm4b:s13+s3], $0x200, $0x38;
	[tilespmem:$0x1CC00] =	vst v63  }
.LBB2_2:
0x4a: {  	_ =	swait.ge [sflag:s31], $0x8000  }
0x4b: {  	[sflag:s31] =	ssyncset.done $0x0  }
0x4c: {  	[sflag:s31] =	ssyncadd.s32 $0xFFFF8000  }
0x4d: {  	_ =	swait.ge [sflag:s23], $0x200  }
0x4e: {  	[sflag:s23] =	ssyncset.done $0x0  }
0x4f: {  	[sflag:s23] =	ssyncadd.s32 $0xFFFFFE00  }
0x50: {  	[tilespmem:s24], [sflag:$0x2] =	stream.indirect.gather [hbm4b:s8+s20], $0x40, s22, s20, $0xb8;
	[tilespmem:$0x1CC00] =	vst v63  }
0x51: {  	_ =	swait.ge [sflag:s25], $0x8000  }
0x52: {  	[sflag:s25] =	ssyncset.done $0x0  }
0x53: {  	s4 =	sadd.s32 $0xFFFFFE00, s1;
	p0 =	seq.s32 s30, $0x400;
	[sflag:s25] =	ssyncadd.s32 $0xFFFF8000  }
0x54: {  	[spmem:s2] =	stream.indirect.scatter.add.f32 [tilespmem:s21], [sflag:$0x3], $0x40, s4, s20, $0xb8;
	[tilespmem:$0x1CC00] =	vst v63  }
0x55: {  	s4 =	simm.s32 @p0 $0x3  }
0x56: {  	_ =	swait.ge @p0 [sflag:s4], $0x8000  }
0x57: {  	s6 =	simm.s32 @!p0 $0x0;
	[sflag:s4] =	ssyncset.done @p0 $0x0  }
0x58: {  	s9 =	simm.s32 @!p0 $0xA000;
	[sflag:s4] =	ssyncadd.s32 @p0 $0xFFFF8000;
	s4 =	sadd.s32 @!p0 s30, s15  }
0x59: {  	[tilespmem:s9], [sflag:$0x5] =	stream.linear.gather @!p0 [hbm4b:s4+s6], $0x200, $0x38;
	[tilespmem:$0x1CC00] =	vst v63  }
0x5a: {  	s4 =	simm.s32 @!p0 $0x3  }
0x5b: {  	_ =	swait.ge @!p0 [sflag:s4], $0x8000  }
0x5c: {  	[sflag:s4] =	ssyncset.done @!p0 $0x0  }
0x5d: {  	[sflag:s4] =	ssyncadd.s32 @!p0 $0xFFFF8000;
	s4 =	simm.s32 @!p0 $0x5  }
0x5e: {  	_ =	swait.ge @!p0 [sflag:s4], $0x200  }
0x5f: {  	[sflag:s4] =	ssyncset.done @!p0 $0x0  }
0x60: {  	s6 =	simm.s32 @!p0 $0xCC00;
	[sflag:s4] =	ssyncadd.s32 @!p0 $0xFFFFFE00;
	s4 =	simm.s32 @!p0 $0x200  }
0x61: {  	[tilespmem:s6], [sflag:$0x1] =	stream.indirect.gather @!p0 [hbm4b:s8+s4], $0x40, s9, s4, $0xb8;
	[tilespmem:$0x1CC00] =	vst v63  }
.Ltmp2:
0x62: {  	_ = 	snop;
	(pc) =	sbr.rel @p0 .LBB2_4-.Ltmp2, $4  }
0x63: {  	_ =	swait.ge [sflag:s29], $0x8000  }
0x64: {  	[sflag:s29] =	ssyncset.done $0x0  }
0x65: {  	[sflag:s29] =	ssyncadd.s32 $0xFFFF8000  }
0x66: {  	[spmem:s2] =	stream.indirect.scatter.add.f32 [tilespmem:s24], [sflag:$0x4], $0x40, s1, s20, $0xb8;
	[tilespmem:$0x1CC00] =	vst v63  }
.Ltmp3:
0x67: {  	(pc) =	sbr.rel .LBB2_2-.Ltmp3, $3  }
0x68: {  	_ =	sdelay $0x1  }
0x69: {  	s4 =	sadd.s32 s30, s14;
	s1 =	sadd.s32 $0x400, s1;
	s30 =	sadd.s32 $0x80, s30  }
0x6a: {  	[tilespmem:s22], [sflag:$0x6] =	stream.linear.gather [hbm4b:s4+s3], $0x200, $0x38;
	[tilespmem:$0x1CC00] =	vst v63  }
.LBB2_5:
0x6b: {  	_ =	sfence.sel $0x180000  }
0x6c: {  	[bflag:$0x0] =	sbarrier.arrive $0xFFFF  }
0x6d: {  	_ =	strace $0x90000053  }
0x6e: {  	s0 =	stileid.u32;
	[bflag:$0x2] =	sbarrier.arrive $0xFFFF  }
0x6f: {  	p0 =	sne.s32 s0, $0x0;
	s0 =	rddreg [dreg:$0x3]  }
0x70: {  	s0 =	sadd.s32 @!p0 $0x100000, s0  }
0x71: {  	[sflag:s0] =	ssyncadd.tile.s32 @!p0 $0x1;
	_ =	shalt  }
.Lfunc_end2:
_tile_overlayer_lowered:
.L_overlay_start_2:
0x72: {  	(tag) =	ssettag $0x2  }
0x73: {  	s0 =	rddreg [dreg:$0x0];
	s2 =	stileid.u32  }
0x74: {  	s1 =	rddreg [dreg:$0x1];
	p0 =	sne.s32 s2, $0x0  }
0x75: {  	s3 =	rddreg [dreg:$0x2];
	[bflag:$0x3] =	sbarrier.arrive $0xFFFF;
	s2 =	simm.s32 @!p0 $0x1C07  }
0x76: {  	[timem:s3], [sflag:s2] =	dma.local @!p0 [hbm:s0], s1  }
0x77: {  	s0 =	simm.s32 @!p0 $0x7  }
0x78: {  	_ =	swait.ge @!p0 [sflag:s0], s1  }
0x79: {  	s1 =	ssub.s32 @!p0 $0x0, s1;
	[sflag:s0] =	ssyncset.done @!p0 $0x0  }
0x7a: {  	[sflag:s0] =	ssyncadd.s32 @!p0 s1  }
0x7b: {  	[bflag:$0x3] =	sbarrier.arrive $0xFFFF  }
0x7c: {  	_ =	shalt  }

</sc_bundles>
